<compile_context>
chip_gen: v7x
topology: tpu7x:2x2x1
jax: 0.10.2.dev20260603
libtpu: 0.0.44.dev20260713+nightly
codegen_flags: <defaults>
</compile_context>

<pallas_src>
import functools

import jax
import jax.numpy as jnp
from jax import lax
from jax.experimental import pallas as pl
from jax.experimental.pallas import tpu as pltpu
from jax.experimental.pallas import tpu_sc as plsc

D_SUB = 256
TICKS_PER_BEAT = 480
NQ = 18

NC = 2
NS = 16
L = 16
NW = NC * NS


@functools.cache
def _sc_call(n_pos):
    per_w = n_pos // NW
    C = 64
    nchunk = per_w // C
    nbuf = 2
    mesh = plsc.VectorSubcoreMesh(core_axis_name="c", subcore_axis_name="s")

    @functools.partial(
        pl.kernel,
        mesh=mesh,
        out_type=jax.ShapeDtypeStruct((n_pos, 3 * D_SUB), jnp.float32),
        scratch_types=[
            pltpu.VMEM((per_w,), jnp.int32),
            pltpu.VMEM((per_w,), jnp.int32),
            pltpu.VMEM((nbuf, C, 3 * D_SUB), jnp.float32),
        ] + [pltpu.SemaphoreType.DMA] * (2 * nbuf),
    )
    def k(pos_hbm, fused_hbm, pe_hbm, out_hbm, idx_v, fidx_v, rows, *sems):
        wid = lax.axis_index("s") * NC + lax.axis_index("c")
        base = wid * per_w
        sg = sems[:nbuf]
        sw = sems[nbuf:]

        pltpu.sync_copy(pos_hbm.at[pl.ds(base, per_w)], idx_v)
        c_div = jnp.full((L,), TICKS_PER_BEAT, jnp.int32)
        woff = lax.mul(lax.broadcast_in_dim(wid, (L,), ()),
                       jnp.full((L,), NQ, jnp.int32))
        for j in range(per_w // L):
            p = idx_v[pl.ds(j * L, L)]
            fidx_v[pl.ds(j * L, L)] = lax.add(lax.div(p, c_div), woff)

        gath = [None] * nbuf
        wr = [None] * nbuf
        for c in range(nchunk + 1):
            if c < nchunk:
                b = c % nbuf
                if wr[b] is not None:
                    for h in wr[b]:
                        h.wait()
                    wr[b] = None
                off = c * C
                g1 = pltpu.async_copy(
                    pe_hbm.at[idx_v.at[pl.ds(off, C)]],
                    rows.at[b, :, pl.ds(0, D_SUB)], sg[b])
                g2 = pltpu.async_copy(
                    fused_hbm.at[fidx_v.at[pl.ds(off, C)]],
                    rows.at[b, :, pl.ds(D_SUB, 2 * D_SUB)], sg[b])
                gath[b] = (g1, g2)
            if c >= 1:
                pb = (c - 1) % nbuf
                for h in gath[pb]:
                    h.wait()
                o = base + (c - 1) * C
                w1 = pltpu.async_copy(
                    rows.at[pb], out_hbm.at[pl.ds(o, C)], sw[pb])
                wr[pb] = (w1,)
        for b in range(nbuf):
            if wr[b] is not None:
                for h in wr[b]:
                    h.wait()

    return k


def kernel(positions, beat_table, bar_table, pe):
    b, s = positions.shape
    n = b * s
    flat = positions.reshape(n)
    beat_rep = jnp.tile(beat_table, ((NQ + 3) // 4, 1))[:NQ]
    bar_rep = jnp.repeat(bar_table, 4, axis=0)[:NQ]
    fused = jnp.concatenate([beat_rep, bar_rep], axis=1)
    fused_rep = jnp.tile(fused, (NW, 1))
    out = _sc_call(n)(flat, fused_rep, pe)
    return out.reshape(b, s, 3 * D_SUB)

# --- scband reference (transcript-rebuilt; emitter-appended) ---
"""Pipeline reference for scband-musical-positional-encoding-33200097198185 (READ-ONLY COPY).

The authoritative reference and input builder live on the scoring server;
editing this copy changes nothing except your own understanding.
"""

import jax, jax.numpy as jnp
import numpy as np
import math

D_MODEL = 768
MAX_LENGTH = 8192
BEATS_PER_BAR = 4
TICKS_PER_BEAT = 480
TICKS_PER_BAR = BEATS_PER_BAR * TICKS_PER_BEAT
D_SUB = D_MODEL // 3  # 256


def _make_pe(max_length, d):
    pe = np.zeros((max_length, d), dtype=np.float32)
    position = np.arange(0, max_length, dtype=np.float32)[:, None]
    div_term = np.exp(np.arange(0, d, 2, dtype=np.float32) * (-math.log(10000.0) / d))
    pe[:, 0::2] = np.sin(position * div_term)
    pe[:, 1::2] = np.cos(position * div_term)
    return jnp.asarray(pe)  # [max_length, d]


def setup_inputs(seed: int = 0) -> dict:
    key = jax.random.key(seed)
    k1, k2, k3 = jax.random.split(key, 3)
    positions = jax.random.randint(k1, (4, 4096), 0, MAX_LENGTH, dtype=jnp.int32)
    # learned embedding tables (nn.Embedding default init ~ N(0,1))
    beat_table = jax.random.normal(k2, (BEATS_PER_BAR, D_SUB), dtype=jnp.float32)
    bar_table = jax.random.normal(k3, (16, D_SUB), dtype=jnp.float32)
    pe = _make_pe(MAX_LENGTH, D_SUB)  # non-trainable buffer
    return {"positions": positions, "beat_table": beat_table, "bar_table": bar_table, "pe": pe}


def reference(positions, beat_table, bar_table, pe):
    # pe buffer is stored as [max_length, 1, d_sub] in torch; pe[positions].squeeze
    # is intended to yield [B, S, d_sub] -- we gather directly from [max_length, d_sub].
    pos_emb = jnp.take(pe, positions, axis=0)  # [B, S, d_sub]
    beat_positions = (positions // TICKS_PER_BEAT) % BEATS_PER_BAR
    beat_emb = jnp.take(beat_table, beat_positions, axis=0)  # [B, S, d_sub]
    bar_positions = (positions // TICKS_PER_BAR) % 16
    bar_emb = jnp.take(bar_table, bar_positions, axis=0)  # [B, S, d_sub]
    combined = jnp.concatenate([pos_emb, beat_emb, bar_emb], axis=-1)  # [B, S, d_model]
    # dropout is identity in eval mode
    return combined

if __name__ == "__main__":
    import jax
    _d = setup_inputs()
    print(jax.jit(kernel)(*tuple(_d.values())))

</pallas_src>

<mosaic_0001>
#map = affine_map<(d0, d1) -> (0)>
#map1 = affine_map<(d0, d1) -> (0, 0)>
module attributes {stable_mosaic.version = 14 : i64} {
  func.func @k(%arg0: i32, %arg1: i32, %arg2: memref<16384xi32, #tpu.memory_space<hbm>>, %arg3: memref<576x512xf32, #tpu.memory_space<hbm>>, %arg4: memref<8192x256xf32, #tpu.memory_space<hbm>>, %arg5: memref<16384x768xf32, #tpu.memory_space<hbm>>, %arg6: memref<512xi32, #tpu.memory_space<vmem>>, %arg7: memref<512xi32, #tpu.memory_space<vmem>>, %arg8: memref<2x64x768xf32, #tpu.memory_space<vmem>>, %arg9: memref<!tpu.dma_semaphore, #tpu.memory_space<semaphore_mem>>, %arg10: memref<!tpu.dma_semaphore, #tpu.memory_space<semaphore_mem>>, %arg11: memref<!tpu.dma_semaphore, #tpu.memory_space<semaphore_mem>>, %arg12: memref<!tpu.dma_semaphore, #tpu.memory_space<semaphore_mem>>) attributes {dimension_semantics = [#tpu.dimension_semantics<core_parallel>, #tpu.dimension_semantics<subcore_parallel>], iteration_bounds = array<i64: 2, 16>, scalar_prefetch = 0 : i64, scratch_operands = 7 : i64, tpu.core_type = #tpu.core_type<sc_vector_subcore>, window_params = [{transform_indices = #map}, {transform_indices = #map1}, {transform_indices = #map1}, {transform_indices = #map1}]} {
    %mul3A = arith.constant 2 : i32
    %mul3A_0 = arith.muli %arg1, %mul3A : i32
    %add3A = arith.addi %mul3A_0, %arg0 : i32
    %mul3A_1 = arith.constant 512 : i32
    %mul3A_2 = arith.muli %add3A, %mul3A_1 : i32
    "tpu.region"() ({
      %run_scoped3A = tpu.sem_alloc : memref<!tpu.dma_semaphore, #tpu.memory_space<semaphore_mem>>
      %dma_start3A_835 = tpu.memref_slice %arg2[%mul3A_2] : memref<16384xi32, #tpu.memory_space<hbm>> -> memref<512xi32, #tpu.memory_space<hbm>>
      %dma_start3A_836 = tpu.memref_slice %arg2[%mul3A_2] : memref<16384xi32, #tpu.memory_space<hbm>> -> memref<512xi32, #tpu.memory_space<hbm>>
      tpu.enqueue_dma source(%dma_start3A_836 : memref<512xi32, #tpu.memory_space<hbm>>) target(%arg6 : memref<512xi32, #tpu.memory_space<vmem>>) target_semaphore(%run_scoped3A : memref<!tpu.dma_semaphore, #tpu.memory_space<semaphore_mem>>)
      %dma_wait3A_837 = tpu.memref_slice %arg2[%mul3A_2] : memref<16384xi32, #tpu.memory_space<hbm>> -> memref<512xi32, #tpu.memory_space<hbm>>
      %dma_wait3A_838 = tpu.memref_slice %arg2[%mul3A_2] : memref<16384xi32, #tpu.memory_space<hbm>> -> memref<512xi32, #tpu.memory_space<hbm>>
      tpu.wait_dma2 semaphore(%run_scoped3A : memref<!tpu.dma_semaphore, #tpu.memory_space<semaphore_mem>>) src(%dma_wait3A_838 : memref<512xi32, #tpu.memory_space<hbm>>) dst(%arg6 : memref<512xi32, #tpu.memory_space<vmem>>)
      tpu.yield
    }) : () -> ()
    %broadcast_in_dim3A = arith.constant 480 : i32
    %broadcast_in_dim3A_3 = vector.broadcast %broadcast_in_dim3A : i32 to vector<16xi32>
    %broadcast_in_dim3A_4 = vector.broadcast %add3A : i32 to vector<16xi32>
    %broadcast_in_dim3A_5 = arith.constant 18 : i32
    %broadcast_in_dim3A_6 = vector.broadcast %broadcast_in_dim3A_5 : i32 to vector<16xi32>
    %mul3A_7 = arith.muli %broadcast_in_dim3A_4, %broadcast_in_dim3A_6 : vector<16xi32>
    %get3A = arith.constant 0 : index
    %get3A_8 = tpu.vector_load %arg6[%get3A] {strides = array<i32>} : memref<512xi32, #tpu.memory_space<vmem>>, vector<16xi32>,
    %get3A_9 = vector.shape_cast %get3A_8 : vector<16xi32> to vector<16xi32>
    %div3A = arith.divsi %get3A_9, %broadcast_in_dim3A_3 : vector<16xi32>
    %add3A_10 = arith.addi %div3A, %mul3A_7 : vector<16xi32>
    %swap3A = arith.constant 0 : index
    %swap3A_11 = tpu.vector_load %arg7[%swap3A] {strides = array<i32>} : memref<512xi32, #tpu.memory_space<vmem>>, vector<16xi32>,
    %swap3A_12 = vector.shape_cast %swap3A_11 : vector<16xi32> to vector<16xi32>
    %swap3A_13 = vector.shape_cast %add3A_10 : vector<16xi32> to vector<16xi32>
    tpu.vector_store %arg7[%swap3A], %swap3A_13 {strides = array<i32>} : memref<512xi32, #tpu.memory_space<vmem>>, vector<16xi32>,
    %get3A_14 = arith.constant 16 : index
    %get3A_15 = tpu.vector_load %arg6[%get3A_14] {strides = array<i32>} : memref<512xi32, #tpu.memory_space<vmem>>, vector<16xi32>,
    %get3A_16 = vector.shape_cast %get3A_15 : vector<16xi32> to vector<16xi32>
    %div3A_17 = arith.divsi %get3A_16, %broadcast_in_dim3A_3 : vector<16xi32>
    %add3A_18 = arith.addi %div3A_17, %mul3A_7 : vector<16xi32>
    %swap3A_19 = arith.constant 16 : index
    %swap3A_20 = tpu.vector_load %arg7[%swap3A_19] {strides = array<i32>} : memref<512xi32, #tpu.memory_space<vmem>>, vector<16xi32>,
    %swap3A_21 = vector.shape_cast %swap3A_20 : vector<16xi32> to vector<16xi32>
    %swap3A_22 = vector.shape_cast %add3A_18 : vector<16xi32> to vector<16xi32>
    tpu.vector_store %arg7[%swap3A_19], %swap3A_22 {strides = array<i32>} : memref<512xi32, #tpu.memory_space<vmem>>, vector<16xi32>,
    %get3A_23 = arith.constant 32 : index
    %get3A_24 = tpu.vector_load %arg6[%get3A_23] {strides = array<i32>} : memref<512xi32, #tpu.memory_space<vmem>>, vector<16xi32>,
    %get3A_25 = vector.shape_cast %get3A_24 : vector<16xi32> to vector<16xi32>
    %div3A_26 = arith.divsi %get3A_25, %broadcast_in_dim3A_3 : vector<16xi32>
    %add3A_27 = arith.addi %div3A_26, %mul3A_7 : vector<16xi32>
    %swap3A_28 = arith.constant 32 : index
    %swap3A_29 = tpu.vector_load %arg7[%swap3A_28] {strides = array<i32>} : memref<512xi32, #tpu.memory_space<vmem>>, vector<16xi32>,
    %swap3A_30 = vector.shape_cast %swap3A_29 : vector<16xi32> to vector<16xi32>
    %swap3A_31 = vector.shape_cast %add3A_27 : vector<16xi32> to vector<16xi32>
    tpu.vector_store %arg7[%swap3A_28], %swap3A_31 {strides = array<i32>} : memref<512xi32, #tpu.memory_space<vmem>>, vector<16xi32>,
    %get3A_32 = arith.constant 48 : index
    %get3A_33 = tpu.vector_load %arg6[%get3A_32] {strides = array<i32>} : memref<512xi32, #tpu.memory_space<vmem>>, vector<16xi32>,
    %get3A_34 = vector.shape_cast %get3A_33 : vector<16xi32> to vector<16xi32>
    %div3A_35 = arith.divsi %get3A_34, %broadcast_in_dim3A_3 : vector<16xi32>
    %add3A_36 = arith.addi %div3A_35, %mul3A_7 : vector<16xi32>
    %swap3A_37 = arith.constant 48 : index
    %swap3A_38 = tpu.vector_load %arg7[%swap3A_37] {strides = array<i32>} : memref<512xi32, #tpu.memory_space<vmem>>, vector<16xi32>,
    %swap3A_39 = vector.shape_cast %swap3A_38 : vector<16xi32> to vector<16xi32>
    %swap3A_40 = vector.shape_cast %add3A_36 : vector<16xi32> to vector<16xi32>
    tpu.vector_store %arg7[%swap3A_37], %swap3A_40 {strides = array<i32>} : memref<512xi32, #tpu.memory_space<vmem>>, vector<16xi32>,
    %get3A_41 = arith.constant 64 : index
    %get3A_42 = tpu.vector_load %arg6[%get3A_41] {strides = array<i32>} : memref<512xi32, #tpu.memory_space<vmem>>, vector<16xi32>,
    %get3A_43 = vector.shape_cast %get3A_42 : vector<16xi32> to vector<16xi32>
    %div3A_44 = arith.divsi %get3A_43, %broadcast_in_dim3A_3 : vector<16xi32>
    %add3A_45 = arith.addi %div3A_44, %mul3A_7 : vector<16xi32>
    %swap3A_46 = arith.constant 64 : index
    %swap3A_47 = tpu.vector_load %arg7[%swap3A_46] {strides = array<i32>} : memref<512xi32, #tpu.memory_space<vmem>>, vector<16xi32>,
    %swap3A_48 = vector.shape_cast %swap3A_47 : vector<16xi32> to vector<16xi32>
    %swap3A_49 = vector.shape_cast %add3A_45 : vector<16xi32> to vector<16xi32>
    tpu.vector_store %arg7[%swap3A_46], %swap3A_49 {strides = array<i32>} : memref<512xi32, #tpu.memory_space<vmem>>, vector<16xi32>,
    %get3A_50 = arith.constant 80 : index
    %get3A_51 = tpu.vector_load %arg6[%get3A_50] {strides = array<i32>} : memref<512xi32, #tpu.memory_space<vmem>>, vector<16xi32>,
    %get3A_52 = vector.shape_cast %get3A_51 : vector<16xi32> to vector<16xi32>
    %div3A_53 = arith.divsi %get3A_52, %broadcast_in_dim3A_3 : vector<16xi32>
    %add3A_54 = arith.addi %div3A_53, %mul3A_7 : vector<16xi32>
    %swap3A_55 = arith.constant 80 : index
    %swap3A_56 = tpu.vector_load %arg7[%swap3A_55] {strides = array<i32>} : memref<512xi32, #tpu.memory_space<vmem>>, vector<16xi32>,
    %swap3A_57 = vector.shape_cast %swap3A_56 : vector<16xi32> to vector<16xi32>
    %swap3A_58 = vector.shape_cast %add3A_54 : vector<16xi32> to vector<16xi32>
    tpu.vector_store %arg7[%swap3A_55], %swap3A_58 {strides = array<i32>} : memref<512xi32, #tpu.memory_space<vmem>>, vector<16xi32>,
    %get3A_59 = arith.constant 96 : index
    %get3A_60 = tpu.vector_load %arg6[%get3A_59] {strides = array<i32>} : memref<512xi32, #tpu.memory_space<vmem>>, vector<16xi32>,
    %get3A_61 = vector.shape_cast %get3A_60 : vector<16xi32> to vector<16xi32>
    %div3A_62 = arith.divsi %get3A_61, %broadcast_in_dim3A_3 : vector<16xi32>
    %add3A_63 = arith.addi %div3A_62, %mul3A_7 : vector<16xi32>
    %swap3A_64 = arith.constant 96 : index
    %swap3A_65 = tpu.vector_load %arg7[%swap3A_64] {strides = array<i32>} : memref<512xi32, #tpu.memory_space<vmem>>, vector<16xi32>,
    %swap3A_66 = vector.shape_cast %swap3A_65 : vector<16xi32> to vector<16xi32>
    %swap3A_67 = vector.shape_cast %add3A_63 : vector<16xi32> to vector<16xi32>
    tpu.vector_store %arg7[%swap3A_64], %swap3A_67 {strides = array<i32>} : memref<512xi32, #tpu.memory_space<vmem>>, vector<16xi32>,
    %get3A_68 = arith.constant 112 : index
    %get3A_69 = tpu.vector_load %arg6[%get3A_68] {strides = array<i32>} : memref<512xi32, #tpu.memory_space<vmem>>, vector<16xi32>,
    %get3A_70 = vector.shape_cast %get3A_69 : vector<16xi32> to vector<16xi32>
    %div3A_71 = arith.divsi %get3A_70, %broadcast_in_dim3A_3 : vector<16xi32>
    %add3A_72 = arith.addi %div3A_71, %mul3A_7 : vector<16xi32>
    %swap3A_73 = arith.constant 112 : index
    %swap3A_74 = tpu.vector_load %arg7[%swap3A_73] {strides = array<i32>} : memref<512xi32, #tpu.memory_space<vmem>>, vector<16xi32>,
    %swap3A_75 = vector.shape_cast %swap3A_74 : vector<16xi32> to vector<16xi32>
    %swap3A_76 = vector.shape_cast %add3A_72 : vector<16xi32> to vector<16xi32>
    tpu.vector_store %arg7[%swap3A_73], %swap3A_76 {strides = array<i32>} : memref<512xi32, #tpu.memory_space<vmem>>, vector<16xi32>,
    %get3A_77 = arith.constant 128 : index
    %get3A_78 = tpu.vector_load %arg6[%get3A_77] {strides = array<i32>} : memref<512xi32, #tpu.memory_space<vmem>>, vector<16xi32>,
    %get3A_79 = vector.shape_cast %get3A_78 : vector<16xi32> to vector<16xi32>
    %div3A_80 = arith.divsi %get3A_79, %broadcast_in_dim3A_3 : vector<16xi32>
    %add3A_81 = arith.addi %div3A_80, %mul3A_7 : vector<16xi32>
    %swap3A_82 = arith.constant 128 : index
    %swap3A_83 = tpu.vector_load %arg7[%swap3A_82] {strides = array<i32>} : memref<512xi32, #tpu.memory_space<vmem>>, vector<16xi32>,
    %swap3A_84 = vector.shape_cast %swap3A_83 : vector<16xi32> to vector<16xi32>
    %swap3A_85 = vector.shape_cast %add3A_81 : vector<16xi32> to vector<16xi32>
    tpu.vector_store %arg7[%swap3A_82], %swap3A_85 {strides = array<i32>} : memref<512xi32, #tpu.memory_space<vmem>>, vector<16xi32>,
    %get3A_86 = arith.constant 144 : index
    %get3A_87 = tpu.vector_load %arg6[%get3A_86] {strides = array<i32>} : memref<512xi32, #tpu.memory_space<vmem>>, vector<16xi32>,
    %get3A_88 = vector.shape_cast %get3A_87 : vector<16xi32> to vector<16xi32>
    %div3A_89 = arith.divsi %get3A_88, %broadcast_in_dim3A_3 : vector<16xi32>
    %add3A_90 = arith.addi %div3A_89, %mul3A_7 : vector<16xi32>
    %swap3A_91 = arith.constant 144 : index
    %swap3A_92 = tpu.vector_load %arg7[%swap3A_91] {strides = array<i32>} : memref<512xi32, #tpu.memory_space<vmem>>, vector<16xi32>,
    %swap3A_93 = vector.shape_cast %swap3A_92 : vector<16xi32> to vector<16xi32>
    %swap3A_94 = vector.shape_cast %add3A_90 : vector<16xi32> to vector<16xi32>
    tpu.vector_store %arg7[%swap3A_91], %swap3A_94 {strides = array<i32>} : memref<512xi32, #tpu.memory_space<vmem>>, vector<16xi32>,
    %get3A_95 = arith.constant 160 : index
    %get3A_96 = tpu.vector_load %arg6[%get3A_95] {strides = array<i32>} : memref<512xi32, #tpu.memory_space<vmem>>, vector<16xi32>,
    %get3A_97 = vector.shape_cast %get3A_96 : vector<16xi32> to vector<16xi32>
    %div3A_98 = arith.divsi %get3A_97, %broadcast_in_dim3A_3 : vector<16xi32>
    %add3A_99 = arith.addi %div3A_98, %mul3A_7 : vector<16xi32>
    %swap3A_100 = arith.constant 160 : index
    %swap3A_101 = tpu.vector_load %arg7[%swap3A_100] {strides = array<i32>} : memref<512xi32, #tpu.memory_space<vmem>>, vector<16xi32>,
    %swap3A_102 = vector.shape_cast %swap3A_101 : vector<16xi32> to vector<16xi32>
    %swap3A_103 = vector.shape_cast %add3A_99 : vector<16xi32> to vector<16xi32>
    tpu.vector_store %arg7[%swap3A_100], %swap3A_103 {strides = array<i32>} : memref<512xi32, #tpu.memory_space<vmem>>, vector<16xi32>,
    %get3A_104 = arith.constant 176 : index
    %get3A_105 = tpu.vector_load %arg6[%get3A_104] {strides = array<i32>} : memref<512xi32, #tpu.memory_space<vmem>>, vector<16xi32>,
    %get3A_106 = vector.shape_cast %get3A_105 : vector<16xi32> to vector<16xi32>
    %div3A_107 = arith.divsi %get3A_106, %broadcast_in_dim3A_3 : vector<16xi32>
    %add3A_108 = arith.addi %div3A_107, %mul3A_7 : vector<16xi32>
    %swap3A_109 = arith.constant 176 : index
    %swap3A_110 = tpu.vector_load %arg7[%swap3A_109] {strides = array<i32>} : memref<512xi32, #tpu.memory_space<vmem>>, vector<16xi32>,
    %swap3A_111 = vector.shape_cast %swap3A_110 : vector<16xi32> to vector<16xi32>
    %swap3A_112 = vector.shape_cast %add3A_108 : vector<16xi32> to vector<16xi32>
    tpu.vector_store %arg7[%swap3A_109], %swap3A_112 {strides = array<i32>} : memref<512xi32, #tpu.memory_space<vmem>>, vector<16xi32>,
    %get3A_113 = arith.constant 192 : index
    %get3A_114 = tpu.vector_load %arg6[%get3A_113] {strides = array<i32>} : memref<512xi32, #tpu.memory_space<vmem>>, vector<16xi32>,
    %get3A_115 = vector.shape_cast %get3A_114 : vector<16xi32> to vector<16xi32>
    %div3A_116 = arith.divsi %get3A_115, %broadcast_in_dim3A_3 : vector<16xi32>
    %add3A_117 = arith.addi %div3A_116, %mul3A_7 : vector<16xi32>
    %swap3A_118 = arith.constant 192 : index
    %swap3A_119 = tpu.vector_load %arg7[%swap3A_118] {strides = array<i32>} : memref<512xi32, #tpu.memory_space<vmem>>, vector<16xi32>,
    %swap3A_120 = vector.shape_cast %swap3A_119 : vector<16xi32> to vector<16xi32>
    %swap3A_121 = vector.shape_cast %add3A_117 : vector<16xi32> to vector<16xi32>
    tpu.vector_store %arg7[%swap3A_118], %swap3A_121 {strides = array<i32>} : memref<512xi32, #tpu.memory_space<vmem>>, vector<16xi32>,
    %get3A_122 = arith.constant 208 : index
    %get3A_123 = tpu.vector_load %arg6[%get3A_122] {strides = array<i32>} : memref<512xi32, #tpu.memory_space<vmem>>, vector<16xi32>,
    %get3A_124 = vector.shape_cast %get3A_123 : vector<16xi32> to vector<16xi32>
    %div3A_125 = arith.divsi %get3A_124, %broadcast_in_dim3A_3 : vector<16xi32>
    %add3A_126 = arith.addi %div3A_125, %mul3A_7 : vector<16xi32>
    %swap3A_127 = arith.constant 208 : index
    %swap3A_128 = tpu.vector_load %arg7[%swap3A_127] {strides = array<i32>} : memref<512xi32, #tpu.memory_space<vmem>>, vector<16xi32>,
    %swap3A_129 = vector.shape_cast %swap3A_128 : vector<16xi32> to vector<16xi32>
    %swap3A_130 = vector.shape_cast %add3A_126 : vector<16xi32> to vector<16xi32>
    tpu.vector_store %arg7[%swap3A_127], %swap3A_130 {strides = array<i32>} : memref<512xi32, #tpu.memory_space<vmem>>, vector<16xi32>,
    %get3A_131 = arith.constant 224 : index
    %get3A_132 = tpu.vector_load %arg6[%get3A_131] {strides = array<i32>} : memref<512xi32, #tpu.memory_space<vmem>>, vector<16xi32>,
    %get3A_133 = vector.shape_cast %get3A_132 : vector<16xi32> to vector<16xi32>
    %div3A_134 = arith.divsi %get3A_133, %broadcast_in_dim3A_3 : vector<16xi32>
    %add3A_135 = arith.addi %div3A_134, %mul3A_7 : vector<16xi32>
    %swap3A_136 = arith.constant 224 : index
    %swap3A_137 = tpu.vector_load %arg7[%swap3A_136] {strides = array<i32>} : memref<512xi32, #tpu.memory_space<vmem>>, vector<16xi32>,
    %swap3A_138 = vector.shape_cast %swap3A_137 : vector<16xi32> to vector<16xi32>
    %swap3A_139 = vector.shape_cast %add3A_135 : vector<16xi32> to vector<16xi32>
    tpu.vector_store %arg7[%swap3A_136], %swap3A_139 {strides = array<i32>} : memref<512xi32, #tpu.memory_space<vmem>>, vector<16xi32>,
    %get3A_140 = arith.constant 240 : index
    %get3A_141 = tpu.vector_load %arg6[%get3A_140] {strides = array<i32>} : memref<512xi32, #tpu.memory_space<vmem>>, vector<16xi32>,
    %get3A_142 = vector.shape_cast %get3A_141 : vector<16xi32> to vector<16xi32>
    %div3A_143 = arith.divsi %get3A_142, %broadcast_in_dim3A_3 : vector<16xi32>
    %add3A_144 = arith.addi %div3A_143, %mul3A_7 : vector<16xi32>
    %swap3A_145 = arith.constant 240 : index
    %swap3A_146 = tpu.vector_load %arg7[%swap3A_145] {strides = array<i32>} : memref<512xi32, #tpu.memory_space<vmem>>, vector<16xi32>,
    %swap3A_147 = vector.shape_cast %swap3A_146 : vector<16xi32> to vector<16xi32>
    %swap3A_148 = vector.shape_cast %add3A_144 : vector<16xi32> to vector<16xi32>
    tpu.vector_store %arg7[%swap3A_145], %swap3A_148 {strides = array<i32>} : memref<512xi32, #tpu.memory_space<vmem>>, vector<16xi32>,
    %get3A_149 = arith.constant 256 : index
    %get3A_150 = tpu.vector_load %arg6[%get3A_149] {strides = array<i32>} : memref<512xi32, #tpu.memory_space<vmem>>, vector<16xi32>,
    %get3A_151 = vector.shape_cast %get3A_150 : vector<16xi32> to vector<16xi32>
    %div3A_152 = arith.divsi %get3A_151, %broadcast_in_dim3A_3 : vector<16xi32>
    %add3A_153 = arith.addi %div3A_152, %mul3A_7 : vector<16xi32>
    %swap3A_154 = arith.constant 256 : index
    %swap3A_155 = tpu.vector_load %arg7[%swap3A_154] {strides = array<i32>} : memref<512xi32, #tpu.memory_space<vmem>>, vector<16xi32>,
    %swap3A_156 = vector.shape_cast %swap3A_155 : vector<16xi32> to vector<16xi32>
    %swap3A_157 = vector.shape_cast %add3A_153 : vector<16xi32> to vector<16xi32>
    tpu.vector_store %arg7[%swap3A_154], %swap3A_157 {strides = array<i32>} : memref<512xi32, #tpu.memory_space<vmem>>, vector<16xi32>,
    %get3A_158 = arith.constant 272 : index
    %get3A_159 = tpu.vector_load %arg6[%get3A_158] {strides = array<i32>} : memref<512xi32, #tpu.memory_space<vmem>>, vector<16xi32>,
    %get3A_160 = vector.shape_cast %get3A_159 : vector<16xi32> to vector<16xi32>
    %div3A_161 = arith.divsi %get3A_160, %broadcast_in_dim3A_3 : vector<16xi32>
    %add3A_162 = arith.addi %div3A_161, %mul3A_7 : vector<16xi32>
    %swap3A_163 = arith.constant 272 : index
    %swap3A_164 = tpu.vector_load %arg7[%swap3A_163] {strides = array<i32>} : memref<512xi32, #tpu.memory_space<vmem>>, vector<16xi32>,
    %swap3A_165 = vector.shape_cast %swap3A_164 : vector<16xi32> to vector<16xi32>
    %swap3A_166 = vector.shape_cast %add3A_162 : vector<16xi32> to vector<16xi32>
    tpu.vector_store %arg7[%swap3A_163], %swap3A_166 {strides = array<i32>} : memref<512xi32, #tpu.memory_space<vmem>>, vector<16xi32>,
    %get3A_167 = arith.constant 288 : index
    %get3A_168 = tpu.vector_load %arg6[%get3A_167] {strides = array<i32>} : memref<512xi32, #tpu.memory_space<vmem>>, vector<16xi32>,
    %get3A_169 = vector.shape_cast %get3A_168 : vector<16xi32> to vector<16xi32>
    %div3A_170 = arith.divsi %get3A_169, %broadcast_in_dim3A_3 : vector<16xi32>
    %add3A_171 = arith.addi %div3A_170, %mul3A_7 : vector<16xi32>
    %swap3A_172 = arith.constant 288 : index
    %swap3A_173 = tpu.vector_load %arg7[%swap3A_172] {strides = array<i32>} : memref<512xi32, #tpu.memory_space<vmem>>, vector<16xi32>,
    %swap3A_174 = vector.shape_cast %swap3A_173 : vector<16xi32> to vector<16xi32>
    %swap3A_175 = vector.shape_cast %add3A_171 : vector<16xi32> to vector<16xi32>
    tpu.vector_store %arg7[%swap3A_172], %swap3A_175 {strides = array<i32>} : memref<512xi32, #tpu.memory_space<vmem>>, vector<16xi32>,
    %get3A_176 = arith.constant 304 : index
    %get3A_177 = tpu.vector_load %arg6[%get3A_176] {strides = array<i32>} : memref<512xi32, #tpu.memory_space<vmem>>, vector<16xi32>,
    %get3A_178 = vector.shape_cast %get3A_177 : vector<16xi32> to vector<16xi32>
    %div3A_179 = arith.divsi %get3A_178, %broadcast_in_dim3A_3 : vector<16xi32>
    %add3A_180 = arith.addi %div3A_179, %mul3A_7 : vector<16xi32>
    %swap3A_181 = arith.constant 304 : index
    %swap3A_182 = tpu.vector_load %arg7[%swap3A_181] {strides = array<i32>} : memref<512xi32, #tpu.memory_space<vmem>>, vector<16xi32>,
    %swap3A_183 = vector.shape_cast %swap3A_182 : vector<16xi32> to vector<16xi32>
    %swap3A_184 = vector.shape_cast %add3A_180 : vector<16xi32> to vector<16xi32>
    tpu.vector_store %arg7[%swap3A_181], %swap3A_184 {strides = array<i32>} : memref<512xi32, #tpu.memory_space<vmem>>, vector<16xi32>,
    %get3A_185 = arith.constant 320 : index
    %get3A_186 = tpu.vector_load %arg6[%get3A_185] {strides = array<i32>} : memref<512xi32, #tpu.memory_space<vmem>>, vector<16xi32>,
    %get3A_187 = vector.shape_cast %get3A_186 : vector<16xi32> to vector<16xi32>
    %div3A_188 = arith.divsi %get3A_187, %broadcast_in_dim3A_3 : vector<16xi32>
    %add3A_189 = arith.addi %div3A_188, %mul3A_7 : vector<16xi32>
    %swap3A_190 = arith.constant 320 : index
    %swap3A_191 = tpu.vector_load %arg7[%swap3A_190] {strides = array<i32>} : memref<512xi32, #tpu.memory_space<vmem>>, vector<16xi32>,
    %swap3A_192 = vector.shape_cast %swap3A_191 : vector<16xi32> to vector<16xi32>
    %swap3A_193 = vector.shape_cast %add3A_189 : vector<16xi32> to vector<16xi32>
    tpu.vector_store %arg7[%swap3A_190], %swap3A_193 {strides = array<i32>} : memref<512xi32, #tpu.memory_space<vmem>>, vector<16xi32>,
    %get3A_194 = arith.constant 336 : index
    %get3A_195 = tpu.vector_load %arg6[%get3A_194] {strides = array<i32>} : memref<512xi32, #tpu.memory_space<vmem>>, vector<16xi32>,
    %get3A_196 = vector.shape_cast %get3A_195 : vector<16xi32> to vector<16xi32>
    %div3A_197 = arith.divsi %get3A_196, %broadcast_in_dim3A_3 : vector<16xi32>
    %add3A_198 = arith.addi %div3A_197, %mul3A_7 : vector<16xi32>
    %swap3A_199 = arith.constant 336 : index
    %swap3A_200 = tpu.vector_load %arg7[%swap3A_199] {strides = array<i32>} : memref<512xi32, #tpu.memory_space<vmem>>, vector<16xi32>,
    %swap3A_201 = vector.shape_cast %swap3A_200 : vector<16xi32> to vector<16xi32>
    %swap3A_202 = vector.shape_cast %add3A_198 : vector<16xi32> to vector<16xi32>
    tpu.vector_store %arg7[%swap3A_199], %swap3A_202 {strides = array<i32>} : memref<512xi32, #tpu.memory_space<vmem>>, vector<16xi32>,
    %get3A_203 = arith.constant 352 : index
    %get3A_204 = tpu.vector_load %arg6[%get3A_203] {strides = array<i32>} : memref<512xi32, #tpu.memory_space<vmem>>, vector<16xi32>,
    %get3A_205 = vector.shape_cast %get3A_204 : vector<16xi32> to vector<16xi32>
    %div3A_206 = arith.divsi %get3A_205, %broadcast_in_dim3A_3 : vector<16xi32>
    %add3A_207 = arith.addi %div3A_206, %mul3A_7 : vector<16xi32>
    %swap3A_208 = arith.constant 352 : index
    %swap3A_209 = tpu.vector_load %arg7[%swap3A_208] {strides = array<i32>} : memref<512xi32, #tpu.memory_space<vmem>>, vector<16xi32>,
    %swap3A_210 = vector.shape_cast %swap3A_209 : vector<16xi32> to vector<16xi32>
    %swap3A_211 = vector.shape_cast %add3A_207 : vector<16xi32> to vector<16xi32>
    tpu.vector_store %arg7[%swap3A_208], %swap3A_211 {strides = array<i32>} : memref<512xi32, #tpu.memory_space<vmem>>, vector<16xi32>,
    %get3A_212 = arith.constant 368 : index
    %get3A_213 = tpu.vector_load %arg6[%get3A_212] {strides = array<i32>} : memref<512xi32, #tpu.memory_space<vmem>>, vector<16xi32>,
    %get3A_214 = vector.shape_cast %get3A_213 : vector<16xi32> to vector<16xi32>
    %div3A_215 = arith.divsi %get3A_214, %broadcast_in_dim3A_3 : vector<16xi32>
    %add3A_216 = arith.addi %div3A_215, %mul3A_7 : vector<16xi32>
    %swap3A_217 = arith.constant 368 : index
    %swap3A_218 = tpu.vector_load %arg7[%swap3A_217] {strides = array<i32>} : memref<512xi32, #tpu.memory_space<vmem>>, vector<16xi32>,
    %swap3A_219 = vector.shape_cast %swap3A_218 : vector<16xi32> to vector<16xi32>
    %swap3A_220 = vector.shape_cast %add3A_216 : vector<16xi32> to vector<16xi32>
    tpu.vector_store %arg7[%swap3A_217], %swap3A_220 {strides = array<i32>} : memref<512xi32, #tpu.memory_space<vmem>>, vector<16xi32>,
    %get3A_221 = arith.constant 384 : index
    %get3A_222 = tpu.vector_load %arg6[%get3A_221] {strides = array<i32>} : memref<512xi32, #tpu.memory_space<vmem>>, vector<16xi32>,
    %get3A_223 = vector.shape_cast %get3A_222 : vector<16xi32> to vector<16xi32>
    %div3A_224 = arith.divsi %get3A_223, %broadcast_in_dim3A_3 : vector<16xi32>
    %add3A_225 = arith.addi %div3A_224, %mul3A_7 : vector<16xi32>
    %swap3A_226 = arith.constant 384 : index
    %swap3A_227 = tpu.vector_load %arg7[%swap3A_226] {strides = array<i32>} : memref<512xi32, #tpu.memory_space<vmem>>, vector<16xi32>,
    %swap3A_228 = vector.shape_cast %swap3A_227 : vector<16xi32> to vector<16xi32>
    %swap3A_229 = vector.shape_cast %add3A_225 : vector<16xi32> to vector<16xi32>
    tpu.vector_store %arg7[%swap3A_226], %swap3A_229 {strides = array<i32>} : memref<512xi32, #tpu.memory_space<vmem>>, vector<16xi32>,
    %get3A_230 = arith.constant 400 : index
    %get3A_231 = tpu.vector_load %arg6[%get3A_230] {strides = array<i32>} : memref<512xi32, #tpu.memory_space<vmem>>, vector<16xi32>,
    %get3A_232 = vector.shape_cast %get3A_231 : vector<16xi32> to vector<16xi32>
    %div3A_233 = arith.divsi %get3A_232, %broadcast_in_dim3A_3 : vector<16xi32>
    %add3A_234 = arith.addi %div3A_233, %mul3A_7 : vector<16xi32>
    %swap3A_235 = arith.constant 400 : index
    %swap3A_236 = tpu.vector_load %arg7[%swap3A_235] {strides = array<i32>} : memref<512xi32, #tpu.memory_space<vmem>>, vector<16xi32>,
    %swap3A_237 = vector.shape_cast %swap3A_236 : vector<16xi32> to vector<16xi32>
    %swap3A_238 = vector.shape_cast %add3A_234 : vector<16xi32> to vector<16xi32>
    tpu.vector_store %arg7[%swap3A_235], %swap3A_238 {strides = array<i32>} : memref<512xi32, #tpu.memory_space<vmem>>, vector<16xi32>,
    %get3A_239 = arith.constant 416 : index
    %get3A_240 = tpu.vector_load %arg6[%get3A_239] {strides = array<i32>} : memref<512xi32, #tpu.memory_space<vmem>>, vector<16xi32>,
    %get3A_241 = vector.shape_cast %get3A_240 : vector<16xi32> to vector<16xi32>
    %div3A_242 = arith.divsi %get3A_241, %broadcast_in_dim3A_3 : vector<16xi32>
    %add3A_243 = arith.addi %div3A_242, %mul3A_7 : vector<16xi32>
    %swap3A_244 = arith.constant 416 : index
    %swap3A_245 = tpu.vector_load %arg7[%swap3A_244] {strides = array<i32>} : memref<512xi32, #tpu.memory_space<vmem>>, vector<16xi32>,
    %swap3A_246 = vector.shape_cast %swap3A_245 : vector<16xi32> to vector<16xi32>
    %swap3A_247 = vector.shape_cast %add3A_243 : vector<16xi32> to vector<16xi32>
    tpu.vector_store %arg7[%swap3A_244], %swap3A_247 {strides = array<i32>} : memref<512xi32, #tpu.memory_space<vmem>>, vector<16xi32>,
    %get3A_248 = arith.constant 432 : index
    %get3A_249 = tpu.vector_load %arg6[%get3A_248] {strides = array<i32>} : memref<512xi32, #tpu.memory_space<vmem>>, vector<16xi32>,
    %get3A_250 = vector.shape_cast %get3A_249 : vector<16xi32> to vector<16xi32>
    %div3A_251 = arith.divsi %get3A_250, %broadcast_in_dim3A_3 : vector<16xi32>
    %add3A_252 = arith.addi %div3A_251, %mul3A_7 : vector<16xi32>
    %swap3A_253 = arith.constant 432 : index
    %swap3A_254 = tpu.vector_load %arg7[%swap3A_253] {strides = array<i32>} : memref<512xi32, #tpu.memory_space<vmem>>, vector<16xi32>,
    %swap3A_255 = vector.shape_cast %swap3A_254 : vector<16xi32> to vector<16xi32>
    %swap3A_256 = vector.shape_cast %add3A_252 : vector<16xi32> to vector<16xi32>
    tpu.vector_store %arg7[%swap3A_253], %swap3A_256 {strides = array<i32>} : memref<512xi32, #tpu.memory_space<vmem>>, vector<16xi32>,
    %get3A_257 = arith.constant 448 : index
    %get3A_258 = tpu.vector_load %arg6[%get3A_257] {strides = array<i32>} : memref<512xi32, #tpu.memory_space<vmem>>, vector<16xi32>,
    %get3A_259 = vector.shape_cast %get3A_258 : vector<16xi32> to vector<16xi32>
    %div3A_260 = arith.divsi %get3A_259, %broadcast_in_dim3A_3 : vector<16xi32>
    %add3A_261 = arith.addi %div3A_260, %mul3A_7 : vector<16xi32>
    %swap3A_262 = arith.constant 448 : index
    %swap3A_263 = tpu.vector_load %arg7[%swap3A_262] {strides = array<i32>} : memref<512xi32, #tpu.memory_space<vmem>>, vector<16xi32>,
    %swap3A_264 = vector.shape_cast %swap3A_263 : vector<16xi32> to vector<16xi32>
    %swap3A_265 = vector.shape_cast %add3A_261 : vector<16xi32> to vector<16xi32>
    tpu.vector_store %arg7[%swap3A_262], %swap3A_265 {strides = array<i32>} : memref<512xi32, #tpu.memory_space<vmem>>, vector<16xi32>,
    %get3A_266 = arith.constant 464 : index
    %get3A_267 = tpu.vector_load %arg6[%get3A_266] {strides = array<i32>} : memref<512xi32, #tpu.memory_space<vmem>>, vector<16xi32>,
    %get3A_268 = vector.shape_cast %get3A_267 : vector<16xi32> to vector<16xi32>
    %div3A_269 = arith.divsi %get3A_268, %broadcast_in_dim3A_3 : vector<16xi32>
    %add3A_270 = arith.addi %div3A_269, %mul3A_7 : vector<16xi32>
    %swap3A_271 = arith.constant 464 : index
    %swap3A_272 = tpu.vector_load %arg7[%swap3A_271] {strides = array<i32>} : memref<512xi32, #tpu.memory_space<vmem>>, vector<16xi32>,
    %swap3A_273 = vector.shape_cast %swap3A_272 : vector<16xi32> to vector<16xi32>
    %swap3A_274 = vector.shape_cast %add3A_270 : vector<16xi32> to vector<16xi32>
    tpu.vector_store %arg7[%swap3A_271], %swap3A_274 {strides = array<i32>} : memref<512xi32, #tpu.memory_space<vmem>>, vector<16xi32>,
    %get3A_275 = arith.constant 480 : index
    %get3A_276 = tpu.vector_load %arg6[%get3A_275] {strides = array<i32>} : memref<512xi32, #tpu.memory_space<vmem>>, vector<16xi32>,
    %get3A_277 = vector.shape_cast %get3A_276 : vector<16xi32> to vector<16xi32>
    %div3A_278 = arith.divsi %get3A_277, %broadcast_in_dim3A_3 : vector<16xi32>
    %add3A_279 = arith.addi %div3A_278, %mul3A_7 : vector<16xi32>
    %swap3A_280 = arith.constant 480 : index
    %swap3A_281 = tpu.vector_load %arg7[%swap3A_280] {strides = array<i32>} : memref<512xi32, #tpu.memory_space<vmem>>, vector<16xi32>,
    %swap3A_282 = vector.shape_cast %swap3A_281 : vector<16xi32> to vector<16xi32>
    %swap3A_283 = vector.shape_cast %add3A_279 : vector<16xi32> to vector<16xi32>
    tpu.vector_store %arg7[%swap3A_280], %swap3A_283 {strides = array<i32>} : memref<512xi32, #tpu.memory_space<vmem>>, vector<16xi32>,
    %get3A_284 = arith.constant 496 : index
    %get3A_285 = tpu.vector_load %arg6[%get3A_284] {strides = array<i32>} : memref<512xi32, #tpu.memory_space<vmem>>, vector<16xi32>,
    %get3A_286 = vector.shape_cast %get3A_285 : vector<16xi32> to vector<16xi32>
    %div3A_287 = arith.divsi %get3A_286, %broadcast_in_dim3A_3 : vector<16xi32>
    %add3A_288 = arith.addi %div3A_287, %mul3A_7 : vector<16xi32>
    %swap3A_289 = arith.constant 496 : index
    %swap3A_290 = tpu.vector_load %arg7[%swap3A_289] {strides = array<i32>} : memref<512xi32, #tpu.memory_space<vmem>>, vector<16xi32>,
    %swap3A_291 = vector.shape_cast %swap3A_290 : vector<16xi32> to vector<16xi32>
    %swap3A_292 = vector.shape_cast %add3A_288 : vector<16xi32> to vector<16xi32>
    tpu.vector_store %arg7[%swap3A_289], %swap3A_292 {strides = array<i32>} : memref<512xi32, #tpu.memory_space<vmem>>, vector<16xi32>,
    %dma_start3A = arith.constant 0 : i32
    %dma_start3A_293 = arith.constant 0 : i32
    %dma_start3A_294 = arith.constant 0 : i32
    %dma_start3A_295 = tpu.memref_slice %arg8[%dma_start3A, %dma_start3A_293, %dma_start3A_294] : memref<2x64x768xf32, #tpu.memory_space<vmem>> -> memref<1x64x256xf32, #tpu.memory_space<vmem>>
    %dma_start3A_296 = tpu.memref_squeeze %dma_start3A_295 : memref<1x64x256xf32, #tpu.memory_space<vmem>> -> memref<64x256xf32, #tpu.memory_space<vmem>>
    %dma_start3A_297 = arith.constant 0 : i32
    %dma_start3A_298 = tpu.memref_slice %arg6[%dma_start3A_297] : memref<512xi32, #tpu.memory_space<vmem>> -> memref<64xi32, #tpu.memory_space<vmem>>
    %dma_start3A_299 = arith.constant 0 : i32
    %dma_start3A_300 = arith.constant 0 : i32
    %dma_start3A_301 = tpu.memref_slice %arg4[%dma_start3A_299, %dma_start3A_300] : memref<8192x256xf32, #tpu.memory_space<hbm>> -> memref<8192x256xf32, #tpu.memory_space<hbm>>
    tpu.enqueue_indirect_dma source(%dma_start3A_301 : memref<8192x256xf32, #tpu.memory_space<hbm>>) target(%dma_start3A_296 : memref<64x256xf32, #tpu.memory_space<vmem>>) offsets(%dma_start3A_298 : memref<64xi32, #tpu.memory_space<vmem>>) semaphore(%arg9 : memref<!tpu.dma_semaphore, #tpu.memory_space<semaphore_mem>>)
    %dma_start3A_302 = arith.constant 0 : i32
    %dma_start3A_303 = arith.constant 0 : i32
    %dma_start3A_304 = arith.constant 256 : i32
    %dma_start3A_305 = tpu.memref_slice %arg8[%dma_start3A_302, %dma_start3A_303, %dma_start3A_304] : memref<2x64x768xf32, #tpu.memory_space<vmem>> -> memref<1x64x512xf32, #tpu.memory_space<vmem>>
    %dma_start3A_306 = tpu.memref_squeeze %dma_start3A_305 : memref<1x64x512xf32, #tpu.memory_space<vmem>> -> memref<64x512xf32, #tpu.memory_space<vmem>>
    %dma_start3A_307 = arith.constant 0 : i32
    %dma_start3A_308 = tpu.memref_slice %arg7[%dma_start3A_307] : memref<512xi32, #tpu.memory_space<vmem>> -> memref<64xi32, #tpu.memory_space<vmem>>
    %dma_start3A_309 = arith.constant 0 : i32
    %dma_start3A_310 = arith.constant 0 : i32
    %dma_start3A_311 = tpu.memref_slice %arg3[%dma_start3A_309, %dma_start3A_310] : memref<576x512xf32, #tpu.memory_space<hbm>> -> memref<576x512xf32, #tpu.memory_space<hbm>>
    tpu.enqueue_indirect_dma source(%dma_start3A_311 : memref<576x512xf32, #tpu.memory_space<hbm>>) target(%dma_start3A_306 : memref<64x512xf32, #tpu.memory_space<vmem>>) offsets(%dma_start3A_308 : memref<64xi32, #tpu.memory_space<vmem>>) semaphore(%arg9 : memref<!tpu.dma_semaphore, #tpu.memory_space<semaphore_mem>>)
    %dma_start3A_312 = arith.constant 1 : i32
    %dma_start3A_313 = arith.constant 0 : i32
    %dma_start3A_314 = arith.constant 0 : i32
    %dma_start3A_315 = tpu.memref_slice %arg8[%dma_start3A_312, %dma_start3A_313, %dma_start3A_314] : memref<2x64x768xf32, #tpu.memory_space<vmem>> -> memref<1x64x256xf32, #tpu.memory_space<vmem>>
    %dma_start3A_316 = tpu.memref_squeeze %dma_start3A_315 : memref<1x64x256xf32, #tpu.memory_space<vmem>> -> memref<64x256xf32, #tpu.memory_space<vmem>>
    %dma_start3A_317 = arith.constant 64 : i32
    %dma_start3A_318 = tpu.memref_slice %arg6[%dma_start3A_317] : memref<512xi32, #tpu.memory_space<vmem>> -> memref<64xi32, #tpu.memory_space<vmem>>
    %dma_start3A_319 = arith.constant 0 : i32
    %dma_start3A_320 = arith.constant 0 : i32
    %dma_start3A_321 = tpu.memref_slice %arg4[%dma_start3A_319, %dma_start3A_320] : memref<8192x256xf32, #tpu.memory_space<hbm>> -> memref<8192x256xf32, #tpu.memory_space<hbm>>
    tpu.enqueue_indirect_dma source(%dma_start3A_321 : memref<8192x256xf32, #tpu.memory_space<hbm>>) target(%dma_start3A_316 : memref<64x256xf32, #tpu.memory_space<vmem>>) offsets(%dma_start3A_318 : memref<64xi32, #tpu.memory_space<vmem>>) semaphore(%arg10 : memref<!tpu.dma_semaphore, #tpu.memory_space<semaphore_mem>>)
    %dma_start3A_322 = arith.constant 1 : i32
    %dma_start3A_323 = arith.constant 0 : i32
    %dma_start3A_324 = arith.constant 256 : i32
    %dma_start3A_325 = tpu.memref_slice %arg8[%dma_start3A_322, %dma_start3A_323, %dma_start3A_324] : memref<2x64x768xf32, #tpu.memory_space<vmem>> -> memref<1x64x512xf32, #tpu.memory_space<vmem>>
    %dma_start3A_326 = tpu.memref_squeeze %dma_start3A_325 : memref<1x64x512xf32, #tpu.memory_space<vmem>> -> memref<64x512xf32, #tpu.memory_space<vmem>>
    %dma_start3A_327 = arith.constant 64 : i32
    %dma_start3A_328 = tpu.memref_slice %arg7[%dma_start3A_327] : memref<512xi32, #tpu.memory_space<vmem>> -> memref<64xi32, #tpu.memory_space<vmem>>
    %dma_start3A_329 = arith.constant 0 : i32
    %dma_start3A_330 = arith.constant 0 : i32
    %dma_start3A_331 = tpu.memref_slice %arg3[%dma_start3A_329, %dma_start3A_330] : memref<576x512xf32, #tpu.memory_space<hbm>> -> memref<576x512xf32, #tpu.memory_space<hbm>>
    tpu.enqueue_indirect_dma source(%dma_start3A_331 : memref<576x512xf32, #tpu.memory_space<hbm>>) target(%dma_start3A_326 : memref<64x512xf32, #tpu.memory_space<vmem>>) offsets(%dma_start3A_328 : memref<64xi32, #tpu.memory_space<vmem>>) semaphore(%arg10 : memref<!tpu.dma_semaphore, #tpu.memory_space<semaphore_mem>>)
    %dma_wait3A = arith.constant 0 : i32
    %dma_wait3A_332 = arith.constant 0 : i32
    %dma_wait3A_333 = arith.constant 0 : i32
    %dma_wait3A_334 = tpu.memref_slice %arg8[%dma_wait3A, %dma_wait3A_332, %dma_wait3A_333] : memref<2x64x768xf32, #tpu.memory_space<vmem>> -> memref<1x64x256xf32, #tpu.memory_space<vmem>>
    %dma_wait3A_335 = tpu.memref_squeeze %dma_wait3A_334 : memref<1x64x256xf32, #tpu.memory_space<vmem>> -> memref<64x256xf32, #tpu.memory_space<vmem>>
    %dma_wait3A_336 = arith.constant 0 : i32
    %dma_wait3A_337 = tpu.memref_slice %arg6[%dma_wait3A_336] : memref<512xi32, #tpu.memory_space<vmem>> -> memref<64xi32, #tpu.memory_space<vmem>>
    %dma_wait3A_338 = arith.constant 0 : i32
    %dma_wait3A_339 = arith.constant 0 : i32
    %dma_wait3A_340 = tpu.memref_slice %arg4[%dma_wait3A_338, %dma_wait3A_339] : memref<8192x256xf32, #tpu.memory_space<hbm>> -> memref<8192x256xf32, #tpu.memory_space<hbm>>
    tpu.wait_indirect_dma semaphore(%arg9 : memref<!tpu.dma_semaphore, #tpu.memory_space<semaphore_mem>>) src(%dma_wait3A_340 : memref<8192x256xf32, #tpu.memory_space<hbm>>) dst(%dma_wait3A_335 : memref<64x256xf32, #tpu.memory_space<vmem>>)
    %dma_wait3A_341 = arith.constant 0 : i32
    %dma_wait3A_342 = arith.constant 0 : i32
    %dma_wait3A_343 = arith.constant 256 : i32
    %dma_wait3A_344 = tpu.memref_slice %arg8[%dma_wait3A_341, %dma_wait3A_342, %dma_wait3A_343] : memref<2x64x768xf32, #tpu.memory_space<vmem>> -> memref<1x64x512xf32, #tpu.memory_space<vmem>>
    %dma_wait3A_345 = tpu.memref_squeeze %dma_wait3A_344 : memref<1x64x512xf32, #tpu.memory_space<vmem>> -> memref<64x512xf32, #tpu.memory_space<vmem>>
    %dma_wait3A_346 = arith.constant 0 : i32
    %dma_wait3A_347 = tpu.memref_slice %arg7[%dma_wait3A_346] : memref<512xi32, #tpu.memory_space<vmem>> -> memref<64xi32, #tpu.memory_space<vmem>>
    %dma_wait3A_348 = arith.constant 0 : i32
    %dma_wait3A_349 = arith.constant 0 : i32
    %dma_wait3A_350 = tpu.memref_slice %arg3[%dma_wait3A_348, %dma_wait3A_349] : memref<576x512xf32, #tpu.memory_space<hbm>> -> memref<576x512xf32, #tpu.memory_space<hbm>>
    tpu.wait_indirect_dma semaphore(%arg9 : memref<!tpu.dma_semaphore, #tpu.memory_space<semaphore_mem>>) src(%dma_wait3A_350 : memref<576x512xf32, #tpu.memory_space<hbm>>) dst(%dma_wait3A_345 : memref<64x512xf32, #tpu.memory_space<vmem>>)
    %add3A_351 = arith.constant 0 : i32
    %add3A_352 = arith.addi %mul3A_2, %add3A_351 : i32
    %dma_start3A_353 = arith.constant 0 : i32
    %dma_start3A_354 = arith.constant 0 : i32
    %dma_start3A_355 = arith.constant 0 : i32
    %dma_start3A_356 = tpu.memref_slice %arg8[%dma_start3A_353, %dma_start3A_354, %dma_start3A_355] : memref<2x64x768xf32, #tpu.memory_space<vmem>> -> memref<1x64x768xf32, #tpu.memory_space<vmem>>
    %dma_start3A_357 = tpu.memref_squeeze %dma_start3A_356 : memref<1x64x768xf32, #tpu.memory_space<vmem>> -> memref<64x768xf32, #tpu.memory_space<vmem>>
    %dma_start3A_358 = arith.constant 0 : i32
    %dma_start3A_359 = tpu.memref_slice %arg5[%add3A_352, %dma_start3A_358] : memref<16384x768xf32, #tpu.memory_space<hbm>> -> memref<64x768xf32, #tpu.memory_space<hbm>>
    %dma_start3A_360 = arith.constant 0 : i32
    %dma_start3A_361 = tpu.memref_slice %arg5[%add3A_352, %dma_start3A_360] : memref<16384x768xf32, #tpu.memory_space<hbm>> -> memref<64x768xf32, #tpu.memory_space<hbm>>
    %dma_start3A_362 = arith.constant 0 : i32
    %dma_start3A_363 = arith.constant 0 : i32
    %dma_start3A_364 = tpu.memref_slice %arg8[%dma_start3A_353, %dma_start3A_362, %dma_start3A_363] : memref<2x64x768xf32, #tpu.memory_space<vmem>> -> memref<1x64x768xf32, #tpu.memory_space<vmem>>
    %dma_start3A_365 = tpu.memref_squeeze %dma_start3A_364 : memref<1x64x768xf32, #tpu.memory_space<vmem>> -> memref<64x768xf32, #tpu.memory_space<vmem>>
    tpu.enqueue_dma source(%dma_start3A_365 : memref<64x768xf32, #tpu.memory_space<vmem>>) target(%dma_start3A_361 : memref<64x768xf32, #tpu.memory_space<hbm>>) target_semaphore(%arg11 : memref<!tpu.dma_semaphore, #tpu.memory_space<semaphore_mem>>)
    %dma_wait3A_366 = arith.constant 0 : i32
    %dma_wait3A_367 = arith.constant 0 : i32
    %dma_wait3A_368 = arith.constant 0 : i32
    %dma_wait3A_369 = tpu.memref_slice %arg8[%dma_wait3A_366, %dma_wait3A_367, %dma_wait3A_368] : memref<2x64x768xf32, #tpu.memory_space<vmem>> -> memref<1x64x768xf32, #tpu.memory_space<vmem>>
    %dma_wait3A_370 = tpu.memref_squeeze %dma_wait3A_369 : memref<1x64x768xf32, #tpu.memory_space<vmem>> -> memref<64x768xf32, #tpu.memory_space<vmem>>
    %dma_wait3A_371 = arith.constant 0 : i32
    %dma_wait3A_372 = tpu.memref_slice %arg5[%add3A_352, %dma_wait3A_371] : memref<16384x768xf32, #tpu.memory_space<hbm>> -> memref<64x768xf32, #tpu.memory_space<hbm>>
    %dma_wait3A_373 = arith.constant 0 : i32
    %dma_wait3A_374 = tpu.memref_slice %arg5[%add3A_352, %dma_wait3A_373] : memref<16384x768xf32, #tpu.memory_space<hbm>> -> memref<64x768xf32, #tpu.memory_space<hbm>>
    %dma_wait3A_375 = arith.constant 0 : i32
    %dma_wait3A_376 = arith.constant 0 : i32
    %dma_wait3A_377 = tpu.memref_slice %arg8[%dma_wait3A_366, %dma_wait3A_375, %dma_wait3A_376] : memref<2x64x768xf32, #tpu.memory_space<vmem>> -> memref<1x64x768xf32, #tpu.memory_space<vmem>>
    %dma_wait3A_378 = tpu.memref_squeeze %dma_wait3A_377 : memref<1x64x768xf32, #tpu.memory_space<vmem>> -> memref<64x768xf32, #tpu.memory_space<vmem>>
    tpu.wait_dma2 semaphore(%arg11 : memref<!tpu.dma_semaphore, #tpu.memory_space<semaphore_mem>>) src(%dma_wait3A_378 : memref<64x768xf32, #tpu.memory_space<vmem>>) dst(%dma_wait3A_374 : memref<64x768xf32, #tpu.memory_space<hbm>>)
    %dma_start3A_379 = arith.constant 0 : i32
    %dma_start3A_380 = arith.constant 0 : i32
    %dma_start3A_381 = arith.constant 0 : i32
    %dma_start3A_382 = tpu.memref_slice %arg8[%dma_start3A_379, %dma_start3A_380, %dma_start3A_381] : memref<2x64x768xf32, #tpu.memory_space<vmem>> -> memref<1x64x256xf32, #tpu.memory_space<vmem>>
    %dma_start3A_383 = tpu.memref_squeeze %dma_start3A_382 : memref<1x64x256xf32, #tpu.memory_space<vmem>> -> memref<64x256xf32, #tpu.memory_space<vmem>>
    %dma_start3A_384 = arith.constant 128 : i32
    %dma_start3A_385 = tpu.memref_slice %arg6[%dma_start3A_384] : memref<512xi32, #tpu.memory_space<vmem>> -> memref<64xi32, #tpu.memory_space<vmem>>
    %dma_start3A_386 = arith.constant 0 : i32
    %dma_start3A_387 = arith.constant 0 : i32
    %dma_start3A_388 = tpu.memref_slice %arg4[%dma_start3A_386, %dma_start3A_387] : memref<8192x256xf32, #tpu.memory_space<hbm>> -> memref<8192x256xf32, #tpu.memory_space<hbm>>
    tpu.enqueue_indirect_dma source(%dma_start3A_388 : memref<8192x256xf32, #tpu.memory_space<hbm>>) target(%dma_start3A_383 : memref<64x256xf32, #tpu.memory_space<vmem>>) offsets(%dma_start3A_385 : memref<64xi32, #tpu.memory_space<vmem>>) semaphore(%arg9 : memref<!tpu.dma_semaphore, #tpu.memory_space<semaphore_mem>>)
    %dma_start3A_389 = arith.constant 0 : i32
    %dma_start3A_390 = arith.constant 0 : i32
    %dma_start3A_391 = arith.constant 256 : i32
    %dma_start3A_392 = tpu.memref_slice %arg8[%dma_start3A_389, %dma_start3A_390, %dma_start3A_391] : memref<2x64x768xf32, #tpu.memory_space<vmem>> -> memref<1x64x512xf32, #tpu.memory_space<vmem>>
    %dma_start3A_393 = tpu.memref_squeeze %dma_start3A_392 : memref<1x64x512xf32, #tpu.memory_space<vmem>> -> memref<64x512xf32, #tpu.memory_space<vmem>>
    %dma_start3A_394 = arith.constant 128 : i32
    %dma_start3A_395 = tpu.memref_slice %arg7[%dma_start3A_394] : memref<512xi32, #tpu.memory_space<vmem>> -> memref<64xi32, #tpu.memory_space<vmem>>
    %dma_start3A_396 = arith.constant 0 : i32
    %dma_start3A_397 = arith.constant 0 : i32
    %dma_start3A_398 = tpu.memref_slice %arg3[%dma_start3A_396, %dma_start3A_397] : memref<576x512xf32, #tpu.memory_space<hbm>> -> memref<576x512xf32, #tpu.memory_space<hbm>>
    tpu.enqueue_indirect_dma source(%dma_start3A_398 : memref<576x512xf32, #tpu.memory_space<hbm>>) target(%dma_start3A_393 : memref<64x512xf32, #tpu.memory_space<vmem>>) offsets(%dma_start3A_395 : memref<64xi32, #tpu.memory_space<vmem>>) semaphore(%arg9 : memref<!tpu.dma_semaphore, #tpu.memory_space<semaphore_mem>>)
    %dma_wait3A_399 = arith.constant 1 : i32
    %dma_wait3A_400 = arith.constant 0 : i32
    %dma_wait3A_401 = arith.constant 0 : i32
    %dma_wait3A_402 = tpu.memref_slice %arg8[%dma_wait3A_399, %dma_wait3A_400, %dma_wait3A_401] : memref<2x64x768xf32, #tpu.memory_space<vmem>> -> memref<1x64x256xf32, #tpu.memory_space<vmem>>
    %dma_wait3A_403 = tpu.memref_squeeze %dma_wait3A_402 : memref<1x64x256xf32, #tpu.memory_space<vmem>> -> memref<64x256xf32, #tpu.memory_space<vmem>>
    %dma_wait3A_404 = arith.constant 64 : i32
    %dma_wait3A_405 = tpu.memref_slice %arg6[%dma_wait3A_404] : memref<512xi32, #tpu.memory_space<vmem>> -> memref<64xi32, #tpu.memory_space<vmem>>
    %dma_wait3A_406 = arith.constant 0 : i32
    %dma_wait3A_407 = arith.constant 0 : i32
    %dma_wait3A_408 = tpu.memref_slice %arg4[%dma_wait3A_406, %dma_wait3A_407] : memref<8192x256xf32, #tpu.memory_space<hbm>> -> memref<8192x256xf32, #tpu.memory_space<hbm>>
    tpu.wait_indirect_dma semaphore(%arg10 : memref<!tpu.dma_semaphore, #tpu.memory_space<semaphore_mem>>) src(%dma_wait3A_408 : memref<8192x256xf32, #tpu.memory_space<hbm>>) dst(%dma_wait3A_403 : memref<64x256xf32, #tpu.memory_space<vmem>>)
    %dma_wait3A_409 = arith.constant 1 : i32
    %dma_wait3A_410 = arith.constant 0 : i32
    %dma_wait3A_411 = arith.constant 256 : i32
    %dma_wait3A_412 = tpu.memref_slice %arg8[%dma_wait3A_409, %dma_wait3A_410, %dma_wait3A_411] : memref<2x64x768xf32, #tpu.memory_space<vmem>> -> memref<1x64x512xf32, #tpu.memory_space<vmem>>
    %dma_wait3A_413 = tpu.memref_squeeze %dma_wait3A_412 : memref<1x64x512xf32, #tpu.memory_space<vmem>> -> memref<64x512xf32, #tpu.memory_space<vmem>>
    %dma_wait3A_414 = arith.constant 64 : i32
    %dma_wait3A_415 = tpu.memref_slice %arg7[%dma_wait3A_414] : memref<512xi32, #tpu.memory_space<vmem>> -> memref<64xi32, #tpu.memory_space<vmem>>
    %dma_wait3A_416 = arith.constant 0 : i32
    %dma_wait3A_417 = arith.constant 0 : i32
    %dma_wait3A_418 = tpu.memref_slice %arg3[%dma_wait3A_416, %dma_wait3A_417] : memref<576x512xf32, #tpu.memory_space<hbm>> -> memref<576x512xf32, #tpu.memory_space<hbm>>
    tpu.wait_indirect_dma semaphore(%arg10 : memref<!tpu.dma_semaphore, #tpu.memory_space<semaphore_mem>>) src(%dma_wait3A_418 : memref<576x512xf32, #tpu.memory_space<hbm>>) dst(%dma_wait3A_413 : memref<64x512xf32, #tpu.memory_space<vmem>>)
    %add3A_419 = arith.constant 64 : i32
    %add3A_420 = arith.addi %mul3A_2, %add3A_419 : i32
    %dma_start3A_421 = arith.constant 1 : i32
    %dma_start3A_422 = arith.constant 0 : i32
    %dma_start3A_423 = arith.constant 0 : i32
    %dma_start3A_424 = tpu.memref_slice %arg8[%dma_start3A_421, %dma_start3A_422, %dma_start3A_423] : memref<2x64x768xf32, #tpu.memory_space<vmem>> -> memref<1x64x768xf32, #tpu.memory_space<vmem>>
    %dma_start3A_425 = tpu.memref_squeeze %dma_start3A_424 : memref<1x64x768xf32, #tpu.memory_space<vmem>> -> memref<64x768xf32, #tpu.memory_space<vmem>>
    %dma_start3A_426 = arith.constant 0 : i32
    %dma_start3A_427 = tpu.memref_slice %arg5[%add3A_420, %dma_start3A_426] : memref<16384x768xf32, #tpu.memory_space<hbm>> -> memref<64x768xf32, #tpu.memory_space<hbm>>
    %dma_start3A_428 = arith.constant 0 : i32
    %dma_start3A_429 = tpu.memref_slice %arg5[%add3A_420, %dma_start3A_428] : memref<16384x768xf32, #tpu.memory_space<hbm>> -> memref<64x768xf32, #tpu.memory_space<hbm>>
    %dma_start3A_430 = arith.constant 0 : i32
    %dma_start3A_431 = arith.constant 0 : i32
    %dma_start3A_432 = tpu.memref_slice %arg8[%dma_start3A_421, %dma_start3A_430, %dma_start3A_431] : memref<2x64x768xf32, #tpu.memory_space<vmem>> -> memref<1x64x768xf32, #tpu.memory_space<vmem>>
    %dma_start3A_433 = tpu.memref_squeeze %dma_start3A_432 : memref<1x64x768xf32, #tpu.memory_space<vmem>> -> memref<64x768xf32, #tpu.memory_space<vmem>>
    tpu.enqueue_dma source(%dma_start3A_433 : memref<64x768xf32, #tpu.memory_space<vmem>>) target(%dma_start3A_429 : memref<64x768xf32, #tpu.memory_space<hbm>>) target_semaphore(%arg12 : memref<!tpu.dma_semaphore, #tpu.memory_space<semaphore_mem>>)
    %dma_wait3A_434 = arith.constant 1 : i32
    %dma_wait3A_435 = arith.constant 0 : i32
    %dma_wait3A_436 = arith.constant 0 : i32
    %dma_wait3A_437 = tpu.memref_slice %arg8[%dma_wait3A_434, %dma_wait3A_435, %dma_wait3A_436] : memref<2x64x768xf32, #tpu.memory_space<vmem>> -> memref<1x64x768xf32, #tpu.memory_space<vmem>>
    %dma_wait3A_438 = tpu.memref_squeeze %dma_wait3A_437 : memref<1x64x768xf32, #tpu.memory_space<vmem>> -> memref<64x768xf32, #tpu.memory_space<vmem>>
    %dma_wait3A_439 = arith.constant 0 : i32
    %dma_wait3A_440 = tpu.memref_slice %arg5[%add3A_420, %dma_wait3A_439] : memref<16384x768xf32, #tpu.memory_space<hbm>> -> memref<64x768xf32, #tpu.memory_space<hbm>>
    %dma_wait3A_441 = arith.constant 0 : i32
    %dma_wait3A_442 = tpu.memref_slice %arg5[%add3A_420, %dma_wait3A_441] : memref<16384x768xf32, #tpu.memory_space<hbm>> -> memref<64x768xf32, #tpu.memory_space<hbm>>
    %dma_wait3A_443 = arith.constant 0 : i32
    %dma_wait3A_444 = arith.constant 0 : i32
    %dma_wait3A_445 = tpu.memref_slice %arg8[%dma_wait3A_434, %dma_wait3A_443, %dma_wait3A_444] : memref<2x64x768xf32, #tpu.memory_space<vmem>> -> memref<1x64x768xf32, #tpu.memory_space<vmem>>
    %dma_wait3A_446 = tpu.memref_squeeze %dma_wait3A_445 : memref<1x64x768xf32, #tpu.memory_space<vmem>> -> memref<64x768xf32, #tpu.memory_space<vmem>>
    tpu.wait_dma2 semaphore(%arg12 : memref<!tpu.dma_semaphore, #tpu.memory_space<semaphore_mem>>) src(%dma_wait3A_446 : memref<64x768xf32, #tpu.memory_space<vmem>>) dst(%dma_wait3A_442 : memref<64x768xf32, #tpu.memory_space<hbm>>)
    %dma_start3A_447 = arith.constant 1 : i32
    %dma_start3A_448 = arith.constant 0 : i32
    %dma_start3A_449 = arith.constant 0 : i32
    %dma_start3A_450 = tpu.memref_slice %arg8[%dma_start3A_447, %dma_start3A_448, %dma_start3A_449] : memref<2x64x768xf32, #tpu.memory_space<vmem>> -> memref<1x64x256xf32, #tpu.memory_space<vmem>>
    %dma_start3A_451 = tpu.memref_squeeze %dma_start3A_450 : memref<1x64x256xf32, #tpu.memory_space<vmem>> -> memref<64x256xf32, #tpu.memory_space<vmem>>
    %dma_start3A_452 = arith.constant 192 : i32
    %dma_start3A_453 = tpu.memref_slice %arg6[%dma_start3A_452] : memref<512xi32, #tpu.memory_space<vmem>> -> memref<64xi32, #tpu.memory_space<vmem>>
    %dma_start3A_454 = arith.constant 0 : i32
    %dma_start3A_455 = arith.constant 0 : i32
    %dma_start3A_456 = tpu.memref_slice %arg4[%dma_start3A_454, %dma_start3A_455] : memref<8192x256xf32, #tpu.memory_space<hbm>> -> memref<8192x256xf32, #tpu.memory_space<hbm>>
    tpu.enqueue_indirect_dma source(%dma_start3A_456 : memref<8192x256xf32, #tpu.memory_space<hbm>>) target(%dma_start3A_451 : memref<64x256xf32, #tpu.memory_space<vmem>>) offsets(%dma_start3A_453 : memref<64xi32, #tpu.memory_space<vmem>>) semaphore(%arg10 : memref<!tpu.dma_semaphore, #tpu.memory_space<semaphore_mem>>)
    %dma_start3A_457 = arith.constant 1 : i32
    %dma_start3A_458 = arith.constant 0 : i32
    %dma_start3A_459 = arith.constant 256 : i32
    %dma_start3A_460 = tpu.memref_slice %arg8[%dma_start3A_457, %dma_start3A_458, %dma_start3A_459] : memref<2x64x768xf32, #tpu.memory_space<vmem>> -> memref<1x64x512xf32, #tpu.memory_space<vmem>>
    %dma_start3A_461 = tpu.memref_squeeze %dma_start3A_460 : memref<1x64x512xf32, #tpu.memory_space<vmem>> -> memref<64x512xf32, #tpu.memory_space<vmem>>
    %dma_start3A_462 = arith.constant 192 : i32
    %dma_start3A_463 = tpu.memref_slice %arg7[%dma_start3A_462] : memref<512xi32, #tpu.memory_space<vmem>> -> memref<64xi32, #tpu.memory_space<vmem>>
    %dma_start3A_464 = arith.constant 0 : i32
    %dma_start3A_465 = arith.constant 0 : i32
    %dma_start3A_466 = tpu.memref_slice %arg3[%dma_start3A_464, %dma_start3A_465] : memref<576x512xf32, #tpu.memory_space<hbm>> -> memref<576x512xf32, #tpu.memory_space<hbm>>
    tpu.enqueue_indirect_dma source(%dma_start3A_466 : memref<576x512xf32, #tpu.memory_space<hbm>>) target(%dma_start3A_461 : memref<64x512xf32, #tpu.memory_space<vmem>>) offsets(%dma_start3A_463 : memref<64xi32, #tpu.memory_space<vmem>>) semaphore(%arg10 : memref<!tpu.dma_semaphore, #tpu.memory_space<semaphore_mem>>)
    %dma_wait3A_467 = arith.constant 0 : i32
    %dma_wait3A_468 = arith.constant 0 : i32
    %dma_wait3A_469 = arith.constant 0 : i32
    %dma_wait3A_470 = tpu.memref_slice %arg8[%dma_wait3A_467, %dma_wait3A_468, %dma_wait3A_469] : memref<2x64x768xf32, #tpu.memory_space<vmem>> -> memref<1x64x256xf32, #tpu.memory_space<vmem>>
    %dma_wait3A_471 = tpu.memref_squeeze %dma_wait3A_470 : memref<1x64x256xf32, #tpu.memory_space<vmem>> -> memref<64x256xf32, #tpu.memory_space<vmem>>
    %dma_wait3A_472 = arith.constant 128 : i32
    %dma_wait3A_473 = tpu.memref_slice %arg6[%dma_wait3A_472] : memref<512xi32, #tpu.memory_space<vmem>> -> memref<64xi32, #tpu.memory_space<vmem>>
    %dma_wait3A_474 = arith.constant 0 : i32
    %dma_wait3A_475 = arith.constant 0 : i32
    %dma_wait3A_476 = tpu.memref_slice %arg4[%dma_wait3A_474, %dma_wait3A_475] : memref<8192x256xf32, #tpu.memory_space<hbm>> -> memref<8192x256xf32, #tpu.memory_space<hbm>>
    tpu.wait_indirect_dma semaphore(%arg9 : memref<!tpu.dma_semaphore, #tpu.memory_space<semaphore_mem>>) src(%dma_wait3A_476 : memref<8192x256xf32, #tpu.memory_space<hbm>>) dst(%dma_wait3A_471 : memref<64x256xf32, #tpu.memory_space<vmem>>)
    %dma_wait3A_477 = arith.constant 0 : i32
    %dma_wait3A_478 = arith.constant 0 : i32
    %dma_wait3A_479 = arith.constant 256 : i32
    %dma_wait3A_480 = tpu.memref_slice %arg8[%dma_wait3A_477, %dma_wait3A_478, %dma_wait3A_479] : memref<2x64x768xf32, #tpu.memory_space<vmem>> -> memref<1x64x512xf32, #tpu.memory_space<vmem>>
    %dma_wait3A_481 = tpu.memref_squeeze %dma_wait3A_480 : memref<1x64x512xf32, #tpu.memory_space<vmem>> -> memref<64x512xf32, #tpu.memory_space<vmem>>
    %dma_wait3A_482 = arith.constant 128 : i32
    %dma_wait3A_483 = tpu.memref_slice %arg7[%dma_wait3A_482] : memref<512xi32, #tpu.memory_space<vmem>> -> memref<64xi32, #tpu.memory_space<vmem>>
    %dma_wait3A_484 = arith.constant 0 : i32
    %dma_wait3A_485 = arith.constant 0 : i32
    %dma_wait3A_486 = tpu.memref_slice %arg3[%dma_wait3A_484, %dma_wait3A_485] : memref<576x512xf32, #tpu.memory_space<hbm>> -> memref<576x512xf32, #tpu.memory_space<hbm>>
    tpu.wait_indirect_dma semaphore(%arg9 : memref<!tpu.dma_semaphore, #tpu.memory_space<semaphore_mem>>) src(%dma_wait3A_486 : memref<576x512xf32, #tpu.memory_space<hbm>>) dst(%dma_wait3A_481 : memref<64x512xf32, #tpu.memory_space<vmem>>)
    %add3A_487 = arith.constant 128 : i32
    %add3A_488 = arith.addi %mul3A_2, %add3A_487 : i32
    %dma_start3A_489 = arith.constant 0 : i32
    %dma_start3A_490 = arith.constant 0 : i32
    %dma_start3A_491 = arith.constant 0 : i32
    %dma_start3A_492 = tpu.memref_slice %arg8[%dma_start3A_489, %dma_start3A_490, %dma_start3A_491] : memref<2x64x768xf32, #tpu.memory_space<vmem>> -> memref<1x64x768xf32, #tpu.memory_space<vmem>>
    %dma_start3A_493 = tpu.memref_squeeze %dma_start3A_492 : memref<1x64x768xf32, #tpu.memory_space<vmem>> -> memref<64x768xf32, #tpu.memory_space<vmem>>
    %dma_start3A_494 = arith.constant 0 : i32
    %dma_start3A_495 = tpu.memref_slice %arg5[%add3A_488, %dma_start3A_494] : memref<16384x768xf32, #tpu.memory_space<hbm>> -> memref<64x768xf32, #tpu.memory_space<hbm>>
    %dma_start3A_496 = arith.constant 0 : i32
    %dma_start3A_497 = tpu.memref_slice %arg5[%add3A_488, %dma_start3A_496] : memref<16384x768xf32, #tpu.memory_space<hbm>> -> memref<64x768xf32, #tpu.memory_space<hbm>>
    %dma_start3A_498 = arith.constant 0 : i32
    %dma_start3A_499 = arith.constant 0 : i32
    %dma_start3A_500 = tpu.memref_slice %arg8[%dma_start3A_489, %dma_start3A_498, %dma_start3A_499] : memref<2x64x768xf32, #tpu.memory_space<vmem>> -> memref<1x64x768xf32, #tpu.memory_space<vmem>>
    %dma_start3A_501 = tpu.memref_squeeze %dma_start3A_500 : memref<1x64x768xf32, #tpu.memory_space<vmem>> -> memref<64x768xf32, #tpu.memory_space<vmem>>
    tpu.enqueue_dma source(%dma_start3A_501 : memref<64x768xf32, #tpu.memory_space<vmem>>) target(%dma_start3A_497 : memref<64x768xf32, #tpu.memory_space<hbm>>) target_semaphore(%arg11 : memref<!tpu.dma_semaphore, #tpu.memory_space<semaphore_mem>>)
    %dma_wait3A_502 = arith.constant 0 : i32
    %dma_wait3A_503 = arith.constant 0 : i32
    %dma_wait3A_504 = arith.constant 0 : i32
    %dma_wait3A_505 = tpu.memref_slice %arg8[%dma_wait3A_502, %dma_wait3A_503, %dma_wait3A_504] : memref<2x64x768xf32, #tpu.memory_space<vmem>> -> memref<1x64x768xf32, #tpu.memory_space<vmem>>
    %dma_wait3A_506 = tpu.memref_squeeze %dma_wait3A_505 : memref<1x64x768xf32, #tpu.memory_space<vmem>> -> memref<64x768xf32, #tpu.memory_space<vmem>>
    %dma_wait3A_507 = arith.constant 0 : i32
    %dma_wait3A_508 = tpu.memref_slice %arg5[%add3A_488, %dma_wait3A_507] : memref<16384x768xf32, #tpu.memory_space<hbm>> -> memref<64x768xf32, #tpu.memory_space<hbm>>
    %dma_wait3A_509 = arith.constant 0 : i32
    %dma_wait3A_510 = tpu.memref_slice %arg5[%add3A_488, %dma_wait3A_509] : memref<16384x768xf32, #tpu.memory_space<hbm>> -> memref<64x768xf32, #tpu.memory_space<hbm>>
    %dma_wait3A_511 = arith.constant 0 : i32
    %dma_wait3A_512 = arith.constant 0 : i32
    %dma_wait3A_513 = tpu.memref_slice %arg8[%dma_wait3A_502, %dma_wait3A_511, %dma_wait3A_512] : memref<2x64x768xf32, #tpu.memory_space<vmem>> -> memref<1x64x768xf32, #tpu.memory_space<vmem>>
    %dma_wait3A_514 = tpu.memref_squeeze %dma_wait3A_513 : memref<1x64x768xf32, #tpu.memory_space<vmem>> -> memref<64x768xf32, #tpu.memory_space<vmem>>
    tpu.wait_dma2 semaphore(%arg11 : memref<!tpu.dma_semaphore, #tpu.memory_space<semaphore_mem>>) src(%dma_wait3A_514 : memref<64x768xf32, #tpu.memory_space<vmem>>) dst(%dma_wait3A_510 : memref<64x768xf32, #tpu.memory_space<hbm>>)
    %dma_start3A_515 = arith.constant 0 : i32
    %dma_start3A_516 = arith.constant 0 : i32
    %dma_start3A_517 = arith.constant 0 : i32
    %dma_start3A_518 = tpu.memref_slice %arg8[%dma_start3A_515, %dma_start3A_516, %dma_start3A_517] : memref<2x64x768xf32, #tpu.memory_space<vmem>> -> memref<1x64x256xf32, #tpu.memory_space<vmem>>
    %dma_start3A_519 = tpu.memref_squeeze %dma_start3A_518 : memref<1x64x256xf32, #tpu.memory_space<vmem>> -> memref<64x256xf32, #tpu.memory_space<vmem>>
    %dma_start3A_520 = arith.constant 256 : i32
    %dma_start3A_521 = tpu.memref_slice %arg6[%dma_start3A_520] : memref<512xi32, #tpu.memory_space<vmem>> -> memref<64xi32, #tpu.memory_space<vmem>>
    %dma_start3A_522 = arith.constant 0 : i32
    %dma_start3A_523 = arith.constant 0 : i32
    %dma_start3A_524 = tpu.memref_slice %arg4[%dma_start3A_522, %dma_start3A_523] : memref<8192x256xf32, #tpu.memory_space<hbm>> -> memref<8192x256xf32, #tpu.memory_space<hbm>>
    tpu.enqueue_indirect_dma source(%dma_start3A_524 : memref<8192x256xf32, #tpu.memory_space<hbm>>) target(%dma_start3A_519 : memref<64x256xf32, #tpu.memory_space<vmem>>) offsets(%dma_start3A_521 : memref<64xi32, #tpu.memory_space<vmem>>) semaphore(%arg9 : memref<!tpu.dma_semaphore, #tpu.memory_space<semaphore_mem>>)
    %dma_start3A_525 = arith.constant 0 : i32
    %dma_start3A_526 = arith.constant 0 : i32
    %dma_start3A_527 = arith.constant 256 : i32
    %dma_start3A_528 = tpu.memref_slice %arg8[%dma_start3A_525, %dma_start3A_526, %dma_start3A_527] : memref<2x64x768xf32, #tpu.memory_space<vmem>> -> memref<1x64x512xf32, #tpu.memory_space<vmem>>
    %dma_start3A_529 = tpu.memref_squeeze %dma_start3A_528 : memref<1x64x512xf32, #tpu.memory_space<vmem>> -> memref<64x512xf32, #tpu.memory_space<vmem>>
    %dma_start3A_530 = arith.constant 256 : i32
    %dma_start3A_531 = tpu.memref_slice %arg7[%dma_start3A_530] : memref<512xi32, #tpu.memory_space<vmem>> -> memref<64xi32, #tpu.memory_space<vmem>>
    %dma_start3A_532 = arith.constant 0 : i32
    %dma_start3A_533 = arith.constant 0 : i32
    %dma_start3A_534 = tpu.memref_slice %arg3[%dma_start3A_532, %dma_start3A_533] : memref<576x512xf32, #tpu.memory_space<hbm>> -> memref<576x512xf32, #tpu.memory_space<hbm>>
    tpu.enqueue_indirect_dma source(%dma_start3A_534 : memref<576x512xf32, #tpu.memory_space<hbm>>) target(%dma_start3A_529 : memref<64x512xf32, #tpu.memory_space<vmem>>) offsets(%dma_start3A_531 : memref<64xi32, #tpu.memory_space<vmem>>) semaphore(%arg9 : memref<!tpu.dma_semaphore, #tpu.memory_space<semaphore_mem>>)
    %dma_wait3A_535 = arith.constant 1 : i32
    %dma_wait3A_536 = arith.constant 0 : i32
    %dma_wait3A_537 = arith.constant 0 : i32
    %dma_wait3A_538 = tpu.memref_slice %arg8[%dma_wait3A_535, %dma_wait3A_536, %dma_wait3A_537] : memref<2x64x768xf32, #tpu.memory_space<vmem>> -> memref<1x64x256xf32, #tpu.memory_space<vmem>>
    %dma_wait3A_539 = tpu.memref_squeeze %dma_wait3A_538 : memref<1x64x256xf32, #tpu.memory_space<vmem>> -> memref<64x256xf32, #tpu.memory_space<vmem>>
    %dma_wait3A_540 = arith.constant 192 : i32
    %dma_wait3A_541 = tpu.memref_slice %arg6[%dma_wait3A_540] : memref<512xi32, #tpu.memory_space<vmem>> -> memref<64xi32, #tpu.memory_space<vmem>>
    %dma_wait3A_542 = arith.constant 0 : i32
    %dma_wait3A_543 = arith.constant 0 : i32
    %dma_wait3A_544 = tpu.memref_slice %arg4[%dma_wait3A_542, %dma_wait3A_543] : memref<8192x256xf32, #tpu.memory_space<hbm>> -> memref<8192x256xf32, #tpu.memory_space<hbm>>
    tpu.wait_indirect_dma semaphore(%arg10 : memref<!tpu.dma_semaphore, #tpu.memory_space<semaphore_mem>>) src(%dma_wait3A_544 : memref<8192x256xf32, #tpu.memory_space<hbm>>) dst(%dma_wait3A_539 : memref<64x256xf32, #tpu.memory_space<vmem>>)
    %dma_wait3A_545 = arith.constant 1 : i32
    %dma_wait3A_546 = arith.constant 0 : i32
    %dma_wait3A_547 = arith.constant 256 : i32
    %dma_wait3A_548 = tpu.memref_slice %arg8[%dma_wait3A_545, %dma_wait3A_546, %dma_wait3A_547] : memref<2x64x768xf32, #tpu.memory_space<vmem>> -> memref<1x64x512xf32, #tpu.memory_space<vmem>>
    %dma_wait3A_549 = tpu.memref_squeeze %dma_wait3A_548 : memref<1x64x512xf32, #tpu.memory_space<vmem>> -> memref<64x512xf32, #tpu.memory_space<vmem>>
    %dma_wait3A_550 = arith.constant 192 : i32
    %dma_wait3A_551 = tpu.memref_slice %arg7[%dma_wait3A_550] : memref<512xi32, #tpu.memory_space<vmem>> -> memref<64xi32, #tpu.memory_space<vmem>>
    %dma_wait3A_552 = arith.constant 0 : i32
    %dma_wait3A_553 = arith.constant 0 : i32
    %dma_wait3A_554 = tpu.memref_slice %arg3[%dma_wait3A_552, %dma_wait3A_553] : memref<576x512xf32, #tpu.memory_space<hbm>> -> memref<576x512xf32, #tpu.memory_space<hbm>>
    tpu.wait_indirect_dma semaphore(%arg10 : memref<!tpu.dma_semaphore, #tpu.memory_space<semaphore_mem>>) src(%dma_wait3A_554 : memref<576x512xf32, #tpu.memory_space<hbm>>) dst(%dma_wait3A_549 : memref<64x512xf32, #tpu.memory_space<vmem>>)
    %add3A_555 = arith.constant 192 : i32
    %add3A_556 = arith.addi %mul3A_2, %add3A_555 : i32
    %dma_start3A_557 = arith.constant 1 : i32
    %dma_start3A_558 = arith.constant 0 : i32
    %dma_start3A_559 = arith.constant 0 : i32
    %dma_start3A_560 = tpu.memref_slice %arg8[%dma_start3A_557, %dma_start3A_558, %dma_start3A_559] : memref<2x64x768xf32, #tpu.memory_space<vmem>> -> memref<1x64x768xf32, #tpu.memory_space<vmem>>
    %dma_start3A_561 = tpu.memref_squeeze %dma_start3A_560 : memref<1x64x768xf32, #tpu.memory_space<vmem>> -> memref<64x768xf32, #tpu.memory_space<vmem>>
    %dma_start3A_562 = arith.constant 0 : i32
    %dma_start3A_563 = tpu.memref_slice %arg5[%add3A_556, %dma_start3A_562] : memref<16384x768xf32, #tpu.memory_space<hbm>> -> memref<64x768xf32, #tpu.memory_space<hbm>>
    %dma_start3A_564 = arith.constant 0 : i32
    %dma_start3A_565 = tpu.memref_slice %arg5[%add3A_556, %dma_start3A_564] : memref<16384x768xf32, #tpu.memory_space<hbm>> -> memref<64x768xf32, #tpu.memory_space<hbm>>
    %dma_start3A_566 = arith.constant 0 : i32
    %dma_start3A_567 = arith.constant 0 : i32
    %dma_start3A_568 = tpu.memref_slice %arg8[%dma_start3A_557, %dma_start3A_566, %dma_start3A_567] : memref<2x64x768xf32, #tpu.memory_space<vmem>> -> memref<1x64x768xf32, #tpu.memory_space<vmem>>
    %dma_start3A_569 = tpu.memref_squeeze %dma_start3A_568 : memref<1x64x768xf32, #tpu.memory_space<vmem>> -> memref<64x768xf32, #tpu.memory_space<vmem>>
    tpu.enqueue_dma source(%dma_start3A_569 : memref<64x768xf32, #tpu.memory_space<vmem>>) target(%dma_start3A_565 : memref<64x768xf32, #tpu.memory_space<hbm>>) target_semaphore(%arg12 : memref<!tpu.dma_semaphore, #tpu.memory_space<semaphore_mem>>)
    %dma_wait3A_570 = arith.constant 1 : i32
    %dma_wait3A_571 = arith.constant 0 : i32
    %dma_wait3A_572 = arith.constant 0 : i32
    %dma_wait3A_573 = tpu.memref_slice %arg8[%dma_wait3A_570, %dma_wait3A_571, %dma_wait3A_572] : memref<2x64x768xf32, #tpu.memory_space<vmem>> -> memref<1x64x768xf32, #tpu.memory_space<vmem>>
    %dma_wait3A_574 = tpu.memref_squeeze %dma_wait3A_573 : memref<1x64x768xf32, #tpu.memory_space<vmem>> -> memref<64x768xf32, #tpu.memory_space<vmem>>
    %dma_wait3A_575 = arith.constant 0 : i32
    %dma_wait3A_576 = tpu.memref_slice %arg5[%add3A_556, %dma_wait3A_575] : memref<16384x768xf32, #tpu.memory_space<hbm>> -> memref<64x768xf32, #tpu.memory_space<hbm>>
    %dma_wait3A_577 = arith.constant 0 : i32
    %dma_wait3A_578 = tpu.memref_slice %arg5[%add3A_556, %dma_wait3A_577] : memref<16384x768xf32, #tpu.memory_space<hbm>> -> memref<64x768xf32, #tpu.memory_space<hbm>>
    %dma_wait3A_579 = arith.constant 0 : i32
    %dma_wait3A_580 = arith.constant 0 : i32
    %dma_wait3A_581 = tpu.memref_slice %arg8[%dma_wait3A_570, %dma_wait3A_579, %dma_wait3A_580] : memref<2x64x768xf32, #tpu.memory_space<vmem>> -> memref<1x64x768xf32, #tpu.memory_space<vmem>>
    %dma_wait3A_582 = tpu.memref_squeeze %dma_wait3A_581 : memref<1x64x768xf32, #tpu.memory_space<vmem>> -> memref<64x768xf32, #tpu.memory_space<vmem>>
    tpu.wait_dma2 semaphore(%arg12 : memref<!tpu.dma_semaphore, #tpu.memory_space<semaphore_mem>>) src(%dma_wait3A_582 : memref<64x768xf32, #tpu.memory_space<vmem>>) dst(%dma_wait3A_578 : memref<64x768xf32, #tpu.memory_space<hbm>>)
    %dma_start3A_583 = arith.constant 1 : i32
    %dma_start3A_584 = arith.constant 0 : i32
    %dma_start3A_585 = arith.constant 0 : i32
    %dma_start3A_586 = tpu.memref_slice %arg8[%dma_start3A_583, %dma_start3A_584, %dma_start3A_585] : memref<2x64x768xf32, #tpu.memory_space<vmem>> -> memref<1x64x256xf32, #tpu.memory_space<vmem>>
    %dma_start3A_587 = tpu.memref_squeeze %dma_start3A_586 : memref<1x64x256xf32, #tpu.memory_space<vmem>> -> memref<64x256xf32, #tpu.memory_space<vmem>>
    %dma_start3A_588 = arith.constant 320 : i32
    %dma_start3A_589 = tpu.memref_slice %arg6[%dma_start3A_588] : memref<512xi32, #tpu.memory_space<vmem>> -> memref<64xi32, #tpu.memory_space<vmem>>
    %dma_start3A_590 = arith.constant 0 : i32
    %dma_start3A_591 = arith.constant 0 : i32
    %dma_start3A_592 = tpu.memref_slice %arg4[%dma_start3A_590, %dma_start3A_591] : memref<8192x256xf32, #tpu.memory_space<hbm>> -> memref<8192x256xf32, #tpu.memory_space<hbm>>
    tpu.enqueue_indirect_dma source(%dma_start3A_592 : memref<8192x256xf32, #tpu.memory_space<hbm>>) target(%dma_start3A_587 : memref<64x256xf32, #tpu.memory_space<vmem>>) offsets(%dma_start3A_589 : memref<64xi32, #tpu.memory_space<vmem>>) semaphore(%arg10 : memref<!tpu.dma_semaphore, #tpu.memory_space<semaphore_mem>>)
    %dma_start3A_593 = arith.constant 1 : i32
    %dma_start3A_594 = arith.constant 0 : i32
    %dma_start3A_595 = arith.constant 256 : i32
    %dma_start3A_596 = tpu.memref_slice %arg8[%dma_start3A_593, %dma_start3A_594, %dma_start3A_595] : memref<2x64x768xf32, #tpu.memory_space<vmem>> -> memref<1x64x512xf32, #tpu.memory_space<vmem>>
    %dma_start3A_597 = tpu.memref_squeeze %dma_start3A_596 : memref<1x64x512xf32, #tpu.memory_space<vmem>> -> memref<64x512xf32, #tpu.memory_space<vmem>>
    %dma_start3A_598 = arith.constant 320 : i32
    %dma_start3A_599 = tpu.memref_slice %arg7[%dma_start3A_598] : memref<512xi32, #tpu.memory_space<vmem>> -> memref<64xi32, #tpu.memory_space<vmem>>
    %dma_start3A_600 = arith.constant 0 : i32
    %dma_start3A_601 = arith.constant 0 : i32
    %dma_start3A_602 = tpu.memref_slice %arg3[%dma_start3A_600, %dma_start3A_601] : memref<576x512xf32, #tpu.memory_space<hbm>> -> memref<576x512xf32, #tpu.memory_space<hbm>>
    tpu.enqueue_indirect_dma source(%dma_start3A_602 : memref<576x512xf32, #tpu.memory_space<hbm>>) target(%dma_start3A_597 : memref<64x512xf32, #tpu.memory_space<vmem>>) offsets(%dma_start3A_599 : memref<64xi32, #tpu.memory_space<vmem>>) semaphore(%arg10 : memref<!tpu.dma_semaphore, #tpu.memory_space<semaphore_mem>>)
    %dma_wait3A_603 = arith.constant 0 : i32
    %dma_wait3A_604 = arith.constant 0 : i32
    %dma_wait3A_605 = arith.constant 0 : i32
    %dma_wait3A_606 = tpu.memref_slice %arg8[%dma_wait3A_603, %dma_wait3A_604, %dma_wait3A_605] : memref<2x64x768xf32, #tpu.memory_space<vmem>> -> memref<1x64x256xf32, #tpu.memory_space<vmem>>
    %dma_wait3A_607 = tpu.memref_squeeze %dma_wait3A_606 : memref<1x64x256xf32, #tpu.memory_space<vmem>> -> memref<64x256xf32, #tpu.memory_space<vmem>>
    %dma_wait3A_608 = arith.constant 256 : i32
    %dma_wait3A_609 = tpu.memref_slice %arg6[%dma_wait3A_608] : memref<512xi32, #tpu.memory_space<vmem>> -> memref<64xi32, #tpu.memory_space<vmem>>
    %dma_wait3A_610 = arith.constant 0 : i32
    %dma_wait3A_611 = arith.constant 0 : i32
    %dma_wait3A_612 = tpu.memref_slice %arg4[%dma_wait3A_610, %dma_wait3A_611] : memref<8192x256xf32, #tpu.memory_space<hbm>> -> memref<8192x256xf32, #tpu.memory_space<hbm>>
    tpu.wait_indirect_dma semaphore(%arg9 : memref<!tpu.dma_semaphore, #tpu.memory_space<semaphore_mem>>) src(%dma_wait3A_612 : memref<8192x256xf32, #tpu.memory_space<hbm>>) dst(%dma_wait3A_607 : memref<64x256xf32, #tpu.memory_space<vmem>>)
    %dma_wait3A_613 = arith.constant 0 : i32
    %dma_wait3A_614 = arith.constant 0 : i32
    %dma_wait3A_615 = arith.constant 256 : i32
    %dma_wait3A_616 = tpu.memref_slice %arg8[%dma_wait3A_613, %dma_wait3A_614, %dma_wait3A_615] : memref<2x64x768xf32, #tpu.memory_space<vmem>> -> memref<1x64x512xf32, #tpu.memory_space<vmem>>
    %dma_wait3A_617 = tpu.memref_squeeze %dma_wait3A_616 : memref<1x64x512xf32, #tpu.memory_space<vmem>> -> memref<64x512xf32, #tpu.memory_space<vmem>>
    %dma_wait3A_618 = arith.constant 256 : i32
    %dma_wait3A_619 = tpu.memref_slice %arg7[%dma_wait3A_618] : memref<512xi32, #tpu.memory_space<vmem>> -> memref<64xi32, #tpu.memory_space<vmem>>
    %dma_wait3A_620 = arith.constant 0 : i32
    %dma_wait3A_621 = arith.constant 0 : i32
    %dma_wait3A_622 = tpu.memref_slice %arg3[%dma_wait3A_620, %dma_wait3A_621] : memref<576x512xf32, #tpu.memory_space<hbm>> -> memref<576x512xf32, #tpu.memory_space<hbm>>
    tpu.wait_indirect_dma semaphore(%arg9 : memref<!tpu.dma_semaphore, #tpu.memory_space<semaphore_mem>>) src(%dma_wait3A_622 : memref<576x512xf32, #tpu.memory_space<hbm>>) dst(%dma_wait3A_617 : memref<64x512xf32, #tpu.memory_space<vmem>>)
    %add3A_623 = arith.constant 256 : i32
    %add3A_624 = arith.addi %mul3A_2, %add3A_623 : i32
    %dma_start3A_625 = arith.constant 0 : i32
    %dma_start3A_626 = arith.constant 0 : i32
    %dma_start3A_627 = arith.constant 0 : i32
    %dma_start3A_628 = tpu.memref_slice %arg8[%dma_start3A_625, %dma_start3A_626, %dma_start3A_627] : memref<2x64x768xf32, #tpu.memory_space<vmem>> -> memref<1x64x768xf32, #tpu.memory_space<vmem>>
    %dma_start3A_629 = tpu.memref_squeeze %dma_start3A_628 : memref<1x64x768xf32, #tpu.memory_space<vmem>> -> memref<64x768xf32, #tpu.memory_space<vmem>>
    %dma_start3A_630 = arith.constant 0 : i32
    %dma_start3A_631 = tpu.memref_slice %arg5[%add3A_624, %dma_start3A_630] : memref<16384x768xf32, #tpu.memory_space<hbm>> -> memref<64x768xf32, #tpu.memory_space<hbm>>
    %dma_start3A_632 = arith.constant 0 : i32
    %dma_start3A_633 = tpu.memref_slice %arg5[%add3A_624, %dma_start3A_632] : memref<16384x768xf32, #tpu.memory_space<hbm>> -> memref<64x768xf32, #tpu.memory_space<hbm>>
    %dma_start3A_634 = arith.constant 0 : i32
    %dma_start3A_635 = arith.constant 0 : i32
    %dma_start3A_636 = tpu.memref_slice %arg8[%dma_start3A_625, %dma_start3A_634, %dma_start3A_635] : memref<2x64x768xf32, #tpu.memory_space<vmem>> -> memref<1x64x768xf32, #tpu.memory_space<vmem>>
    %dma_start3A_637 = tpu.memref_squeeze %dma_start3A_636 : memref<1x64x768xf32, #tpu.memory_space<vmem>> -> memref<64x768xf32, #tpu.memory_space<vmem>>
    tpu.enqueue_dma source(%dma_start3A_637 : memref<64x768xf32, #tpu.memory_space<vmem>>) target(%dma_start3A_633 : memref<64x768xf32, #tpu.memory_space<hbm>>) target_semaphore(%arg11 : memref<!tpu.dma_semaphore, #tpu.memory_space<semaphore_mem>>)
    %dma_wait3A_638 = arith.constant 0 : i32
    %dma_wait3A_639 = arith.constant 0 : i32
    %dma_wait3A_640 = arith.constant 0 : i32
    %dma_wait3A_641 = tpu.memref_slice %arg8[%dma_wait3A_638, %dma_wait3A_639, %dma_wait3A_640] : memref<2x64x768xf32, #tpu.memory_space<vmem>> -> memref<1x64x768xf32, #tpu.memory_space<vmem>>
    %dma_wait3A_642 = tpu.memref_squeeze %dma_wait3A_641 : memref<1x64x768xf32, #tpu.memory_space<vmem>> -> memref<64x768xf32, #tpu.memory_space<vmem>>
    %dma_wait3A_643 = arith.constant 0 : i32
    %dma_wait3A_644 = tpu.memref_slice %arg5[%add3A_624, %dma_wait3A_643] : memref<16384x768xf32, #tpu.memory_space<hbm>> -> memref<64x768xf32, #tpu.memory_space<hbm>>
    %dma_wait3A_645 = arith.constant 0 : i32
    %dma_wait3A_646 = tpu.memref_slice %arg5[%add3A_624, %dma_wait3A_645] : memref<16384x768xf32, #tpu.memory_space<hbm>> -> memref<64x768xf32, #tpu.memory_space<hbm>>
    %dma_wait3A_647 = arith.constant 0 : i32
    %dma_wait3A_648 = arith.constant 0 : i32
    %dma_wait3A_649 = tpu.memref_slice %arg8[%dma_wait3A_638, %dma_wait3A_647, %dma_wait3A_648] : memref<2x64x768xf32, #tpu.memory_space<vmem>> -> memref<1x64x768xf32, #tpu.memory_space<vmem>>
    %dma_wait3A_650 = tpu.memref_squeeze %dma_wait3A_649 : memref<1x64x768xf32, #tpu.memory_space<vmem>> -> memref<64x768xf32, #tpu.memory_space<vmem>>
    tpu.wait_dma2 semaphore(%arg11 : memref<!tpu.dma_semaphore, #tpu.memory_space<semaphore_mem>>) src(%dma_wait3A_650 : memref<64x768xf32, #tpu.memory_space<vmem>>) dst(%dma_wait3A_646 : memref<64x768xf32, #tpu.memory_space<hbm>>)
    %dma_start3A_651 = arith.constant 0 : i32
    %dma_start3A_652 = arith.constant 0 : i32
    %dma_start3A_653 = arith.constant 0 : i32
    %dma_start3A_654 = tpu.memref_slice %arg8[%dma_start3A_651, %dma_start3A_652, %dma_start3A_653] : memref<2x64x768xf32, #tpu.memory_space<vmem>> -> memref<1x64x256xf32, #tpu.memory_space<vmem>>
    %dma_start3A_655 = tpu.memref_squeeze %dma_start3A_654 : memref<1x64x256xf32, #tpu.memory_space<vmem>> -> memref<64x256xf32, #tpu.memory_space<vmem>>
    %dma_start3A_656 = arith.constant 384 : i32
    %dma_start3A_657 = tpu.memref_slice %arg6[%dma_start3A_656] : memref<512xi32, #tpu.memory_space<vmem>> -> memref<64xi32, #tpu.memory_space<vmem>>
    %dma_start3A_658 = arith.constant 0 : i32
    %dma_start3A_659 = arith.constant 0 : i32
    %dma_start3A_660 = tpu.memref_slice %arg4[%dma_start3A_658, %dma_start3A_659] : memref<8192x256xf32, #tpu.memory_space<hbm>> -> memref<8192x256xf32, #tpu.memory_space<hbm>>
    tpu.enqueue_indirect_dma source(%dma_start3A_660 : memref<8192x256xf32, #tpu.memory_space<hbm>>) target(%dma_start3A_655 : memref<64x256xf32, #tpu.memory_space<vmem>>) offsets(%dma_start3A_657 : memref<64xi32, #tpu.memory_space<vmem>>) semaphore(%arg9 : memref<!tpu.dma_semaphore, #tpu.memory_space<semaphore_mem>>)
    %dma_start3A_661 = arith.constant 0 : i32
    %dma_start3A_662 = arith.constant 0 : i32
    %dma_start3A_663 = arith.constant 256 : i32
    %dma_start3A_664 = tpu.memref_slice %arg8[%dma_start3A_661, %dma_start3A_662, %dma_start3A_663] : memref<2x64x768xf32, #tpu.memory_space<vmem>> -> memref<1x64x512xf32, #tpu.memory_space<vmem>>
    %dma_start3A_665 = tpu.memref_squeeze %dma_start3A_664 : memref<1x64x512xf32, #tpu.memory_space<vmem>> -> memref<64x512xf32, #tpu.memory_space<vmem>>
    %dma_start3A_666 = arith.constant 384 : i32
    %dma_start3A_667 = tpu.memref_slice %arg7[%dma_start3A_666] : memref<512xi32, #tpu.memory_space<vmem>> -> memref<64xi32, #tpu.memory_space<vmem>>
    %dma_start3A_668 = arith.constant 0 : i32
    %dma_start3A_669 = arith.constant 0 : i32
    %dma_start3A_670 = tpu.memref_slice %arg3[%dma_start3A_668, %dma_start3A_669] : memref<576x512xf32, #tpu.memory_space<hbm>> -> memref<576x512xf32, #tpu.memory_space<hbm>>
    tpu.enqueue_indirect_dma source(%dma_start3A_670 : memref<576x512xf32, #tpu.memory_space<hbm>>) target(%dma_start3A_665 : memref<64x512xf32, #tpu.memory_space<vmem>>) offsets(%dma_start3A_667 : memref<64xi32, #tpu.memory_space<vmem>>) semaphore(%arg9 : memref<!tpu.dma_semaphore, #tpu.memory_space<semaphore_mem>>)
    %dma_wait3A_671 = arith.constant 1 : i32
    %dma_wait3A_672 = arith.constant 0 : i32
    %dma_wait3A_673 = arith.constant 0 : i32
    %dma_wait3A_674 = tpu.memref_slice %arg8[%dma_wait3A_671, %dma_wait3A_672, %dma_wait3A_673] : memref<2x64x768xf32, #tpu.memory_space<vmem>> -> memref<1x64x256xf32, #tpu.memory_space<vmem>>
    %dma_wait3A_675 = tpu.memref_squeeze %dma_wait3A_674 : memref<1x64x256xf32, #tpu.memory_space<vmem>> -> memref<64x256xf32, #tpu.memory_space<vmem>>
    %dma_wait3A_676 = arith.constant 320 : i32
    %dma_wait3A_677 = tpu.memref_slice %arg6[%dma_wait3A_676] : memref<512xi32, #tpu.memory_space<vmem>> -> memref<64xi32, #tpu.memory_space<vmem>>
    %dma_wait3A_678 = arith.constant 0 : i32
    %dma_wait3A_679 = arith.constant 0 : i32
    %dma_wait3A_680 = tpu.memref_slice %arg4[%dma_wait3A_678, %dma_wait3A_679] : memref<8192x256xf32, #tpu.memory_space<hbm>> -> memref<8192x256xf32, #tpu.memory_space<hbm>>
    tpu.wait_indirect_dma semaphore(%arg10 : memref<!tpu.dma_semaphore, #tpu.memory_space<semaphore_mem>>) src(%dma_wait3A_680 : memref<8192x256xf32, #tpu.memory_space<hbm>>) dst(%dma_wait3A_675 : memref<64x256xf32, #tpu.memory_space<vmem>>)
    %dma_wait3A_681 = arith.constant 1 : i32
    %dma_wait3A_682 = arith.constant 0 : i32
    %dma_wait3A_683 = arith.constant 256 : i32
    %dma_wait3A_684 = tpu.memref_slice %arg8[%dma_wait3A_681, %dma_wait3A_682, %dma_wait3A_683] : memref<2x64x768xf32, #tpu.memory_space<vmem>> -> memref<1x64x512xf32, #tpu.memory_space<vmem>>
    %dma_wait3A_685 = tpu.memref_squeeze %dma_wait3A_684 : memref<1x64x512xf32, #tpu.memory_space<vmem>> -> memref<64x512xf32, #tpu.memory_space<vmem>>
    %dma_wait3A_686 = arith.constant 320 : i32
    %dma_wait3A_687 = tpu.memref_slice %arg7[%dma_wait3A_686] : memref<512xi32, #tpu.memory_space<vmem>> -> memref<64xi32, #tpu.memory_space<vmem>>
    %dma_wait3A_688 = arith.constant 0 : i32
    %dma_wait3A_689 = arith.constant 0 : i32
    %dma_wait3A_690 = tpu.memref_slice %arg3[%dma_wait3A_688, %dma_wait3A_689] : memref<576x512xf32, #tpu.memory_space<hbm>> -> memref<576x512xf32, #tpu.memory_space<hbm>>
    tpu.wait_indirect_dma semaphore(%arg10 : memref<!tpu.dma_semaphore, #tpu.memory_space<semaphore_mem>>) src(%dma_wait3A_690 : memref<576x512xf32, #tpu.memory_space<hbm>>) dst(%dma_wait3A_685 : memref<64x512xf32, #tpu.memory_space<vmem>>)
    %add3A_691 = arith.constant 320 : i32
    %add3A_692 = arith.addi %mul3A_2, %add3A_691 : i32
    %dma_start3A_693 = arith.constant 1 : i32
    %dma_start3A_694 = arith.constant 0 : i32
    %dma_start3A_695 = arith.constant 0 : i32
    %dma_start3A_696 = tpu.memref_slice %arg8[%dma_start3A_693, %dma_start3A_694, %dma_start3A_695] : memref<2x64x768xf32, #tpu.memory_space<vmem>> -> memref<1x64x768xf32, #tpu.memory_space<vmem>>
    %dma_start3A_697 = tpu.memref_squeeze %dma_start3A_696 : memref<1x64x768xf32, #tpu.memory_space<vmem>> -> memref<64x768xf32, #tpu.memory_space<vmem>>
    %dma_start3A_698 = arith.constant 0 : i32
    %dma_start3A_699 = tpu.memref_slice %arg5[%add3A_692, %dma_start3A_698] : memref<16384x768xf32, #tpu.memory_space<hbm>> -> memref<64x768xf32, #tpu.memory_space<hbm>>
    %dma_start3A_700 = arith.constant 0 : i32
    %dma_start3A_701 = tpu.memref_slice %arg5[%add3A_692, %dma_start3A_700] : memref<16384x768xf32, #tpu.memory_space<hbm>> -> memref<64x768xf32, #tpu.memory_space<hbm>>
    %dma_start3A_702 = arith.constant 0 : i32
    %dma_start3A_703 = arith.constant 0 : i32
    %dma_start3A_704 = tpu.memref_slice %arg8[%dma_start3A_693, %dma_start3A_702, %dma_start3A_703] : memref<2x64x768xf32, #tpu.memory_space<vmem>> -> memref<1x64x768xf32, #tpu.memory_space<vmem>>
    %dma_start3A_705 = tpu.memref_squeeze %dma_start3A_704 : memref<1x64x768xf32, #tpu.memory_space<vmem>> -> memref<64x768xf32, #tpu.memory_space<vmem>>
    tpu.enqueue_dma source(%dma_start3A_705 : memref<64x768xf32, #tpu.memory_space<vmem>>) target(%dma_start3A_701 : memref<64x768xf32, #tpu.memory_space<hbm>>) target_semaphore(%arg12 : memref<!tpu.dma_semaphore, #tpu.memory_space<semaphore_mem>>)
    %dma_wait3A_706 = arith.constant 1 : i32
    %dma_wait3A_707 = arith.constant 0 : i32
    %dma_wait3A_708 = arith.constant 0 : i32
    %dma_wait3A_709 = tpu.memref_slice %arg8[%dma_wait3A_706, %dma_wait3A_707, %dma_wait3A_708] : memref<2x64x768xf32, #tpu.memory_space<vmem>> -> memref<1x64x768xf32, #tpu.memory_space<vmem>>
    %dma_wait3A_710 = tpu.memref_squeeze %dma_wait3A_709 : memref<1x64x768xf32, #tpu.memory_space<vmem>> -> memref<64x768xf32, #tpu.memory_space<vmem>>
    %dma_wait3A_711 = arith.constant 0 : i32
    %dma_wait3A_712 = tpu.memref_slice %arg5[%add3A_692, %dma_wait3A_711] : memref<16384x768xf32, #tpu.memory_space<hbm>> -> memref<64x768xf32, #tpu.memory_space<hbm>>
    %dma_wait3A_713 = arith.constant 0 : i32
    %dma_wait3A_714 = tpu.memref_slice %arg5[%add3A_692, %dma_wait3A_713] : memref<16384x768xf32, #tpu.memory_space<hbm>> -> memref<64x768xf32, #tpu.memory_space<hbm>>
    %dma_wait3A_715 = arith.constant 0 : i32
    %dma_wait3A_716 = arith.constant 0 : i32
    %dma_wait3A_717 = tpu.memref_slice %arg8[%dma_wait3A_706, %dma_wait3A_715, %dma_wait3A_716] : memref<2x64x768xf32, #tpu.memory_space<vmem>> -> memref<1x64x768xf32, #tpu.memory_space<vmem>>
    %dma_wait3A_718 = tpu.memref_squeeze %dma_wait3A_717 : memref<1x64x768xf32, #tpu.memory_space<vmem>> -> memref<64x768xf32, #tpu.memory_space<vmem>>
    tpu.wait_dma2 semaphore(%arg12 : memref<!tpu.dma_semaphore, #tpu.memory_space<semaphore_mem>>) src(%dma_wait3A_718 : memref<64x768xf32, #tpu.memory_space<vmem>>) dst(%dma_wait3A_714 : memref<64x768xf32, #tpu.memory_space<hbm>>)
    %dma_start3A_719 = arith.constant 1 : i32
    %dma_start3A_720 = arith.constant 0 : i32
    %dma_start3A_721 = arith.constant 0 : i32
    %dma_start3A_722 = tpu.memref_slice %arg8[%dma_start3A_719, %dma_start3A_720, %dma_start3A_721] : memref<2x64x768xf32, #tpu.memory_space<vmem>> -> memref<1x64x256xf32, #tpu.memory_space<vmem>>
    %dma_start3A_723 = tpu.memref_squeeze %dma_start3A_722 : memref<1x64x256xf32, #tpu.memory_space<vmem>> -> memref<64x256xf32, #tpu.memory_space<vmem>>
    %dma_start3A_724 = arith.constant 448 : i32
    %dma_start3A_725 = tpu.memref_slice %arg6[%dma_start3A_724] : memref<512xi32, #tpu.memory_space<vmem>> -> memref<64xi32, #tpu.memory_space<vmem>>
    %dma_start3A_726 = arith.constant 0 : i32
    %dma_start3A_727 = arith.constant 0 : i32
    %dma_start3A_728 = tpu.memref_slice %arg4[%dma_start3A_726, %dma_start3A_727] : memref<8192x256xf32, #tpu.memory_space<hbm>> -> memref<8192x256xf32, #tpu.memory_space<hbm>>
    tpu.enqueue_indirect_dma source(%dma_start3A_728 : memref<8192x256xf32, #tpu.memory_space<hbm>>) target(%dma_start3A_723 : memref<64x256xf32, #tpu.memory_space<vmem>>) offsets(%dma_start3A_725 : memref<64xi32, #tpu.memory_space<vmem>>) semaphore(%arg10 : memref<!tpu.dma_semaphore, #tpu.memory_space<semaphore_mem>>)
    %dma_start3A_729 = arith.constant 1 : i32
    %dma_start3A_730 = arith.constant 0 : i32
    %dma_start3A_731 = arith.constant 256 : i32
    %dma_start3A_732 = tpu.memref_slice %arg8[%dma_start3A_729, %dma_start3A_730, %dma_start3A_731] : memref<2x64x768xf32, #tpu.memory_space<vmem>> -> memref<1x64x512xf32, #tpu.memory_space<vmem>>
    %dma_start3A_733 = tpu.memref_squeeze %dma_start3A_732 : memref<1x64x512xf32, #tpu.memory_space<vmem>> -> memref<64x512xf32, #tpu.memory_space<vmem>>
    %dma_start3A_734 = arith.constant 448 : i32
    %dma_start3A_735 = tpu.memref_slice %arg7[%dma_start3A_734] : memref<512xi32, #tpu.memory_space<vmem>> -> memref<64xi32, #tpu.memory_space<vmem>>
    %dma_start3A_736 = arith.constant 0 : i32
    %dma_start3A_737 = arith.constant 0 : i32
    %dma_start3A_738 = tpu.memref_slice %arg3[%dma_start3A_736, %dma_start3A_737] : memref<576x512xf32, #tpu.memory_space<hbm>> -> memref<576x512xf32, #tpu.memory_space<hbm>>
    tpu.enqueue_indirect_dma source(%dma_start3A_738 : memref<576x512xf32, #tpu.memory_space<hbm>>) target(%dma_start3A_733 : memref<64x512xf32, #tpu.memory_space<vmem>>) offsets(%dma_start3A_735 : memref<64xi32, #tpu.memory_space<vmem>>) semaphore(%arg10 : memref<!tpu.dma_semaphore, #tpu.memory_space<semaphore_mem>>)
    %dma_wait3A_739 = arith.constant 0 : i32
    %dma_wait3A_740 = arith.constant 0 : i32
    %dma_wait3A_741 = arith.constant 0 : i32
    %dma_wait3A_742 = tpu.memref_slice %arg8[%dma_wait3A_739, %dma_wait3A_740, %dma_wait3A_741] : memref<2x64x768xf32, #tpu.memory_space<vmem>> -> memref<1x64x256xf32, #tpu.memory_space<vmem>>
    %dma_wait3A_743 = tpu.memref_squeeze %dma_wait3A_742 : memref<1x64x256xf32, #tpu.memory_space<vmem>> -> memref<64x256xf32, #tpu.memory_space<vmem>>
    %dma_wait3A_744 = arith.constant 384 : i32
    %dma_wait3A_745 = tpu.memref_slice %arg6[%dma_wait3A_744] : memref<512xi32, #tpu.memory_space<vmem>> -> memref<64xi32, #tpu.memory_space<vmem>>
    %dma_wait3A_746 = arith.constant 0 : i32
    %dma_wait3A_747 = arith.constant 0 : i32
    %dma_wait3A_748 = tpu.memref_slice %arg4[%dma_wait3A_746, %dma_wait3A_747] : memref<8192x256xf32, #tpu.memory_space<hbm>> -> memref<8192x256xf32, #tpu.memory_space<hbm>>
    tpu.wait_indirect_dma semaphore(%arg9 : memref<!tpu.dma_semaphore, #tpu.memory_space<semaphore_mem>>) src(%dma_wait3A_748 : memref<8192x256xf32, #tpu.memory_space<hbm>>) dst(%dma_wait3A_743 : memref<64x256xf32, #tpu.memory_space<vmem>>)
    %dma_wait3A_749 = arith.constant 0 : i32
    %dma_wait3A_750 = arith.constant 0 : i32
    %dma_wait3A_751 = arith.constant 256 : i32
    %dma_wait3A_752 = tpu.memref_slice %arg8[%dma_wait3A_749, %dma_wait3A_750, %dma_wait3A_751] : memref<2x64x768xf32, #tpu.memory_space<vmem>> -> memref<1x64x512xf32, #tpu.memory_space<vmem>>
    %dma_wait3A_753 = tpu.memref_squeeze %dma_wait3A_752 : memref<1x64x512xf32, #tpu.memory_space<vmem>> -> memref<64x512xf32, #tpu.memory_space<vmem>>
    %dma_wait3A_754 = arith.constant 384 : i32
    %dma_wait3A_755 = tpu.memref_slice %arg7[%dma_wait3A_754] : memref<512xi32, #tpu.memory_space<vmem>> -> memref<64xi32, #tpu.memory_space<vmem>>
    %dma_wait3A_756 = arith.constant 0 : i32
    %dma_wait3A_757 = arith.constant 0 : i32
    %dma_wait3A_758 = tpu.memref_slice %arg3[%dma_wait3A_756, %dma_wait3A_757] : memref<576x512xf32, #tpu.memory_space<hbm>> -> memref<576x512xf32, #tpu.memory_space<hbm>>
    tpu.wait_indirect_dma semaphore(%arg9 : memref<!tpu.dma_semaphore, #tpu.memory_space<semaphore_mem>>) src(%dma_wait3A_758 : memref<576x512xf32, #tpu.memory_space<hbm>>) dst(%dma_wait3A_753 : memref<64x512xf32, #tpu.memory_space<vmem>>)
    %add3A_759 = arith.constant 384 : i32
    %add3A_760 = arith.addi %mul3A_2, %add3A_759 : i32
    %dma_start3A_761 = arith.constant 0 : i32
    %dma_start3A_762 = arith.constant 0 : i32
    %dma_start3A_763 = arith.constant 0 : i32
    %dma_start3A_764 = tpu.memref_slice %arg8[%dma_start3A_761, %dma_start3A_762, %dma_start3A_763] : memref<2x64x768xf32, #tpu.memory_space<vmem>> -> memref<1x64x768xf32, #tpu.memory_space<vmem>>
    %dma_start3A_765 = tpu.memref_squeeze %dma_start3A_764 : memref<1x64x768xf32, #tpu.memory_space<vmem>> -> memref<64x768xf32, #tpu.memory_space<vmem>>
    %dma_start3A_766 = arith.constant 0 : i32
    %dma_start3A_767 = tpu.memref_slice %arg5[%add3A_760, %dma_start3A_766] : memref<16384x768xf32, #tpu.memory_space<hbm>> -> memref<64x768xf32, #tpu.memory_space<hbm>>
    %dma_start3A_768 = arith.constant 0 : i32
    %dma_start3A_769 = tpu.memref_slice %arg5[%add3A_760, %dma_start3A_768] : memref<16384x768xf32, #tpu.memory_space<hbm>> -> memref<64x768xf32, #tpu.memory_space<hbm>>
    %dma_start3A_770 = arith.constant 0 : i32
    %dma_start3A_771 = arith.constant 0 : i32
    %dma_start3A_772 = tpu.memref_slice %arg8[%dma_start3A_761, %dma_start3A_770, %dma_start3A_771] : memref<2x64x768xf32, #tpu.memory_space<vmem>> -> memref<1x64x768xf32, #tpu.memory_space<vmem>>
    %dma_start3A_773 = tpu.memref_squeeze %dma_start3A_772 : memref<1x64x768xf32, #tpu.memory_space<vmem>> -> memref<64x768xf32, #tpu.memory_space<vmem>>
    tpu.enqueue_dma source(%dma_start3A_773 : memref<64x768xf32, #tpu.memory_space<vmem>>) target(%dma_start3A_769 : memref<64x768xf32, #tpu.memory_space<hbm>>) target_semaphore(%arg11 : memref<!tpu.dma_semaphore, #tpu.memory_space<semaphore_mem>>)
    %dma_wait3A_774 = arith.constant 1 : i32
    %dma_wait3A_775 = arith.constant 0 : i32
    %dma_wait3A_776 = arith.constant 0 : i32
    %dma_wait3A_777 = tpu.memref_slice %arg8[%dma_wait3A_774, %dma_wait3A_775, %dma_wait3A_776] : memref<2x64x768xf32, #tpu.memory_space<vmem>> -> memref<1x64x256xf32, #tpu.memory_space<vmem>>
    %dma_wait3A_778 = tpu.memref_squeeze %dma_wait3A_777 : memref<1x64x256xf32, #tpu.memory_space<vmem>> -> memref<64x256xf32, #tpu.memory_space<vmem>>
    %dma_wait3A_779 = arith.constant 448 : i32
    %dma_wait3A_780 = tpu.memref_slice %arg6[%dma_wait3A_779] : memref<512xi32, #tpu.memory_space<vmem>> -> memref<64xi32, #tpu.memory_space<vmem>>
    %dma_wait3A_781 = arith.constant 0 : i32
    %dma_wait3A_782 = arith.constant 0 : i32
    %dma_wait3A_783 = tpu.memref_slice %arg4[%dma_wait3A_781, %dma_wait3A_782] : memref<8192x256xf32, #tpu.memory_space<hbm>> -> memref<8192x256xf32, #tpu.memory_space<hbm>>
    tpu.wait_indirect_dma semaphore(%arg10 : memref<!tpu.dma_semaphore, #tpu.memory_space<semaphore_mem>>) src(%dma_wait3A_783 : memref<8192x256xf32, #tpu.memory_space<hbm>>) dst(%dma_wait3A_778 : memref<64x256xf32, #tpu.memory_space<vmem>>)
    %dma_wait3A_784 = arith.constant 1 : i32
    %dma_wait3A_785 = arith.constant 0 : i32
    %dma_wait3A_786 = arith.constant 256 : i32
    %dma_wait3A_787 = tpu.memref_slice %arg8[%dma_wait3A_784, %dma_wait3A_785, %dma_wait3A_786] : memref<2x64x768xf32, #tpu.memory_space<vmem>> -> memref<1x64x512xf32, #tpu.memory_space<vmem>>
    %dma_wait3A_788 = tpu.memref_squeeze %dma_wait3A_787 : memref<1x64x512xf32, #tpu.memory_space<vmem>> -> memref<64x512xf32, #tpu.memory_space<vmem>>
    %dma_wait3A_789 = arith.constant 448 : i32
    %dma_wait3A_790 = tpu.memref_slice %arg7[%dma_wait3A_789] : memref<512xi32, #tpu.memory_space<vmem>> -> memref<64xi32, #tpu.memory_space<vmem>>
    %dma_wait3A_791 = arith.constant 0 : i32
    %dma_wait3A_792 = arith.constant 0 : i32
    %dma_wait3A_793 = tpu.memref_slice %arg3[%dma_wait3A_791, %dma_wait3A_792] : memref<576x512xf32, #tpu.memory_space<hbm>> -> memref<576x512xf32, #tpu.memory_space<hbm>>
    tpu.wait_indirect_dma semaphore(%arg10 : memref<!tpu.dma_semaphore, #tpu.memory_space<semaphore_mem>>) src(%dma_wait3A_793 : memref<576x512xf32, #tpu.memory_space<hbm>>) dst(%dma_wait3A_788 : memref<64x512xf32, #tpu.memory_space<vmem>>)
    %add3A_794 = arith.constant 448 : i32
    %add3A_795 = arith.addi %mul3A_2, %add3A_794 : i32
    %dma_start3A_796 = arith.constant 1 : i32
    %dma_start3A_797 = arith.constant 0 : i32
    %dma_start3A_798 = arith.constant 0 : i32
    %dma_start3A_799 = tpu.memref_slice %arg8[%dma_start3A_796, %dma_start3A_797, %dma_start3A_798] : memref<2x64x768xf32, #tpu.memory_space<vmem>> -> memref<1x64x768xf32, #tpu.memory_space<vmem>>
    %dma_start3A_800 = tpu.memref_squeeze %dma_start3A_799 : memref<1x64x768xf32, #tpu.memory_space<vmem>> -> memref<64x768xf32, #tpu.memory_space<vmem>>
    %dma_start3A_801 = arith.constant 0 : i32
    %dma_start3A_802 = tpu.memref_slice %arg5[%add3A_795, %dma_start3A_801] : memref<16384x768xf32, #tpu.memory_space<hbm>> -> memref<64x768xf32, #tpu.memory_space<hbm>>
    %dma_start3A_803 = arith.constant 0 : i32
    %dma_start3A_804 = tpu.memref_slice %arg5[%add3A_795, %dma_start3A_803] : memref<16384x768xf32, #tpu.memory_space<hbm>> -> memref<64x768xf32, #tpu.memory_space<hbm>>
    %dma_start3A_805 = arith.constant 0 : i32
    %dma_start3A_806 = arith.constant 0 : i32
    %dma_start3A_807 = tpu.memref_slice %arg8[%dma_start3A_796, %dma_start3A_805, %dma_start3A_806] : memref<2x64x768xf32, #tpu.memory_space<vmem>> -> memref<1x64x768xf32, #tpu.memory_space<vmem>>
    %dma_start3A_808 = tpu.memref_squeeze %dma_start3A_807 : memref<1x64x768xf32, #tpu.memory_space<vmem>> -> memref<64x768xf32, #tpu.memory_space<vmem>>
    tpu.enqueue_dma source(%dma_start3A_808 : memref<64x768xf32, #tpu.memory_space<vmem>>) target(%dma_start3A_804 : memref<64x768xf32, #tpu.memory_space<hbm>>) target_semaphore(%arg12 : memref<!tpu.dma_semaphore, #tpu.memory_space<semaphore_mem>>)
    %dma_wait3A_809 = arith.constant 0 : i32
    %dma_wait3A_810 = arith.constant 0 : i32
    %dma_wait3A_811 = arith.constant 0 : i32
    %dma_wait3A_812 = tpu.memref_slice %arg8[%dma_wait3A_809, %dma_wait3A_810, %dma_wait3A_811] : memref<2x64x768xf32, #tpu.memory_space<vmem>> -> memref<1x64x768xf32, #tpu.memory_space<vmem>>
    %dma_wait3A_813 = tpu.memref_squeeze %dma_wait3A_812 : memref<1x64x768xf32, #tpu.memory_space<vmem>> -> memref<64x768xf32, #tpu.memory_space<vmem>>
    %dma_wait3A_814 = arith.constant 0 : i32
    %dma_wait3A_815 = tpu.memref_slice %arg5[%add3A_760, %dma_wait3A_814] : memref<16384x768xf32, #tpu.memory_space<hbm>> -> memref<64x768xf32, #tpu.memory_space<hbm>>
    %dma_wait3A_816 = arith.constant 0 : i32
    %dma_wait3A_817 = tpu.memref_slice %arg5[%add3A_760, %dma_wait3A_816] : memref<16384x768xf32, #tpu.memory_space<hbm>> -> memref<64x768xf32, #tpu.memory_space<hbm>>
    %dma_wait3A_818 = arith.constant 0 : i32
    %dma_wait3A_819 = arith.constant 0 : i32
    %dma_wait3A_820 = tpu.memref_slice %arg8[%dma_wait3A_809, %dma_wait3A_818, %dma_wait3A_819] : memref<2x64x768xf32, #tpu.memory_space<vmem>> -> memref<1x64x768xf32, #tpu.memory_space<vmem>>
    %dma_wait3A_821 = tpu.memref_squeeze %dma_wait3A_820 : memref<1x64x768xf32, #tpu.memory_space<vmem>> -> memref<64x768xf32, #tpu.memory_space<vmem>>
    tpu.wait_dma2 semaphore(%arg11 : memref<!tpu.dma_semaphore, #tpu.memory_space<semaphore_mem>>) src(%dma_wait3A_821 : memref<64x768xf32, #tpu.memory_space<vmem>>) dst(%dma_wait3A_817 : memref<64x768xf32, #tpu.memory_space<hbm>>)
    %dma_wait3A_822 = arith.constant 1 : i32
    %dma_wait3A_823 = arith.constant 0 : i32
    %dma_wait3A_824 = arith.constant 0 : i32
    %dma_wait3A_825 = tpu.memref_slice %arg8[%dma_wait3A_822, %dma_wait3A_823, %dma_wait3A_824] : memref<2x64x768xf32, #tpu.memory_space<vmem>> -> memref<1x64x768xf32, #tpu.memory_space<vmem>>
    %dma_wait3A_826 = tpu.memref_squeeze %dma_wait3A_825 : memref<1x64x768xf32, #tpu.memory_space<vmem>> -> memref<64x768xf32, #tpu.memory_space<vmem>>
    %dma_wait3A_827 = arith.constant 0 : i32
    %dma_wait3A_828 = tpu.memref_slice %arg5[%add3A_795, %dma_wait3A_827] : memref<16384x768xf32, #tpu.memory_space<hbm>> -> memref<64x768xf32, #tpu.memory_space<hbm>>
    %dma_wait3A_829 = arith.constant 0 : i32
    %dma_wait3A_830 = tpu.memref_slice %arg5[%add3A_795, %dma_wait3A_829] : memref<16384x768xf32, #tpu.memory_space<hbm>> -> memref<64x768xf32, #tpu.memory_space<hbm>>
    %dma_wait3A_831 = arith.constant 0 : i32
    %dma_wait3A_832 = arith.constant 0 : i32
    %dma_wait3A_833 = tpu.memref_slice %arg8[%dma_wait3A_822, %dma_wait3A_831, %dma_wait3A_832] : memref<2x64x768xf32, #tpu.memory_space<vmem>> -> memref<1x64x768xf32, #tpu.memory_space<vmem>>
    %dma_wait3A_834 = tpu.memref_squeeze %dma_wait3A_833 : memref<1x64x768xf32, #tpu.memory_space<vmem>> -> memref<64x768xf32, #tpu.memory_space<vmem>>
    tpu.wait_dma2 semaphore(%arg12 : memref<!tpu.dma_semaphore, #tpu.memory_space<semaphore_mem>>) src(%dma_wait3A_834 : memref<64x768xf32, #tpu.memory_space<vmem>>) dst(%dma_wait3A_830 : memref<64x768xf32, #tpu.memory_space<hbm>>)
    return
  }
}

</mosaic_0001>

<sc_bundles>
// kernel: kernel.3.cloned.1.call-start
scs
__scs_entry_jumppad:
0x0: {  	(pc) =	sbr.rel $0x88, $3  }
0x1: {  	(tag) =	ssettag $0x0;
	lr =	simm.s32 $0x1  }
0x2: {  	[smem:$0x3F9D] =	sst lr;
	_ =	strace $0xD0000000  }
0x3: {  	_ = 	snop  }
0x4: {  	_ = 	snop  }
0x5: {  	_ = 	snop  }
0x6: {  	_ = 	snop  }
0x7: {  	_ = 	snop  }
__scs_overlays_trampoline_lowered:
0x8: {  	[smem:$0x3FAC] =	sst s0  }
0x9: {  	[smem:$0x3FAD] =	sst s1  }
0xa: {  	[smem:$0x3FAE] =	sst s2  }
0xb: {  	[smem:$0x3FAF] =	sst s3  }
0xc: {  	[smem:$0x3FB0] =	sst s4  }
0xd: {  	[smem:$0x3FB1] =	sst s5  }
0xe: {  	[smem:$0x3FB2] =	sst s6  }
0xf: {  	[smem:$0x3FB3] =	sst s7  }
0x10: {  	[smem:$0x3FB4] =	sst s8  }
0x11: {  	[smem:$0x3FB5] =	sst s9;
	s0 =	simm.s32 @!p0 $0x0  }
0x12: {  	s1 =	sld [smem:$0x3F9B];
	s0 =	simm.s32 @p0 $0x1  }
0x13: {  	[smem:$0x3FB6] =	sst s0;
	s0 =	simm.s32 @!p1 $0x0  }
0x14: {  	s2 =	sld [smem:$0x3F9A];
	s0 =	simm.s32 @p1 $0x1  }
0x15: {  	[smem:$0x3FB7] =	sst s0;
	s0 =	simm.s32 @!p2 $0x0  }
0x16: {  	s3 =	sld [smem:$0x3FDB];
	s0 =	simm.s32 @p2 $0x1  }
0x17: {  	s4 =	simm.s32 $0x1BF5;
	[smem:$0x3FB9] =	sst s0  }
0x18: {  	s0 =	sld [smem:$0x3F9C];
	_ =	swait.ge [sflag:s4], $0x0  }
0x19: {  	s7 =	sld [smem:$0x3F9D]  }
0x1a: {  	s8 =	sadd.s32 $0xFFFFE003, lr  }
0x1b: {  	s9 =	sadd.s32 $0xFFFFFEF7, lr;
	s5 =	simm.s32 $0xFFFFFFFF;
	p2 =	slt.u32 s8, $0xFFFFF086  }
0x1c: {  	p1 =	slt.u32 s9, $0xF7A;
	s5 =	simm.s32 @!p2 $0x0  }
0x1d: {  	s5 =	simm.s32 @p1 $0x1;
	p0 =	seq.s32 s7, s2  }
0x1e: {  	s7 =	smul.u32 @!p0 $0xF7A, s2;
	p2 =	seq.s32 @!p0 s5, $0x0  }
0x1f: {  	s9 =	smul.u32 $0xF7A, s1;
	s8 =	simm.s32 @!p0 $0x1BF5;
	p2 =	por !p2, p0  }
0x20: {  	[sflag:s8] =	ssyncset.s32 @!p0 $0xFFFFF086;
	s6 =	sadd.s32 @!p0 s3, s7;
	s7 =	simm.s32 @!p0 $0x108  }
0x21: {  	s3 =	sadd.s32 s3, s9;
	s6 =	sadd.s32 @!p0 $0x88, s6;
	s7 =	simm.s32 @p2 $0x1082  }
0x22: {  	[simem:s7], [sflag:s8] =	dma.local @!p0 [hbm:s6], $0xF7A  }
0x23: {  	s9 =	sor.u32 $0xD0000000, s2;
	s6 =	simm.s32 $0x108;
	_ =	swait.ge @!p0 [sflag:s8], $0x0  }
0x24: {  	s3 =	sadd.s32 $0x88, s3;
	s6 =	simm.s32 @!p1 $0x1082;
	[sflag:s4] =	ssyncset.s32 $0xFFFFF086  }
0x25: {  	[simem:s6], [sflag:s4] =	dma.local [hbm:s3], $0xF7A  }
0x26: {  	[smem:$0x3F9D] =	sst s1;
	(tag) =	ssettag s2;
	_ =	strace s9  }
0x27: {  	s1 =	sld [smem:$0x3FAD]  }
0x28: {  	s2 =	sld [smem:$0x3FAE]  }
0x29: {  	s4 =	sld [smem:$0x3FB0]  }
0x2a: {  	p0 =	seq.s32 s5, $0x0;
	s5 =	sld [smem:$0x3FB1]  }
0x2b: {  	s6 =	sld [smem:$0x3FB2]  }
0x2c: {  	s7 =	sld [smem:$0x3FB3]  }
0x2d: {  	s3 =	simm.s32 $0x108;
	s8 =	sld [smem:$0x3FB4]  }
0x2e: {  	s3 =	simm.s32 @!p0 $0x1082;
	s9 =	sld [smem:$0x3FB5]  }
0x2f: {  	lr =	sadd.s32 s0, s3;
	s0 =	sld [smem:$0x3FAC]  }
0x30: {  	s3 =	sld [smem:$0x3FAF]  }
0x31: {  	[smem:$0x3FB8] =	sst s10  }
0x32: {  	s10 =	sld [smem:$0x3FB6];
	_ =	sdelay $0x3  }
0x33: {  	p0 =	seq.s32 s10, $0x1;
	s10 =	sld [smem:$0x3FB8];
	_ =	sdelay $0x3  }
0x34: {  	[smem:$0x3FB8] =	sst s10  }
0x35: {  	s10 =	sld [smem:$0x3FB7];
	_ =	sdelay $0x3  }
0x36: {  	p1 =	seq.s32 s10, $0x1;
	s10 =	sld [smem:$0x3FB8];
	_ =	sdelay $0x3  }
0x37: {  	[smem:$0x3FB8] =	sst s10  }
0x38: {  	s10 =	sld [smem:$0x3FB9]  }
0x39: {  	_ = 	snop;
	(pc) =	sbr.ind lr, $3  }
0x3a: {  	_ = 	snop  }
0x3b: {  	_ = 	snop  }
0x3c: {  	p2 =	seq.s32 s10, $0x1;
	s10 =	sld [smem:$0x3FB8]  }
0x3d: {  	_ =	shalt  }
0x3e: {  	_ =	shalt  }
0x3f: {  	_ =	shalt  }
0x40: {  	_ =	shalt  }
0x41: {  	_ =	shalt  }
0x42: {  	_ =	shalt  }
0x43: {  	_ =	shalt  }
0x44: {  	_ =	shalt  }
0x45: {  	_ =	shalt  }
0x46: {  	_ =	shalt  }
0x47: {  	_ =	shalt  }
0x48: {  	_ =	shalt  }
0x49: {  	_ =	shalt  }
0x4a: {  	_ =	shalt  }
0x4b: {  	_ =	shalt  }
0x4c: {  	_ =	shalt  }
0x4d: {  	_ =	shalt  }
0x4e: {  	_ =	shalt  }
0x4f: {  	_ =	shalt  }
0x50: {  	_ =	shalt  }
0x51: {  	_ =	shalt  }
0x52: {  	_ =	shalt  }
0x53: {  	_ =	shalt  }
0x54: {  	_ =	shalt  }
0x55: {  	_ =	shalt  }
0x56: {  	_ =	shalt  }
0x57: {  	_ =	shalt  }
0x58: {  	_ =	shalt  }
0x59: {  	_ =	shalt  }
0x5a: {  	_ =	shalt  }
0x5b: {  	_ =	shalt  }
0x5c: {  	_ =	shalt  }
0x5d: {  	_ =	shalt  }
0x5e: {  	_ =	shalt  }
0x5f: {  	_ =	shalt  }
0x60: {  	_ =	shalt  }
0x61: {  	_ =	shalt  }
0x62: {  	_ =	shalt  }
0x63: {  	_ =	shalt  }
0x64: {  	_ =	shalt  }
0x65: {  	_ =	shalt  }
0x66: {  	_ =	shalt  }
0x67: {  	_ =	shalt  }
0x68: {  	_ =	shalt  }
0x69: {  	_ =	shalt  }
0x6a: {  	_ =	shalt  }
0x6b: {  	_ =	shalt  }
0x6c: {  	_ =	shalt  }
0x6d: {  	_ =	shalt  }
0x6e: {  	_ =	shalt  }
0x6f: {  	_ =	shalt  }
0x70: {  	_ =	shalt  }
0x71: {  	_ =	shalt  }
0x72: {  	_ =	shalt  }
0x73: {  	_ =	shalt  }
0x74: {  	_ =	shalt  }
0x75: {  	_ =	shalt  }
0x76: {  	_ =	shalt  }
0x77: {  	_ =	shalt  }
0x78: {  	_ =	shalt  }
0x79: {  	_ =	shalt  }
0x7a: {  	_ =	shalt  }
0x7b: {  	_ =	shalt  }
0x7c: {  	_ =	shalt  }
0x7d: {  	_ =	shalt  }
0x7e: {  	_ =	shalt  }
0x7f: {  	_ =	shalt  }
0x80: {  	_ =	shalt  }
0x81: {  	_ =	shalt  }
0x82: {  	_ =	shalt  }
0x83: {  	_ =	shalt  }
0x84: {  	_ =	shalt  }
0x85: {  	_ =	shalt  }
0x86: {  	_ =	shalt  }
0x87: {  	_ =	shalt  }
.Lfunc_end0:
.L_simem_size_0:
called_computation_lowered:
.L_overlay_start_0:
0x88: {  	s2 =	sld [smem:$0x3FD9]  }
0x89: {  	s3 =	sld [smem:$0x3FFE];
	_ =	sdelay $0x1  }
0x8a: {  	s1 =	srdreg.scid  }
0x8b: {  	s0 =	sand.u32 $0x1, s1  }
0x8c: {  	s17 =	sshll.u32 s0, $0xA;
	s2 =	sadd.s32 s3, s2  }
0x8d: {  	s2 =	sadd.s32 s2, s17  }
0x8e: {  	[smem:$0x3FC4] =	sst s2  }
0x8f: {  	_ = 	snop  }
0x90: {  	s2 =	sld [smem:$0x3FC6]  }
0x91: {  	s18 =	sld [smem:$0x3FD0];
	(tm) =	ssettm $0x1  }
0x92: {  	s4 =	sld [smem:$0x3FFB];
	_ =	sdelay $0x3  }
0x93: {  	_ =	strace s4  }
0x94: {  	s4 =	sld [smem:$0x3FFC];
	_ =	sdelay $0x3  }
0x95: {  	_ =	strace s4  }
0x96: {  	s4 =	sld [smem:$0x3FFD];
	_ =	sdelay $0x3  }
0x97: {  	_ =	strace s4  }
0x98: {  	_ =	strace $0x8FFFFFFF  }
0x99: {  	s19 =	sld [smem:$0x3FDB];
	_ =	sdelay $0x1  }
0x9a: {  	s5 =	simm.s32 $_scs_section_size  }
0x9b: {  	s6 =	simm.s32 $_size__tile_overlayer_lowered;
	s7 =	simm.s32 $_tile_overlayer_lowered  }
0x9c: {  	s22 =	simm.s32 $0x1BFF;
	s21 =	sshll.u32 s7, $0x1;
	s4 =	sadd.s32 s5, s19  }
0x9d: {  	s8 =	simm.s32 $0x0;
	s20 =	sshll.u32 s6, $0x1;
	s6 =	sadd.s32 s21, s4  }
0x9e: {  	[timem:s8], [sflag:s22] =	dma.local [hbm:s6], s20  }
0x9f: {  	_ =	swait.ge [sflag:s22], s20  }
0xa0: {  	s5 =	ssub.s32 $0x0, s20;
	[sflag:s22] =	ssyncset.done $0x0  }
0xa1: {  	[sflag:s22] =	ssyncadd.s32 s5;
	_ =	sdelay $0x1  }
0xa2: {  	s23 =	simm.s32 $0x1B8B  }
0xa3: {  	_ =	swait.ge [sflag:s23], $0x1  }
0xa4: {  	[sflag:s23] =	ssyncset.done $0x0  }
0xa5: {  	s25 =	simm.s32 $0x1B8E;
	s24 =	sld [smem:$0x3FFE];
	[sflag:s23] =	ssyncadd.s32 $0xFFFFFFFF  }
0xa6: {  	s26 =	simm.s32 $execute0_lowered;
	[smem:$0x3FD2] =	sst s25  }
0xa7: {  	s6 =	sshll.u32 s26, $0x1;
	_ =	strace $0x80000046;
	[dreg:$0x1] =	wrdreg $0xFFFFFFFF  }
0xa8: {  	s28 =	simm.s32 $_size_execute0_lowered;
	s4 =	sadd.s32 s4, s6;
	[dreg:$0x0] =	wrdreg $0x0  }
0xa9: {  	s6 =	sshll.u32 s28, $0x1;
	[dreg:$0x2] =	wrdreg s4  }
0xaa: {  	[dreg:$0x3] =	wrdreg s6  }
0xab: {  	[dreg:$0x4] =	wrdreg $0xC0  }
0xac: {  	_ =	task [dreg:s8], $0x5FFFF  }
0xad: {  	[dreg:$0x1] =	wrdreg $0xFFFFFFFF  }
0xae: {  	[dreg:$0x0] =	wrdreg $0x60  }
0xaf: {  	[dreg:$0x2] =	wrdreg s24  }
0xb0: {  	[dreg:$0x3] =	wrdreg s2  }
0xb1: {  	[dreg:$0x4] =	wrdreg s18  }
0xb2: {  	[dreg:$0x5] =	wrdreg $0x9  }
0xb3: {  	_ =	task.clear_ibuf [dreg:s8], $0x6FFFF;
	_ =	strace $0x90000046  }
0xb4: {  	s29 =	simm.s32 $0x9;
	_ =	strace $0x80000048  }
0xb5: {  	_ =	swait.ge [sflag:s29], $0x1  }
0xb6: {  	[sflag:s29] =	ssyncadd.s32 $0xFFFFFFFF  }
0xb7: {  	_ =	strace $0x90000048  }
0xb8: {  	_ =	sfence  }
0xb9: {  	s30 =	sld [smem:$0x0];
	_ =	sdelay $0x2  }
0xba: {  	s31 =	sshll.u32 s1, $0xD;
	s1 =	sshrl.u32 s1, $0x2  }
0xbb: {  	s3 =	sand.u32 $0x4000, s31;
	s1 =	sadd.s32 s1, s30  }
0xbc: {  	s0 =	sor.u32 s3, s0;
	s1 =	sshll.u32 s1, $0x11  }
0xbd: {  	s0 =	sor.u32 s1, s0  }
0xbe: {  	s0 =	sadd.s32 $0x8F2B, s0  }
0xbf: {  	[sflag:s0] =	ssyncadd.remote.s32 $0x1  }
0xc0: {  	_ =	sfence.sel $0xFFFF  }
0xc1: {  	[dreg:$0x0] =	wrdreg $0xFFFFFFFF;
	(pc) =	sbr.abs _section_cstart, $3  }
0xc2: {  	[dreg:$0x1] =	wrdreg $0xFFFFFFFF  }
0xc3: {  	_ =	task.clear_ibuf [dreg:s8], $0x2FFFF;
	_ =	strace $0x9FFFFFFF  }
0xc4: {  	(tm) =	ssettm $0x7FFFFFFF  }
0xc5: {  	_ =	shalt  }
tec
execute0_lowered:
.L_overlay_start_1:
0x0: {  	(tag) =	ssettag $0x1  }
0x1: {  	s0 =	rddreg [dreg:$0x0];
	s1 =	srdreg.scid  }
0x2: {  	s3 =	stileid.u32;
	s2 =	rddreg [dreg:$0x2]  }
0x3: {  	s6 =	simm.s32 $0x0;
	s1 =	sand.u32 $0x1, s1;
	s3 =	sshll.u32 s3, $0x1  }
0x4: {  	[smem:$0x7FF] =	sst s6;
	s28 =	sadd.s32 $0xC00, s0;
	s3 =	sor.u32 s1, s3  }
0x5: {  	_ =	strace $0x80000047;
	[dreg:$0xd] =	wrdreg s28;
	s4 =	sshll.u32 s3, $0x6  }
0x6: {  	s5 =	smul.u32 $0xC000, s3;
	s4 =	sadd.s32 s4, s0;
	s0 =	sadd.s32 $0xD00, s0  }
0x7: {  	s21 =	smul.u32 $0x60000, s3;
	s4 =	sadd.s32 $0x400, s4;
	[dreg:$0xe] =	wrdreg s0  }
0x8: {  	s7 =	sadd.s32 s2, s5;
	[dreg:$0x4] =	wrdreg s4  }
0x9: {  	v1 =	vimm.s32 $0xECA86420;
	s23 =	sshrl.u32 s21, $0x3;
	s22 =	sadd.s32 $0x1800, s7;
	[dreg:$0xc] =	wrdreg s7  }
0xa: {  	vm0 =	vcmask $0xB08;
	vm1 =	vcmask $0x1310;
	vm2 =	vcmask $0x1B18;
	s24 =	sadd.s32 $0x3000, s7;
	s2 =	sadd.s32 s2, s23;
	[dreg:$0x5] =	wrdreg s22  }
0xb: {  	vm3 =	vcmask $0x300;
	vm4 =	vcmask $0x2320;
	vm5 =	vcmask $0x2B28;
	[dreg:$0x6] =	wrdreg s24;
	s25 =	sadd.s32 $0x4800, s2  }
0xc: {  	v5 =	vlaneseq.u32;
	vm6 =	vcmask $0x3330;
	vm7 =	vcmask $0x3B38;
	s26 =	sadd.s32 $0x6000, s2;
	[dreg:$0x7] =	wrdreg s25  }
0xd: {  	vm8 =	vmmov $0xff;
	vm9 =	vmmov $0xffff;
	s1 =	ssub.s32 $0x2, s1;
	v0 =	vmov s3;
	s29 =	sadd.s32 $0x7800, s2;
	[dreg:$0x8] =	wrdreg s26  }
0xe: {  	v1 =	vunpack.c.l.s4.s8 v1;
	v2 =	vmul.u32 $0x2, v5;
	s31 =	sshrl.u32 s1, $0x1;
	v0 =	vmul.u32 $0x12, v0;
	s30 =	sadd.s32 $0x9000, s2;
	[dreg:$0x9] =	wrdreg s29  }
0xf: {  	v3 =	vand.u32 $0x7, v5;
	v4 =	vshrl.u32 v5, $0x3;
	v5 =	vor.u32 $0x8, v5;
	s1 =	ssub.s32 s1, s31;
	s2 =	sadd.s32 $0xA800, s2;
	[dreg:$0xa] =	wrdreg s30  }
0x10: {  	v4 =	vmul.u32 $0x8, v4;
	v1 =	vunpack.c.0.s8.s32 v1;
	s0 =	smax.u32 s1, $0x1;
	v0 =	vbroadcast v0, $0x0;
	[dreg:$0xb] =	wrdreg s2  }
.LBB2_1:
0x11: {  	[dreg:$0xf] =	wrdreg s0  }
0x12: {  	s26 =	rddreg [dreg:$0x4];
	s1 =	simm.s32 $0x0;
	s28 =	simm.s32 $0x5  }
0x13: {  	[tilespmem:s1], [sflag:$0x5] =	stream.linear.gather [hbm4b:s26+s1], $0x200, $0x38;
	[tilespmem:$0x18400] =	vst v63  }
0x14: {  	_ =	swait.ge [sflag:s28], $0x200  }
0x15: {  	[sflag:s28] =	ssyncset.done $0x0  }
0x16: {  	[sflag:s28] =	ssyncadd.s32 $0xFFFFFE00  }
0x17: {  	v7 =	vld [tilespmem:$0x0];
	_ =	sdelay $0x4  }
0x18: {  	(v2sf) =	vpush v7, $0xD;
	_ =	sdelay $0x1  }
0x19: {  	(v2sf) =	vpush v7, $0xC  }
0x1a: {  	(v2sf) =	vpush v7, $0xE;
	_ =	sdelay $0x1  }
0x1b: {  	(v2sf) =	vpush v7, $0xF;
	_ =	sdelay $0x1  }
0x1c: {  	(v2sf) =	vpush v7, $0x9;
	_ =	sdelay $0x1  }
0x1d: {  	(v2sf) =	vpush v7, $0x8;
	_ =	sdelay $0x1  }
0x1e: {  	(v2sf) =	vpush v7, $0xA;
	_ =	sdelay $0x1  }
0x1f: {  	(v2sf) =	vpush v7, $0xB;
	_ =	sdelay $0x1  }
0x20: {  	(v2sf) =	vpush v7, $0x1;
	s2 =	spop (v2sf)  }
0x21: {  	s29 =	sshra.s32 s2, $0x1F  }
0x22: {  	(v2sf) =	vpush v7, $0x0;
	s5 =	spop (v2sf);
	s0 =	smul.u32 $0x88888889, s29  }
0x23: {  	s30 =	sshra.s32 s5, $0x1F;
	s8 =	spop (v2sf)  }
0x24: {  	(v2sf) =	vpush v7, $0x2;
	[smem:$0x460] =	sst s0;
	s0 =	smul.u32 $0x88888889, s30  }
0x25: {  	s31 =	sshra.s32 s8, $0x1F;
	s18 =	spop (v2sf)  }
0x26: {  	(v2sf) =	vpush v7, $0x3;
	[smem:$0x461] =	sst s0;
	s0 =	smul.u32 $0x88888889, s31  }
0x27: {  	s1 =	sshra.s32 s18, $0x1F;
	s16 =	spop (v2sf)  }
0x28: {  	(v2sf) =	vpush v7, $0x4;
	[smem:$0x462] =	sst s0;
	s0 =	smul.u32 $0x88888889, s1  }
0x29: {  	s3 =	sshra.s32 s16, $0x1F;
	s19 =	spop (v2sf)  }
0x2a: {  	(v2sf) =	vpush v7, $0x5;
	[smem:$0x463] =	sst s0;
	s0 =	smul.u32 $0x88888889, s3  }
0x2b: {  	v6 =	vld [tilespmem:$0x10];
	s4 =	sshra.s32 s19, $0x1F;
	s9 =	spop (v2sf)  }
0x2c: {  	(v2sf) =	vpush v7, $0x6;
	[smem:$0x465] =	sst s0;
	s0 =	smul.u32 $0x88888889, s4  }
0x2d: {  	s6 =	sshra.s32 s9, $0x1F;
	s7 =	spop (v2sf)  }
0x2e: {  	(v2sf) =	vpush v7, $0x7;
	[smem:$0x466] =	sst s0;
	s0 =	smul.u32 $0x88888889, s6  }
0x2f: {  	s10 =	sshra.s32 s7, $0x1F;
	s21 =	spop (v2sf)  }
0x30: {  	(v2sf) =	vpush v6, $0xD;
	[smem:$0x467] =	sst s0;
	s0 =	smul.u32 $0x88888889, s10  }
0x31: {  	s11 =	sshra.s32 s21, $0x1F;
	s22 =	spop (v2sf)  }
0x32: {  	(v2sf) =	vpush v6, $0xC;
	[smem:$0x468] =	sst s0;
	s0 =	smul.u32 $0x88888889, s11  }
0x33: {  	s12 =	sshra.s32 s22, $0x1F;
	s10 =	spop (v2sf)  }
0x34: {  	(v2sf) =	vpush v6, $0xE;
	[smem:$0x46A] =	sst s0;
	s0 =	smul.u32 $0x88888889, s12  }
0x35: {  	s13 =	sshra.s32 s10, $0x1F;
	s14 =	spop (v2sf)  }
0x36: {  	(v2sf) =	vpush v6, $0xF;
	[smem:$0x46B] =	sst s0;
	s0 =	smul.u32 $0x88888889, s13  }
0x37: {  	s15 =	sshra.s32 s14, $0x1F;
	s23 =	spop (v2sf)  }
0x38: {  	(v2sf) =	vpush v6, $0x9;
	[smem:$0x46C] =	sst s0;
	s0 =	smul.u32 $0x88888889, s15  }
0x39: {  	s17 =	sshra.s32 s23, $0x1F;
	s20 =	spop (v2sf)  }
0x3a: {  	(v2sf) =	vpush v6, $0x8;
	[smem:$0x46D] =	sst s0;
	s0 =	smul.u32 $0x88888889, s17  }
0x3b: {  	s24 =	sshra.s32 s20, $0x1F;
	s26 =	spop (v2sf)  }
0x3c: {  	(v2sf) =	vpush v6, $0xA;
	[smem:$0x46F] =	sst s0;
	s0 =	smul.u32 $0x88888889, s24  }
0x3d: {  	s25 =	sshra.s32 s26, $0x1F;
	s13 =	spop (v2sf)  }
0x3e: {  	(v2sf) =	vpush v6, $0xB;
	[smem:$0x470] =	sst s0;
	s0 =	smul.u32 $0x88888889, s25  }
0x3f: {  	s28 =	sshra.s32 s13, $0x1F;
	s29 =	spop (v2sf)  }
0x40: {  	(v2sf) =	vpush v6, $0x1;
	[smem:$0x472] =	sst s0;
	s0 =	smul.u32 $0x88888889, s28  }
0x41: {  	s30 =	sshra.s32 s29, $0x1F;
	s31 =	spop (v2sf)  }
0x42: {  	(v2sf) =	vpush v6, $0x0;
	[smem:$0x473] =	sst s0;
	s0 =	smul.u32 $0x88888889, s30  }
0x43: {  	s3 =	sshra.s32 s31, $0x1F;
	s30 =	spop (v2sf)  }
0x44: {  	(v2sf) =	vpush v6, $0x2;
	[smem:$0x476] =	sst s0;
	s0 =	smul.u32 $0x88888889, s3  }
0x45: {  	[smem:$0x464] =	sst s7;
	s4 =	sshra.s32 s30, $0x1F;
	s6 =	spop (v2sf)  }
0x46: {  	(v2sf) =	vpush v6, $0x3;
	[smem:$0x477] =	sst s0;
	s0 =	smul.u32 $0x88888889, s4  }
0x47: {  	[smem:$0x469] =	sst s14;
	s7 =	sshra.s32 s6, $0x1F;
	s11 =	spop (v2sf)  }
0x48: {  	(v2sf) =	vpush v6, $0x4;
	[smem:$0x479] =	sst s0;
	s0 =	smul.u32 $0x88888889, s7  }
0x49: {  	[smem:$0x46E] =	sst s20;
	s12 =	sshra.s32 s11, $0x1F;
	s14 =	spop (v2sf)  }
0x4a: {  	(v2sf) =	vpush v6, $0x5;
	[smem:$0x47A] =	sst s0;
	s0 =	smul.u32 $0x88888889, s12  }
0x4b: {  	v8 =	vld [tilespmem:$0x20];
	[smem:$0x471] =	sst s29;
	s15 =	sshra.s32 s14, $0x1F;
	s17 =	spop (v2sf)  }
0x4c: {  	(v2sf) =	vpush v6, $0x6;
	[smem:$0x47E] =	sst s0;
	s0 =	smul.u32 $0x88888889, s15  }
0x4d: {  	[smem:$0x474] =	sst s31;
	s20 =	sshra.s32 s17, $0x1F;
	s24 =	spop (v2sf)  }
0x4e: {  	(v2sf) =	vpush v6, $0x7;
	[smem:$0x47F] =	sst s0;
	s0 =	smul.u32 $0x88888889, s20  }
0x4f: {  	[smem:$0x475] =	sst s6;
	s25 =	sshra.s32 s24, $0x1F;
	s28 =	spop (v2sf)  }
0x50: {  	(v2sf) =	vpush v8, $0xD;
	[smem:$0x481] =	sst s0;
	s0 =	smul.u32 $0x88888889, s25  }
0x51: {  	[smem:$0x478] =	sst s11;
	s29 =	sshra.s32 s28, $0x1F;
	s31 =	spop (v2sf)  }
0x52: {  	(v2sf) =	vpush v8, $0xC;
	[smem:$0x482] =	sst s0;
	s0 =	smul.u32 $0x88888889, s29  }
0x53: {  	[smem:$0x47B] =	sst s14;
	s1 =	sshra.s32 s31, $0x1F;
	s3 =	spop (v2sf)  }
0x54: {  	(v2sf) =	vpush v8, $0xE;
	[smem:$0x485] =	sst s0;
	s0 =	smul.u32 $0x88888889, s1  }
0x55: {  	[smem:$0x47D] =	sst s24;
	s4 =	sshra.s32 s3, $0x1F;
	s24 =	spop (v2sf)  }
0x56: {  	(v2sf) =	vpush v8, $0xF;
	[smem:$0x486] =	sst s0;
	s0 =	smul.u32 $0x88888889, s4  }
0x57: {  	[smem:$0x47C] =	sst s17;
	s6 =	sshra.s32 s24, $0x1F;
	s7 =	spop (v2sf)  }
0x58: {  	(v2sf) =	vpush v8, $0x9;
	[smem:$0x488] =	sst s0;
	s0 =	smul.u32 $0x88888889, s6  }
0x59: {  	[smem:$0x480] =	sst s28;
	s11 =	sshra.s32 s7, $0x1F;
	s12 =	spop (v2sf)  }
0x5a: {  	(v2sf) =	vpush v8, $0x8;
	[smem:$0x489] =	sst s0;
	s0 =	smul.u32 $0x88888889, s11  }
0x5b: {  	[smem:$0x483] =	sst s31;
	s14 =	sshra.s32 s12, $0x1F;
	s15 =	spop (v2sf)  }
0x5c: {  	(v2sf) =	vpush v8, $0xA;
	[smem:$0x48D] =	sst s0;
	s0 =	smul.u32 $0x88888889, s14  }
0x5d: {  	[smem:$0x484] =	sst s3;
	s17 =	sshra.s32 s15, $0x1F;
	s20 =	spop (v2sf)  }
0x5e: {  	(v2sf) =	vpush v8, $0xB;
	[smem:$0x48E] =	sst s0;
	s0 =	smul.u32 $0x88888889, s17  }
0x5f: {  	[smem:$0x487] =	sst s7;
	s25 =	sshra.s32 s20, $0x1F;
	s28 =	spop (v2sf)  }
0x60: {  	(v2sf) =	vpush v8, $0x1;
	[smem:$0x490] =	sst s0;
	s0 =	smul.u32 $0x88888889, s25  }
0x61: {  	[smem:$0x48A] =	sst s12;
	s31 =	spop (v2sf);
	s29 =	sshra.s32 s28, $0x1F  }
0x62: {  	(v2sf) =	vpush v8, $0x0;
	[smem:$0x491] =	sst s0;
	s0 =	smul.u32 $0x88888889, s29  }
0x63: {  	[smem:$0x48B] =	sst s15;
	s3 =	sshra.s32 s31, $0x1F;
	s4 =	spop (v2sf)  }
0x64: {  	(v2sf) =	vpush v8, $0x2;
	[smem:$0x494] =	sst s0;
	s0 =	smul.u32 $0x88888889, s3  }
0x65: {  	[smem:$0x48C] =	sst s20;
	s6 =	sshra.s32 s4, $0x1F;
	s11 =	spop (v2sf)  }
0x66: {  	(v2sf) =	vpush v8, $0x3;
	[smem:$0x495] =	sst s0;
	s0 =	smul.u32 $0x88888889, s6  }
0x67: {  	[smem:$0x48F] =	sst s28;
	s7 =	sshra.s32 s11, $0x1F;
	s12 =	spop (v2sf)  }
0x68: {  	(v2sf) =	vpush v8, $0x4;
	[smem:$0x497] =	sst s0;
	s0 =	smul.u32 $0x88888889, s7  }
0x69: {  	[smem:$0x492] =	sst s31;
	s14 =	sshra.s32 s12, $0x1F;
	s15 =	spop (v2sf)  }
0x6a: {  	(v2sf) =	vpush v8, $0x5;
	[smem:$0x498] =	sst s0;
	s0 =	smul.u32 $0x88888889, s14  }
0x6b: {  	v9 =	vld [tilespmem:$0x30];
	[smem:$0x493] =	sst s4;
	s20 =	spop (v2sf);
	s17 =	sshra.s32 s15, $0x1F  }
0x6c: {  	(v2sf) =	vpush v8, $0x6;
	[smem:$0x49C] =	sst s0;
	s0 =	smul.u32 $0x88888889, s17  }
0x6d: {  	[smem:$0x496] =	sst s12;
	s28 =	spop (v2sf);
	s25 =	sshra.s32 s20, $0x1F  }
0x6e: {  	(v2sf) =	vpush v8, $0x7;
	[smem:$0x49D] =	sst s0;
	s0 =	smul.u32 $0x88888889, s25  }
0x6f: {  	[smem:$0x499] =	sst s15;
	s31 =	spop (v2sf);
	s29 =	sshra.s32 s28, $0x1F  }
0x70: {  	(v2sf) =	vpush v9, $0xD;
	[smem:$0x49F] =	sst s0;
	s0 =	smul.u32 $0x88888889, s29  }
0x71: {  	[smem:$0x49A] =	sst s20;
	s1 =	sshra.s32 s31, $0x1F;
	s3 =	spop (v2sf)  }
0x72: {  	(v2sf) =	vpush v9, $0xC;
	[smem:$0x4A0] =	sst s0;
	s0 =	smul.u32 $0x88888889, s1  }
0x73: {  	[smem:$0x49B] =	sst s28;
	s4 =	sshra.s32 s3, $0x1F;
	s6 =	spop (v2sf)  }
0x74: {  	(v2sf) =	vpush v9, $0xE;
	[smem:$0x4A3] =	sst s0;
	s0 =	smul.u32 $0x88888889, s4  }
0x75: {  	[smem:$0x49E] =	sst s31;
	s28 =	spop (v2sf);
	s7 =	sshra.s32 s6, $0x1F  }
0x76: {  	(v2sf) =	vpush v9, $0xF;
	[smem:$0x4A4] =	sst s0;
	s0 =	smul.u32 $0x88888889, s7  }
0x77: {  	[smem:$0x4A1] =	sst s3;
	s12 =	sshra.s32 s28, $0x1F;
	s14 =	spop (v2sf)  }
0x78: {  	(v2sf) =	vpush v9, $0x9;
	[smem:$0x4A6] =	sst s0;
	s0 =	smul.u32 $0x88888889, s12  }
0x79: {  	[smem:$0x4A2] =	sst s6;
	s15 =	sshra.s32 s14, $0x1F;
	s17 =	spop (v2sf)  }
0x7a: {  	(v2sf) =	vpush v9, $0x8;
	[smem:$0x4A7] =	sst s0;
	s0 =	smul.u32 $0x88888889, s15  }
0x7b: {  	[smem:$0x4A5] =	sst s14;
	s20 =	sshra.s32 s17, $0x1F;
	s25 =	spop (v2sf)  }
0x7c: {  	(v2sf) =	vpush v9, $0xA;
	[smem:$0x4AB] =	sst s0;
	s0 =	smul.u32 $0x88888889, s20  }
0x7d: {  	[smem:$0x4A8] =	sst s17;
	s31 =	spop (v2sf);
	s29 =	sshra.s32 s25, $0x1F  }
0x7e: {  	(v2sf) =	vpush v9, $0xB;
	[smem:$0x4AC] =	sst s0;
	s0 =	smul.u32 $0x88888889, s29  }
0x7f: {  	[smem:$0x4A9] =	sst s25;
	s3 =	sshra.s32 s31, $0x1F;
	s4 =	spop (v2sf)  }
0x80: {  	(v2sf) =	vpush v9, $0x1;
	[smem:$0x4AE] =	sst s0;
	s0 =	smul.u32 $0x88888889, s3  }
0x81: {  	[smem:$0x4AA] =	sst s31;
	s6 =	sshra.s32 s4, $0x1F;
	s7 =	spop (v2sf)  }
0x82: {  	(v2sf) =	vpush v9, $0x0;
	[smem:$0x4AF] =	sst s0;
	s0 =	smul.u32 $0x88888889, s6  }
0x83: {  	[smem:$0x4AD] =	sst s4;
	s14 =	spop (v2sf);
	s12 =	sshra.s32 s7, $0x1F  }
0x84: {  	(v2sf) =	vpush v9, $0x2;
	[smem:$0x4B3] =	sst s0;
	s0 =	smul.u32 $0x88888889, s12  }
0x85: {  	[smem:$0x4B0] =	sst s7;
	s17 =	spop (v2sf);
	s15 =	sshra.s32 s14, $0x1F  }
0x86: {  	(v2sf) =	vpush v9, $0x3;
	[smem:$0x4B4] =	sst s0;
	s0 =	smul.u32 $0x88888889, s15  }
0x87: {  	[smem:$0x4B1] =	sst s14;
	s25 =	spop (v2sf);
	s20 =	sshra.s32 s17, $0x1F  }
0x88: {  	(v2sf) =	vpush v9, $0x4;
	[smem:$0x4B6] =	sst s0;
	s0 =	smul.u32 $0x88888889, s20  }
0x89: {  	[smem:$0x4B2] =	sst s17;
	s31 =	spop (v2sf);
	s29 =	sshra.s32 s25, $0x1F  }
0x8a: {  	(v2sf) =	vpush v9, $0x5;
	[smem:$0x4B7] =	sst s0;
	s0 =	smul.u32 $0x88888889, s29  }
0x8b: {  	v10 =	vld [tilespmem:$0x40];
	[smem:$0x4B5] =	sst s25;
	s1 =	sshra.s32 s31, $0x1F;
	s3 =	spop (v2sf)  }
0x8c: {  	(v2sf) =	vpush v9, $0x6;
	[smem:$0x4BB] =	sst s0;
	s0 =	smul.u32 $0x88888889, s1  }
0x8d: {  	[smem:$0x4B8] =	sst s31;
	s4 =	sshra.s32 s3, $0x1F;
	s6 =	spop (v2sf)  }
0x8e: {  	(v2sf) =	vpush v9, $0x7;
	[smem:$0x4BC] =	sst s0;
	s0 =	smul.u32 $0x88888889, s4  }
0x8f: {  	[smem:$0x4B9] =	sst s3;
	s7 =	sshra.s32 s6, $0x1F;
	s12 =	spop (v2sf)  }
0x90: {  	(v2sf) =	vpush v10, $0xD;
	[smem:$0x4BE] =	sst s0;
	s0 =	smul.u32 $0x88888889, s7  }
0x91: {  	[smem:$0x4BA] =	sst s6;
	s14 =	sshra.s32 s12, $0x1F;
	s15 =	spop (v2sf)  }
0x92: {  	(v2sf) =	vpush v10, $0xC;
	[smem:$0x4BF] =	sst s0;
	s0 =	smul.u32 $0x88888889, s14  }
0x93: {  	[smem:$0x4BD] =	sst s12;
	s17 =	sshra.s32 s15, $0x1F;
	s20 =	spop (v2sf)  }
0x94: {  	(v2sf) =	vpush v10, $0xE;
	[smem:$0x4C2] =	sst s0;
	s0 =	smul.u32 $0x88888889, s17  }
0x95: {  	[smem:$0x4C0] =	sst s15;
	s25 =	sshra.s32 s20, $0x1F;
	s12 =	spop (v2sf)  }
0x96: {  	(v2sf) =	vpush v10, $0xF;
	[smem:$0x4C3] =	sst s0;
	s0 =	smul.u32 $0x88888889, s25  }
0x97: {  	[smem:$0x4C1] =	sst s20;
	s29 =	sshra.s32 s12, $0x1F;
	s31 =	spop (v2sf)  }
0x98: {  	(v2sf) =	vpush v10, $0x9;
	[smem:$0x4C5] =	sst s0;
	s0 =	smul.u32 $0x88888889, s29  }
0x99: {  	[smem:$0x4C4] =	sst s31;
	s3 =	spop (v2sf);
	s1 =	sshra.s32 s31, $0x1F  }
0x9a: {  	(v2sf) =	vpush v10, $0x8;
	[smem:$0x4C6] =	sst s0;
	s0 =	smul.u32 $0x88888889, s1  }
0x9b: {  	[smem:$0x4C7] =	sst s3;
	s6 =	spop (v2sf);
	s4 =	sshra.s32 s3, $0x1F  }
0x9c: {  	(v2sf) =	vpush v10, $0xA;
	[smem:$0x4CA] =	sst s0;
	s0 =	smul.u32 $0x88888889, s4  }
0x9d: {  	[smem:$0x4C8] =	sst s6;
	s7 =	sshra.s32 s6, $0x1F;
	s14 =	spop (v2sf)  }
0x9e: {  	(v2sf) =	vpush v10, $0xB;
	[smem:$0x4CB] =	sst s0;
	s0 =	smul.u32 $0x88888889, s7  }
0x9f: {  	[smem:$0x4C9] =	sst s14;
	s15 =	sshra.s32 s14, $0x1F;
	s17 =	spop (v2sf)  }
0xa0: {  	(v2sf) =	vpush v10, $0x1;
	[smem:$0x4CD] =	sst s0;
	s0 =	smul.u32 $0x88888889, s15  }
0xa1: {  	[smem:$0x4CC] =	sst s17;
	s20 =	sshra.s32 s17, $0x1F;
	s25 =	spop (v2sf)  }
0xa2: {  	[smem:$0x4CE] =	sst s0;
	s0 =	smul.u32 $0x88888889, s20  }
0xa3: {  	(v2sf) =	vpush v10, $0x0;
	[smem:$0x4CF] =	sst s25;
	s31 =	spop (v2sf);
	s29 =	sshra.s32 s25, $0x1F  }
0xa4: {  	[smem:$0x4D2] =	sst s0;
	s0 =	smul.u32 $0x88888889, s29  }
0xa5: {  	(v2sf) =	vpush v10, $0x2;
	[smem:$0x4D0] =	sst s31;
	s3 =	spop (v2sf);
	s1 =	sshra.s32 s31, $0x1F  }
0xa6: {  	v11 =	vld [tilespmem:$0x50];
	(v2sf) =	vpush v10, $0x3;
	[smem:$0x4D3] =	sst s0;
	s0 =	smul.u32 $0x88888889, s1  }
0xa7: {  	(v2sf) =	vpush v10, $0x4;
	[smem:$0x4D1] =	sst s3;
	s6 =	spop (v2sf);
	s4 =	sshra.s32 s3, $0x1F  }
0xa8: {  	(v2sf) =	vpush v10, $0x5;
	[smem:$0x4D5] =	sst s0;
	s0 =	smul.u32 $0x88888889, s4  }
0xa9: {  	(v2sf) =	vpush v10, $0x6;
	[smem:$0x4D4] =	sst s6;
	s14 =	spop (v2sf);
	s7 =	sshra.s32 s6, $0x1F  }
0xaa: {  	(v2sf) =	vpush v10, $0x7;
	[smem:$0x4D6] =	sst s0;
	s0 =	smul.u32 $0x88888889, s7  }
0xab: {  	(v2sf) =	vpush v11, $0xD;
	[smem:$0x4D7] =	sst s14;
	s17 =	spop (v2sf);
	s15 =	sshra.s32 s14, $0x1F  }
0xac: {  	(v2sf) =	vpush v11, $0xC;
	[smem:$0x4DA] =	sst s0;
	s0 =	smul.u32 $0x88888889, s15  }
0xad: {  	(v2sf) =	vpush v11, $0xE;
	[smem:$0x4D8] =	sst s17;
	s25 =	spop (v2sf);
	s20 =	sshra.s32 s17, $0x1F  }
0xae: {  	(v2sf) =	vpush v11, $0xF;
	[smem:$0x4DB] =	sst s0;
	s0 =	smul.u32 $0x88888889, s20  }
0xaf: {  	(v2sf) =	vpush v11, $0x9;
	[smem:$0x4D9] =	sst s25;
	s31 =	spop (v2sf);
	s29 =	sshra.s32 s25, $0x1F  }
0xb0: {  	(v2sf) =	vpush v11, $0x8;
	[smem:$0x4DD] =	sst s0;
	s0 =	smul.u32 $0x88888889, s29  }
0xb1: {  	(v2sf) =	vpush v11, $0xA;
	[smem:$0x4DC] =	sst s31  }
0xb2: {  	(v2sf) =	vpush v11, $0xB;
	s3 =	spop (v2sf);
	s1 =	sshra.s32 s31, $0x1F;
	[smem:$0x4DE] =	sst s0  }
0xb3: {  	(v2sf) =	vpush v11, $0x1;
	[smem:$0x4DF] =	sst s3;
	s0 =	smul.u32 $0x88888889, s1  }
0xb4: {  	s4 =	sshra.s32 s3, $0x1F;
	s6 =	spop (v2sf)  }
0xb5: {  	[smem:$0x4E2] =	sst s0;
	s0 =	smul.u32 $0x88888889, s4  }
0xb6: {  	s7 =	sshra.s32 s6, $0x1F;
	s14 =	spop (v2sf)  }
0xb7: {  	[smem:$0x4E3] =	sst s0;
	s0 =	smul.u32 $0x88888889, s7  }
0xb8: {  	s15 =	sshra.s32 s14, $0x1F;
	s17 =	spop (v2sf)  }
0xb9: {  	[smem:$0x4E5] =	sst s0;
	s0 =	smul.u32 $0x88888889, s15  }
0xba: {  	s20 =	sshra.s32 s17, $0x1F;
	s25 =	spop (v2sf)  }
0xbb: {  	[smem:$0x4E6] =	sst s0;
	s0 =	smul.u32 $0x88888889, s20  }
0xbc: {  	s29 =	sshra.s32 s25, $0x1F;
	s31 =	spop (v2sf)  }
0xbd: {  	[smem:$0x4EA] =	sst s0;
	s0 =	smul.u32 $0x88888889, s29  }
0xbe: {  	s1 =	sshra.s32 s31, $0x1F;
	s3 =	spop (v2sf)  }
0xbf: {  	[smem:$0x4EB] =	sst s0;
	s0 =	smul.u32 $0x88888889, s1  }
0xc0: {  	[smem:$0x4E0] =	sst s6;
	s4 =	sshra.s32 s3, $0x1F;
	s6 =	spop (v2sf)  }
0xc1: {  	[smem:$0x4ED] =	sst s0;
	s0 =	smul.u32 $0x88888889, s4  }
0xc2: {  	[smem:$0x4E1] =	sst s14;
	s7 =	sshra.s32 s6, $0x1F;
	s14 =	spop (v2sf)  }
0xc3: {  	(v2sf) =	vpush v11, $0x0;
	[smem:$0x4EE] =	sst s0;
	s0 =	smul.u32 $0x88888889, s7  }
0xc4: {  	[smem:$0x4E4] =	sst s17;
	s15 =	sshra.s32 s14, $0x1F;
	s17 =	spop (v2sf)  }
0xc5: {  	(v2sf) =	vpush v11, $0x2;
	[smem:$0x4F1] =	sst s0;
	s0 =	smul.u32 $0x88888889, s15  }
0xc6: {  	[smem:$0x4E8] =	sst s31;
	s20 =	sshra.s32 s17, $0x1F;
	s31 =	spop (v2sf)  }
0xc7: {  	(v2sf) =	vpush v11, $0x3;
	[smem:$0x4F2] =	sst s0;
	s0 =	smul.u32 $0x88888889, s20  }
0xc8: {  	[smem:$0x4E7] =	sst s25;
	s25 =	sshra.s32 s31, $0x1F;
	s29 =	spop (v2sf)  }
0xc9: {  	(v2sf) =	vpush v11, $0x4;
	[smem:$0x4F4] =	sst s0;
	s0 =	smul.u32 $0x88888889, s25  }
0xca: {  	[smem:$0x4E9] =	sst s3;
	s3 =	sshra.s32 s29, $0x1F;
	s4 =	spop (v2sf)  }
0xcb: {  	(v2sf) =	vpush v11, $0x5;
	[smem:$0x4F5] =	sst s0;
	s0 =	smul.u32 $0x88888889, s3  }
0xcc: {  	v12 =	vld [tilespmem:$0x60];
	[smem:$0x4EC] =	sst s6;
	s6 =	sshra.s32 s4, $0x1F;
	s7 =	spop (v2sf)  }
0xcd: {  	(v2sf) =	vpush v11, $0x6;
	[smem:$0x4F9] =	sst s0;
	s0 =	smul.u32 $0x88888889, s6  }
0xce: {  	[smem:$0x4EF] =	sst s14;
	s14 =	sshra.s32 s7, $0x1F;
	s15 =	spop (v2sf)  }
0xcf: {  	(v2sf) =	vpush v11, $0x7;
	[smem:$0x4FA] =	sst s0;
	s0 =	smul.u32 $0x88888889, s14  }
0xd0: {  	[smem:$0x4F0] =	sst s17;
	s17 =	sshra.s32 s15, $0x1F;
	s20 =	spop (v2sf)  }
0xd1: {  	(v2sf) =	vpush v12, $0xD;
	[smem:$0x4FC] =	sst s0;
	s0 =	smul.u32 $0x88888889, s17  }
0xd2: {  	[smem:$0x4F3] =	sst s29;
	s29 =	spop (v2sf);
	s25 =	sshra.s32 s20, $0x1F  }
0xd3: {  	(v2sf) =	vpush v12, $0xC;
	[smem:$0x4FD] =	sst s0;
	s0 =	smul.u32 $0x88888889, s25  }
0xd4: {  	[smem:$0x4F6] =	sst s4;
	s4 =	spop (v2sf);
	s3 =	sshra.s32 s29, $0x1F  }
0xd5: {  	(v2sf) =	vpush v12, $0xE;
	[smem:$0x501] =	sst s0;
	s0 =	smul.u32 $0x88888889, s3  }
0xd6: {  	[smem:$0x4F7] =	sst s7;
	s7 =	spop (v2sf);
	s6 =	sshra.s32 s4, $0x1F  }
0xd7: {  	(v2sf) =	vpush v12, $0xF;
	[smem:$0x502] =	sst s0;
	s0 =	smul.u32 $0x88888889, s6  }
0xd8: {  	[smem:$0x4F8] =	sst s15;
	s15 =	spop (v2sf);
	s14 =	sshra.s32 s7, $0x1F  }
0xd9: {  	(v2sf) =	vpush v12, $0x9;
	[smem:$0x504] =	sst s0;
	s0 =	smul.u32 $0x88888889, s14  }
0xda: {  	[smem:$0x4FB] =	sst s20;
	s20 =	spop (v2sf);
	s17 =	sshra.s32 s15, $0x1F  }
0xdb: {  	(v2sf) =	vpush v12, $0x8;
	[smem:$0x505] =	sst s0;
	s0 =	smul.u32 $0x88888889, s17  }
0xdc: {  	[smem:$0x4FE] =	sst s29;
	s29 =	spop (v2sf);
	s25 =	sshra.s32 s20, $0x1F  }
0xdd: {  	(v2sf) =	vpush v12, $0xA;
	[smem:$0x508] =	sst s0;
	s0 =	smul.u32 $0x88888889, s25  }
0xde: {  	[smem:$0x4FF] =	sst s4;
	s1 =	sshra.s32 s29, $0x1F;
	s4 =	spop (v2sf)  }
0xdf: {  	(v2sf) =	vpush v12, $0xB;
	[smem:$0x509] =	sst s0;
	s0 =	smul.u32 $0x88888889, s1  }
0xe0: {  	s3 =	sshra.s32 s4, $0x1F;
	s6 =	spop (v2sf)  }
0xe1: {  	(v2sf) =	vpush v12, $0x1;
	[smem:$0x50B] =	sst s0;
	s0 =	smul.u32 $0x88888889, s3  }
0xe2: {  	[smem:$0x500] =	sst s7;
	s7 =	sshra.s32 s6, $0x1F;
	s17 =	spop (v2sf)  }
0xe3: {  	(v2sf) =	vpush v12, $0x0;
	[smem:$0x50C] =	sst s0;
	s0 =	smul.u32 $0x88888889, s7  }
0xe4: {  	[smem:$0x503] =	sst s15;
	s14 =	sshra.s32 s17, $0x1F;
	s15 =	spop (v2sf)  }
0xe5: {  	(v2sf) =	vpush v12, $0x2;
	[smem:$0x50E] =	sst s0;
	s0 =	smul.u32 $0x88888889, s14  }
0xe6: {  	[smem:$0x506] =	sst s20;
	s20 =	sshra.s32 s15, $0x1F;
	s7 =	spop (v2sf)  }
0xe7: {  	(v2sf) =	vpush v12, $0x3;
	[smem:$0x50F] =	sst s0;
	s0 =	smul.u32 $0x88888889, s20  }
0xe8: {  	[smem:$0x507] =	sst s29;
	s25 =	sshra.s32 s7, $0x1F;
	s14 =	spop (v2sf)  }
0xe9: {  	(v2sf) =	vpush v12, $0x4;
	[smem:$0x510] =	sst s0;
	s0 =	smul.u32 $0x88888889, s25  }
0xea: {  	[smem:$0x50D] =	sst s15;
	s29 =	sshra.s32 s14, $0x1F;
	s15 =	spop (v2sf)  }
0xeb: {  	(v2sf) =	vpush v12, $0x5;
	[smem:$0x511] =	sst s0;
	s0 =	smul.u32 $0x88888889, s29  }
0xec: {  	v13 =	vld [tilespmem:$0x70];
	s1 =	sshra.s32 s15, $0x1F;
	s3 =	spop (v2sf)  }
0xed: {  	(v2sf) =	vpush v12, $0x6;
	[smem:$0x513] =	sst s0;
	s0 =	smul.u32 $0x88888889, s1  }
0xee: {  	[smem:$0x50A] =	sst s6;
	s6 =	sshra.s32 s3, $0x1F;
	s20 =	spop (v2sf)  }
0xef: {  	(v2sf) =	vpush v12, $0x7;
	[smem:$0x514] =	sst s0;
	s0 =	smul.u32 $0x88888889, s6  }
0xf0: {  	s25 =	sshra.s32 s20, $0x1F;
	s29 =	spop (v2sf)  }
0xf1: {  	(v2sf) =	vpush v13, $0xD;
	[smem:$0x516] =	sst s0;
	s0 =	smul.u32 $0x88888889, s25  }
0xf2: {  	[smem:$0x512] =	sst s3;
	s3 =	sshra.s32 s29, $0x1F;
	s6 =	spop (v2sf)  }
0xf3: {  	(v2sf) =	vpush v13, $0xC;
	[smem:$0x517] =	sst s0;
	s0 =	smul.u32 $0x88888889, s3  }
0xf4: {  	[smem:$0x515] =	sst s29;
	s29 =	spop (v2sf);
	s25 =	sshra.s32 s6, $0x1F  }
0xf5: {  	(v2sf) =	vpush v13, $0xE;
	[smem:$0x51A] =	sst s0;
	s0 =	smul.u32 $0x88888889, s25  }
0xf6: {  	[smem:$0x518] =	sst s6;
	s3 =	sshra.s32 s29, $0x1F;
	s25 =	spop (v2sf)  }
0xf7: {  	(v2sf) =	vpush v13, $0xF;
	[smem:$0x51B] =	sst s0;
	s0 =	smul.u32 $0x88888889, s3  }
0xf8: {  	[smem:$0x519] =	sst s29;
	s6 =	sshra.s32 s25, $0x1F;
	s29 =	spop (v2sf)  }
0xf9: {  	(v2sf) =	vpush v13, $0x9;
	[smem:$0x51D] =	sst s0;
	s0 =	smul.u32 $0x88888889, s6  }
0xfa: {  	s1 =	sshra.s32 s29, $0x1F;
	s3 =	spop (v2sf)  }
0xfb: {  	(v2sf) =	vpush v13, $0x8;
	[smem:$0x51E] =	sst s0;
	s0 =	smul.u32 $0x88888889, s1  }
0xfc: {  	[smem:$0x51C] =	sst s29;
	s29 =	spop (v2sf);
	s6 =	sshra.s32 s3, $0x1F  }
0xfd: {  	(v2sf) =	vpush v13, $0xA;
	[smem:$0x522] =	sst s0;
	s0 =	smul.u32 $0x88888889, s6  }
0xfe: {  	[smem:$0x51F] =	sst s3;
	s3 =	spop (v2sf);
	s1 =	sshra.s32 s29, $0x1F  }
0xff: {  	(v2sf) =	vpush v13, $0xB;
	[smem:$0x523] =	sst s0;
	s0 =	smul.u32 $0x88888889, s1  }
0x100: {  	[smem:$0x520] =	sst s29;
	s29 =	spop (v2sf);
	s6 =	sshra.s32 s3, $0x1F  }
0x101: {  	(v2sf) =	vpush v13, $0x1;
	[smem:$0x525] =	sst s0;
	s0 =	smul.u32 $0x88888889, s6  }
0x102: {  	[smem:$0x521] =	sst s3;
	s3 =	spop (v2sf);
	s1 =	sshra.s32 s29, $0x1F  }
0x103: {  	(v2sf) =	vpush v13, $0x0;
	[smem:$0x526] =	sst s0;
	s0 =	smul.u32 $0x88888889, s1  }
0x104: {  	[smem:$0x524] =	sst s29;
	s29 =	spop (v2sf);
	s6 =	sshra.s32 s3, $0x1F  }
0x105: {  	(v2sf) =	vpush v13, $0x2;
	[smem:$0x52A] =	sst s0;
	s0 =	smul.u32 $0x88888889, s6  }
0x106: {  	[smem:$0x527] =	sst s3;
	s3 =	spop (v2sf);
	s1 =	sshra.s32 s29, $0x1F  }
0x107: {  	(v2sf) =	vpush v13, $0x3;
	[smem:$0x52B] =	sst s0;
	s0 =	smul.u32 $0x88888889, s1  }
0x108: {  	[smem:$0x528] =	sst s29;
	s29 =	spop (v2sf);
	s6 =	sshra.s32 s3, $0x1F  }
0x109: {  	(v2sf) =	vpush v13, $0x4;
	[smem:$0x52D] =	sst s0;
	s0 =	smul.u32 $0x88888889, s6  }
0x10a: {  	[smem:$0x529] =	sst s3;
	s3 =	spop (v2sf);
	s1 =	sshra.s32 s29, $0x1F  }
0x10b: {  	(v2sf) =	vpush v13, $0x5;
	[smem:$0x52E] =	sst s0;
	s0 =	smul.u32 $0x88888889, s1  }
0x10c: {  	[smem:$0x52C] =	sst s29;
	s29 =	spop (v2sf);
	s6 =	sshra.s32 s3, $0x1F  }
0x10d: {  	[smem:$0x531] =	sst s0;
	s0 =	smul.u32 $0x88888889, s6  }
0x10e: {  	[smem:$0x530] =	sst s29;
	s1 =	sshra.s32 s29, $0x1F;
	s29 =	spop (v2sf)  }
0x10f: {  	[smem:$0x532] =	sst s0;
	s0 =	smul.u32 $0x88888889, s1  }
0x110: {  	[smem:$0x52F] =	sst s3;
	s3 =	sshra.s32 s29, $0x1F;
	s6 =	spop (v2sf)  }
0x111: {  	[smem:$0x535] =	sst s0;
	s0 =	smul.u32 $0x88888889, s3  }
0x112: {  	[smem:$0x534] =	sst s6;
	s3 =	sshra.s32 s6, $0x1F;
	s6 =	spop (v2sf)  }
0x113: {  	(v2sf) =	vpush v13, $0x6;
	[smem:$0x536] =	sst s0;
	s0 =	smul.u32 $0x88888889, s3  }
0x114: {  	[smem:$0x537] =	sst s6;
	s3 =	sshra.s32 s6, $0x1F;
	s6 =	spop (v2sf)  }
0x115: {  	[smem:$0x540] =	sst s0;
	s0 =	smul.u32 $0x88888889, s3  }
0x116: {  	[smem:$0x539] =	sst s6;
	s3 =	sshra.s32 s6, $0x1F;
	s6 =	spop (v2sf)  }
0x117: {  	[smem:$0x541] =	sst s0;
	s0 =	smul.u32 $0x88888889, s3  }
0x118: {  	[smem:$0x53C] =	sst s6;
	s3 =	sshra.s32 s6, $0x1F;
	s6 =	spop (v2sf)  }
0x119: {  	[smem:$0x549] =	sst s0;
	s0 =	smul.u32 $0x88888889, s3  }
0x11a: {  	[smem:$0x545] =	sst s6;
	s3 =	sshra.s32 s6, $0x1F;
	s6 =	spop (v2sf)  }
0x11b: {  	[smem:$0x54A] =	sst s0;
	s0 =	smul.u32 $0x88888889, s3  }
0x11c: {  	(v2sf) =	vpush v13, $0x7;
	s1 =	sshra.s32 s6, $0x1F  }
0x11d: {  	[smem:$0x555] =	sst s0;
	s0 =	smul.u32 $0x88888889, s1  }
0x11e: {  	s3 =	smulhi.u32 $0x88888889, s2  }
0x11f: {  	[smem:$0x556] =	sst s0  }
0x120: {  	s0 =	ssub.s32 s3, s2;
	s2 =	sld [smem:$0x460];
	_ =	sdelay $0x1  }
0x121: {  	[smem:$0x54B] =	sst s6;
	s6 =	spop (v2sf)  }
0x122: {  	v14 =	vld [tilespmem:$0x80];
	s1 =	smulhi.u32 $0x88888889, s5;
	s0 =	sadd.s32 s2, s0;
	s2 =	sld [smem:$0x461]  }
0x123: {  	[smem:$0x54E] =	sst s6  }
0x124: {  	s6 =	sshra.s32 s6, $0x1F;
	s1 =	ssub.s32 s1, s5;
	s5 =	smulhi.u32 $0x88888889, s18  }
0x125: {  	s3 =	smulhi.u32 $0x88888889, s8;
	[smem:$0x53D] =	sst s0;
	s0 =	sadd.s32 s2, s1  }
0x126: {  	s2 =	smul.u32 $0x88888889, s6;
	s6 =	ssub.s32 s5, s18;
	s18 =	sld [smem:$0x462]  }
0x127: {  	(v2sf) =	vpush v14, $0xD;
	[smem:$0x53A] =	sst s0  }
0x128: {  	s3 =	ssub.s32 s3, s8;
	[smem:$0x55E] =	sst s2  }
0x129: {  	s2 =	sld [smem:$0x463];
	s0 =	sadd.s32 s18, s3  }
0x12a: {  	s18 =	spop (v2sf);
	[smem:$0x542] =	sst s0  }
0x12b: {  	[smem:$0x552] =	sst s18  }
0x12c: {  	s5 =	smulhi.u32 $0x88888889, s19;
	s0 =	sadd.s32 s2, s6;
	s2 =	sld [smem:$0x466]  }
0x12d: {  	[smem:$0x546] =	sst s0  }
0x12e: {  	s0 =	ssub.s32 s5, s19;
	s5 =	sld [smem:$0x464]  }
0x12f: {  	s8 =	smulhi.u32 $0x88888889, s16;
	s19 =	sld [smem:$0x465]  }
0x130: {  	s18 =	sshra.s32 s18, $0x1F;
	s0 =	sadd.s32 s2, s0;
	s2 =	sld [smem:$0x468]  }
0x131: {  	s6 =	ssub.s32 s8, s16;
	s8 =	smulhi.u32 $0x88888889, s9;
	[smem:$0x53E] =	sst s0  }
0x132: {  	s1 =	sadd.s32 s19, s6;
	s6 =	smul.u32 $0x88888889, s18;
	s19 =	sld [smem:$0x467]  }
0x133: {  	s18 =	smulhi.u32 $0x88888889, s21;
	[smem:$0x543] =	sst s1  }
0x134: {  	s9 =	ssub.s32 s8, s9;
	s16 =	smulhi.u32 $0x88888889, s5;
	[smem:$0x55F] =	sst s6  }
0x135: {  	s6 =	ssub.s32 s18, s21;
	s21 =	sld [smem:$0x46A];
	s0 =	sadd.s32 s19, s9  }
0x136: {  	s9 =	spop (v2sf);
	[smem:$0x547] =	sst s0  }
0x137: {  	s8 =	smulhi.u32 $0x88888889, s10;
	s16 =	ssub.s32 s16, s5;
	[smem:$0x55A] =	sst s9  }
0x138: {  	(v2sf) =	vpush v14, $0xC;
	s0 =	sadd.s32 s2, s16;
	s16 =	sld [smem:$0x469]  }
0x139: {  	(v2sf) =	vpush v14, $0xE;
	s2 =	ssub.s32 s8, s10;
	s8 =	sld [smem:$0x46D]  }
0x13a: {  	s5 =	smulhi.u32 $0x88888889, s22;
	s19 =	sshra.s32 s9, $0x1F;
	s9 =	sld [smem:$0x46E]  }
0x13b: {  	[smem:$0x54C] =	sst s0  }
0x13c: {  	s0 =	ssub.s32 s5, s22;
	s1 =	sadd.s32 s21, s6;
	s22 =	sld [smem:$0x46B]  }
0x13d: {  	[smem:$0x538] =	sst s1;
	s1 =	smul.u32 $0x88888889, s19  }
0x13e: {  	s5 =	smulhi.u32 $0x88888889, s23;
	s6 =	sld [smem:$0x46C]  }
0x13f: {  	s18 =	smulhi.u32 $0x88888889, s16;
	s0 =	sadd.s32 s22, s0;
	[smem:$0x568] =	sst s1  }
0x140: {  	[smem:$0x533] =	sst s0  }
0x141: {  	s3 =	ssub.s32 s18, s16;
	s16 =	ssub.s32 s5, s23;
	s23 =	sld [smem:$0x46F]  }
0x142: {  	s19 =	smulhi.u32 $0x88888889, s26;
	s0 =	sadd.s32 s6, s2;
	s2 =	sld [smem:$0x470]  }
0x143: {  	[smem:$0x53B] =	sst s0  }
0x144: {  	s0 =	sadd.s32 s8, s3;
	s8 =	ssub.s32 s19, s26;
	s19 =	sld [smem:$0x473]  }
0x145: {  	s10 =	smulhi.u32 $0x88888889, s9;
	s3 =	sld [smem:$0x48F]  }
0x146: {  	s21 =	smulhi.u32 $0x88888889, s13;
	[smem:$0x53F] =	sst s0  }
0x147: {  	s18 =	spop (v2sf);
	s0 =	ssub.s32 s10, s9;
	s10 =	sld [smem:$0x471]  }
0x148: {  	s5 =	spop (v2sf);
	s9 =	ssub.s32 s21, s13;
	s21 =	sld [smem:$0x474]  }
0x149: {  	[smem:$0x562] =	sst s5  }
0x14a: {  	s22 =	sshra.s32 s18, $0x1F;
	s1 =	sadd.s32 s23, s16;
	s16 =	sld [smem:$0x472]  }
0x14b: {  	s6 =	smul.u32 $0x88888889, s22;
	s0 =	sadd.s32 s2, s0;
	[smem:$0x544] =	sst s1  }
0x14c: {  	[smem:$0x548] =	sst s0  }
0x14d: {  	(v2sf) =	vpush v14, $0xF;
	[smem:$0x569] =	sst s6  }
0x14e: {  	(v2sf) =	vpush v14, $0x9;
	s0 =	sadd.s32 s16, s8;
	s8 =	sld [smem:$0x475]  }
0x14f: {  	s13 =	smulhi.u32 $0x88888889, s10;
	s16 =	sld [smem:$0x477]  }
0x150: {  	s26 =	smulhi.u32 $0x88888889, s30;
	s6 =	sshra.s32 s5, $0x1F;
	[smem:$0x54D] =	sst s0  }
0x151: {  	s22 =	smulhi.u32 $0x88888889, s21;
	s23 =	ssub.s32 s13, s10;
	s13 =	sld [smem:$0x476]  }
0x152: {  	s0 =	sadd.s32 s19, s9;
	s19 =	smul.u32 $0x88888889, s6;
	s6 =	sld [smem:$0x47A]  }
0x153: {  	[smem:$0x54F] =	sst s0  }
0x154: {  	s0 =	ssub.s32 s22, s21;
	s21 =	ssub.s32 s26, s30;
	s30 =	sld [smem:$0x479]  }
0x155: {  	[smem:$0x571] =	sst s19  }
0x156: {  	s0 =	sadd.s32 s16, s0;
	s16 =	sld [smem:$0x47C]  }
0x157: {  	[smem:$0x550] =	sst s0  }
0x158: {  	s10 =	smulhi.u32 $0x88888889, s8;
	s1 =	sadd.s32 s13, s23;
	s23 =	sld [smem:$0x478]  }
0x159: {  	[smem:$0x553] =	sst s1  }
0x15a: {  	s22 =	ssub.s32 s10, s8;
	s8 =	sld [smem:$0x47B]  }
0x15b: {  	s0 =	sadd.s32 s30, s21;
	s21 =	sld [smem:$0x47D]  }
0x15c: {  	s13 =	spop (v2sf);
	s30 =	sld [smem:$0x47F]  }
0x15d: {  	s5 =	spop (v2sf);
	[smem:$0x557] =	sst s0  }
0x15e: {  	s0 =	sadd.s32 s6, s22;
	s19 =	smulhi.u32 $0x88888889, s16;
	[smem:$0x56D] =	sst s5  }
0x15f: {  	s26 =	smulhi.u32 $0x88888889, s23;
	[smem:$0x55B] =	sst s0  }
0x160: {  	s9 =	smulhi.u32 $0x88888889, s8;
	s6 =	ssub.s32 s19, s16;
	s16 =	sld [smem:$0x481]  }
0x161: {  	s22 =	smulhi.u32 $0x88888889, s21;
	s19 =	sld [smem:$0x482]  }
0x162: {  	s10 =	ssub.s32 s26, s23;
	s23 =	sshra.s32 s13, $0x1F;
	s26 =	sld [smem:$0x47E]  }
0x163: {  	(v2sf) =	vpush v14, $0x8;
	s0 =	ssub.s32 s9, s8;
	s2 =	smul.u32 $0x88888889, s23;
	s9 =	sld [smem:$0x480]  }
0x164: {  	s8 =	ssub.s32 s22, s21;
	s21 =	sld [smem:$0x483];
	s0 =	sadd.s32 s30, s0  }
0x165: {  	[smem:$0x554] =	sst s0  }
0x166: {  	[smem:$0x572] =	sst s2  }
0x167: {  	s1 =	sadd.s32 s26, s10;
	s26 =	sld [smem:$0x484]  }
0x168: {  	s0 =	sadd.s32 s16, s6;
	s16 =	sld [smem:$0x486]  }
0x169: {  	s6 =	sshra.s32 s5, $0x1F;
	[smem:$0x558] =	sst s1;
	s10 =	smulhi.u32 $0x88888889, s9  }
0x16a: {  	[smem:$0x55C] =	sst s0;
	s0 =	sadd.s32 s19, s8;
	s22 =	smulhi.u32 $0x88888889, s21  }
0x16b: {  	s19 =	smul.u32 $0x88888889, s6;
	[smem:$0x560] =	sst s0  }
0x16c: {  	s23 =	ssub.s32 s10, s9;
	s10 =	sld [smem:$0x485]  }
0x16d: {  	s0 =	ssub.s32 s22, s21;
	[smem:$0x57C] =	sst s19  }
0x16e: {  	s30 =	smulhi.u32 $0x88888889, s26;
	s19 =	sld [smem:$0x48C];
	s0 =	sadd.s32 s16, s0  }
0x16f: {  	[smem:$0x551] =	sst s0  }
0x170: {  	s9 =	smulhi.u32 $0x88888889, s24;
	s21 =	ssub.s32 s30, s26;
	s26 =	sld [smem:$0x488]  }
0x171: {  	s30 =	sld [smem:$0x489]  }
0x172: {  	(v2sf) =	vpush v14, $0xA;
	s16 =	spop (v2sf);
	s22 =	ssub.s32 s9, s24;
	s9 =	sld [smem:$0x48B]  }
0x173: {  	[smem:$0x573] =	sst s16  }
0x174: {  	s1 =	sadd.s32 s10, s23;
	s23 =	sld [smem:$0x487]  }
0x175: {  	[smem:$0x559] =	sst s1  }
0x176: {  	s1 =	sld [smem:$0x48A];
	s0 =	sadd.s32 s26, s21  }
0x177: {  	[smem:$0x55D] =	sst s0  }
0x178: {  	s10 =	smulhi.u32 $0x88888889, s9;
	s0 =	sadd.s32 s30, s22;
	s22 =	sld [smem:$0x48D]  }
0x179: {  	s21 =	smulhi.u32 $0x88888889, s19;
	[smem:$0x561] =	sst s0  }
0x17a: {  	s24 =	smulhi.u32 $0x88888889, s23;
	s26 =	ssub.s32 s10, s9;
	s9 =	sld [smem:$0x491]  }
0x17b: {  	s6 =	smulhi.u32 $0x88888889, s1;
	s10 =	sld [smem:$0x492]  }
0x17c: {  	s8 =	ssub.s32 s24, s23;
	s23 =	sld [smem:$0x48E]  }
0x17d: {  	s30 =	ssub.s32 s21, s19;
	s21 =	sld [smem:$0x493];
	s0 =	ssub.s32 s6, s1  }
0x17e: {  	s6 =	sshra.s32 s16, $0x1F;
	s1 =	sadd.s32 s22, s8;
	s8 =	sld [smem:$0x490]  }
0x17f: {  	[smem:$0x563] =	sst s1;
	s24 =	smul.u32 $0x88888889, s6;
	s0 =	sadd.s32 s23, s0  }
0x180: {  	[smem:$0x566] =	sst s0  }
0x181: {  	s23 =	spop (v2sf);
	[smem:$0x57D] =	sst s24  }
0x182: {  	s6 =	smulhi.u32 $0x88888889, s3;
	[smem:$0x576] =	sst s23  }
0x183: {  	s22 =	smulhi.u32 $0x88888889, s21;
	s0 =	sadd.s32 s8, s26;
	s26 =	sld [smem:$0x494]  }
0x184: {  	s8 =	sld [smem:$0x496]  }
0x185: {  	s19 =	ssub.s32 s6, s3;
	s3 =	ssub.s32 s22, s21;
	s22 =	sld [smem:$0x49A]  }
0x186: {  	(v2sf) =	vpush v14, $0xB;
	[smem:$0x56A] =	sst s0  }
0x187: {  	s16 =	smulhi.u32 $0x88888889, s10;
	s0 =	sadd.s32 s9, s30;
	s30 =	sld [smem:$0x495]  }
0x188: {  	s24 =	smulhi.u32 $0x88888889, s11;
	[smem:$0x56E] =	sst s0  }
0x189: {  	s6 =	sshra.s32 s23, $0x1F;
	s0 =	ssub.s32 s16, s10;
	s10 =	sld [smem:$0x497]  }
0x18a: {  	s2 =	smul.u32 $0x88888889, s6;
	s6 =	ssub.s32 s24, s11;
	s11 =	sld [smem:$0x498]  }
0x18b: {  	s16 =	sld [smem:$0x499]  }
0x18c: {  	s24 =	sld [smem:$0x49B]  }
0x18d: {  	s1 =	sadd.s32 s26, s19;
	[smem:$0x584] =	sst s2  }
0x18e: {  	[smem:$0x567] =	sst s1;
	s0 =	sadd.s32 s30, s0  }
0x18f: {  	s9 =	smulhi.u32 $0x88888889, s8;
	[smem:$0x564] =	sst s0  }
0x190: {  	s0 =	sadd.s32 s10, s3;
	s10 =	sld [smem:$0x49C]  }
0x191: {  	s21 =	ssub.s32 s9, s8;
	s8 =	sld [smem:$0x4A7]  }
0x192: {  	(v2sf) =	vpush v14, $0x1;
	s23 =	smulhi.u32 $0x88888889, s22;
	[smem:$0x56B] =	sst s0  }
0x193: {  	s19 =	smulhi.u32 $0x88888889, s16;
	s0 =	sadd.s32 s11, s6;
	s6 =	sld [smem:$0x4A2]  }
0x194: {  	s26 =	smulhi.u32 $0x88888889, s24;
	[smem:$0x56F] =	sst s0  }
0x195: {  	s11 =	spop (v2sf);
	s0 =	ssub.s32 s19, s16;
	s16 =	sld [smem:$0x49D]  }
0x196: {  	s1 =	sadd.s32 s10, s21;
	s21 =	ssub.s32 s23, s22;
	s23 =	sld [smem:$0x49E]  }
0x197: {  	s30 =	sshra.s32 s11, $0x1F;
	s22 =	ssub.s32 s26, s24;
	s26 =	sld [smem:$0x49F]  }
0x198: {  	s19 =	smul.u32 $0x88888889, s30;
	s30 =	sld [smem:$0x4A0]  }
0x199: {  	[smem:$0x577] =	sst s1  }
0x19a: {  	[smem:$0x585] =	sst s19  }
0x19b: {  	s0 =	sadd.s32 s16, s0;
	s19 =	sld [smem:$0x4A3]  }
0x19c: {  	s10 =	smulhi.u32 $0x88888889, s28;
	[smem:$0x574] =	sst s0  }
0x19d: {  	s0 =	sadd.s32 s26, s21;
	s21 =	sld [smem:$0x4A4]  }
0x19e: {  	s26 =	ssub.s32 s10, s28;
	s28 =	sld [smem:$0x4A5]  }
0x19f: {  	s24 =	smulhi.u32 $0x88888889, s23;
	[smem:$0x57A] =	sst s0;
	s0 =	sadd.s32 s30, s22  }
0x1a0: {  	s9 =	smulhi.u32 $0x88888889, s6;
	[smem:$0x57E] =	sst s0  }
0x1a1: {  	s0 =	sld [smem:$0x4A1];
	s5 =	ssub.s32 s24, s23;
	s24 =	spop (v2sf)  }
0x1a2: {  	(v2sf) =	vpush v14, $0x0;
	s23 =	ssub.s32 s9, s6;
	s6 =	sld [smem:$0x4A6];
	s30 =	smulhi.u32 $0x88888889, s28  }
0x1a3: {  	s9 =	sld [smem:$0x4A8];
	s16 =	sshra.s32 s24, $0x1F  }
0x1a4: {  	s22 =	smul.u32 $0x88888889, s16;
	s16 =	ssub.s32 s30, s28;
	s28 =	sld [smem:$0x4AB]  }
0x1a5: {  	s30 =	sld [smem:$0x4AC]  }
0x1a6: {  	s1 =	smulhi.u32 $0x88888889, s0;
	[smem:$0x590] =	sst s22  }
0x1a7: {  	(v2sf) =	vpush v14, $0x2;
	s22 =	sld [smem:$0x4AA]  }
0x1a8: {  	s0 =	ssub.s32 s1, s0;
	s1 =	sadd.s32 s19, s5;
	s19 =	sld [smem:$0x4A9]  }
0x1a9: {  	s5 =	sld [smem:$0x4AD]  }
0x1aa: {  	[smem:$0x56C] =	sst s1  }
0x1ab: {  	s1 =	sadd.s32 s28, s16;
	s16 =	sld [smem:$0x4B0]  }
0x1ac: {  	s0 =	sadd.s32 s21, s0;
	s28 =	sld [smem:$0x4B2]  }
0x1ad: {  	[smem:$0x565] =	sst s0  }
0x1ae: {  	s10 =	smulhi.u32 $0x88888889, s9;
	s0 =	sadd.s32 s6, s23;
	[smem:$0x578] =	sst s1  }
0x1af: {  	s23 =	smulhi.u32 $0x88888889, s22;
	[smem:$0x570] =	sst s0;
	s0 =	sadd.s32 s8, s26  }
0x1b0: {  	s21 =	smulhi.u32 $0x88888889, s19;
	[smem:$0x575] =	sst s0  }
0x1b1: {  	s8 =	spop (v2sf);
	s0 =	ssub.s32 s10, s9;
	s9 =	sld [smem:$0x4AE]  }
0x1b2: {  	s6 =	smulhi.u32 $0x88888889, s5;
	s10 =	sld [smem:$0x4AF]  }
0x1b3: {  	s26 =	sshra.s32 s8, $0x1F;
	s3 =	ssub.s32 s23, s22;
	s22 =	sld [smem:$0x4B1]  }
0x1b4: {  	s2 =	ssub.s32 s21, s19;
	s21 =	ssub.s32 s6, s5;
	s6 =	sld [smem:$0x4B7]  }
0x1b5: {  	s0 =	sadd.s32 s30, s0;
	s1 =	smul.u32 $0x88888889, s26;
	s5 =	sld [smem:$0x4BD]  }
0x1b6: {  	s26 =	spop (v2sf);
	[smem:$0x57B] =	sst s0  }
0x1b7: {  	(v2sf) =	vpush v14, $0x3;
	[smem:$0x588] =	sst s26  }
0x1b8: {  	[smem:$0x591] =	sst s1  }
0x1b9: {  	s0 =	sadd.s32 s9, s2;
	s9 =	sshra.s32 s26, $0x1F;
	s26 =	sld [smem:$0x4B5]  }
0x1ba: {  	s19 =	smulhi.u32 $0x88888889, s16;
	[smem:$0x57F] =	sst s0;
	s0 =	sadd.s32 s10, s3  }
0x1bb: {  	s23 =	smulhi.u32 $0x88888889, s22;
	[smem:$0x581] =	sst s0  }
0x1bc: {  	s30 =	smulhi.u32 $0x88888889, s28;
	s0 =	ssub.s32 s19, s16;
	s16 =	sld [smem:$0x4B3]  }
0x1bd: {  	s19 =	sld [smem:$0x4B4];
	s22 =	ssub.s32 s23, s22  }
0x1be: {  	s23 =	ssub.s32 s30, s28;
	s30 =	sld [smem:$0x4B6];
	s28 =	smulhi.u32 $0x88888889, s26  }
0x1bf: {  	s1 =	sadd.s32 s16, s21;
	s21 =	smul.u32 $0x88888889, s9;
	s9 =	sld [smem:$0x4B8]  }
0x1c0: {  	s0 =	sadd.s32 s19, s0;
	s19 =	sld [smem:$0x4B9]  }
0x1c1: {  	s16 =	ssub.s32 s28, s26;
	s28 =	sld [smem:$0x4BB]  }
0x1c2: {  	[smem:$0x586] =	sst s1  }
0x1c3: {  	[smem:$0x582] =	sst s0  }
0x1c4: {  	s0 =	sadd.s32 s30, s22;
	s30 =	sld [smem:$0x4BC]  }
0x1c5: {  	[smem:$0x597] =	sst s21  }
0x1c6: {  	s22 =	spop (v2sf);
	[smem:$0x589] =	sst s0  }
0x1c7: {  	[smem:$0x58C] =	sst s22  }
0x1c8: {  	(v2sf) =	vpush v14, $0x4;
	s0 =	sadd.s32 s6, s23;
	s23 =	sld [smem:$0x4BA]  }
0x1c9: {  	[smem:$0x58D] =	sst s0  }
0x1ca: {  	s10 =	smulhi.u32 $0x88888889, s9;
	s1 =	sadd.s32 s28, s16;
	s16 =	sld [smem:$0x4C0]  }
0x1cb: {  	[smem:$0x58E] =	sst s1  }
0x1cc: {  	s0 =	ssub.s32 s10, s9;
	s10 =	sld [smem:$0x4BF]  }
0x1cd: {  	s6 =	smulhi.u32 $0x88888889, s5;
	s9 =	sshra.s32 s22, $0x1F;
	s22 =	sld [smem:$0x4C1]  }
0x1ce: {  	s1 =	smul.u32 $0x88888889, s9;
	s9 =	sld [smem:$0x4BE]  }
0x1cf: {  	s21 =	smulhi.u32 $0x88888889, s19;
	s0 =	sadd.s32 s30, s0;
	s30 =	sld [smem:$0x4C2]  }
0x1d0: {  	[smem:$0x58A] =	sst s0  }
0x1d1: {  	s2 =	ssub.s32 s21, s19;
	s21 =	ssub.s32 s6, s5;
	[smem:$0x598] =	sst s1  }
0x1d2: {  	s26 =	smulhi.u32 $0x88888889, s23;
	s1 =	sadd.s32 s30, s21;
	s30 =	sld [smem:$0x4C6]  }
0x1d3: {  	(v2sf) =	vpush v14, $0x5;
	s0 =	sadd.s32 s9, s2;
	s2 =	sld [smem:$0x4CE]  }
0x1d4: {  	s3 =	ssub.s32 s26, s23;
	s23 =	smulhi.u32 $0x88888889, s22;
	[smem:$0x592] =	sst s0  }
0x1d5: {  	s19 =	smulhi.u32 $0x88888889, s16;
	[smem:$0x580] =	sst s1  }
0x1d6: {  	s26 =	smulhi.u32 $0x88888889, s12;
	s21 =	ssub.s32 s23, s22;
	s23 =	sld [smem:$0x4C4]  }
0x1d7: {  	s9 =	spop (v2sf);
	s1 =	sld [smem:$0x4C7]  }
0x1d8: {  	s0 =	sadd.s32 s10, s3;
	s22 =	ssub.s32 s26, s12;
	s12 =	sld [smem:$0x4C8]  }
0x1d9: {  	s28 =	sshra.s32 s9, $0x1F;
	[smem:$0x595] =	sst s0  }
0x1da: {  	s0 =	ssub.s32 s19, s16;
	s16 =	sld [smem:$0x4C3];
	s19 =	smul.u32 $0x88888889, s28  }
0x1db: {  	s28 =	sld [smem:$0x4C5]  }
0x1dc: {  	[smem:$0x5A1] =	sst s19  }
0x1dd: {  	s0 =	sadd.s32 s16, s0;
	s16 =	sld [smem:$0x4CB]  }
0x1de: {  	[smem:$0x579] =	sst s0;
	s0 =	sadd.s32 s28, s21  }
0x1df: {  	[smem:$0x583] =	sst s0  }
0x1e0: {  	s26 =	smulhi.u32 $0x88888889, s23;
	s0 =	sadd.s32 s30, s22;
	s22 =	sld [smem:$0x4C9]  }
0x1e1: {  	s6 =	smulhi.u32 $0x88888889, s1;
	s30 =	sld [smem:$0x4CA]  }
0x1e2: {  	(v2sf) =	vpush v14, $0x6;
	s10 =	ssub.s32 s26, s23;
	s28 =	spop (v2sf);
	[smem:$0x587] =	sst s0  }
0x1e3: {  	s26 =	sshra.s32 s28, $0x1F;
	s0 =	ssub.s32 s6, s1;
	s6 =	sld [smem:$0x4CF]  }
0x1e4: {  	s19 =	smul.u32 $0x88888889, s26;
	s0 =	sadd.s32 s16, s0;
	s16 =	sld [smem:$0x4D0]  }
0x1e5: {  	[smem:$0x58F] =	sst s0  }
0x1e6: {  	s21 =	smulhi.u32 $0x88888889, s12;
	[smem:$0x5A2] =	sst s19  }
0x1e7: {  	s23 =	smulhi.u32 $0x88888889, s22;
	s1 =	sadd.s32 s30, s10;
	s30 =	sld [smem:$0x4CD]  }
0x1e8: {  	[smem:$0x58B] =	sst s1  }
0x1e9: {  	(v2sf) =	vpush v14, $0x7;
	s21 =	ssub.s32 s21, s12;
	s22 =	ssub.s32 s23, s22;
	s23 =	sld [smem:$0x4CC]  }
0x1ea: {  	s0 =	sadd.s32 s30, s21;
	s21 =	sld [smem:$0x4D1]  }
0x1eb: {  	[smem:$0x593] =	sst s0  }
0x1ec: {  	s10 =	smulhi.u32 $0x88888889, s6;
	s0 =	sadd.s32 s2, s22;
	s2 =	sld [smem:$0x4D3]  }
0x1ed: {  	s19 =	smulhi.u32 $0x88888889, s16;
	s30 =	sld [smem:$0x4D2]  }
0x1ee: {  	s26 =	smulhi.u32 $0x88888889, s23;
	[smem:$0x596] =	sst s0;
	s0 =	ssub.s32 s10, s6  }
0x1ef: {  	s22 =	smulhi.u32 $0x88888889, s21;
	s0 =	sadd.s32 s2, s0;
	s2 =	sld [smem:$0x4D7]  }
0x1f0: {  	s16 =	ssub.s32 s19, s16;
	s12 =	ssub.s32 s26, s23;
	[smem:$0x599] =	sst s0  }
0x1f1: {  	s23 =	spop (v2sf);
	s19 =	ssub.s32 s22, s21;
	s21 =	sld [smem:$0x4D4]  }
0x1f2: {  	v15 =	vld [tilespmem:$0x90];
	s26 =	sshra.s32 s23, $0x1F;
	s1 =	sadd.s32 s30, s12;
	s30 =	sld [smem:$0x4D6]  }
0x1f3: {  	[smem:$0x59B] =	sst s1;
	s10 =	smul.u32 $0x88888889, s26  }
0x1f4: {  	s26 =	sld [smem:$0x4D5]  }
0x1f5: {  	[smem:$0x5A9] =	sst s10  }
0x1f6: {  	s10 =	sld [smem:$0x4D8]  }
0x1f7: {  	(v2sf) =	vpush v15, $0xD;
	s0 =	sadd.s32 s26, s16;
	s26 =	sld [smem:$0x4DA]  }
0x1f8: {  	s3 =	spop (v2sf);
	[smem:$0x59E] =	sst s0  }
0x1f9: {  	s22 =	smulhi.u32 $0x88888889, s21;
	s0 =	sadd.s32 s30, s19;
	s19 =	sld [smem:$0x4D9]  }
0x1fa: {  	s6 =	smulhi.u32 $0x88888889, s2;
	s30 =	sld [smem:$0x4DB]  }
0x1fb: {  	s5 =	ssub.s32 s22, s21;
	s22 =	sshra.s32 s3, $0x1F;
	[smem:$0x5A3] =	sst s0  }
0x1fc: {  	s1 =	sadd.s32 s26, s5;
	s5 =	smul.u32 $0x88888889, s22;
	s22 =	sld [smem:$0x4DE]  }
0x1fd: {  	s16 =	smulhi.u32 $0x88888889, s10;
	s26 =	sld [smem:$0x4DF]  }
0x1fe: {  	s0 =	ssub.s32 s6, s2;
	[smem:$0x59F] =	sst s1  }
0x1ff: {  	s21 =	smulhi.u32 $0x88888889, s19;
	s6 =	ssub.s32 s16, s10;
	s16 =	sld [smem:$0x4DC]  }
0x200: {  	s10 =	sld [smem:$0x4E1]  }
0x201: {  	s0 =	sadd.s32 s30, s0;
	s12 =	ssub.s32 s21, s19;
	s21 =	sld [smem:$0x4DD]  }
0x202: {  	[smem:$0x59C] =	sst s0  }
0x203: {  	[smem:$0x5AA] =	sst s5  }
0x204: {  	s19 =	smulhi.u32 $0x88888889, s16;
	s0 =	sadd.s32 s21, s6;
	s6 =	sld [smem:$0x4E0]  }
0x205: {  	(v2sf) =	vpush v15, $0xC;
	s30 =	smulhi.u32 $0x88888889, s26;
	[smem:$0x5A4] =	sst s0;
	s0 =	sadd.s32 s22, s12  }
0x206: {  	s2 =	ssub.s32 s19, s16;
	s19 =	spop (v2sf);
	[smem:$0x5A6] =	sst s0  }
0x207: {  	s22 =	sshra.s32 s19, $0x1F;
	s0 =	ssub.s32 s30, s26;
	s26 =	sld [smem:$0x4E2]  }
0x208: {  	s30 =	sld [smem:$0x4E3];
	s5 =	smul.u32 $0x88888889, s22  }
0x209: {  	s22 =	sld [smem:$0x4E4]  }
0x20a: {  	[smem:$0x5B2] =	sst s5  }
0x20b: {  	s5 =	sld [smem:$0x4E7]  }
0x20c: {  	s16 =	smulhi.u32 $0x88888889, s6;
	s0 =	sadd.s32 s30, s0;
	s30 =	sld [smem:$0x4E5]  }
0x20d: {  	s1 =	sadd.s32 s26, s2;
	s2 =	sld [smem:$0x4E8]  }
0x20e: {  	s12 =	ssub.s32 s16, s6;
	s16 =	sld [smem:$0x4E9]  }
0x20f: {  	(v2sf) =	vpush v15, $0xE;
	[smem:$0x59A] =	sst s1  }
0x210: {  	s26 =	smulhi.u32 $0x88888889, s22;
	[smem:$0x594] =	sst s0  }
0x211: {  	s21 =	smulhi.u32 $0x88888889, s10;
	s1 =	sld [smem:$0x4E6]  }
0x212: {  	s0 =	sadd.s32 s30, s12;
	s12 =	ssub.s32 s26, s22;
	s26 =	sld [smem:$0x4EA]  }
0x213: {  	s21 =	ssub.s32 s21, s10;
	s10 =	smulhi.u32 $0x88888889, s5;
	s30 =	sld [smem:$0x4EB]  }
0x214: {  	s22 =	spop (v2sf);
	[smem:$0x59D] =	sst s0;
	s0 =	sadd.s32 s1, s21  }
0x215: {  	s6 =	smulhi.u32 $0x88888889, s2;
	s21 =	sshra.s32 s22, $0x1F;
	[smem:$0x5A0] =	sst s0  }
0x216: {  	s0 =	ssub.s32 s10, s5;
	s5 =	smul.u32 $0x88888889, s21;
	s21 =	sld [smem:$0x4EC]  }
0x217: {  	s0 =	sadd.s32 s30, s0;
	s30 =	sld [smem:$0x4ED]  }
0x218: {  	s1 =	sadd.s32 s26, s12;
	s12 =	ssub.s32 s6, s2;
	s2 =	sld [smem:$0x4F0]  }
0x219: {  	s10 =	smulhi.u32 $0x88888889, s16;
	[smem:$0x5A5] =	sst s1  }
0x21a: {  	[smem:$0x5A7] =	sst s0  }
0x21b: {  	s16 =	ssub.s32 s10, s16;
	s10 =	sld [smem:$0x4EE]  }
0x21c: {  	s26 =	smulhi.u32 $0x88888889, s21;
	s0 =	sadd.s32 s30, s12;
	s12 =	sld [smem:$0x4EF]  }
0x21d: {  	[smem:$0x5B3] =	sst s5  }
0x21e: {  	[smem:$0x5AB] =	sst s0;
	s21 =	ssub.s32 s26, s21;
	s26 =	spop (v2sf)  }
0x21f: {  	s0 =	sadd.s32 s10, s16;
	s30 =	sshra.s32 s26, $0x1F;
	s16 =	smulhi.u32 $0x88888889, s12  }
0x220: {  	[smem:$0x5AC] =	sst s0;
	s30 =	smul.u32 $0x88888889, s30  }
0x221: {  	(v2sf) =	vpush v15, $0xF;
	s0 =	ssub.s32 s16, s12;
	s12 =	sld [smem:$0x4F1]  }
0x222: {  	[smem:$0x5BA] =	sst s30  }
0x223: {  	s16 =	sld [smem:$0x4F5]  }
0x224: {  	s1 =	sadd.s32 s12, s21;
	s21 =	sld [smem:$0x4F2]  }
0x225: {  	s6 =	smulhi.u32 $0x88888889, s2;
	s12 =	sld [smem:$0x4F4]  }
0x226: {  	s10 =	smulhi.u32 $0x88888889, s31;
	[smem:$0x5AF] =	sst s1  }
0x227: {  	s1 =	ssub.s32 s6, s2;
	s6 =	sld [smem:$0x4F3];
	s0 =	sadd.s32 s21, s0  }
0x228: {  	s2 =	ssub.s32 s10, s31;
	[smem:$0x5AD] =	sst s0;
	s0 =	sadd.s32 s12, s1  }
0x229: {  	(v2sf) =	vpush v15, $0x9;
	[smem:$0x5B4] =	sst s0;
	s0 =	sadd.s32 s16, s2  }
0x22a: {  	(v2sf) =	vpush v15, $0x8;
	[smem:$0x5B7] =	sst s0  }
0x22b: {  	s21 =	sld [smem:$0x4F6];
	_ =	sdelay $0x2  }
0x22c: {  	s30 =	smulhi.u32 $0x88888889, s21  }
0x22d: {  	s10 =	smulhi.u32 $0x88888889, s6  }
0x22e: {  	s12 =	spop (v2sf);
	s0 =	ssub.s32 s30, s21;
	s21 =	sld [smem:$0x4F9]  }
0x22f: {  	s2 =	sld [smem:$0x4F7];
	s30 =	sshra.s32 s12, $0x1F  }
0x230: {  	s31 =	ssub.s32 s10, s6;
	s10 =	sld [smem:$0x4F8];
	s5 =	smul.u32 $0x88888889, s30  }
0x231: {  	s1 =	sadd.s32 s21, s31;
	s31 =	sld [smem:$0x4FA]  }
0x232: {  	[smem:$0x5BB] =	sst s5  }
0x233: {  	s21 =	sld [smem:$0x4FB]  }
0x234: {  	s16 =	smulhi.u32 $0x88888889, s10;
	s5 =	sld [smem:$0x4FE]  }
0x235: {  	[smem:$0x5B5] =	sst s1  }
0x236: {  	s6 =	smulhi.u32 $0x88888889, s2;
	s16 =	ssub.s32 s16, s10;
	s1 =	sld [smem:$0x4FD]  }
0x237: {  	s0 =	sadd.s32 s31, s0;
	s31 =	sld [smem:$0x4FC];
	s10 =	smulhi.u32 $0x88888889, s5  }
0x238: {  	s30 =	smulhi.u32 $0x88888889, s21;
	[smem:$0x5B0] =	sst s0  }
0x239: {  	s6 =	ssub.s32 s6, s2;
	s5 =	ssub.s32 s10, s5;
	s10 =	sld [smem:$0x500]  }
0x23a: {  	s0 =	sadd.s32 s31, s6;
	s6 =	ssub.s32 s30, s21;
	s21 =	sld [smem:$0x501]  }
0x23b: {  	s2 =	spop (v2sf);
	[smem:$0x5B8] =	sst s0  }
0x23c: {  	s31 =	sshra.s32 s2, $0x1F;
	s0 =	sadd.s32 s1, s16;
	s1 =	sld [smem:$0x4FF]  }
0x23d: {  	s31 =	smul.u32 $0x88888889, s31;
	[smem:$0x5BE] =	sst s0  }
0x23e: {  	s0 =	sadd.s32 s21, s6;
	s21 =	sld [smem:$0x502]  }
0x23f: {  	[smem:$0x5C3] =	sst s31  }
0x240: {  	s31 =	sld [smem:$0x504]  }
0x241: {  	[smem:$0x5AE] =	sst s0  }
0x242: {  	s16 =	smulhi.u32 $0x88888889, s1;
	s0 =	sadd.s32 s21, s5;
	s21 =	sld [smem:$0x506]  }
0x243: {  	[smem:$0x5A8] =	sst s0  }
0x244: {  	(v2sf) =	vpush v15, $0xA;
	s30 =	smulhi.u32 $0x88888889, s10;
	s0 =	ssub.s32 s16, s1;
	s16 =	sld [smem:$0x503]  }
0x245: {  	s0 =	sadd.s32 s31, s0;
	s31 =	smulhi.u32 $0x88888889, s21  }
0x246: {  	s1 =	ssub.s32 s30, s10;
	s10 =	sld [smem:$0x505]  }
0x247: {  	s30 =	smulhi.u32 $0x88888889, s16;
	s5 =	ssub.s32 s31, s21;
	s21 =	sld [smem:$0x508]  }
0x248: {  	[smem:$0x5B1] =	sst s0  }
0x249: {  	s0 =	sadd.s32 s10, s1;
	s10 =	sld [smem:$0x507];
	s16 =	ssub.s32 s30, s16  }
0x24a: {  	s1 =	sadd.s32 s21, s16;
	s21 =	sld [smem:$0x509]  }
0x24b: {  	[smem:$0x5B6] =	sst s0  }
0x24c: {  	[smem:$0x5B9] =	sst s1  }
0x24d: {  	s6 =	spop (v2sf);
	s1 =	sadd.s32 s21, s5;
	s5 =	sld [smem:$0x50A]  }
0x24e: {  	s0 =	sshra.s32 s6, $0x1F;
	s30 =	smulhi.u32 $0x88888889, s10;
	s21 =	sld [smem:$0x50B]  }
0x24f: {  	s0 =	smul.u32 $0x88888889, s0;
	[smem:$0x5BC] =	sst s1  }
0x250: {  	s31 =	smulhi.u32 $0x88888889, s4;
	s1 =	ssub.s32 s30, s10;
	s30 =	sld [smem:$0x50C]  }
0x251: {  	(v2sf) =	vpush v15, $0xB;
	[smem:$0x5C4] =	sst s0;
	s0 =	sadd.s32 s21, s1  }
0x252: {  	s4 =	ssub.s32 s31, s4;
	s16 =	smulhi.u32 $0x88888889, s5;
	[smem:$0x5BF] =	sst s0  }
0x253: {  	s21 =	spop (v2sf);
	s0 =	sadd.s32 s30, s4;
	s4 =	sld [smem:$0x50F]  }
0x254: {  	s31 =	smulhi.u32 $0x88888889, s17;
	s10 =	sshra.s32 s21, $0x1F;
	[smem:$0x5C0] =	sst s0  }
0x255: {  	s1 =	ssub.s32 s16, s5;
	s5 =	sld [smem:$0x50D];
	s10 =	smul.u32 $0x88888889, s10  }
0x256: {  	s0 =	ssub.s32 s31, s17;
	s31 =	sld [smem:$0x50E]  }
0x257: {  	[smem:$0x5CB] =	sst s10  }
0x258: {  	s0 =	sadd.s32 s4, s0;
	s4 =	sld [smem:$0x514]  }
0x259: {  	[smem:$0x5C1] =	sst s0  }
0x25a: {  	s16 =	smulhi.u32 $0x88888889, s5;
	s1 =	sadd.s32 s31, s1;
	s31 =	sld [smem:$0x510]  }
0x25b: {  	(v2sf) =	vpush v15, $0x1;
	[smem:$0x5C5] =	sst s1  }
0x25c: {  	s30 =	smulhi.u32 $0x88888889, s14;
	s1 =	sld [smem:$0x511];
	s16 =	ssub.s32 s16, s5  }
0x25d: {  	s17 =	smulhi.u32 $0x88888889, s7;
	s0 =	sadd.s32 s31, s16;
	s16 =	sld [smem:$0x512]  }
0x25e: {  	s31 =	sld [smem:$0x513]  }
0x25f: {  	s17 =	ssub.s32 s17, s7;
	s7 =	ssub.s32 s30, s14;
	[smem:$0x5C8] =	sst s0  }
0x260: {  	s14 =	spop (v2sf);
	s0 =	sadd.s32 s1, s17;
	s17 =	sld [smem:$0x515]  }
0x261: {  	s30 =	sshra.s32 s14, $0x1F;
	s5 =	smulhi.u32 $0x88888889, s15;
	[smem:$0x5CF] =	sst s0  }
0x262: {  	s1 =	sadd.s32 s31, s7;
	s7 =	smul.u32 $0x88888889, s30;
	s30 =	sld [smem:$0x516]  }
0x263: {  	s0 =	ssub.s32 s5, s15;
	s10 =	smulhi.u32 $0x88888889, s16;
	s31 =	sld [smem:$0x517]  }
0x264: {  	s0 =	sadd.s32 s4, s0;
	[smem:$0x5C9] =	sst s1  }
0x265: {  	s15 =	smulhi.u32 $0x88888889, s20;
	[smem:$0x5C6] =	sst s0;
	s10 =	ssub.s32 s10, s16  }
0x266: {  	[smem:$0x5CC] =	sst s7;
	s0 =	sadd.s32 s30, s10  }
0x267: {  	s16 =	ssub.s32 s15, s20;
	s20 =	smulhi.u32 $0x88888889, s17;
	[smem:$0x5CD] =	sst s0  }
0x268: {  	s0 =	sadd.s32 s31, s16;
	s31 =	sld [smem:$0x51A]  }
0x269: {  	s10 =	ssub.s32 s20, s17;
	s20 =	smulhi.u32 $0x88888889, s25;
	[smem:$0x5D0] =	sst s0  }
0x26a: {  	(v2sf) =	vpush v15, $0x0;
	s7 =	spop (v2sf);
	s0 =	sld [smem:$0x518]  }
0x26b: {  	s15 =	sld [smem:$0x519];
	s30 =	sshra.s32 s7, $0x1F;
	s17 =	ssub.s32 s20, s25  }
0x26c: {  	s20 =	sld [smem:$0x51C];
	s1 =	sadd.s32 s31, s10;
	s10 =	smul.u32 $0x88888889, s30  }
0x26d: {  	s30 =	sld [smem:$0x51D];
	s4 =	smulhi.u32 $0x88888889, s0  }
0x26e: {  	s31 =	sld [smem:$0x51E]  }
0x26f: {  	s0 =	ssub.s32 s4, s0;
	s4 =	sld [smem:$0x51B]  }
0x270: {  	s16 =	smulhi.u32 $0x88888889, s15;
	[smem:$0x5C2] =	sst s1  }
0x271: {  	[smem:$0x5D4] =	sst s10  }
0x272: {  	s15 =	ssub.s32 s16, s15;
	s10 =	sld [smem:$0x521];
	s0 =	sadd.s32 s4, s0  }
0x273: {  	[smem:$0x5BD] =	sst s0;
	s0 =	sadd.s32 s30, s15  }
0x274: {  	[smem:$0x5C7] =	sst s0;
	s0 =	sadd.s32 s31, s17  }
0x275: {  	[smem:$0x5CA] =	sst s0  }
0x276: {  	s0 =	sld [smem:$0x51F]  }
0x277: {  	s25 =	smulhi.u32 $0x88888889, s20;
	s30 =	sld [smem:$0x522]  }
0x278: {  	s16 =	smulhi.u32 $0x88888889, s10;
	s15 =	sld [smem:$0x520]  }
0x279: {  	(v2sf) =	vpush v15, $0x2;
	s5 =	ssub.s32 s25, s20;
	s31 =	spop (v2sf);
	s4 =	smulhi.u32 $0x88888889, s0  }
0x27a: {  	s25 =	sshra.s32 s31, $0x1F;
	s1 =	sadd.s32 s30, s5;
	s30 =	sld [smem:$0x524]  }
0x27b: {  	s17 =	smul.u32 $0x88888889, s25;
	s0 =	ssub.s32 s4, s0;
	s4 =	sld [smem:$0x523]  }
0x27c: {  	s25 =	ssub.s32 s16, s10;
	s16 =	sld [smem:$0x525]  }
0x27d: {  	s20 =	smulhi.u32 $0x88888889, s15;
	[smem:$0x5D5] =	sst s17  }
0x27e: {  	s17 =	sld [smem:$0x526];
	s0 =	sadd.s32 s4, s0  }
0x27f: {  	s20 =	ssub.s32 s20, s15;
	[smem:$0x5D1] =	sst s0  }
0x280: {  	s0 =	sadd.s32 s16, s20;
	s20 =	sld [smem:$0x527]  }
0x281: {  	(v2sf) =	vpush v15, $0x3;
	s5 =	sld [smem:$0x528]  }
0x282: {  	[smem:$0x5CE] =	sst s1  }
0x283: {  	[smem:$0x5D2] =	sst s0;
	s0 =	sadd.s32 s17, s25;
	s25 =	smulhi.u32 $0x88888889, s20  }
0x284: {  	s10 =	smulhi.u32 $0x88888889, s30;
	[smem:$0x5D6] =	sst s0  }
0x285: {  	s15 =	smulhi.u32 $0x88888889, s5;
	s0 =	ssub.s32 s25, s20;
	s25 =	sld [smem:$0x52A]  }
0x286: {  	s20 =	sld [smem:$0x529]  }
0x287: {  	s30 =	ssub.s32 s10, s30;
	s4 =	ssub.s32 s15, s5;
	s15 =	sld [smem:$0x52C]  }
0x288: {  	s10 =	spop (v2sf);
	s1 =	sadd.s32 s25, s30;
	s30 =	sld [smem:$0x52B]  }
0x289: {  	s17 =	sshra.s32 s10, $0x1F;
	s16 =	smulhi.u32 $0x88888889, s20;
	[smem:$0x5D8] =	sst s1  }
0x28a: {  	s1 =	smul.u32 $0x88888889, s17;
	s17 =	sld [smem:$0x52F]  }
0x28b: {  	s5 =	ssub.s32 s16, s20;
	s16 =	sld [smem:$0x52E]  }
0x28c: {  	s0 =	sadd.s32 s30, s0;
	s30 =	sld [smem:$0x52D]  }
0x28d: {  	s20 =	smulhi.u32 $0x88888889, s15;
	[smem:$0x5DA] =	sst s1  }
0x28e: {  	[smem:$0x5D7] =	sst s0;
	s25 =	smulhi.u32 $0x88888889, s17  }
0x28f: {  	s0 =	sadd.s32 s30, s4;
	s30 =	ssub.s32 s20, s15;
	s20 =	sld [smem:$0x530]  }
0x290: {  	[smem:$0x5DC] =	sst s0;
	s0 =	sadd.s32 s16, s5;
	s5 =	spop (v2sf)  }
0x291: {  	s16 =	smulhi.u32 $0x88888889, s29;
	[smem:$0x5E1] =	sst s0  }
0x292: {  	(v2sf) =	vpush v15, $0x4;
	s0 =	ssub.s32 s25, s17;
	s17 =	sshra.s32 s5, $0x1F;
	s25 =	sld [smem:$0x531]  }
0x293: {  	s4 =	smul.u32 $0x88888889, s17;
	s17 =	sld [smem:$0x533]  }
0x294: {  	s29 =	ssub.s32 s16, s29;
	s16 =	sld [smem:$0x537]  }
0x295: {  	s15 =	smulhi.u32 $0x88888889, s20;
	s1 =	sadd.s32 s25, s30;
	s30 =	sld [smem:$0x532]  }
0x296: {  	[smem:$0x5DB] =	sst s4  }
0x297: {  	s25 =	ssub.s32 s15, s20;
	s20 =	sld [smem:$0x535]  }
0x298: {  	s15 =	sld [smem:$0x534];
	s0 =	sadd.s32 s30, s0  }
0x299: {  	[smem:$0x5DD] =	sst s0  }
0x29a: {  	s0 =	sadd.s32 s20, s25;
	s25 =	sld [smem:$0x536]  }
0x29b: {  	[smem:$0x5DF] =	sst s1  }
0x29c: {  	[smem:$0x5E2] =	sst s0  }
0x29d: {  	s30 =	smulhi.u32 $0x88888889, s15;
	s0 =	sadd.s32 s25, s29;
	s29 =	sld [smem:$0x538]  }
0x29e: {  	v16 =	vmov s17;
	s1 =	sld [smem:$0x539]  }
0x29f: {  	v16 =	vnsel vm3, $0x0, v16;
	s4 =	ssub.s32 s30, s15;
	s30 =	sld [smem:$0x53A]  }
0x2a0: {  	v17 =	vsel vm0, s29, v16;
	s29 =	sld [smem:$0x53D]  }
0x2a1: {  	s20 =	spop (v2sf);
	s25 =	sld [smem:$0x53B]  }
0x2a2: {  	s17 =	sshra.s32 s20, $0x1F;
	[smem:$0x5E8] =	sst s0;
	v18 =	vmov s30  }
0x2a3: {  	s17 =	smul.u32 $0x88888889, s17;
	v18 =	vsel vm0, s29, v18;
	s29 =	sld [smem:$0x53E]  }
0x2a4: {  	s30 =	sld [smem:$0x53C]  }
0x2a5: {  	[smem:$0x5E4] =	sst s17  }
0x2a6: {  	v19 =	vmov s29;
	s29 =	sld [smem:$0x53F]  }
0x2a7: {  	v17 =	vsel vm1, s25, v17;
	s25 =	sld [smem:$0x542]  }
0x2a8: {  	s17 =	sld [smem:$0x546]  }
0x2a9: {  	v17 =	vsel vm2, s29, v17;
	s29 =	sld [smem:$0x540]  }
0x2aa: {  	v18 =	vsel vm1, s25, v18;
	s25 =	sld [smem:$0x547]  }
0x2ab: {  	v18 =	vsel vm2, s17, v18;
	s17 =	sld [smem:$0x54A]  }
0x2ac: {  	s0 =	smulhi.u32 $0x88888889, s16;
	s4 =	sadd.s32 s29, s4;
	s29 =	sld [smem:$0x541]  }
0x2ad: {  	[smem:$0x5D9] =	sst s4  }
0x2ae: {  	s0 =	ssub.s32 s0, s16;
	s4 =	sld [smem:$0x544]  }
0x2af: {  	s16 =	smulhi.u32 $0x88888889, s30;
	s0 =	sadd.s32 s29, s0;
	s29 =	sld [smem:$0x543]  }
0x2b0: {  	[smem:$0x5D3] =	sst s0  }
0x2b1: {  	s15 =	smulhi.u32 $0x88888889, s1;
	v17 =	vsel vm4, s4, v17;
	s4 =	ssub.s32 s16, s30;
	s30 =	sld [smem:$0x549]  }
0x2b2: {  	v19 =	vsel vm0, s29, v19;
	s29 =	sld [smem:$0x548]  }
0x2b3: {  	s0 =	ssub.s32 s15, s1;
	s1 =	sld [smem:$0x54B]  }
0x2b4: {  	(v2sf) =	vpush v15, $0x5;
	s0 =	sadd.s32 s30, s0;
	s30 =	sld [smem:$0x54F]  }
0x2b5: {  	v17 =	vsel vm5, s29, v17;
	s29 =	sld [smem:$0x54D]  }
0x2b6: {  	[smem:$0x5DE] =	sst s0;
	s0 =	sadd.s32 s17, s4  }
0x2b7: {  	[smem:$0x5E0] =	sst s0;
	s0 =	smulhi.u32 $0x88888889, s1  }
0x2b8: {  	v17 =	vsel vm6, s29, v17;
	s29 =	sld [smem:$0x550]  }
0x2b9: {  	s0 =	ssub.s32 s0, s1;
	s1 =	sld [smem:$0x553]  }
0x2ba: {  	s16 =	sld [smem:$0x545]  }
0x2bb: {  	v19 =	vsel vm1, s25, v19;
	s25 =	sld [smem:$0x54C];
	v62 =	vmov s29  }
0x2bc: {  	v61 =	vsel vm7, s30, v17;
	v17 =	vsel vm0, s1, v62;
	s1 =	sld [smem:$0x554];
	_ =	sdelay $0x1  }
0x2bd: {  	v20 =	vsel vm2, s25, v19;
	s25 =	sld [smem:$0x54E]  }
0x2be: {  	s15 =	smulhi.u32 $0x88888889, s16;
	v22 =	vmov s1;
	s1 =	sld [smem:$0x555]  }
0x2bf: {  	s30 =	sld [smem:$0x551]  }
0x2c0: {  	s4 =	ssub.s32 s15, s16;
	s29 =	sld [smem:$0x552]  }
0x2c1: {  	s1 =	sadd.s32 s1, s4;
	s4 =	sld [smem:$0x556]  }
0x2c2: {  	s17 =	spop (v2sf);
	[smem:$0x5E3] =	sst s1  }
0x2c3: {  	s15 =	smulhi.u32 $0x88888889, s25;
	v21 =	vmov s30;
	s30 =	sshra.s32 s17, $0x1F;
	s1 =	sld [smem:$0x558]  }
0x2c4: {  	s0 =	sadd.s32 s4, s0;
	s4 =	smul.u32 $0x88888889, s30;
	s30 =	sld [smem:$0x557]  }
0x2c5: {  	[smem:$0x5E6] =	sst s0  }
0x2c6: {  	s0 =	ssub.s32 s15, s25;
	s25 =	sld [smem:$0x55C]  }
0x2c7: {  	v17 =	vsel vm1, s30, v17;
	s30 =	sld [smem:$0x55B]  }
0x2c8: {  	[smem:$0x5E5] =	sst s4  }
0x2c9: {  	s4 =	sld [smem:$0x559]  }
0x2ca: {  	v63 =	vsel vm2, s30, v17;
	s30 =	sld [smem:$0x55E]  }
0x2cb: {  	(v2sf) =	vpush v15, $0x6;
	s16 =	smulhi.u32 $0x88888889, s29;
	v23 =	vsel vm0, s1, v22;
	s1 =	sld [smem:$0x55F]  }
0x2cc: {  	v21 =	vnsel vm3, $0x0, v21;
	v34 =	vsel vm1, s25, v23;
	s25 =	sld [smem:$0x561]  }
0x2cd: {  	v21 =	vsel vm0, s4, v21;
	s4 =	ssub.s32 s16, s29;
	s29 =	sld [smem:$0x55D];
	s0 =	sadd.s32 s30, s0  }
0x2ce: {  	[smem:$0x5E9] =	sst s0;
	s0 =	smulhi.u32 $0x88888889, s18  }
0x2cf: {  	s30 =	sld [smem:$0x563]  }
0x2d0: {  	v21 =	vsel vm1, s29, v21;
	s0 =	ssub.s32 s0, s18;
	s18 =	sld [smem:$0x566]  }
0x2d1: {  	s16 =	sld [smem:$0x55A];
	v35 =	vsel vm2, s25, v21  }
0x2d2: {  	v17 =	vsel vm4, s30, v35;
	s30 =	sld [smem:$0x564]  }
0x2d3: {  	v17 =	vsel vm5, s18, v17;
	s18 =	sld [smem:$0x567];
	_ =	sdelay $0x1  }
0x2d4: {  	s29 =	sadd.s32 s1, s4;
	s4 =	sld [smem:$0x560];
	v36 =	vmov s30  }
0x2d5: {  	s15 =	smulhi.u32 $0x88888889, s16;
	v21 =	vsel vm0, s18, v36;
	s18 =	sld [smem:$0x568]  }
0x2d6: {  	s25 =	sld [smem:$0x562]  }
0x2d7: {  	v23 =	vsel vm2, s4, v34;
	s4 =	ssub.s32 s15, s16;
	s30 =	sld [smem:$0x565]  }
0x2d8: {  	s4 =	sadd.s32 s18, s4;
	s18 =	sld [smem:$0x569]  }
0x2d9: {  	s15 =	spop (v2sf);
	[smem:$0x5EE] =	sst s4  }
0x2da: {  	s16 =	smulhi.u32 $0x88888889, s25;
	s1 =	sshra.s32 s15, $0x1F;
	s4 =	sld [smem:$0x56B]  }
0x2db: {  	s0 =	sadd.s32 s18, s0;
	s18 =	smul.u32 $0x88888889, s1;
	s1 =	sld [smem:$0x56A]  }
0x2dc: {  	[smem:$0x5EC] =	sst s0  }
0x2dd: {  	s0 =	ssub.s32 s16, s25;
	s16 =	sld [smem:$0x56D]  }
0x2de: {  	[smem:$0x5EA] =	sst s18  }
0x2df: {  	v24 =	vmov s30;
	s30 =	smulhi.u32 $0x88888889, s13;
	s18 =	sld [smem:$0x56C]  }
0x2e0: {  	s25 =	sld [smem:$0x56E]  }
0x2e1: {  	v24 =	vnsel vm3, $0x0, v24;
	v17 =	vsel vm6, s1, v17;
	s1 =	ssub.s32 s30, s13;
	s30 =	sld [smem:$0x56F]  }
0x2e2: {  	v24 =	vsel vm0, s18, v24;
	s18 =	sld [smem:$0x570]  }
0x2e3: {  	(v2sf) =	vpush v15, $0x7;
	v21 =	vsel vm1, s4, v21;
	v25 =	vsel vm7, s25, v17;
	s25 =	sld [smem:$0x571]  }
0x2e4: {  	v21 =	vsel vm2, s30, v21;
	s30 =	sld [smem:$0x572]  }
0x2e5: {  	v37 =	vsel vm1, s18, v24;
	s18 =	sld [smem:$0x573]  }
0x2e6: {  	s13 =	sld [smem:$0x574];
	s0 =	sadd.s32 s25, s0  }
0x2e7: {  	[smem:$0x5F0] =	sst s0;
	s0 =	sadd.s32 s30, s1  }
0x2e8: {  	[smem:$0x5F3] =	sst s0;
	s0 =	smulhi.u32 $0x88888889, s18  }
0x2e9: {  	s30 =	sld [smem:$0x577]  }
0x2ea: {  	s0 =	ssub.s32 s0, s18;
	s18 =	sld [smem:$0x57A]  }
0x2eb: {  	v38 =	vmov s13;
	s25 =	sld [smem:$0x575]  }
0x2ec: {  	v24 =	vsel vm0, s30, v38;
	s30 =	sld [smem:$0x578]  }
0x2ed: {  	v24 =	vsel vm1, s18, v24;
	s18 =	sld [smem:$0x57B]  }
0x2ee: {  	v17 =	vsel vm2, s25, v37  }
0x2ef: {  	v17 =	vsel vm4, s30, v17;
	s30 =	sld [smem:$0x579]  }
0x2f0: {  	s4 =	smulhi.u32 $0x88888889, s16;
	v17 =	vsel vm5, s18, v17;
	s18 =	sld [smem:$0x57C]  }
0x2f1: {  	_ = 	snop  }
0x2f2: {  	s13 =	spop (v2sf);
	s1 =	ssub.s32 s4, s16;
	s25 =	sld [smem:$0x576]  }
0x2f3: {  	v26 =	vmov s30;
	s30 =	sshra.s32 s13, $0x1F;
	s1 =	sadd.s32 s18, s1;
	s18 =	sld [smem:$0x57D]  }
0x2f4: {  	v16 =	vld [tilespmem:$0xA0];
	[smem:$0x5F6] =	sst s1;
	s1 =	smul.u32 $0x88888889, s30  }
0x2f5: {  	s30 =	sld [smem:$0x57F]  }
0x2f6: {  	[smem:$0x5EB] =	sst s1  }
0x2f7: {  	s0 =	sadd.s32 s18, s0;
	s18 =	sld [smem:$0x57E]  }
0x2f8: {  	s4 =	smulhi.u32 $0x88888889, s25;
	s1 =	sld [smem:$0x580]  }
0x2f9: {  	(v2sf) =	vpush v16, $0xD;
	[smem:$0x5F4] =	sst s0  }
0x2fa: {  	s16 =	smulhi.u32 $0x88888889, s11;
	s0 =	ssub.s32 s4, s25;
	s25 =	sld [smem:$0x583]  }
0x2fb: {  	v27 =	vnsel vm3, $0x0, v26;
	v17 =	vsel vm6, s30, v17;
	s30 =	sld [smem:$0x584]  }
0x2fc: {  	v27 =	vsel vm0, s1, v27;
	s1 =	ssub.s32 s16, s11;
	s16 =	sld [smem:$0x581]  }
0x2fd: {  	v26 =	vsel vm2, s18, v24;
	s18 =	sld [smem:$0x582]  }
0x2fe: {  	v27 =	vsel vm1, s25, v27;
	s25 =	sld [smem:$0x587]  }
0x2ff: {  	s0 =	sadd.s32 s30, s0;
	s30 =	sld [smem:$0x589]  }
0x300: {  	v39 =	vmov s18;
	s18 =	sld [smem:$0x586]  }
0x301: {  	[smem:$0x5F8] =	sst s0  }
0x302: {  	v24 =	vsel vm7, s16, v17;
	s16 =	sld [smem:$0x585]  }
0x303: {  	v27 =	vsel vm2, s25, v27;
	s25 =	sld [smem:$0x58B];
	v17 =	vsel vm0, s18, v39  }
0x304: {  	v17 =	vsel vm1, s30, v17;
	s30 =	sld [smem:$0x58D]  }
0x305: {  	s18 =	sld [smem:$0x588]  }
0x306: {  	s4 =	smulhi.u32 $0x88888889, s24;
	s0 =	sadd.s32 s16, s1;
	s16 =	sld [smem:$0x58A]  }
0x307: {  	v29 =	vsel vm4, s25, v27;
	v27 =	vsel vm2, s30, v17;
	s30 =	sld [smem:$0x58E]  }
0x308: {  	s1 =	ssub.s32 s4, s24;
	s24 =	spop (v2sf);
	[smem:$0x5FA] =	sst s0  }
0x309: {  	s0 =	smulhi.u32 $0x88888889, s8;
	s25 =	sld [smem:$0x58C];
	s11 =	sshra.s32 s24, $0x1F;
	v28 =	vmov s16  }
0x30a: {  	s16 =	smul.u32 $0x88888889, s11;
	v40 =	vsel vm0, s30, v28;
	s30 =	sld [smem:$0x58F]  }
0x30b: {  	s4 =	smulhi.u32 $0x88888889, s18;
	s11 =	sld [smem:$0x594]  }
0x30c: {  	s0 =	ssub.s32 s0, s8;
	s8 =	smulhi.u32 $0x88888889, s25;
	[smem:$0x5F2] =	sst s16  }
0x30d: {  	v41 =	vsel vm5, s30, v29;
	s30 =	sld [smem:$0x590]  }
0x30e: {  	s16 =	ssub.s32 s4, s18;
	s18 =	ssub.s32 s8, s25;
	s25 =	sld [smem:$0x595]  }
0x30f: {  	v30 =	vmov s11;
	s11 =	sld [smem:$0x597]  }
0x310: {  	s1 =	sadd.s32 s30, s1;
	s30 =	sld [smem:$0x591]  }
0x311: {  	[smem:$0x5ED] =	sst s1  }
0x312: {  	s1 =	sld [smem:$0x593]  }
0x313: {  	s0 =	sadd.s32 s30, s0;
	s30 =	sld [smem:$0x592]  }
0x314: {  	[smem:$0x5E7] =	sst s0  }
0x315: {  	(v2sf) =	vpush v16, $0xC;
	s0 =	sadd.s32 s11, s16;
	s16 =	sld [smem:$0x598]  }
0x316: {  	s11 =	sld [smem:$0x59C]  }
0x317: {  	[smem:$0x5EF] =	sst s0  }
0x318: {  	v17 =	vsel vm1, s30, v40;
	s30 =	sld [smem:$0x596]  }
0x319: {  	s0 =	sadd.s32 s16, s18;
	s18 =	sld [smem:$0x599]  }
0x31a: {  	v29 =	vsel vm2, s25, v17;
	s25 =	sld [smem:$0x59A]  }
0x31b: {  	s16 =	sld [smem:$0x59D]  }
0x31c: {  	v28 =	vsel vm6, s1, v41;
	[smem:$0x5F1] =	sst s0  }
0x31d: {  	v28 =	vsel vm7, s30, v28;
	s30 =	sld [smem:$0x59B]  }
0x31e: {  	v42 =	vnsel vm3, $0x0, v30;
	s0 =	smulhi.u32 $0x88888889, s28;
	v43 =	vmov s18;
	s18 =	sld [smem:$0x59E]  }
0x31f: {  	s8 =	smulhi.u32 $0x88888889, s3;
	v17 =	vsel vm0, s25, v42;
	s25 =	sld [smem:$0x59F]  }
0x320: {  	s0 =	ssub.s32 s0, s28;
	s28 =	sld [smem:$0x5A0]  }
0x321: {  	s4 =	smulhi.u32 $0x88888889, s9;
	v17 =	vsel vm1, s16, v17;
	s16 =	ssub.s32 s8, s3;
	s8 =	sld [smem:$0x5AA]  }
0x322: {  	v30 =	vsel vm0, s30, v43;
	s30 =	sld [smem:$0x5A1]  }
0x323: {  	s1 =	ssub.s32 s4, s9;
	s4 =	smulhi.u32 $0x88888889, s23;
	v31 =	vmov s11;
	v30 =	vsel vm1, s18, v30;
	s18 =	sld [smem:$0x5A2]  }
0x324: {  	s9 =	spop (v2sf);
	v31 =	vsel vm0, s25, v31;
	s25 =	sld [smem:$0x5A3]  }
0x325: {  	(v2sf) =	vpush v16, $0xE;
	s11 =	sshra.s32 s9, $0x1F;
	v17 =	vsel vm2, s28, v17;
	s28 =	sld [smem:$0x5A4];
	s1 =	sadd.s32 s30, s1  }
0x326: {  	s30 =	smul.u32 $0x88888889, s11;
	s11 =	ssub.s32 s4, s23;
	s23 =	sld [smem:$0x5A7]  }
0x327: {  	[smem:$0x5F5] =	sst s1  }
0x328: {  	s1 =	sld [smem:$0x5A5]  }
0x329: {  	s0 =	sadd.s32 s18, s0;
	s18 =	sld [smem:$0x5A6]  }
0x32a: {  	v30 =	vsel vm2, s25, v30;
	s25 =	sld [smem:$0x5A8]  }
0x32b: {  	v31 =	vsel vm1, s28, v31;
	s28 =	sld [smem:$0x5A9]  }
0x32c: {  	s3 =	smulhi.u32 $0x88888889, s19;
	[smem:$0x5F7] =	sst s0  }
0x32d: {  	v32 =	vsel vm2, s18, v31;
	s18 =	sld [smem:$0x5AC]  }
0x32e: {  	v17 =	vsel vm4, s1, v17;
	s1 =	ssub.s32 s3, s19;
	s19 =	sld [smem:$0x5AD]  }
0x32f: {  	v44 =	vmov s25;
	s0 =	sadd.s32 s28, s11;
	s25 =	sld [smem:$0x5AE]  }
0x330: {  	[smem:$0x5F9] =	sst s0  }
0x331: {  	s11 =	smulhi.u32 $0x88888889, s22;
	s0 =	sadd.s32 s8, s16;
	s16 =	sld [smem:$0x5AB]  }
0x332: {  	[smem:$0x5FB] =	sst s0  }
0x333: {  	s0 =	ssub.s32 s11, s22;
	s22 =	sld [smem:$0x5B2]  }
0x334: {  	v17 =	vsel vm5, s23, v17;
	v33 =	vnsel vm3, $0x0, v44;
	s23 =	spop (v2sf);
	v45 =	vmov s19;
	s19 =	sld [smem:$0x5B1]  }
0x335: {  	s28 =	sshra.s32 s23, $0x1F;
	v33 =	vsel vm0, s25, v33;
	s25 =	sld [smem:$0x5B3]  }
0x336: {  	(v2sf) =	vpush v16, $0xF;
	s3 =	smul.u32 $0x88888889, s28;
	s28 =	sld [smem:$0x5B4]  }
0x337: {  	v17 =	vsel vm6, s16, v17;
	s16 =	sld [smem:$0x5AF]  }
0x338: {  	v31 =	vsel vm7, s18, v17;
	s18 =	sld [smem:$0x5B0]  }
0x339: {  	s8 =	smulhi.u32 $0x88888889, s12;
	s11 =	sadd.s32 s22, s1;
	s1 =	sld [smem:$0x5B5]  }
0x33a: {  	s22 =	sadd.s32 s25, s0;
	s25 =	sld [smem:$0x5B7]  }
0x33b: {  	s4 =	smulhi.u32 $0x88888889, s26;
	v33 =	vsel vm1, s19, v33;
	s19 =	ssub.s32 s8, s12;
	s12 =	sld [smem:$0x5BA]  }
0x33c: {  	v17 =	vsel vm0, s16, v45;
	s16 =	sld [smem:$0x5B6]  }
0x33d: {  	v34 =	vmov s18;
	s18 =	ssub.s32 s4, s26;
	s26 =	sld [smem:$0x5B8]  }
0x33e: {  	v17 =	vsel vm1, s28, v17;
	s28 =	sld [smem:$0x5B9]  }
0x33f: {  	v35 =	vsel vm2, s16, v33;
	s16 =	sld [smem:$0x5BB]  }
0x340: {  	v34 =	vsel vm0, s1, v34;
	v33 =	vsel vm2, s25, v17;
	s25 =	sld [smem:$0x5BD]  }
0x341: {  	s12 =	sadd.s32 s12, s18;
	s18 =	smulhi.u32 $0x88888889, s6;
	v46 =	vsel vm1, s26, v34;
	s26 =	sld [smem:$0x5BE]  }
0x342: {  	v47 =	vsel vm4, s28, v35;
	s28 =	sld [smem:$0x5BF]  }
0x343: {  	s1 =	ssub.s32 s18, s6;
	s18 =	sld [smem:$0x5C0]  }
0x344: {  	s4 =	smulhi.u32 $0x88888889, s2;
	s6 =	sld [smem:$0x5C3]  }
0x345: {  	s0 =	spop (v2sf);
	s16 =	sadd.s32 s16, s19;
	s19 =	sld [smem:$0x5BC]  }
0x346: {  	s2 =	ssub.s32 s4, s2;
	v36 =	vmov s25;
	s25 =	sld [smem:$0x5C2];
	v35 =	vsel vm2, s26, v46;
	s26 =	sshra.s32 s0, $0x1F  }
0x347: {  	s4 =	sadd.s32 s6, s2;
	s2 =	smul.u32 $0x88888889, s26;
	s26 =	sld [smem:$0x5C7]  }
0x348: {  	v36 =	vnsel vm3, $0x0, v36;
	v34 =	vsel vm5, s19, v47;
	s19 =	sld [smem:$0x5C1]  }
0x349: {  	v36 =	vsel vm0, s25, v36;
	s25 =	sld [smem:$0x5C6];
	v48 =	vsel vm6, s28, v34  }
0x34a: {  	v34 =	vsel vm7, s18, v48;
	s18 =	sld [smem:$0x5C4]  }
0x34b: {  	v49 =	vmov s19;
	s19 =	sld [smem:$0x5C5]  }
0x34c: {  	(v2sf) =	vpush v16, $0x9;
	v37 =	vmov s25;
	s25 =	sld [smem:$0x5CB]  }
0x34d: {  	s8 =	smulhi.u32 $0x88888889, s21;
	s6 =	sadd.s32 s18, s1;
	s18 =	sld [smem:$0x5C8]  }
0x34e: {  	v17 =	vsel vm0, s19, v49;
	s19 =	sld [smem:$0x5C9]  }
0x34f: {  	s1 =	ssub.s32 s8, s21;
	s21 =	sld [smem:$0x5CA]  }
0x350: {  	v17 =	vsel vm1, s18, v17;
	s18 =	sld [smem:$0x5CD]  }
0x351: {  	s28 =	smulhi.u32 $0x88888889, s14;
	v36 =	vsel vm1, s26, v36;
	v37 =	vsel vm0, s19, v37;
	s19 =	sld [smem:$0x5CE]  }
0x352: {  	v36 =	vsel vm2, s21, v36;
	s21 =	sld [smem:$0x5CF]  }
0x353: {  	s8 =	ssub.s32 s28, s14;
	s28 =	sld [smem:$0x5CC]  }
0x354: {  	v36 =	vsel vm4, s19, v36;
	s19 =	sld [smem:$0x5D1]  }
0x355: {  	v38 =	vsel vm1, s18, v37;
	v37 =	vsel vm2, s21, v17;
	s21 =	sld [smem:$0x5D2]  }
0x356: {  	s14 =	sadd.s32 s25, s1;
	s25 =	sld [smem:$0x5D0]  }
0x357: {  	v50 =	vsel vm5, s19, v36;
	s19 =	sld [smem:$0x5D3]  }
0x358: {  	s26 =	smulhi.u32 $0x88888889, s7;
	v17 =	vsel vm6, s21, v50;
	s21 =	sld [smem:$0x5D4]  }
0x359: {  	s1 =	smulhi.u32 $0x88888889, s31;
	s18 =	sld [smem:$0x5DB]  }
0x35a: {  	s28 =	sadd.s32 s28, s8;
	s8 =	ssub.s32 s26, s7;
	v39 =	vmov s19;
	s19 =	sld [smem:$0x5D5]  }
0x35b: {  	s7 =	spop (v2sf);
	s8 =	sadd.s32 s21, s8;
	s21 =	sld [smem:$0x5D6]  }
0x35c: {  	s1 =	ssub.s32 s1, s31;
	v38 =	vsel vm2, s25, v38;
	s25 =	sshra.s32 s7, $0x1F;
	[smem:$0x5FC] =	sst s8  }
0x35d: {  	s8 =	sadd.s32 s19, s1;
	s1 =	smul.u32 $0x88888889, s25;
	s25 =	sld [smem:$0x5D7]  }
0x35e: {  	s31 =	smulhi.u32 $0x88888889, s5;
	s19 =	sld [smem:$0x5D8]  }
0x35f: {  	v36 =	vsel vm7, s21, v17;
	s21 =	sld [smem:$0x5D9]  }
0x360: {  	v51 =	vmov s25;
	s25 =	ssub.s32 s31, s5;
	s31 =	sld [smem:$0x5DA]  }
0x361: {  	s26 =	smulhi.u32 $0x88888889, s10;
	v39 =	vnsel vm3, $0x0, v39;
	v17 =	vsel vm0, s19, v51;
	s19 =	sld [smem:$0x5DC]  }
0x362: {  	v39 =	vsel vm0, s21, v39;
	s21 =	sld [smem:$0x5DD]  }
0x363: {  	(v2sf) =	vpush v16, $0x8;
	s10 =	ssub.s32 s26, s10;
	s25 =	sadd.s32 s18, s25;
	s18 =	sld [smem:$0x5E1]  }
0x364: {  	s5 =	sadd.s32 s31, s10;
	s31 =	sld [smem:$0x5DE]  }
0x365: {  	v40 =	vmov s21;
	s21 =	sld [smem:$0x5E0];
	_ =	sdelay $0x1  }
0x366: {  	v17 =	vsel vm1, s19, v17;
	s19 =	sld [smem:$0x5DF];
	v39 =	vsel vm1, s31, v39  }
0x367: {  	v41 =	vsel vm2, s21, v39;
	v39 =	vsel vm2, s18, v17;
	s18 =	sld [smem:$0x5E2]  }
0x368: {  	s26 =	smulhi.u32 $0x88888889, s20  }
0x369: {  	v40 =	vsel vm0, s19, v40  }
0x36a: {  	s20 =	ssub.s32 s26, s20;
	s26 =	smulhi.u32 $0x88888889, s15;
	v52 =	vsel vm1, s18, v40;
	s18 =	sld [smem:$0x5E3]  }
0x36b: {  	_ = 	snop  }
0x36c: {  	s15 =	ssub.s32 s26, s15;
	s26 =	sld [smem:$0x5E8]  }
0x36d: {  	v53 =	vsel vm4, s18, v41;
	s18 =	sld [smem:$0x5E4];
	_ =	sdelay $0x1  }
0x36e: {  	(v2sf) =	vpush v16, $0xA;
	s10 =	smulhi.u32 $0x88888889, s17;
	v42 =	vsel vm2, s26, v52;
	s26 =	sld [smem:$0x5EA]  }
0x36f: {  	s20 =	sadd.s32 s18, s20;
	s18 =	sld [smem:$0x5E5]  }
0x370: {  	s10 =	ssub.s32 s10, s17;
	s31 =	spop (v2sf);
	s21 =	smulhi.u32 $0x88888889, s13  }
0x371: {  	s19 =	sshra.s32 s31, $0x1F;
	s15 =	sadd.s32 s26, s15;
	s26 =	sld [smem:$0x5EC]  }
0x372: {  	s17 =	sadd.s32 s18, s10;
	s10 =	smul.u32 $0x88888889, s19;
	s19 =	sld [smem:$0x5E6]  }
0x373: {  	s13 =	ssub.s32 s21, s13;
	s21 =	sld [smem:$0x5E9];
	_ =	sdelay $0x1  }
0x374: {  	v43 =	vmov s26;
	s26 =	sld [smem:$0x5EE];
	v40 =	vsel vm5, s19, v53  }
0x375: {  	v55 =	vsel vm6, s21, v40;
	s21 =	sld [smem:$0x5EB]  }
0x376: {  	s19 =	sld [smem:$0x5E7]  }
0x377: {  	s18 =	sld [smem:$0x5F0]  }
0x378: {  	(v2sf) =	vpush v16, $0xB;
	s13 =	sadd.s32 s21, s13;
	s21 =	sld [smem:$0x5ED]  }
0x379: {  	v57 =	vsel vm0, s26, v43;
	v41 =	vsel vm7, s29, v55;
	s29 =	sld [smem:$0x5EF];
	v54 =	vmov s19  }
0x37a: {  	(v2sf) =	vpush v16, $0x1;
	v17 =	vsel vm1, s18, v57;
	s18 =	sld [smem:$0x5F1];
	s19 =	smulhi.u32 $0x88888889, s24;
	v56 =	vnsel vm3, $0x0, v54  }
0x37b: {  	[smem:$0x5FD] =	sst s13;
	s13 =	smulhi.u32 $0x88888889, s9;
	v40 =	vsel vm0, s21, v56  }
0x37c: {  	(v2sf) =	vpush v16, $0x0;
	s19 =	ssub.s32 s19, s24;
	s24 =	spop (v2sf);
	v40 =	vsel vm1, s29, v40  }
0x37d: {  	s13 =	ssub.s32 s13, s9;
	s29 =	sshra.s32 s24, $0x1F;
	v58 =	vsel vm2, s18, v40;
	s18 =	sld [smem:$0x5F2]  }
0x37e: {  	(v2sf) =	vpush v16, $0x2;
	s30 =	sadd.s32 s30, s13;
	s13 =	smul.u32 $0x88888889, s29;
	s29 =	sld [smem:$0x5F4]  }
0x37f: {  	s21 =	smulhi.u32 $0x88888889, s23  }
0x380: {  	(v2sf) =	vpush v16, $0x3;
	s9 =	sadd.s32 s18, s19;
	s19 =	sld [smem:$0x5F3]  }
0x381: {  	s26 =	smulhi.u32 $0x88888889, s0;
	v44 =	vmov s29;
	s29 =	ssub.s32 s21, s23;
	s23 =	sld [smem:$0x5F6]  }
0x382: {  	(v2sf) =	vpush v16, $0x4  }
0x383: {  	s0 =	ssub.s32 s26, s0;
	v40 =	vsel vm2, s19, v17;
	s19 =	sld [smem:$0x5F5]  }
0x384: {  	s21 =	smulhi.u32 $0x88888889, s7;
	v44 =	vsel vm0, s23, v44;
	s23 =	sadd.s32 s3, s29;
	s29 =	sld [smem:$0x5F8]  }
0x385: {  	(v2sf) =	vpush v16, $0x5;
	s26 =	sld [smem:$0x5F7];
	s3 =	sadd.s32 s2, s0;
	s0 =	smulhi.u32 $0x88888889, s31  }
0x386: {  	s18 =	sld [smem:$0x5F9];
	v17 =	vld [tilespmem:$0xB0];
	v43 =	vsel vm4, s19, v58;
	s19 =	ssub.s32 s21, s7;
	s7 =	smulhi.u32 $0x88888889, s24  }
0x387: {  	(v2sf) =	vpush v16, $0x6;
	v44 =	vsel vm1, s29, v44;
	s21 =	spop (v2sf);
	s29 =	sld [smem:$0x5FB];
	s19 =	sadd.s32 s1, s19  }
0x388: {  	v45 =	vmov s22;
	v43 =	vsel vm5, s26, v43;
	s1 =	smulhi.u32 $0x88888889, s21;
	s22 =	sshra.s32 s21, $0x1F;
	s26 =	sld [smem:$0x5FA]  }
0x389: {  	(v2sf) =	vpush v16, $0x7;
	v45 =	vsel vm0, s11, v45;
	s0 =	ssub.s32 s0, s31;
	v43 =	vsel vm6, s18, v43;
	s18 =	smul.u32 $0x88888889, s22;
	s22 =	spop (v2sf)  }
0x38a: {  	v59 =	vsel vm1, s12, v45;
	v46 =	vcombine.low v20, v18;
	s12 =	sadd.s32 s10, s0;
	v18 =	vsel vm7, s29, v43;
	s10 =	smulhi.u32 $0x88888889, s22;
	s29 =	sshra.s32 s22, $0x1F  }
0x38b: {  	v62 =	vmov s6;
	(v2sf) =	vpush v17, $0xD;
	s31 =	ssub.s32 s7, s24;
	s7 =	spop (v2sf);
	s6 =	smul.u32 $0x88888889, s29  }
0x38c: {  	v19 =	vsel vm2, s16, v59;
	s2 =	sadd.s32 s13, s31;
	v20 =	vsel vm2, s26, v44;
	s16 =	smulhi.u32 $0x88888889, s7;
	s26 =	sshra.s32 s7, $0x1F  }
0x38d: {  	(v2sf) =	vpush v17, $0xC;
	s1 =	ssub.s32 s1, s21;
	s31 =	spop (v2sf);
	s29 =	smul.u32 $0x88888889, s26  }
0x38e: {  	v43 =	vsel vm0, s4, v62;
	s0 =	sadd.s32 s18, s1;
	s18 =	smulhi.u32 $0x88888889, s31;
	s24 =	sshra.s32 s31, $0x1F  }
0x38f: {  	(v2sf) =	vpush v17, $0xE;
	v43 =	vsel vm1, s14, v43;
	s10 =	ssub.s32 s10, s22;
	s14 =	spop (v2sf);
	s11 =	smul.u32 $0x88888889, s24  }
0x390: {  	(v2sf) =	vpush v17, $0xF;
	s10 =	sadd.s32 s6, s10;
	s6 =	smulhi.u32 $0x88888889, s14  }
0x391: {  	s26 =	sshra.s32 s14, $0x1F;
	s4 =	ssub.s32 s16, s7;
	s22 =	spop (v2sf)  }
0x392: {  	v47 =	vsel vm2, s28, v43;
	s16 =	sld [smem:$0x5FC];
	s28 =	smul.u32 $0x88888889, s26;
	s21 =	sadd.s32 s29, s4  }
0x393: {  	(v2sf) =	vpush v17, $0x9;
	s29 =	smulhi.u32 $0x88888889, s22;
	s13 =	sshra.s32 s22, $0x1F;
	s1 =	ssub.s32 s18, s31  }
0x394: {  	v21 =	vcombine.low v26, v21;
	v48 =	vmov s8;
	s24 =	spop (v2sf);
	s8 =	smul.u32 $0x88888889, s13;
	s13 =	sadd.s32 s11, s1  }
0x395: {  	v45 =	vperm.xlane v25, v2;
	v25 =	vnsel vm3, $0x0, v48;
	(v2sf) =	vpush v17, $0x8;
	s18 =	smulhi.u32 $0x88888889, s24;
	s31 =	sshra.s32 s24, $0x1F;
	s6 =	ssub.s32 s6, s14  }
0x396: {  	s26 =	spop (v2sf);
	v49 =	vsel vm0, s16, v25;
	s14 =	smul.u32 $0x88888889, s31;
	s16 =	sadd.s32 s28, s6  }
0x397: {  	v21 =	vperm.xlane v21, v1;
	v24 =	vperm.xlane v24, v2;
	(v2sf) =	vpush v17, $0xA;
	s7 =	smulhi.u32 $0x88888889, s26;
	s28 =	sshra.s32 s26, $0x1F;
	s4 =	ssub.s32 s29, s22  }
0x398: {  	s22 =	spop (v2sf);
	s29 =	smul.u32 $0x88888889, s28;
	s11 =	sadd.s32 s8, s4  }
0x399: {  	v21 =	vsel vm8, v24, v21;
	(v2sf) =	vpush v17, $0xB;
	v51 =	vsel vm1, s5, v49;
	s31 =	smulhi.u32 $0x88888889, s22;
	s8 =	sshra.s32 s22, $0x1F;
	s1 =	ssub.s32 s18, s24  }
0x39a: {  	v61 =	vperm.xlane v61, v2;
	v8 =	vadd.s32 v8, v21;
	v21 =	vsel vm2, s25, v51;
	s5 =	smul.u32 $0x88888889, s8;
	s6 =	ssub.s32 s7, s26;
	s18 =	spop (v2sf)  }
0x39b: {  	v60 =	vperm.xlane v46, v1;
	(v2sf) =	vpush v17, $0x1;
	v21 =	vsel vm4, s20, v21;
	s20 =	sadd.s32 s14, s1;
	s24 =	smulhi.u32 $0x88888889, s18;
	s25 =	sshra.s32 s18, $0x1F  }
0x39c: {  	v22 =	vcombine.low v23, v63;
	s14 =	sadd.s32 s29, s6;
	s26 =	smul.u32 $0x88888889, s25;
	s25 =	spop (v2sf)  }
0x39d: {  	v63 =	vsel vm8, v61, v60;
	v21 =	vsel vm5, s17, v21;
	s17 =	ssub.s32 s31, s22;
	(v2sf) =	vpush v17, $0x0;
	s28 =	smulhi.u32 $0x88888889, s25;
	s29 =	sshra.s32 s25, $0x1F  }
0x39e: {  	v7 =	vadd.s32 v7, v63;
	v50 =	vcombine.low v29, v27;
	s7 =	spop (v2sf);
	s1 =	ssub.s32 s24, s18;
	s31 =	smul.u32 $0x88888889, s29  }
0x39f: {  	v22 =	vperm.xlane v22, v1;
	v46 =	vshrl.u32 v7, $0x1F;
	(v2sf) =	vpush v17, $0x2;
	s8 =	smulhi.u32 $0x88888889, s7;
	s18 =	sshra.s32 s7, $0x1F;
	s24 =	spop (v2sf)  }
0x3a0: {  	v24 =	vperm.xlane v50, v1;
	v53 =	vperm.xlane v28, v2;
	v21 =	vsel vm6, s15, v21;
	s15 =	sadd.s32 s26, s1;
	s26 =	sld [smem:$0x5FD];
	s22 =	smul.u32 $0x88888889, s18  }
0x3a1: {  	v7 =	vshra.s32 v7, $0x8;
	v55 =	vcombine.low v32, v30;
	(v2sf) =	vpush v17, $0x3;
	s6 =	ssub.s32 s28, s25;
	s28 =	smulhi.u32 $0x88888889, s24;
	s29 =	sshra.s32 s24, $0x1F  }
0x3a2: {  	v22 =	vsel vm8, v45, v22;
	v7 =	vadd.s32 v46, v7;
	v54 =	vsel vm8, v53, v24;
	s25 =	spop (v2sf);
	s4 =	sadd.s32 s31, s6;
	s31 =	smul.u32 $0x88888889, s29  }
0x3a3: {  	v24 =	vperm.xlane v55, v1;
	v56 =	vperm.xlane v31, v2;
	(v2sf) =	vpush v17, $0x4;
	s7 =	ssub.s32 s8, s7;
	s8 =	smulhi.u32 $0x88888889, s25;
	s18 =	sshra.s32 s25, $0x1F  }
0x3a4: {  	v23 =	vadd.s32 v6, v22;
	v6 =	vadd.s32 v0, v7;
	v21 =	vsel vm7, s26, v21;
	s1 =	sadd.s32 s22, s7;
	s26 =	smul.u32 $0x88888889, s18;
	s18 =	spop (v2sf)  }
0x3a5: {  	v24 =	vsel vm8, v56, v24;
	v61 =	vmov s30;
	s28 =	ssub.s32 s28, s24;
	(v2sf) =	vpush v17, $0x5;
	s29 =	smulhi.u32 $0x88888889, s18;
	s30 =	sshra.s32 s18, $0x1F  }
0x3a6: {  	v7 =	vshrl.u32 v23, $0x1F;
	v10 =	vadd.s32 v10, v24;
	v24 =	vsel vm0, s9, v61;
	s6 =	sadd.s32 s31, s28;
	s24 =	spop (v2sf);
	s31 =	smul.u32 $0x88888889, s30  }
0x3a7: {  	v23 =	vshra.s32 v23, $0x8;
	v24 =	vsel vm1, s23, v24;
	s8 =	ssub.s32 s8, s25;
	(v2sf) =	vpush v17, $0x6;
	s23 =	smulhi.u32 $0x88888889, s24;
	s28 =	sshra.s32 s24, $0x1F  }
0x3a8: {  	v7 =	vadd.s32 v7, v23;
	v60 =	vcombine.low v38, v37;
	s8 =	sadd.s32 s26, s8;
	s25 =	smul.u32 $0x88888889, s28;
	s28 =	spop (v2sf)  }
0x3a9: {  	v63 =	vperm.xlane v36, v2;
	v9 =	vadd.s32 v9, v54;
	s29 =	ssub.s32 s29, s18;
	(v2sf) =	vpush v17, $0x7;
	s30 =	smulhi.u32 $0x88888889, s28;
	s18 =	sshra.s32 s28, $0x1F  }
0x3aa: {  	v57 =	vcombine.low v35, v33;
	v23 =	vshrl.u32 v9, $0x1F;
	v9 =	vshra.s32 v9, $0x8;
	s7 =	sadd.s32 s31, s29;
	s31 =	spop (v2sf);
	s26 =	smul.u32 $0x88888889, s18  }
0x3ab: {  	v33 =	vperm.xlane v41, v2;
	v9 =	vadd.s32 v23, v9;
	v35 =	vmov s12;
	s12 =	ssub.s32 s23, s24;
	s18 =	smulhi.u32 $0x88888889, s31;
	s24 =	sshra.s32 s31, $0x1F  }
0x3ac: {  	v23 =	vperm.xlane v57, v1;
	v31 =	vcombine.low v42, v39;
	v24 =	vsel vm2, s3, v24;
	s3 =	sadd.s32 s25, s12;
	s23 =	smul.u32 $0x88888889, s24;
	s24 =	spop (v2sf)  }
0x3ad: {  	v7 =	vadd.s32 v0, v7;
	v58 =	vperm.xlane v34, v2;
	v20 =	vcombine.low v20, v40;
	s28 =	ssub.s32 s30, s28;
	s29 =	smulhi.u32 $0x88888889, s24;
	s30 =	sshra.s32 s24, $0x1F  }
0x3ae: {  	v32 =	vperm.xlane v31, v1;
	v36 =	vsel vm0, s19, v35;
	v62 =	vperm.xlane v60, v1;
	s9 =	sadd.s32 s26, s28;
	s25 =	spop (v2sf);
	s19 =	smul.u32 $0x88888889, s30  }
0x3af: {  	v23 =	vsel vm8, v58, v23;
	v18 =	vperm.xlane v18, v2;
	v20 =	vperm.xlane v20, v1;
	s12 =	ssub.s32 s18, s31;
	s31 =	smulhi.u32 $0x88888889, s25;
	s18 =	sshra.s32 s25, $0x1F  }
0x3b0: {  	v11 =	vadd.s32 v11, v23;
	v41 =	vsel vm1, s2, v36;
	v38 =	vmov s21;
	s12 =	sadd.s32 s23, s12;
	s26 =	spop (v2sf);
	s23 =	smul.u32 $0x88888889, s18  }
0x3b1: {  	v23 =	vsel vm8, v63, v62;
	v18 =	vsel vm8, v18, v20;
	v20 =	vnsel vm3, $0x0, v38;
	s28 =	ssub.s32 s29, s24;
	s29 =	smulhi.u32 $0x88888889, s26;
	s30 =	sshra.s32 s26, $0x1F  }
0x3b2: {  	v12 =	vadd.s32 v12, v23;
	v19 =	vcombine.low v47, v19;
	v39 =	vsel vm0, s10, v20;
	s24 =	spop (v2sf);
	s10 =	sadd.s32 s19, s28;
	s19 =	smul.u32 $0x88888889, s30  }
0x3b3: {  	v23 =	vsel vm8, v33, v32;
	v14 =	vadd.s32 v14, v18;
	v18 =	vsel vm1, s13, v39;
	s31 =	ssub.s32 s31, s25;
	s21 =	smulhi.u32 $0x88888889, s24;
	s18 =	sshra.s32 s24, $0x1F  }
0x3b4: {  	v19 =	vperm.xlane v19, v1;
	v18 =	vsel vm2, s16, v18;
	v21 =	vperm.xlane v21, v2;
	s13 =	sadd.s32 s23, s31;
	s28 =	smul.u32 $0x88888889, s18;
	s23 =	spop (v2sf)  }
0x3b5: {  	v13 =	vadd.s32 v13, v23;
	v18 =	vsel vm4, s11, v18;
	v42 =	vmov s10;
	s29 =	ssub.s32 s29, s26;
	s30 =	smulhi.u32 $0x88888889, s23;
	s31 =	sshra.s32 s23, $0x1F  }
0x3b6: {  	v18 =	vsel vm5, s20, v18;
	v19 =	vsel vm8, v21, v19;
	v21 =	vnsel vm3, $0x0, v42;
	s2 =	sadd.s32 s19, s29;
	s20 =	spop (v2sf);
	s18 =	smul.u32 $0x88888889, s31  }
0x3b7: {  	v20 =	vsel vm2, s0, v41;
	v18 =	vsel vm6, s14, v18;
	s21 =	ssub.s32 s21, s24;
	v21 =	vsel vm0, s12, v21;
	s22 =	smulhi.u32 $0x88888889, s20;
	s24 =	sshra.s32 s20, $0x1F  }
0x3b8: {  	v43 =	vmov s4;
	v44 =	vmov s7;
	s25 =	sadd.s32 s28, s21;
	v21 =	vsel vm1, s13, v21;
	s26 =	smul.u32 $0x88888889, s24;
	s28 =	spop (v2sf)  }
0x3b9: {  	v22 =	vsel vm0, s15, v43;
	v23 =	vsel vm0, s8, v44;
	s29 =	ssub.s32 s30, s23;
	v21 =	vsel vm2, s2, v21;
	s30 =	smulhi.u32 $0x88888889, s28;
	s31 =	sshra.s32 s28, $0x1F  }
0x3ba: {  	[tilespmem:$0x200] =	vst v6;
	v6 =	vsel vm1, s1, v22;
	v45 =	vsel vm1, s3, v23;
	s0 =	sadd.s32 s18, s29;
	s4 =	ssub.s32 s22, s20;
	v21 =	vsel vm4, s25, v21;
	s11 =	smul.u32 $0x88888889, s31  }
0x3bb: {  	[tilespmem:$0x210] =	vst v7;
	v6 =	vsel vm2, s6, v6;
	v7 =	vsel vm2, s9, v45;
	s14 =	sadd.s32 s26, s4;
	v21 =	vsel vm5, s0, v21;
	s15 =	ssub.s32 s30, s28  }
0x3bc: {  	v6 =	vcombine.low v7, v6;
	v7 =	vsel vm6, s14, v21;
	s16 =	sadd.s32 s11, s15  }
0x3bd: {  	v7 =	vsel vm7, s16, v7  }
0x3be: {  	v6 =	vperm.xlane v6, v1;
	v7 =	vperm.xlane v7, v2;
	_ =	sdelay $0x1  }
0x3bf: {  	v6 =	vsel vm8, v7, v6  }
0x3c0: {  	v6 =	vadd.s32 v17, v6  }
0x3c1: {  	v51 =	vshrl.u32 v6, $0x1F;
	v6 =	vshra.s32 v6, $0x8  }
0x3c2: {  	v6 =	vadd.s32 v51, v6  }
0x3c3: {  	v6 =	vadd.s32 v0, v6  }
0x3c4: {  	[tilespmem:$0x2B0] =	vst v6;
	v6 =	vld [tilespmem:$0xC0];
	_ =	sdelay $0x4  }
0x3c5: {  	(v2sf) =	vpush v6, $0xD;
	_ =	sdelay $0x1  }
0x3c6: {  	(v2sf) =	vpush v6, $0xC  }
0x3c7: {  	(v2sf) =	vpush v6, $0xE;
	_ =	sdelay $0x2  }
0x3c8: {  	(v2sf) =	vpush v6, $0xF;
	_ =	sdelay $0x1  }
0x3c9: {  	(v2sf) =	vpush v6, $0x9  }
0x3ca: {  	(v2sf) =	vpush v6, $0x8;
	_ =	sdelay $0x1  }
0x3cb: {  	(v2sf) =	vpush v6, $0xA;
	_ =	sdelay $0x1  }
0x3cc: {  	(v2sf) =	vpush v6, $0xB;
	_ =	sdelay $0x1  }
0x3cd: {  	v52 =	vshrl.u32 v8, $0x1F;
	v8 =	vshra.s32 v8, $0x8;
	(v2sf) =	vpush v6, $0x1;
	s0 =	spop (v2sf)  }
0x3ce: {  	v8 =	vadd.s32 v52, v8;
	v20 =	vcombine.low v20, v24;
	s13 =	sadd.s32 s5, s17;
	s17 =	sshra.s32 s0, $0x1F  }
0x3cf: {  	v8 =	vadd.s32 v0, v8;
	v46 =	vsel vm7, s13, v18;
	(v2sf) =	vpush v6, $0x0;
	s2 =	spop (v2sf);
	s1 =	smul.u32 $0x88888889, s17  }
0x3d0: {  	[tilespmem:$0x220] =	vst v8;
	v47 =	vperm.xlane v20, v1;
	v8 =	vperm.xlane v46, v2;
	s18 =	sshra.s32 s2, $0x1F;
	s3 =	spop (v2sf)  }
0x3d1: {  	(v2sf) =	vpush v6, $0x2;
	s19 =	sshra.s32 s3, $0x1F;
	[smem:$0x5FE] =	sst s1;
	s1 =	smul.u32 $0x88888889, s18  }
0x3d2: {  	v8 =	vsel vm8, v8, v47;
	s4 =	smul.u32 $0x88888889, s19  }
0x3d3: {  	v8 =	vadd.s32 v16, v8;
	(v2sf) =	vpush v6, $0x3;
	[smem:$0x5FF] =	sst s1;
	s1 =	spop (v2sf)  }
0x3d4: {  	v7 =	vshrl.u32 v8, $0x1F;
	v8 =	vshra.s32 v8, $0x8;
	[smem:$0x600] =	sst s4;
	s20 =	sshra.s32 s1, $0x1F  }
0x3d5: {  	v7 =	vadd.s32 v7, v8;
	(v2sf) =	vpush v6, $0x4;
	s8 =	spop (v2sf);
	s4 =	smul.u32 $0x88888889, s20  }
0x3d6: {  	v7 =	vadd.s32 v0, v7;
	s21 =	sshra.s32 s8, $0x1F;
	s14 =	spop (v2sf)  }
0x3d7: {  	[tilespmem:$0x2A0] =	vst v7;
	v7 =	vld [tilespmem:$0xD0];
	(v2sf) =	vpush v6, $0x5;
	[smem:$0x601] =	sst s4;
	s4 =	smul.u32 $0x88888889, s21  }
0x3d8: {  	s22 =	sshra.s32 s14, $0x1F;
	s9 =	spop (v2sf)  }
0x3d9: {  	[smem:$0x602] =	sst s4;
	s4 =	smul.u32 $0x88888889, s22  }
0x3da: {  	(v2sf) =	vpush v6, $0x6;
	s23 =	sshra.s32 s9, $0x1F;
	s10 =	spop (v2sf)  }
0x3db: {  	v9 =	vadd.s32 v0, v9;
	(v2sf) =	vpush v6, $0x7;
	[smem:$0x603] =	sst s4;
	s4 =	smul.u32 $0x88888889, s23  }
0x3dc: {  	v59 =	vshrl.u32 v10, $0x1F;
	v10 =	vshra.s32 v10, $0x8;
	(v2sf) =	vpush v7, $0xD;
	s24 =	sshra.s32 s10, $0x1F;
	s16 =	spop (v2sf)  }
0x3dd: {  	v30 =	vshrl.u32 v11, $0x1F;
	v11 =	vshra.s32 v11, $0x8;
	(v2sf) =	vpush v7, $0xC;
	[smem:$0x604] =	sst s4;
	s4 =	smul.u32 $0x88888889, s24  }
0x3de: {  	v10 =	vadd.s32 v59, v10;
	v11 =	vadd.s32 v30, v11;
	(v2sf) =	vpush v7, $0xE;
	s25 =	sshra.s32 s16, $0x1F;
	s11 =	spop (v2sf)  }
0x3df: {  	v10 =	vadd.s32 v0, v10;
	v11 =	vadd.s32 v0, v11;
	(v2sf) =	vpush v7, $0xF;
	[smem:$0x605] =	sst s4;
	s4 =	smul.u32 $0x88888889, s25  }
0x3e0: {  	v34 =	vshrl.u32 v12, $0x1F;
	v12 =	vshra.s32 v12, $0x8;
	(v2sf) =	vpush v7, $0x9;
	s26 =	sshra.s32 s11, $0x1F;
	s17 =	spop (v2sf)  }
0x3e1: {  	v37 =	vshrl.u32 v13, $0x1F;
	v13 =	vshra.s32 v13, $0x8;
	(v2sf) =	vpush v7, $0x8;
	[smem:$0x606] =	sst s4;
	s4 =	smul.u32 $0x88888889, s26  }
0x3e2: {  	v12 =	vadd.s32 v34, v12;
	v13 =	vadd.s32 v37, v13;
	(v2sf) =	vpush v7, $0xA;
	s28 =	sshra.s32 s17, $0x1F;
	s24 =	spop (v2sf)  }
0x3e3: {  	[tilespmem:$0x230] =	vst v9;
	v12 =	vadd.s32 v0, v12;
	v13 =	vadd.s32 v0, v13;
	(v2sf) =	vpush v7, $0xB;
	[smem:$0x607] =	sst s4;
	s4 =	smul.u32 $0x88888889, s28  }
0x3e4: {  	[tilespmem:$0x240] =	vst v10;
	v40 =	vshrl.u32 v14, $0x1F;
	v14 =	vshra.s32 v14, $0x8;
	(v2sf) =	vpush v7, $0x1;
	s29 =	sshra.s32 s24, $0x1F;
	s19 =	spop (v2sf)  }
0x3e5: {  	[tilespmem:$0x250] =	vst v11;
	v14 =	vadd.s32 v40, v14;
	v15 =	vadd.s32 v15, v19;
	(v2sf) =	vpush v7, $0x0;
	[smem:$0x608] =	sst s4;
	s4 =	smul.u32 $0x88888889, s29  }
0x3e6: {  	[tilespmem:$0x260] =	vst v12;
	v19 =	vshrl.u32 v15, $0x1F;
	v48 =	vshra.s32 v15, $0x8;
	(v2sf) =	vpush v7, $0x2;
	s30 =	sshra.s32 s19, $0x1F;
	s12 =	spop (v2sf)  }
0x3e7: {  	[tilespmem:$0x270] =	vst v13;
	v49 =	vadd.s32 v0, v14;
	v10 =	vadd.s32 v19, v48;
	(v2sf) =	vpush v7, $0x3;
	[smem:$0x609] =	sst s4;
	s4 =	smul.u32 $0x88888889, s30  }
0x3e8: {  	[tilespmem:$0x280] =	vst v49;
	v50 =	vadd.s32 v0, v10;
	(v2sf) =	vpush v7, $0x4;
	s31 =	sshra.s32 s12, $0x1F  }
0x3e9: {  	[tilespmem:$0x290] =	vst v50;
	(v2sf) =	vpush v7, $0x5;
	[smem:$0x60A] =	sst s4;
	s4 =	smul.u32 $0x88888889, s31  }
0x3ea: {  	v8 =	vld [tilespmem:$0xE0];
	s21 =	spop (v2sf)  }
0x3eb: {  	[smem:$0x60B] =	sst s4;
	s5 =	sshra.s32 s21, $0x1F  }
0x3ec: {  	s13 =	spop (v2sf);
	s4 =	smul.u32 $0x88888889, s5  }
0x3ed: {  	s6 =	sshra.s32 s13, $0x1F;
	s15 =	spop (v2sf)  }
0x3ee: {  	[smem:$0x60C] =	sst s4;
	s4 =	smul.u32 $0x88888889, s6  }
0x3ef: {  	s7 =	sshra.s32 s15, $0x1F;
	s23 =	spop (v2sf)  }
0x3f0: {  	[smem:$0x60D] =	sst s4;
	s4 =	smul.u32 $0x88888889, s7  }
0x3f1: {  	s18 =	sshra.s32 s23, $0x1F;
	s20 =	spop (v2sf)  }
0x3f2: {  	[smem:$0x60E] =	sst s4;
	s4 =	smul.u32 $0x88888889, s18  }
0x3f3: {  	s22 =	sshra.s32 s20, $0x1F;
	s7 =	spop (v2sf)  }
0x3f4: {  	[smem:$0x60F] =	sst s4;
	s4 =	smul.u32 $0x88888889, s22  }
0x3f5: {  	s25 =	sshra.s32 s7, $0x1F;
	s6 =	spop (v2sf)  }
0x3f6: {  	[smem:$0x610] =	sst s4;
	s4 =	smul.u32 $0x88888889, s25  }
0x3f7: {  	s26 =	sshra.s32 s6, $0x1F;
	s22 =	spop (v2sf)  }
0x3f8: {  	(v2sf) =	vpush v7, $0x6;
	[smem:$0x611] =	sst s4;
	s4 =	smul.u32 $0x88888889, s26  }
0x3f9: {  	s28 =	sshra.s32 s22, $0x1F;
	s5 =	spop (v2sf)  }
0x3fa: {  	[smem:$0x612] =	sst s4;
	s4 =	smul.u32 $0x88888889, s28  }
0x3fb: {  	(v2sf) =	vpush v7, $0x7;
	s29 =	sshra.s32 s5, $0x1F;
	s30 =	spop (v2sf)  }
0x3fc: {  	s31 =	sshra.s32 s30, $0x1F;
	[smem:$0x613] =	sst s4;
	s4 =	smul.u32 $0x88888889, s29  }
0x3fd: {  	(v2sf) =	vpush v8, $0xD;
	[smem:$0x614] =	sst s30;
	s18 =	smul.u32 $0x88888889, s31  }
0x3fe: {  	[smem:$0x615] =	sst s4;
	s4 =	spop (v2sf)  }
0x3ff: {  	(v2sf) =	vpush v8, $0xC;
	[smem:$0x616] =	sst s18;
	s26 =	spop (v2sf)  }
0x400: {  	s18 =	sshra.s32 s4, $0x1F;
	[smem:$0x617] =	sst s26  }
0x401: {  	(v2sf) =	vpush v8, $0xE;
	s25 =	smul.u32 $0x88888889, s18;
	s29 =	spop (v2sf)  }
0x402: {  	s28 =	sshra.s32 s26, $0x1F;
	[smem:$0x619] =	sst s29;
	s31 =	spop (v2sf)  }
0x403: {  	(v2sf) =	vpush v8, $0xF;
	[smem:$0x618] =	sst s25;
	s25 =	smul.u32 $0x88888889, s28  }
0x404: {  	[smem:$0x61A] =	sst s31;
	s26 =	spop (v2sf)  }
0x405: {  	(v2sf) =	vpush v8, $0x9;
	s30 =	sshra.s32 s29, $0x1F;
	[smem:$0x61D] =	sst s26;
	s29 =	spop (v2sf)  }
0x406: {  	[smem:$0x61B] =	sst s25;
	s25 =	smul.u32 $0x88888889, s30  }
0x407: {  	(v2sf) =	vpush v8, $0x8;
	s18 =	sshra.s32 s31, $0x1F;
	[smem:$0x61F] =	sst s29;
	s31 =	spop (v2sf)  }
0x408: {  	[smem:$0x620] =	sst s31  }
0x409: {  	(v2sf) =	vpush v8, $0xA;
	[smem:$0x61C] =	sst s25;
	s25 =	smul.u32 $0x88888889, s18;
	s18 =	sshra.s32 s31, $0x1F  }
0x40a: {  	s28 =	sshra.s32 s26, $0x1F;
	s31 =	spop (v2sf);
	s18 =	smul.u32 $0x88888889, s18  }
0x40b: {  	(v2sf) =	vpush v8, $0xB;
	[smem:$0x61E] =	sst s25;
	s25 =	smul.u32 $0x88888889, s28  }
0x40c: {  	s30 =	sshra.s32 s29, $0x1F;
	s28 =	spop (v2sf);
	[smem:$0x623] =	sst s18  }
0x40d: {  	(v2sf) =	vpush v8, $0x1;
	[smem:$0x621] =	sst s25;
	s25 =	smul.u32 $0x88888889, s30  }
0x40e: {  	s26 =	sshra.s32 s31, $0x1F;
	[smem:$0x624] =	sst s28;
	s30 =	spop (v2sf)  }
0x40f: {  	(v2sf) =	vpush v8, $0x0;
	[smem:$0x622] =	sst s25;
	s25 =	smul.u32 $0x88888889, s26  }
0x410: {  	s29 =	sshra.s32 s28, $0x1F;
	[smem:$0x625] =	sst s30;
	s28 =	spop (v2sf)  }
0x411: {  	(v2sf) =	vpush v8, $0x2;
	[smem:$0x626] =	sst s25;
	s25 =	smul.u32 $0x88888889, s29  }
0x412: {  	s26 =	sshra.s32 s30, $0x1F;
	[smem:$0x628] =	sst s28;
	s30 =	spop (v2sf)  }
0x413: {  	(v2sf) =	vpush v8, $0x3;
	[smem:$0x627] =	sst s25;
	s25 =	smul.u32 $0x88888889, s26  }
0x414: {  	[smem:$0x62A] =	sst s30;
	s29 =	sshra.s32 s28, $0x1F;
	s28 =	spop (v2sf)  }
0x415: {  	(v2sf) =	vpush v8, $0x4;
	[smem:$0x629] =	sst s25;
	s25 =	smul.u32 $0x88888889, s29  }
0x416: {  	[smem:$0x62B] =	sst s28;
	s26 =	sshra.s32 s30, $0x1F;
	s30 =	spop (v2sf)  }
0x417: {  	(v2sf) =	vpush v8, $0x5;
	[smem:$0x62C] =	sst s25;
	s25 =	smul.u32 $0x88888889, s26  }
0x418: {  	v9 =	vld [tilespmem:$0xF0];
	[smem:$0x62E] =	sst s30;
	s29 =	sshra.s32 s28, $0x1F;
	s28 =	spop (v2sf)  }
0x419: {  	(v2sf) =	vpush v8, $0x6;
	[smem:$0x62D] =	sst s25;
	s25 =	smul.u32 $0x88888889, s29  }
0x41a: {  	[smem:$0x630] =	sst s28;
	s26 =	sshra.s32 s30, $0x1F;
	s30 =	spop (v2sf)  }
0x41b: {  	(v2sf) =	vpush v8, $0x7;
	[smem:$0x62F] =	sst s25;
	s25 =	smul.u32 $0x88888889, s26  }
0x41c: {  	[smem:$0x631] =	sst s30;
	s29 =	sshra.s32 s28, $0x1F;
	s28 =	spop (v2sf)  }
0x41d: {  	(v2sf) =	vpush v9, $0xD;
	[smem:$0x632] =	sst s25;
	s25 =	smul.u32 $0x88888889, s29  }
0x41e: {  	[smem:$0x634] =	sst s28;
	s26 =	sshra.s32 s30, $0x1F;
	s30 =	spop (v2sf)  }
0x41f: {  	(v2sf) =	vpush v9, $0xC;
	[smem:$0x633] =	sst s25;
	s25 =	smul.u32 $0x88888889, s26  }
0x420: {  	[smem:$0x636] =	sst s30;
	s29 =	sshra.s32 s28, $0x1F;
	s28 =	spop (v2sf)  }
0x421: {  	(v2sf) =	vpush v9, $0xE;
	[smem:$0x635] =	sst s25;
	s25 =	smul.u32 $0x88888889, s29  }
0x422: {  	[smem:$0x637] =	sst s28;
	s26 =	sshra.s32 s30, $0x1F;
	s30 =	spop (v2sf)  }
0x423: {  	(v2sf) =	vpush v9, $0xF;
	[smem:$0x638] =	sst s25;
	s25 =	smul.u32 $0x88888889, s26  }
0x424: {  	[smem:$0x63A] =	sst s30;
	s29 =	sshra.s32 s28, $0x1F;
	s28 =	spop (v2sf)  }
0x425: {  	(v2sf) =	vpush v9, $0x9;
	[smem:$0x639] =	sst s25;
	s25 =	smul.u32 $0x88888889, s29  }
0x426: {  	[smem:$0x63C] =	sst s28;
	s26 =	sshra.s32 s30, $0x1F;
	s30 =	spop (v2sf)  }
0x427: {  	(v2sf) =	vpush v9, $0x8;
	[smem:$0x63B] =	sst s25;
	s25 =	smul.u32 $0x88888889, s26  }
0x428: {  	[smem:$0x63D] =	sst s30;
	s29 =	sshra.s32 s28, $0x1F;
	s28 =	spop (v2sf)  }
0x429: {  	(v2sf) =	vpush v9, $0xA;
	[smem:$0x63E] =	sst s25;
	s25 =	smul.u32 $0x88888889, s29  }
0x42a: {  	[smem:$0x640] =	sst s28;
	s26 =	sshra.s32 s30, $0x1F;
	s30 =	spop (v2sf)  }
0x42b: {  	(v2sf) =	vpush v9, $0xB;
	[smem:$0x63F] =	sst s25;
	s25 =	smul.u32 $0x88888889, s26  }
0x42c: {  	[smem:$0x642] =	sst s30;
	s29 =	sshra.s32 s28, $0x1F;
	s28 =	spop (v2sf)  }
0x42d: {  	(v2sf) =	vpush v9, $0x1;
	[smem:$0x641] =	sst s25;
	s25 =	smul.u32 $0x88888889, s29  }
0x42e: {  	[smem:$0x643] =	sst s28;
	s26 =	sshra.s32 s30, $0x1F;
	s30 =	spop (v2sf)  }
0x42f: {  	(v2sf) =	vpush v9, $0x0;
	[smem:$0x644] =	sst s25;
	s25 =	smul.u32 $0x88888889, s26  }
0x430: {  	[smem:$0x646] =	sst s30;
	s29 =	sshra.s32 s28, $0x1F;
	s28 =	spop (v2sf)  }
0x431: {  	(v2sf) =	vpush v9, $0x2;
	[smem:$0x645] =	sst s25;
	s25 =	smul.u32 $0x88888889, s29  }
0x432: {  	[smem:$0x648] =	sst s28;
	s26 =	sshra.s32 s30, $0x1F;
	s30 =	spop (v2sf)  }
0x433: {  	(v2sf) =	vpush v9, $0x3;
	[smem:$0x647] =	sst s25;
	s25 =	smul.u32 $0x88888889, s26  }
0x434: {  	[smem:$0x649] =	sst s30;
	s29 =	sshra.s32 s28, $0x1F;
	s28 =	spop (v2sf)  }
0x435: {  	(v2sf) =	vpush v9, $0x4;
	[smem:$0x64A] =	sst s25;
	s25 =	smul.u32 $0x88888889, s29  }
0x436: {  	[smem:$0x64C] =	sst s28;
	s26 =	sshra.s32 s30, $0x1F;
	s30 =	spop (v2sf)  }
0x437: {  	(v2sf) =	vpush v9, $0x5;
	[smem:$0x64B] =	sst s25;
	s25 =	smul.u32 $0x88888889, s26  }
0x438: {  	v10 =	vld [tilespmem:$0x100];
	[smem:$0x64E] =	sst s30;
	s29 =	sshra.s32 s28, $0x1F;
	s28 =	spop (v2sf)  }
0x439: {  	(v2sf) =	vpush v9, $0x6;
	[smem:$0x64D] =	sst s25;
	s25 =	smul.u32 $0x88888889, s29  }
0x43a: {  	[smem:$0x64F] =	sst s28;
	s26 =	sshra.s32 s30, $0x1F;
	s30 =	spop (v2sf)  }
0x43b: {  	(v2sf) =	vpush v9, $0x7;
	[smem:$0x650] =	sst s25;
	s25 =	smul.u32 $0x88888889, s26  }
0x43c: {  	[smem:$0x652] =	sst s30;
	s29 =	sshra.s32 s28, $0x1F;
	s28 =	spop (v2sf)  }
0x43d: {  	(v2sf) =	vpush v10, $0xD;
	[smem:$0x651] =	sst s25;
	s25 =	smul.u32 $0x88888889, s29  }
0x43e: {  	[smem:$0x654] =	sst s28;
	s26 =	sshra.s32 s30, $0x1F;
	s30 =	spop (v2sf)  }
0x43f: {  	(v2sf) =	vpush v10, $0xC;
	[smem:$0x653] =	sst s25;
	s25 =	smul.u32 $0x88888889, s26  }
0x440: {  	[smem:$0x655] =	sst s30;
	s29 =	sshra.s32 s28, $0x1F;
	s28 =	spop (v2sf)  }
0x441: {  	(v2sf) =	vpush v10, $0xE;
	[smem:$0x656] =	sst s25;
	s25 =	smul.u32 $0x88888889, s29  }
0x442: {  	[smem:$0x658] =	sst s28;
	s26 =	sshra.s32 s30, $0x1F;
	s30 =	spop (v2sf)  }
0x443: {  	(v2sf) =	vpush v10, $0xF;
	[smem:$0x657] =	sst s25;
	s25 =	smul.u32 $0x88888889, s26  }
0x444: {  	[smem:$0x65A] =	sst s30;
	s29 =	sshra.s32 s28, $0x1F;
	s28 =	spop (v2sf)  }
0x445: {  	(v2sf) =	vpush v10, $0x9;
	[smem:$0x659] =	sst s25;
	s25 =	smul.u32 $0x88888889, s29  }
0x446: {  	[smem:$0x65B] =	sst s28;
	s26 =	sshra.s32 s30, $0x1F;
	s30 =	spop (v2sf)  }
0x447: {  	(v2sf) =	vpush v10, $0x8;
	[smem:$0x65C] =	sst s25;
	s25 =	smul.u32 $0x88888889, s26  }
0x448: {  	[smem:$0x65E] =	sst s30;
	s29 =	sshra.s32 s28, $0x1F;
	s28 =	spop (v2sf)  }
0x449: {  	(v2sf) =	vpush v10, $0xA;
	[smem:$0x65D] =	sst s25;
	s25 =	smul.u32 $0x88888889, s29  }
0x44a: {  	[smem:$0x660] =	sst s28;
	s26 =	sshra.s32 s30, $0x1F;
	s30 =	spop (v2sf)  }
0x44b: {  	(v2sf) =	vpush v10, $0xB;
	[smem:$0x65F] =	sst s25;
	s25 =	smul.u32 $0x88888889, s26  }
0x44c: {  	[smem:$0x661] =	sst s30;
	s29 =	sshra.s32 s28, $0x1F;
	s28 =	spop (v2sf)  }
0x44d: {  	(v2sf) =	vpush v10, $0x1;
	[smem:$0x662] =	sst s25;
	s25 =	smul.u32 $0x88888889, s29  }
0x44e: {  	[smem:$0x664] =	sst s28;
	s26 =	sshra.s32 s30, $0x1F;
	s30 =	spop (v2sf)  }
0x44f: {  	(v2sf) =	vpush v10, $0x0;
	[smem:$0x663] =	sst s25;
	s25 =	smul.u32 $0x88888889, s26  }
0x450: {  	[smem:$0x666] =	sst s30;
	s29 =	sshra.s32 s28, $0x1F;
	s28 =	spop (v2sf)  }
0x451: {  	(v2sf) =	vpush v10, $0x2;
	[smem:$0x665] =	sst s25;
	s25 =	smul.u32 $0x88888889, s29  }
0x452: {  	[smem:$0x667] =	sst s28;
	s26 =	sshra.s32 s30, $0x1F;
	s30 =	spop (v2sf)  }
0x453: {  	(v2sf) =	vpush v10, $0x3;
	[smem:$0x668] =	sst s25;
	s25 =	smul.u32 $0x88888889, s26  }
0x454: {  	[smem:$0x66A] =	sst s30;
	s29 =	sshra.s32 s28, $0x1F;
	s28 =	spop (v2sf)  }
0x455: {  	(v2sf) =	vpush v10, $0x4;
	[smem:$0x669] =	sst s25;
	s25 =	smul.u32 $0x88888889, s29  }
0x456: {  	[smem:$0x66C] =	sst s28;
	s26 =	sshra.s32 s30, $0x1F;
	s30 =	spop (v2sf)  }
0x457: {  	(v2sf) =	vpush v10, $0x5;
	[smem:$0x66B] =	sst s25;
	s25 =	smul.u32 $0x88888889, s26  }
0x458: {  	v11 =	vld [tilespmem:$0x110];
	[smem:$0x66D] =	sst s30;
	s29 =	sshra.s32 s28, $0x1F;
	s28 =	spop (v2sf)  }
0x459: {  	(v2sf) =	vpush v10, $0x6;
	[smem:$0x66E] =	sst s25;
	s25 =	smul.u32 $0x88888889, s29  }
0x45a: {  	[smem:$0x670] =	sst s28;
	s26 =	sshra.s32 s30, $0x1F;
	s30 =	spop (v2sf)  }
0x45b: {  	(v2sf) =	vpush v10, $0x7;
	[smem:$0x66F] =	sst s25;
	s25 =	smul.u32 $0x88888889, s26  }
0x45c: {  	[smem:$0x672] =	sst s30;
	s29 =	sshra.s32 s28, $0x1F;
	s28 =	spop (v2sf)  }
0x45d: {  	(v2sf) =	vpush v11, $0xD;
	[smem:$0x671] =	sst s25;
	s25 =	smul.u32 $0x88888889, s29  }
0x45e: {  	[smem:$0x673] =	sst s28;
	s26 =	sshra.s32 s30, $0x1F;
	s30 =	spop (v2sf)  }
0x45f: {  	(v2sf) =	vpush v11, $0xC;
	[smem:$0x674] =	sst s25;
	s25 =	smul.u32 $0x88888889, s26  }
0x460: {  	[smem:$0x676] =	sst s30;
	s29 =	sshra.s32 s28, $0x1F;
	s28 =	spop (v2sf)  }
0x461: {  	(v2sf) =	vpush v11, $0xE;
	[smem:$0x675] =	sst s25;
	s25 =	smul.u32 $0x88888889, s29  }
0x462: {  	[smem:$0x678] =	sst s28;
	s26 =	sshra.s32 s30, $0x1F;
	s30 =	spop (v2sf)  }
0x463: {  	(v2sf) =	vpush v11, $0xF;
	[smem:$0x677] =	sst s25;
	s25 =	smul.u32 $0x88888889, s26  }
0x464: {  	[smem:$0x679] =	sst s30;
	s29 =	sshra.s32 s28, $0x1F;
	s28 =	spop (v2sf)  }
0x465: {  	(v2sf) =	vpush v11, $0x9;
	[smem:$0x67A] =	sst s25;
	s25 =	smul.u32 $0x88888889, s29  }
0x466: {  	[smem:$0x67C] =	sst s28;
	s26 =	sshra.s32 s30, $0x1F;
	s30 =	spop (v2sf)  }
0x467: {  	(v2sf) =	vpush v11, $0x8;
	[smem:$0x67B] =	sst s25;
	s25 =	smul.u32 $0x88888889, s26  }
0x468: {  	[smem:$0x67E] =	sst s30;
	s29 =	sshra.s32 s28, $0x1F;
	s28 =	spop (v2sf)  }
0x469: {  	(v2sf) =	vpush v11, $0xA;
	[smem:$0x67D] =	sst s25;
	s25 =	smul.u32 $0x88888889, s29  }
0x46a: {  	[smem:$0x67F] =	sst s28;
	s26 =	sshra.s32 s30, $0x1F;
	s30 =	spop (v2sf)  }
0x46b: {  	(v2sf) =	vpush v11, $0xB;
	[smem:$0x680] =	sst s25;
	s25 =	smul.u32 $0x88888889, s26  }
0x46c: {  	[smem:$0x682] =	sst s30;
	s29 =	sshra.s32 s28, $0x1F;
	s28 =	spop (v2sf)  }
0x46d: {  	(v2sf) =	vpush v11, $0x1;
	[smem:$0x681] =	sst s25;
	s25 =	smul.u32 $0x88888889, s29  }
0x46e: {  	[smem:$0x684] =	sst s28;
	s26 =	sshra.s32 s30, $0x1F;
	s30 =	spop (v2sf)  }
0x46f: {  	(v2sf) =	vpush v11, $0x0;
	[smem:$0x683] =	sst s25;
	s25 =	smul.u32 $0x88888889, s26  }
0x470: {  	[smem:$0x685] =	sst s30;
	s29 =	sshra.s32 s28, $0x1F;
	s28 =	spop (v2sf)  }
0x471: {  	(v2sf) =	vpush v11, $0x2;
	[smem:$0x686] =	sst s25;
	s25 =	smul.u32 $0x88888889, s29  }
0x472: {  	[smem:$0x688] =	sst s28;
	s26 =	sshra.s32 s30, $0x1F;
	s30 =	spop (v2sf)  }
0x473: {  	(v2sf) =	vpush v11, $0x3;
	[smem:$0x687] =	sst s25;
	s25 =	smul.u32 $0x88888889, s26  }
0x474: {  	[smem:$0x68A] =	sst s30;
	s29 =	sshra.s32 s28, $0x1F;
	s28 =	spop (v2sf)  }
0x475: {  	(v2sf) =	vpush v11, $0x4;
	[smem:$0x689] =	sst s25;
	s25 =	smul.u32 $0x88888889, s29  }
0x476: {  	[smem:$0x68B] =	sst s28;
	s26 =	sshra.s32 s30, $0x1F;
	s30 =	spop (v2sf)  }
0x477: {  	(v2sf) =	vpush v11, $0x5;
	[smem:$0x68C] =	sst s25;
	s25 =	smul.u32 $0x88888889, s26  }
0x478: {  	v12 =	vld [tilespmem:$0x120];
	[smem:$0x68E] =	sst s30;
	s29 =	sshra.s32 s28, $0x1F;
	s28 =	spop (v2sf)  }
0x479: {  	(v2sf) =	vpush v11, $0x6;
	[smem:$0x68D] =	sst s25;
	s25 =	smul.u32 $0x88888889, s29  }
0x47a: {  	[smem:$0x690] =	sst s28;
	s26 =	sshra.s32 s30, $0x1F;
	s30 =	spop (v2sf)  }
0x47b: {  	(v2sf) =	vpush v11, $0x7;
	[smem:$0x68F] =	sst s25;
	s25 =	smul.u32 $0x88888889, s26  }
0x47c: {  	[smem:$0x691] =	sst s30;
	s29 =	sshra.s32 s28, $0x1F;
	s28 =	spop (v2sf)  }
0x47d: {  	(v2sf) =	vpush v12, $0xD;
	[smem:$0x692] =	sst s25;
	s25 =	smul.u32 $0x88888889, s29  }
0x47e: {  	[smem:$0x694] =	sst s28;
	s26 =	sshra.s32 s30, $0x1F;
	s30 =	spop (v2sf)  }
0x47f: {  	(v2sf) =	vpush v12, $0xC;
	[smem:$0x693] =	sst s25;
	s25 =	smul.u32 $0x88888889, s26  }
0x480: {  	[smem:$0x696] =	sst s30;
	s29 =	sshra.s32 s28, $0x1F;
	s28 =	spop (v2sf)  }
0x481: {  	(v2sf) =	vpush v12, $0xE;
	[smem:$0x695] =	sst s25;
	s25 =	smul.u32 $0x88888889, s29  }
0x482: {  	[smem:$0x697] =	sst s28;
	s26 =	sshra.s32 s30, $0x1F;
	s30 =	spop (v2sf)  }
0x483: {  	(v2sf) =	vpush v12, $0xF;
	[smem:$0x698] =	sst s25;
	s25 =	smul.u32 $0x88888889, s26  }
0x484: {  	[smem:$0x69A] =	sst s30;
	s29 =	sshra.s32 s28, $0x1F;
	s28 =	spop (v2sf)  }
0x485: {  	(v2sf) =	vpush v12, $0x9;
	[smem:$0x699] =	sst s25;
	s25 =	smul.u32 $0x88888889, s29  }
0x486: {  	[smem:$0x69C] =	sst s28;
	s26 =	sshra.s32 s30, $0x1F;
	s30 =	spop (v2sf)  }
0x487: {  	(v2sf) =	vpush v12, $0x8;
	[smem:$0x69B] =	sst s25;
	s25 =	smul.u32 $0x88888889, s26  }
0x488: {  	[smem:$0x69D] =	sst s30;
	s29 =	sshra.s32 s28, $0x1F;
	s28 =	spop (v2sf)  }
0x489: {  	(v2sf) =	vpush v12, $0xA;
	[smem:$0x69E] =	sst s25;
	s25 =	smul.u32 $0x88888889, s29  }
0x48a: {  	[smem:$0x6A0] =	sst s28;
	s26 =	sshra.s32 s30, $0x1F;
	s30 =	spop (v2sf)  }
0x48b: {  	(v2sf) =	vpush v12, $0xB;
	[smem:$0x69F] =	sst s25;
	s25 =	smul.u32 $0x88888889, s26  }
0x48c: {  	[smem:$0x6A2] =	sst s30;
	s29 =	sshra.s32 s28, $0x1F;
	s28 =	spop (v2sf)  }
0x48d: {  	(v2sf) =	vpush v12, $0x1;
	[smem:$0x6A1] =	sst s25;
	s25 =	smul.u32 $0x88888889, s29  }
0x48e: {  	[smem:$0x6A3] =	sst s28;
	s26 =	sshra.s32 s30, $0x1F;
	s30 =	spop (v2sf)  }
0x48f: {  	(v2sf) =	vpush v12, $0x0;
	[smem:$0x6A4] =	sst s25;
	s25 =	smul.u32 $0x88888889, s26  }
0x490: {  	[smem:$0x6A6] =	sst s30;
	s29 =	sshra.s32 s28, $0x1F;
	s28 =	spop (v2sf)  }
0x491: {  	(v2sf) =	vpush v12, $0x2;
	[smem:$0x6A5] =	sst s25;
	s25 =	smul.u32 $0x88888889, s29  }
0x492: {  	[smem:$0x6A8] =	sst s28;
	s26 =	sshra.s32 s30, $0x1F;
	s30 =	spop (v2sf)  }
0x493: {  	(v2sf) =	vpush v12, $0x3;
	[smem:$0x6A7] =	sst s25;
	s25 =	smul.u32 $0x88888889, s26  }
0x494: {  	[smem:$0x6A9] =	sst s30;
	s29 =	sshra.s32 s28, $0x1F;
	s28 =	spop (v2sf)  }
0x495: {  	(v2sf) =	vpush v12, $0x4;
	[smem:$0x6AA] =	sst s25;
	s25 =	smul.u32 $0x88888889, s29  }
0x496: {  	[smem:$0x6AC] =	sst s28;
	s26 =	sshra.s32 s30, $0x1F;
	s30 =	spop (v2sf)  }
0x497: {  	v13 =	vld [tilespmem:$0x130];
	(v2sf) =	vpush v12, $0x5;
	[smem:$0x6AB] =	sst s25;
	s25 =	smul.u32 $0x88888889, s26  }
0x498: {  	[smem:$0x6AE] =	sst s30;
	s29 =	sshra.s32 s28, $0x1F;
	s28 =	spop (v2sf)  }
0x499: {  	[smem:$0x6AD] =	sst s25;
	s25 =	smul.u32 $0x88888889, s29  }
0x49a: {  	(v2sf) =	vpush v12, $0x6;
	[smem:$0x6AF] =	sst s28;
	s26 =	sshra.s32 s30, $0x1F;
	s30 =	spop (v2sf)  }
0x49b: {  	(v2sf) =	vpush v12, $0x7;
	[smem:$0x6B0] =	sst s25;
	s25 =	smul.u32 $0x88888889, s26  }
0x49c: {  	(v2sf) =	vpush v13, $0xD;
	[smem:$0x6B2] =	sst s30;
	s29 =	sshra.s32 s28, $0x1F;
	s28 =	spop (v2sf)  }
0x49d: {  	[smem:$0x6B1] =	sst s25;
	s25 =	smul.u32 $0x88888889, s29  }
0x49e: {  	[smem:$0x6B4] =	sst s28;
	s26 =	sshra.s32 s30, $0x1F;
	s30 =	spop (v2sf)  }
0x49f: {  	[smem:$0x6B3] =	sst s25;
	s25 =	smul.u32 $0x88888889, s26  }
0x4a0: {  	[smem:$0x6B5] =	sst s30;
	s29 =	sshra.s32 s28, $0x1F;
	s28 =	spop (v2sf)  }
0x4a1: {  	(v2sf) =	vpush v13, $0xC;
	[smem:$0x6B6] =	sst s25;
	s25 =	smul.u32 $0x88888889, s29  }
0x4a2: {  	[smem:$0x6B8] =	sst s28;
	s26 =	sshra.s32 s30, $0x1F;
	s30 =	spop (v2sf)  }
0x4a3: {  	(v2sf) =	vpush v13, $0xE;
	[smem:$0x6B7] =	sst s25;
	s25 =	smul.u32 $0x88888889, s26  }
0x4a4: {  	[smem:$0x6BA] =	sst s30;
	s29 =	sshra.s32 s28, $0x1F;
	s28 =	spop (v2sf)  }
0x4a5: {  	[smem:$0x6B9] =	sst s25;
	s25 =	smul.u32 $0x88888889, s29  }
0x4a6: {  	(v2sf) =	vpush v13, $0xF;
	[smem:$0x6BB] =	sst s28;
	s26 =	sshra.s32 s30, $0x1F;
	s30 =	spop (v2sf)  }
0x4a7: {  	[smem:$0x6BC] =	sst s25;
	s25 =	smul.u32 $0x88888889, s26  }
0x4a8: {  	(v2sf) =	vpush v13, $0x9;
	[smem:$0x6BE] =	sst s30  }
0x4a9: {  	s29 =	sshra.s32 s28, $0x1F;
	s26 =	spop (v2sf);
	[smem:$0x6BD] =	sst s25  }
0x4aa: {  	(v2sf) =	vpush v13, $0x8;
	s18 =	sshra.s32 s30, $0x1F;
	s25 =	smul.u32 $0x88888889, s29;
	s29 =	spop (v2sf)  }
0x4ab: {  	(v2sf) =	vpush v13, $0xA;
	[smem:$0x6C0] =	sst s26;
	s28 =	sshra.s32 s26, $0x1F;
	s30 =	spop (v2sf)  }
0x4ac: {  	[smem:$0x6BF] =	sst s25;
	s25 =	smul.u32 $0x88888889, s18;
	s18 =	sshra.s32 s29, $0x1F  }
0x4ad: {  	(v2sf) =	vpush v13, $0xB;
	[smem:$0x6C1] =	sst s29;
	s26 =	sshra.s32 s30, $0x1F;
	s18 =	smul.u32 $0x88888889, s18  }
0x4ae: {  	[smem:$0x6C4] =	sst s30;
	s29 =	smul.u32 $0x88888889, s26  }
0x4af: {  	(v2sf) =	vpush v13, $0x1;
	[smem:$0x6C2] =	sst s25;
	s25 =	smul.u32 $0x88888889, s28  }
0x4b0: {  	s28 =	spop (v2sf);
	[smem:$0x6C5] =	sst s18  }
0x4b1: {  	(v2sf) =	vpush v13, $0x0;
	[smem:$0x6C6] =	sst s28  }
0x4b2: {  	(v2sf) =	vpush v13, $0x2;
	[smem:$0x6C8] =	sst s29;
	s30 =	spop (v2sf);
	s18 =	sshra.s32 s28, $0x1F  }
0x4b3: {  	[smem:$0x6C3] =	sst s25;
	s26 =	smul.u32 $0x88888889, s18;
	s28 =	sshra.s32 s30, $0x1F  }
0x4b4: {  	(v2sf) =	vpush v13, $0x3;
	[smem:$0x6C7] =	sst s30;
	s29 =	smul.u32 $0x88888889, s28  }
0x4b5: {  	[smem:$0x6C9] =	sst s26;
	s26 =	spop (v2sf)  }
0x4b6: {  	[smem:$0x6CA] =	sst s26  }
0x4b7: {  	(v2sf) =	vpush v13, $0x4;
	[smem:$0x6CB] =	sst s29;
	s30 =	spop (v2sf)  }
0x4b8: {  	s26 =	sshra.s32 s26, $0x1F;
	[smem:$0x6CC] =	sst s30  }
0x4b9: {  	s25 =	smul.u32 $0x88888889, s26;
	s29 =	spop (v2sf)  }
0x4ba: {  	(v2sf) =	vpush v13, $0x5;
	s28 =	sshra.s32 s30, $0x1F;
	[smem:$0x6CD] =	sst s29;
	s30 =	spop (v2sf)  }
0x4bb: {  	[smem:$0x6CE] =	sst s25;
	s25 =	smul.u32 $0x88888889, s28  }
0x4bc: {  	[smem:$0x6D0] =	sst s30;
	s28 =	sshra.s32 s29, $0x1F;
	s29 =	spop (v2sf)  }
0x4bd: {  	s18 =	smul.u32 $0x88888889, s28;
	[smem:$0x6D2] =	sst s29  }
0x4be: {  	s30 =	sshra.s32 s30, $0x1F;
	s28 =	spop (v2sf);
	[smem:$0x6CF] =	sst s25  }
0x4bf: {  	v14 =	vld [tilespmem:$0x140];
	(v2sf) =	vpush v13, $0x6;
	s25 =	smul.u32 $0x88888889, s30;
	[smem:$0x6D3] =	sst s28  }
0x4c0: {  	s26 =	sshra.s32 s29, $0x1F;
	s30 =	spop (v2sf);
	[smem:$0x6D1] =	sst s18  }
0x4c1: {  	(v2sf) =	vpush v13, $0x7;
	s29 =	sshra.s32 s28, $0x1F;
	[smem:$0x6D6] =	sst s30;
	s28 =	spop (v2sf)  }
0x4c2: {  	[smem:$0x6D4] =	sst s25;
	s25 =	smul.u32 $0x88888889, s26  }
0x4c3: {  	s26 =	sshra.s32 s30, $0x1F;
	[smem:$0x6D8] =	sst s28;
	s30 =	spop (v2sf)  }
0x4c4: {  	(v2sf) =	vpush v14, $0xD;
	[smem:$0x6D9] =	sst s30  }
0x4c5: {  	[smem:$0x6D5] =	sst s25  }
0x4c6: {  	s25 =	smul.u32 $0x88888889, s29;
	s29 =	sshra.s32 s28, $0x1F;
	s28 =	spop (v2sf)  }
0x4c7: {  	[smem:$0x6DC] =	sst s28  }
0x4c8: {  	[smem:$0x6D7] =	sst s25  }
0x4c9: {  	(v2sf) =	vpush v14, $0xC;
	s25 =	smul.u32 $0x88888889, s26;
	s26 =	sshra.s32 s30, $0x1F;
	s30 =	spop (v2sf)  }
0x4ca: {  	s18 =	smul.u32 $0x88888889, s26;
	[smem:$0x6DE] =	sst s30  }
0x4cb: {  	[smem:$0x6DA] =	sst s25;
	s25 =	smul.u32 $0x88888889, s29  }
0x4cc: {  	s29 =	sshra.s32 s28, $0x1F;
	s28 =	sshra.s32 s30, $0x1F;
	[smem:$0x6DD] =	sst s18  }
0x4cd: {  	s30 =	smul.u32 $0x88888889, s28;
	[smem:$0x6DB] =	sst s25  }
0x4ce: {  	s25 =	smul.u32 $0x88888889, s29;
	s29 =	spop (v2sf)  }
0x4cf: {  	(v2sf) =	vpush v14, $0xE;
	[smem:$0x6DF] =	sst s29  }
0x4d0: {  	[smem:$0x6E1] =	sst s30;
	s26 =	spop (v2sf)  }
0x4d1: {  	s18 =	sshra.s32 s29, $0x1F;
	s29 =	smulhi.u32 $0x88888889, s0;
	[smem:$0x6E0] =	sst s25  }
0x4d2: {  	(v2sf) =	vpush v14, $0xF;
	[smem:$0x6E2] =	sst s26;
	s25 =	smul.u32 $0x88888889, s18;
	s28 =	sshra.s32 s26, $0x1F  }
0x4d3: {  	s30 =	spop (v2sf);
	s0 =	ssub.s32 s29, s0;
	s29 =	sld [smem:$0x5FE]  }
0x4d4: {  	s18 =	sshra.s32 s30, $0x1F;
	[smem:$0x6E3] =	sst s25;
	s25 =	smul.u32 $0x88888889, s28  }
0x4d5: {  	s26 =	smul.u32 $0x88888889, s18;
	s18 =	sld [smem:$0x600]  }
0x4d6: {  	[smem:$0x6E5] =	sst s25  }
0x4d7: {  	s28 =	smulhi.u32 $0x88888889, s2;
	s0 =	sadd.s32 s29, s0;
	s29 =	sld [smem:$0x5FF]  }
0x4d8: {  	[smem:$0x6E6] =	sst s26;
	s26 =	spop (v2sf)  }
0x4d9: {  	s2 =	ssub.s32 s28, s2;
	[smem:$0x6FE] =	sst s0;
	s0 =	smulhi.u32 $0x88888889, s3  }
0x4da: {  	[smem:$0x6E4] =	sst s26;
	s28 =	sshra.s32 s26, $0x1F;
	s2 =	sadd.s32 s29, s2  }
0x4db: {  	s0 =	ssub.s32 s0, s3;
	s3 =	smul.u32 $0x88888889, s28;
	s29 =	sld [smem:$0x601]  }
0x4dc: {  	(v2sf) =	vpush v14, $0x9;
	s25 =	smulhi.u32 $0x88888889, s1;
	[dreg:$0x10] =	wrdreg s2  }
0x4dd: {  	s28 =	smulhi.u32 $0x88888889, s8;
	s0 =	sadd.s32 s18, s0;
	[smem:$0x6E8] =	sst s3  }
0x4de: {  	s18 =	spop (v2sf);
	[smem:$0x702] =	sst s0  }
0x4df: {  	s26 =	ssub.s32 s25, s1;
	s25 =	smulhi.u32 $0x88888889, s9;
	[smem:$0x6E7] =	sst s18  }
0x4e0: {  	s1 =	ssub.s32 s28, s8;
	s0 =	sadd.s32 s29, s26;
	s26 =	sld [smem:$0x602]  }
0x4e1: {  	s3 =	sshra.s32 s18, $0x1F;
	s18 =	spop (v2sf);
	s29 =	sld [smem:$0x603]  }
0x4e2: {  	s28 =	smul.u32 $0x88888889, s3;
	s3 =	ssub.s32 s25, s9;
	s9 =	sld [smem:$0x604]  }
0x4e3: {  	[smem:$0x6E9] =	sst s18  }
0x4e4: {  	s2 =	smulhi.u32 $0x88888889, s14;
	[smem:$0x704] =	sst s0  }
0x4e5: {  	[smem:$0x6EB] =	sst s28  }
0x4e6: {  	s0 =	ssub.s32 s2, s14;
	s1 =	sadd.s32 s26, s1;
	s26 =	sld [smem:$0x605]  }
0x4e7: {  	s0 =	sadd.s32 s29, s0;
	s29 =	sld [smem:$0x606]  }
0x4e8: {  	s8 =	smulhi.u32 $0x88888889, s10;
	[dreg:$0x12] =	wrdreg s1  }
0x4e9: {  	s14 =	smulhi.u32 $0x88888889, s16;
	[dreg:$0x14] =	wrdreg s0  }
0x4ea: {  	s0 =	sadd.s32 s9, s3;
	s1 =	ssub.s32 s8, s10;
	s8 =	sld [smem:$0x607]  }
0x4eb: {  	s10 =	spop (v2sf);
	[dreg:$0x11] =	wrdreg s0  }
0x4ec: {  	(v2sf) =	vpush v14, $0x8;
	s25 =	smulhi.u32 $0x88888889, s11;
	s3 =	sshra.s32 s18, $0x1F;
	[smem:$0x6EA] =	sst s10  }
0x4ed: {  	(v2sf) =	vpush v14, $0xA;
	s0 =	ssub.s32 s14, s16;
	s28 =	smul.u32 $0x88888889, s3;
	s14 =	sld [smem:$0x608]  }
0x4ee: {  	s1 =	sadd.s32 s26, s1;
	s0 =	sadd.s32 s29, s0;
	s29 =	sld [smem:$0x60B]  }
0x4ef: {  	s2 =	ssub.s32 s25, s11;
	s11 =	smulhi.u32 $0x88888889, s19;
	[dreg:$0x13] =	wrdreg s1  }
0x4f0: {  	s3 =	smulhi.u32 $0x88888889, s17;
	[smem:$0x6EC] =	sst s28  }
0x4f1: {  	s9 =	smulhi.u32 $0x88888889, s24;
	[dreg:$0x1b] =	wrdreg s0  }
0x4f2: {  	s0 =	sadd.s32 s8, s2;
	s1 =	ssub.s32 s3, s17;
	s17 =	sld [smem:$0x609]  }
0x4f3: {  	s18 =	ssub.s32 s11, s19;
	[smem:$0x6F7] =	sst s0  }
0x4f4: {  	s19 =	smulhi.u32 $0x88888889, s12;
	s0 =	ssub.s32 s9, s24;
	s24 =	sld [smem:$0x60A]  }
0x4f5: {  	s3 =	sshra.s32 s10, $0x1F;
	s1 =	sadd.s32 s14, s1;
	s9 =	sld [smem:$0x60C]  }
0x4f6: {  	s16 =	smul.u32 $0x88888889, s3;
	[smem:$0x6FC] =	sst s1  }
0x4f7: {  	s25 =	smulhi.u32 $0x88888889, s21;
	s1 =	ssub.s32 s19, s12;
	s12 =	sld [smem:$0x60D]  }
0x4f8: {  	s11 =	smulhi.u32 $0x88888889, s15;
	[smem:$0x6ED] =	sst s16  }
0x4f9: {  	s26 =	smulhi.u32 $0x88888889, s13;
	s0 =	sadd.s32 s17, s0;
	s17 =	sld [smem:$0x60E]  }
0x4fa: {  	s1 =	sadd.s32 s29, s1;
	[dreg:$0x1f] =	wrdreg s0;
	s0 =	sadd.s32 s24, s18  }
0x4fb: {  	(v2sf) =	vpush v14, $0xB;
	s24 =	spop (v2sf);
	[dreg:$0x1d] =	wrdreg s1;
	s1 =	ssub.s32 s11, s15  }
0x4fc: {  	(v2sf) =	vpush v14, $0x1;
	[dreg:$0x1c] =	wrdreg s0;
	s0 =	ssub.s32 s25, s21;
	s14 =	spop (v2sf)  }
0x4fd: {  	s28 =	sshra.s32 s24, $0x1F;
	s0 =	sadd.s32 s9, s0;
	[smem:$0x6EE] =	sst s14  }
0x4fe: {  	s8 =	smul.u32 $0x88888889, s28;
	s1 =	sadd.s32 s17, s1;
	[dreg:$0x17] =	wrdreg s0  }
0x4ff: {  	s10 =	ssub.s32 s26, s13;
	s3 =	sshra.s32 s14, $0x1F;
	[dreg:$0x18] =	wrdreg s1  }
0x500: {  	s0 =	sadd.s32 s12, s10;
	s18 =	smul.u32 $0x88888889, s3;
	[smem:$0x6EF] =	sst s8  }
0x501: {  	(v2sf) =	vpush v14, $0x0;
	[dreg:$0x15] =	wrdreg s0  }
0x502: {  	(v2sf) =	vpush v14, $0x2;
	[smem:$0x6F0] =	sst s18  }
0x503: {  	s1 =	sld [smem:$0x60F]  }
0x504: {  	s21 =	sld [smem:$0x610]  }
0x505: {  	s29 =	sld [smem:$0x611]  }
0x506: {  	s16 =	smulhi.u32 $0x88888889, s20;
	s9 =	sld [smem:$0x613]  }
0x507: {  	s13 =	smulhi.u32 $0x88888889, s23;
	s10 =	sld [smem:$0x614]  }
0x508: {  	s19 =	ssub.s32 s16, s20;
	s20 =	smulhi.u32 $0x88888889, s7;
	s14 =	sld [smem:$0x615]  }
0x509: {  	s0 =	ssub.s32 s13, s23;
	s13 =	smulhi.u32 $0x88888889, s4;
	s16 =	sld [smem:$0x616]  }
0x50a: {  	s28 =	spop (v2sf);
	s18 =	sld [smem:$0x617]  }
0x50b: {  	s17 =	ssub.s32 s13, s4;
	s12 =	spop (v2sf);
	s13 =	sld [smem:$0x620]  }
0x50c: {  	s25 =	smulhi.u32 $0x88888889, s22;
	s26 =	sshra.s32 s28, $0x1F;
	[smem:$0x6F1] =	sst s12  }
0x50d: {  	s0 =	sadd.s32 s1, s0;
	s1 =	ssub.s32 s20, s7;
	s20 =	sld [smem:$0x618]  }
0x50e: {  	s3 =	smul.u32 $0x88888889, s26;
	s7 =	ssub.s32 s25, s22;
	s25 =	sld [smem:$0x61A]  }
0x50f: {  	[smem:$0x707] =	sst s0  }
0x510: {  	[smem:$0x6F2] =	sst s3  }
0x511: {  	s0 =	sadd.s32 s21, s19;
	s21 =	sld [smem:$0x619]  }
0x512: {  	s1 =	sadd.s32 s29, s1;
	s29 =	sld [smem:$0x61B]  }
0x513: {  	s23 =	smulhi.u32 $0x88888889, s6;
	[dreg:$0x19] =	wrdreg s0  }
0x514: {  	s8 =	smulhi.u32 $0x88888889, s5;
	[dreg:$0x1a] =	wrdreg s1  }
0x515: {  	s3 =	sshra.s32 s12, $0x1F;
	s0 =	ssub.s32 s23, s6;
	s6 =	sld [smem:$0x612]  }
0x516: {  	s1 =	ssub.s32 s8, s5;
	s23 =	spop (v2sf);
	s5 =	sld [smem:$0x61C]  }
0x517: {  	s15 =	smul.u32 $0x88888889, s3;
	[smem:$0x6F3] =	sst s23  }
0x518: {  	s1 =	sadd.s32 s14, s1;
	s3 =	sshra.s32 s23, $0x1F;
	s23 =	sld [smem:$0x625]  }
0x519: {  	s19 =	smulhi.u32 $0x88888889, s18;
	[smem:$0x711] =	sst s1  }
0x51a: {  	s12 =	spop (v2sf);
	[smem:$0x6F5] =	sst s15  }
0x51b: {  	s14 =	smulhi.u32 $0x88888889, s13;
	[smem:$0x6F4] =	sst s12  }
0x51c: {  	s1 =	ssub.s32 s19, s18;
	s15 =	sld [smem:$0x621]  }
0x51d: {  	s0 =	sadd.s32 s6, s0;
	s18 =	ssub.s32 s14, s13;
	s13 =	sld [smem:$0x62B]  }
0x51e: {  	s4 =	smul.u32 $0x88888889, s3;
	s1 =	sadd.s32 s29, s1;
	[dreg:$0x1e] =	wrdreg s0  }
0x51f: {  	[smem:$0x708] =	sst s1  }
0x520: {  	[smem:$0x6F6] =	sst s4  }
0x521: {  	s11 =	smulhi.u32 $0x88888889, s10;
	s0 =	sadd.s32 s9, s7;
	s7 =	sld [smem:$0x61D]  }
0x522: {  	s9 =	sld [smem:$0x61E]  }
0x523: {  	[smem:$0x70C] =	sst s0;
	s0 =	ssub.s32 s11, s10  }
0x524: {  	(v2sf) =	vpush v14, $0x3;
	s10 =	sld [smem:$0x61F];
	s0 =	sadd.s32 s16, s0  }
0x525: {  	(v2sf) =	vpush v14, $0x4;
	[dreg:$0x16] =	wrdreg s0  }
0x526: {  	s3 =	sshra.s32 s12, $0x1F;
	s0 =	sadd.s32 s20, s17;
	s17 =	sld [smem:$0x622]  }
0x527: {  	s16 =	smul.u32 $0x88888889, s3;
	s20 =	sld [smem:$0x623]  }
0x528: {  	s22 =	smulhi.u32 $0x88888889, s21;
	[smem:$0x70D] =	sst s0  }
0x529: {  	(v2sf) =	vpush v14, $0x5;
	[smem:$0x6F8] =	sst s16  }
0x52a: {  	s8 =	smulhi.u32 $0x88888889, s7;
	s0 =	ssub.s32 s22, s21;
	s21 =	sld [smem:$0x624]  }
0x52b: {  	s26 =	smulhi.u32 $0x88888889, s25;
	s0 =	sadd.s32 s5, s0;
	s5 =	sld [smem:$0x627]  }
0x52c: {  	s1 =	ssub.s32 s8, s7;
	s7 =	sld [smem:$0x628]  }
0x52d: {  	s6 =	ssub.s32 s26, s25;
	[smem:$0x70F] =	sst s0  }
0x52e: {  	s0 =	sadd.s32 s9, s6;
	s9 =	sld [smem:$0x629]  }
0x52f: {  	s1 =	sadd.s32 s15, s1;
	s15 =	sld [smem:$0x62C]  }
0x530: {  	s19 =	smulhi.u32 $0x88888889, s31;
	[smem:$0x712] =	sst s0  }
0x531: {  	s11 =	smulhi.u32 $0x88888889, s10;
	[smem:$0x716] =	sst s1  }
0x532: {  	s25 =	smulhi.u32 $0x88888889, s23;
	s1 =	ssub.s32 s19, s31;
	s31 =	sld [smem:$0x626]  }
0x533: {  	s26 =	spop (v2sf);
	s0 =	ssub.s32 s11, s10;
	s10 =	sld [smem:$0x62A]  }
0x534: {  	s12 =	spop (v2sf);
	s19 =	sld [smem:$0x62E]  }
0x535: {  	s14 =	smulhi.u32 $0x88888889, s13;
	[smem:$0x6F9] =	sst s12  }
0x536: {  	s29 =	sshra.s32 s26, $0x1F;
	s0 =	sadd.s32 s17, s0;
	s17 =	sld [smem:$0x62D]  }
0x537: {  	s4 =	smul.u32 $0x88888889, s29;
	s29 =	sld [smem:$0x631]  }
0x538: {  	s6 =	ssub.s32 s25, s23;
	s25 =	spop (v2sf);
	[smem:$0x718] =	sst s0  }
0x539: {  	[smem:$0x6FA] =	sst s25  }
0x53a: {  	s0 =	sadd.s32 s20, s18;
	s18 =	ssub.s32 s14, s13;
	s13 =	sld [smem:$0x635]  }
0x53b: {  	s14 =	sld [smem:$0x636]  }
0x53c: {  	s22 =	smulhi.u32 $0x88888889, s21;
	[smem:$0x71B] =	sst s0  }
0x53d: {  	[smem:$0x6FB] =	sst s4  }
0x53e: {  	s3 =	sshra.s32 s12, $0x1F;
	s0 =	ssub.s32 s22, s21;
	s21 =	sld [smem:$0x62F]  }
0x53f: {  	s16 =	smul.u32 $0x88888889, s3;
	s1 =	sadd.s32 s31, s1;
	s22 =	sld [smem:$0x630]  }
0x540: {  	(v2sf) =	vpush v14, $0x6;
	s8 =	smulhi.u32 $0x88888889, s7;
	[smem:$0x720] =	sst s1  }
0x541: {  	(v2sf) =	vpush v14, $0x7;
	[smem:$0x6FD] =	sst s16  }
0x542: {  	s1 =	ssub.s32 s8, s7;
	s7 =	sld [smem:$0x632]  }
0x543: {  	s16 =	sld [smem:$0x637]  }
0x544: {  	s0 =	sadd.s32 s5, s0;
	s5 =	sld [smem:$0x647]  }
0x545: {  	[smem:$0x721] =	sst s0  }
0x546: {  	s3 =	sshra.s32 s25, $0x1F;
	s0 =	sadd.s32 s9, s6;
	s9 =	sld [smem:$0x633]  }
0x547: {  	s8 =	smul.u32 $0x88888889, s3;
	s1 =	sadd.s32 s15, s1;
	[smem:$0x71C] =	sst s0  }
0x548: {  	s11 =	smulhi.u32 $0x88888889, s10;
	[smem:$0x728] =	sst s1  }
0x549: {  	s20 =	smulhi.u32 $0x88888889, s19;
	[smem:$0x6FF] =	sst s8  }
0x54a: {  	s31 =	smulhi.u32 $0x88888889, s29;
	s0 =	ssub.s32 s11, s10;
	s11 =	sld [smem:$0x634]  }
0x54b: {  	s1 =	ssub.s32 s20, s19;
	s19 =	sld [smem:$0x638]  }
0x54c: {  	v15 =	vld [tilespmem:$0x150];
	s10 =	ssub.s32 s31, s29;
	s31 =	sld [smem:$0x63B]  }
0x54d: {  	s0 =	sadd.s32 s17, s0;
	s1 =	sadd.s32 s7, s1;
	s7 =	sld [smem:$0x63D]  }
0x54e: {  	[smem:$0x72C] =	sst s0  }
0x54f: {  	s29 =	spop (v2sf);
	[smem:$0x725] =	sst s1  }
0x550: {  	s6 =	spop (v2sf);
	s0 =	sadd.s32 s21, s18;
	s21 =	sld [smem:$0x639]  }
0x551: {  	(v2sf) =	vpush v15, $0xD;
	s23 =	smulhi.u32 $0x88888889, s22;
	[smem:$0x700] =	sst s6  }
0x552: {  	s17 =	smulhi.u32 $0x88888889, s16;
	[smem:$0x729] =	sst s0  }
0x553: {  	s0 =	ssub.s32 s23, s22;
	s23 =	sld [smem:$0x63A]  }
0x554: {  	s18 =	sshra.s32 s29, $0x1F;
	s22 =	ssub.s32 s17, s16;
	s16 =	sld [smem:$0x641]  }
0x555: {  	s20 =	smul.u32 $0x88888889, s18;
	s17 =	sld [smem:$0x642]  }
0x556: {  	(v2sf) =	vpush v15, $0xC;
	s0 =	sadd.s32 s9, s0;
	s9 =	sshra.s32 s6, $0x1F;
	s6 =	sld [smem:$0x648]  }
0x557: {  	[smem:$0x72D] =	sst s0  }
0x558: {  	s12 =	smulhi.u32 $0x88888889, s11;
	[smem:$0x703] =	sst s20  }
0x559: {  	s0 =	sadd.s32 s13, s10;
	s10 =	sld [smem:$0x63E]  }
0x55a: {  	s1 =	ssub.s32 s12, s11;
	s12 =	sld [smem:$0x63F]  }
0x55b: {  	s15 =	smulhi.u32 $0x88888889, s14;
	s20 =	sld [smem:$0x643]  }
0x55c: {  	s11 =	smul.u32 $0x88888889, s9;
	s9 =	sld [smem:$0x649]  }
0x55d: {  	[smem:$0x730] =	sst s0  }
0x55e: {  	(v2sf) =	vpush v15, $0xE;
	s1 =	sadd.s32 s19, s1;
	s0 =	ssub.s32 s15, s14;
	s14 =	sld [smem:$0x640]  }
0x55f: {  	[smem:$0x719] =	sst s1  }
0x560: {  	(v2sf) =	vpush v15, $0xF;
	s19 =	spop (v2sf);
	[smem:$0x705] =	sst s11  }
0x561: {  	[smem:$0x701] =	sst s19  }
0x562: {  	s8 =	smulhi.u32 $0x88888889, s7;
	s0 =	sadd.s32 s21, s0;
	s11 =	sld [smem:$0x64A]  }
0x563: {  	s25 =	smulhi.u32 $0x88888889, s23;
	[smem:$0x713] =	sst s0  }
0x564: {  	s13 =	ssub.s32 s8, s7;
	s0 =	sadd.s32 s31, s22;
	s22 =	sld [smem:$0x644]  }
0x565: {  	s8 =	spop (v2sf);
	s1 =	ssub.s32 s25, s23;
	s25 =	sld [smem:$0x645]  }
0x566: {  	[smem:$0x706] =	sst s8  }
0x567: {  	s3 =	sshra.s32 s19, $0x1F;
	[smem:$0x71D] =	sst s0  }
0x568: {  	s23 =	smul.u32 $0x88888889, s3;
	s0 =	sld [smem:$0x63C];
	s1 =	sadd.s32 s10, s1  }
0x569: {  	s21 =	smulhi.u32 $0x88888889, s20;
	[smem:$0x722] =	sst s1  }
0x56a: {  	[smem:$0x709] =	sst s23  }
0x56b: {  	s15 =	smulhi.u32 $0x88888889, s14;
	s31 =	ssub.s32 s21, s20;
	s21 =	sld [smem:$0x64F]  }
0x56c: {  	s10 =	smulhi.u32 $0x88888889, s9;
	s23 =	sld [smem:$0x650]  }
0x56d: {  	s20 =	spop (v2sf);
	s1 =	ssub.s32 s15, s14;
	s15 =	sld [smem:$0x64C]  }
0x56e: {  	[smem:$0x70A] =	sst s20  }
0x56f: {  	s14 =	ssub.s32 s10, s9;
	s9 =	spop (v2sf);
	s10 =	sld [smem:$0x655]  }
0x570: {  	s2 =	smulhi.u32 $0x88888889, s0;
	s1 =	sadd.s32 s22, s1;
	[smem:$0x70B] =	sst s9  }
0x571: {  	[smem:$0x72E] =	sst s1  }
0x572: {  	s1 =	sld [smem:$0x646];
	s0 =	ssub.s32 s2, s0  }
0x573: {  	s3 =	sshra.s32 s8, $0x1F;
	s2 =	sld [smem:$0x6D8];
	s0 =	sadd.s32 s12, s0  }
0x574: {  	s12 =	smul.u32 $0x88888889, s3;
	s3 =	sshra.s32 s20, $0x1F;
	s20 =	sld [smem:$0x65A]  }
0x575: {  	[smem:$0x726] =	sst s0  }
0x576: {  	s0 =	sadd.s32 s16, s13;
	s13 =	sld [smem:$0x64B]  }
0x577: {  	s18 =	smulhi.u32 $0x88888889, s17;
	[smem:$0x72A] =	sst s0  }
0x578: {  	[smem:$0x70E] =	sst s12  }
0x579: {  	s0 =	ssub.s32 s18, s17;
	s17 =	sld [smem:$0x64D]  }
0x57a: {  	s4 =	smulhi.u32 $0x88888889, s1;
	s18 =	sld [smem:$0x64E]  }
0x57b: {  	s22 =	smulhi.u32 $0x88888889, s21;
	s12 =	sld [smem:$0x656]  }
0x57c: {  	s0 =	sadd.s32 s25, s0;
	s1 =	ssub.s32 s4, s1;
	s4 =	sld [smem:$0x652]  }
0x57d: {  	s25 =	smul.u32 $0x88888889, s3;
	s3 =	ssub.s32 s22, s21;
	s22 =	sld [smem:$0x65B]  }
0x57e: {  	[smem:$0x731] =	sst s0  }
0x57f: {  	s0 =	sadd.s32 s5, s31;
	s31 =	sld [smem:$0x651]  }
0x580: {  	s1 =	sadd.s32 s11, s1;
	[smem:$0x735] =	sst s0  }
0x581: {  	(v2sf) =	vpush v15, $0x9;
	s7 =	smulhi.u32 $0x88888889, s6;
	[smem:$0x734] =	sst s1  }
0x582: {  	[smem:$0x710] =	sst s25  }
0x583: {  	s16 =	smulhi.u32 $0x88888889, s15;
	s0 =	ssub.s32 s7, s6;
	s6 =	sld [smem:$0x653]  }
0x584: {  	s11 =	smulhi.u32 $0x88888889, s10;
	s7 =	sld [smem:$0x654]  }
0x585: {  	s1 =	ssub.s32 s16, s15;
	s16 =	sld [smem:$0x658]  }
0x586: {  	s15 =	ssub.s32 s11, s10;
	s10 =	sld [smem:$0x65F]  }
0x587: {  	s0 =	sadd.s32 s13, s0;
	s11 =	sld [smem:$0x660]  }
0x588: {  	s1 =	sadd.s32 s23, s1;
	[smem:$0x739] =	sst s0  }
0x589: {  	[smem:$0x73A] =	sst s1  }
0x58a: {  	s19 =	smulhi.u32 $0x88888889, s18;
	s0 =	sadd.s32 s17, s14;
	s14 =	sld [smem:$0x657]  }
0x58b: {  	s5 =	smulhi.u32 $0x88888889, s4;
	[smem:$0x73D] =	sst s0  }
0x58c: {  	s0 =	ssub.s32 s19, s18;
	s19 =	sld [smem:$0x659]  }
0x58d: {  	(v2sf) =	vpush v15, $0x8;
	s1 =	ssub.s32 s5, s4;
	s5 =	sld [smem:$0x65D]  }
0x58e: {  	s8 =	smulhi.u32 $0x88888889, s7;
	s0 =	sadd.s32 s31, s0;
	s31 =	sld [smem:$0x65C]  }
0x58f: {  	s17 =	smulhi.u32 $0x88888889, s16;
	s1 =	sadd.s32 s12, s1;
	[smem:$0x736] =	sst s0  }
0x590: {  	(v2sf) =	vpush v15, $0xA;
	s18 =	spop (v2sf);
	[smem:$0x744] =	sst s1  }
0x591: {  	s25 =	sshra.s32 s18, $0x1F;
	s1 =	ssub.s32 s17, s16;
	s16 =	sld [smem:$0x662]  }
0x592: {  	s0 =	sadd.s32 s6, s3;
	s4 =	smul.u32 $0x88888889, s25;
	s25 =	sld [smem:$0x666]  }
0x593: {  	s23 =	smulhi.u32 $0x88888889, s22;
	[smem:$0x73E] =	sst s0  }
0x594: {  	s0 =	ssub.s32 s8, s7;
	s8 =	sld [smem:$0x65E]  }
0x595: {  	s3 =	sshra.s32 s9, $0x1F;
	s7 =	ssub.s32 s23, s22;
	s23 =	sld [smem:$0x665]  }
0x596: {  	s13 =	smul.u32 $0x88888889, s3;
	[smem:$0x71A] =	sst s4  }
0x597: {  	s0 =	sadd.s32 s14, s0;
	s14 =	sld [smem:$0x661]  }
0x598: {  	[smem:$0x714] =	sst s13  }
0x599: {  	s1 =	sadd.s32 s31, s1;
	[smem:$0x737] =	sst s0  }
0x59a: {  	[smem:$0x73B] =	sst s1  }
0x59b: {  	s21 =	smulhi.u32 $0x88888889, s20;
	s0 =	sadd.s32 s19, s15;
	s19 =	sld [smem:$0x663]  }
0x59c: {  	s13 =	spop (v2sf);
	[smem:$0x732] =	sst s0  }
0x59d: {  	[smem:$0x715] =	sst s13  }
0x59e: {  	(v2sf) =	vpush v15, $0xB;
	s0 =	ssub.s32 s21, s20;
	s21 =	sld [smem:$0x664]  }
0x59f: {  	s3 =	sshra.s32 s13, $0x1F;
	s6 =	spop (v2sf);
	s13 =	sld [smem:$0x66A]  }
0x5a0: {  	[smem:$0x717] =	sst s6  }
0x5a1: {  	s0 =	sadd.s32 s5, s0;
	s5 =	sld [smem:$0x671]  }
0x5a2: {  	s17 =	smul.u32 $0x88888889, s3;
	s3 =	sshra.s32 s6, $0x1F;
	s6 =	sld [smem:$0x672]  }
0x5a3: {  	s9 =	smulhi.u32 $0x88888889, s8;
	[smem:$0x73F] =	sst s0  }
0x5a4: {  	s0 =	sadd.s32 s10, s7;
	s7 =	sld [smem:$0x667]  }
0x5a5: {  	s1 =	ssub.s32 s9, s8;
	s9 =	sld [smem:$0x668]  }
0x5a6: {  	s12 =	smulhi.u32 $0x88888889, s11;
	[smem:$0x742] =	sst s0  }
0x5a7: {  	s15 =	smulhi.u32 $0x88888889, s14;
	[smem:$0x71E] =	sst s17  }
0x5a8: {  	s0 =	ssub.s32 s12, s11;
	s11 =	sld [smem:$0x669]  }
0x5a9: {  	s20 =	ssub.s32 s15, s14;
	s15 =	sld [smem:$0x66B]  }
0x5aa: {  	(v2sf) =	vpush v15, $0x1;
	s10 =	smul.u32 $0x88888889, s3;
	s1 =	sadd.s32 s16, s1;
	s16 =	sld [smem:$0x66C]  }
0x5ab: {  	[smem:$0x745] =	sst s1  }
0x5ac: {  	s0 =	sadd.s32 s19, s0;
	[smem:$0x723] =	sst s10  }
0x5ad: {  	s19 =	spop (v2sf);
	[smem:$0x747] =	sst s0  }
0x5ae: {  	s22 =	smulhi.u32 $0x88888889, s21;
	[smem:$0x71F] =	sst s19  }
0x5af: {  	s0 =	sadd.s32 s23, s20;
	s20 =	sld [smem:$0x66D]  }
0x5b0: {  	s1 =	ssub.s32 s22, s21;
	s22 =	sld [smem:$0x66E]  }
0x5b1: {  	s31 =	smulhi.u32 $0x88888889, s25;
	s3 =	sshra.s32 s19, $0x1F;
	s19 =	sld [smem:$0x678]  }
0x5b2: {  	[smem:$0x74B] =	sst s0  }
0x5b3: {  	s0 =	ssub.s32 s31, s25;
	s25 =	sld [smem:$0x66F]  }
0x5b4: {  	s1 =	sadd.s32 s9, s1;
	s9 =	sld [smem:$0x673]  }
0x5b5: {  	(v2sf) =	vpush v15, $0x0;
	s14 =	smulhi.u32 $0x88888889, s13;
	[smem:$0x74C] =	sst s1  }
0x5b6: {  	s8 =	smulhi.u32 $0x88888889, s7;
	s0 =	sadd.s32 s11, s0;
	s11 =	sld [smem:$0x674]  }
0x5b7: {  	s23 =	smul.u32 $0x88888889, s3;
	s1 =	ssub.s32 s14, s13;
	s13 =	sld [smem:$0x675]  }
0x5b8: {  	[smem:$0x748] =	sst s0  }
0x5b9: {  	s12 =	ssub.s32 s8, s7;
	s8 =	spop (v2sf);
	[smem:$0x72B] =	sst s23  }
0x5ba: {  	[smem:$0x724] =	sst s8  }
0x5bb: {  	s0 =	sadd.s32 s15, s12;
	s15 =	sld [smem:$0x676]  }
0x5bc: {  	s1 =	sadd.s32 s22, s1;
	s22 =	sld [smem:$0x679]  }
0x5bd: {  	s3 =	sshra.s32 s8, $0x1F;
	s8 =	sld [smem:$0x67E]  }
0x5be: {  	[smem:$0x752] =	sst s0  }
0x5bf: {  	s17 =	smulhi.u32 $0x88888889, s16;
	[smem:$0x756] =	sst s1  }
0x5c0: {  	s1 =	sld [smem:$0x670]  }
0x5c1: {  	s21 =	smulhi.u32 $0x88888889, s20;
	s0 =	ssub.s32 s17, s16;
	s17 =	sld [smem:$0x677]  }
0x5c2: {  	s12 =	smul.u32 $0x88888889, s3;
	s0 =	sadd.s32 s25, s0;
	s25 =	sld [smem:$0x67A]  }
0x5c3: {  	[smem:$0x753] =	sst s0  }
0x5c4: {  	s31 =	ssub.s32 s21, s20;
	s21 =	spop (v2sf);
	[smem:$0x72F] =	sst s12  }
0x5c5: {  	s10 =	smulhi.u32 $0x88888889, s9;
	[smem:$0x727] =	sst s21  }
0x5c6: {  	s0 =	sadd.s32 s5, s31;
	s5 =	sld [smem:$0x67C]  }
0x5c7: {  	s14 =	ssub.s32 s10, s9;
	s10 =	sld [smem:$0x67F]  }
0x5c8: {  	s3 =	sshra.s32 s21, $0x1F;
	s21 =	sld [smem:$0x684]  }
0x5c9: {  	s7 =	smulhi.u32 $0x88888889, s6;
	[smem:$0x750] =	sst s0  }
0x5ca: {  	s31 =	smul.u32 $0x88888889, s3;
	s3 =	sld [smem:$0x67B]  }
0x5cb: {  	s0 =	ssub.s32 s7, s6;
	s7 =	sld [smem:$0x67D]  }
0x5cc: {  	s0 =	sadd.s32 s13, s0;
	s13 =	sld [smem:$0x680]  }
0x5cd: {  	(v2sf) =	vpush v15, $0x2;
	[smem:$0x75A] =	sst s0  }
0x5ce: {  	s4 =	smulhi.u32 $0x88888889, s1;
	[smem:$0x733] =	sst s31  }
0x5cf: {  	(v2sf) =	vpush v15, $0x3;
	s20 =	smulhi.u32 $0x88888889, s19;
	s0 =	sadd.s32 s17, s14;
	s17 =	sld [smem:$0x682]  }
0x5d0: {  	s16 =	smulhi.u32 $0x88888889, s15;
	s1 =	ssub.s32 s4, s1;
	[smem:$0x749] =	sst s0  }
0x5d1: {  	s1 =	sadd.s32 s11, s1;
	s0 =	ssub.s32 s20, s19;
	s20 =	sld [smem:$0x683]  }
0x5d2: {  	s23 =	smulhi.u32 $0x88888889, s22;
	[smem:$0x757] =	sst s1  }
0x5d3: {  	s1 =	ssub.s32 s16, s15;
	s0 =	sadd.s32 s3, s0;
	s15 =	sld [smem:$0x681]  }
0x5d4: {  	s11 =	smulhi.u32 $0x88888889, s10;
	[smem:$0x74D] =	sst s0  }
0x5d5: {  	s1 =	sadd.s32 s25, s1;
	s25 =	sld [smem:$0x685]  }
0x5d6: {  	s4 =	ssub.s32 s23, s22;
	s16 =	ssub.s32 s11, s10;
	s11 =	sld [smem:$0x687]  }
0x5d7: {  	s9 =	smulhi.u32 $0x88888889, s8;
	s0 =	sadd.s32 s7, s4;
	s4 =	sld [smem:$0x68E]  }
0x5d8: {  	s6 =	smulhi.u32 $0x88888889, s5;
	[smem:$0x743] =	sst s1  }
0x5d9: {  	[smem:$0x751] =	sst s0  }
0x5da: {  	s1 =	ssub.s32 s6, s5;
	s0 =	ssub.s32 s9, s8;
	s9 =	sld [smem:$0x686]  }
0x5db: {  	s1 =	sadd.s32 s13, s1;
	s13 =	sld [smem:$0x688]  }
0x5dc: {  	(v2sf) =	vpush v15, $0x4;
	s7 =	spop (v2sf);
	s0 =	sadd.s32 s15, s0;
	s15 =	sld [smem:$0x689]  }
0x5dd: {  	s19 =	smulhi.u32 $0x88888889, s17;
	[smem:$0x754] =	sst s1  }
0x5de: {  	s12 =	sshra.s32 s7, $0x1F;
	s23 =	spop (v2sf);
	[smem:$0x758] =	sst s0  }
0x5df: {  	s14 =	smul.u32 $0x88888889, s12;
	s0 =	sadd.s32 s20, s16;
	s16 =	sld [smem:$0x68A]  }
0x5e0: {  	(v2sf) =	vpush v15, $0x5;
	s8 =	sshra.s32 s23, $0x1F;
	s1 =	ssub.s32 s19, s17;
	s19 =	sld [smem:$0x68B]  }
0x5e1: {  	s10 =	smul.u32 $0x88888889, s8;
	s8 =	sld [smem:$0x68F]  }
0x5e2: {  	s22 =	smulhi.u32 $0x88888889, s21;
	[smem:$0x738] =	sst s14  }
0x5e3: {  	[smem:$0x75B] =	sst s0  }
0x5e4: {  	s0 =	ssub.s32 s22, s21;
	s22 =	sld [smem:$0x68C]  }
0x5e5: {  	s1 =	sadd.s32 s9, s1;
	s9 =	sld [smem:$0x690]  }
0x5e6: {  	s31 =	smulhi.u32 $0x88888889, s25;
	[smem:$0x760] =	sst s1  }
0x5e7: {  	[smem:$0x73C] =	sst s10  }
0x5e8: {  	s5 =	smulhi.u32 $0x88888889, s4;
	s12 =	ssub.s32 s31, s25;
	s31 =	sld [smem:$0x68D]  }
0x5e9: {  	s0 =	sadd.s32 s11, s0;
	s14 =	smulhi.u32 $0x88888889, s13;
	s11 =	sld [smem:$0x691]  }
0x5ea: {  	(v2sf) =	vpush v15, $0x6;
	[smem:$0x761] =	sst s0;
	s17 =	smulhi.u32 $0x88888889, s16  }
0x5eb: {  	s0 =	sadd.s32 s15, s12;
	s12 =	spop (v2sf);
	s15 =	sld [smem:$0x692]  }
0x5ec: {  	s20 =	smulhi.u32 $0x88888889, s19;
	[smem:$0x75F] =	sst s0  }
0x5ed: {  	s1 =	ssub.s32 s14, s13;
	s0 =	ssub.s32 s17, s16;
	s17 =	sld [smem:$0x693]  }
0x5ee: {  	s21 =	sshra.s32 s12, $0x1F;
	s3 =	ssub.s32 s20, s19;
	s20 =	sld [smem:$0x694]  }
0x5ef: {  	s6 =	spop (v2sf);
	s1 =	sadd.s32 s22, s1;
	s22 =	sld [smem:$0x695]  }
0x5f0: {  	s25 =	smul.u32 $0x88888889, s21;
	s14 =	sshra.s32 s6, $0x1F;
	[smem:$0x764] =	sst s1  }
0x5f1: {  	s16 =	smul.u32 $0x88888889, s14;
	s14 =	sld [smem:$0x699]  }
0x5f2: {  	s1 =	ssub.s32 s5, s4;
	s5 =	sld [smem:$0x6B1]  }
0x5f3: {  	s0 =	sadd.s32 s31, s0;
	[smem:$0x740] =	sst s25  }
0x5f4: {  	s13 =	smulhi.u32 $0x88888889, s11;
	[smem:$0x768] =	sst s0  }
0x5f5: {  	(v2sf) =	vpush v15, $0x7;
	s25 =	sld [smem:$0x696]  }
0x5f6: {  	s0 =	sadd.s32 s8, s3;
	s19 =	ssub.s32 s13, s11;
	s11 =	sld [smem:$0x698]  }
0x5f7: {  	s1 =	sadd.s32 s15, s1;
	[smem:$0x769] =	sst s0  }
0x5f8: {  	s10 =	smulhi.u32 $0x88888889, s9;
	[smem:$0x765] =	sst s1  }
0x5f9: {  	s8 =	spop (v2sf);
	[smem:$0x746] =	sst s16  }
0x5fa: {  	[smem:$0x741] =	sst s8  }
0x5fb: {  	s0 =	ssub.s32 s10, s9;
	s9 =	sld [smem:$0x697]  }
0x5fc: {  	v16 =	vld [tilespmem:$0x160];
	s16 =	sld [smem:$0x69A];
	s0 =	sadd.s32 s17, s0  }
0x5fd: {  	s21 =	smulhi.u32 $0x88888889, s20;
	[smem:$0x76C] =	sst s0  }
0x5fe: {  	s0 =	sadd.s32 s22, s19;
	s19 =	sld [smem:$0x69B]  }
0x5ff: {  	s3 =	sshra.s32 s8, $0x1F;
	s1 =	ssub.s32 s21, s20;
	s20 =	sld [smem:$0x69C]  }
0x600: {  	s13 =	smul.u32 $0x88888889, s3;
	s22 =	sld [smem:$0x69D]  }
0x601: {  	(v2sf) =	vpush v16, $0xD;
	s31 =	smulhi.u32 $0x88888889, s25;
	[smem:$0x76E] =	sst s0  }
0x602: {  	s10 =	smulhi.u32 $0x88888889, s9;
	[smem:$0x74A] =	sst s13  }
0x603: {  	s1 =	sadd.s32 s11, s1;
	s17 =	smulhi.u32 $0x88888889, s16;
	s13 =	sld [smem:$0x69F]  }
0x604: {  	s11 =	spop (v2sf);
	[smem:$0x762] =	sst s1  }
0x605: {  	s0 =	ssub.s32 s31, s25;
	s15 =	ssub.s32 s10, s9;
	s9 =	sld [smem:$0x69E]  }
0x606: {  	s31 =	sshra.s32 s11, $0x1F;
	s1 =	ssub.s32 s17, s16;
	s17 =	sld [smem:$0x6A1]  }
0x607: {  	s0 =	sadd.s32 s14, s0;
	s10 =	smul.u32 $0x88888889, s31;
	s31 =	sld [smem:$0x6A4]  }
0x608: {  	[smem:$0x75C] =	sst s0  }
0x609: {  	s0 =	sadd.s32 s19, s15;
	s15 =	sld [smem:$0x6A0]  }
0x60a: {  	s19 =	sld [smem:$0x6A2]  }
0x60b: {  	s21 =	smulhi.u32 $0x88888889, s20;
	[smem:$0x766] =	sst s0  }
0x60c: {  	(v2sf) =	vpush v16, $0xC;
	[smem:$0x74E] =	sst s10  }
0x60d: {  	s0 =	ssub.s32 s21, s20;
	s21 =	sld [smem:$0x6A3]  }
0x60e: {  	s0 =	sadd.s32 s13, s0;
	s13 =	sld [smem:$0x6A5]  }
0x60f: {  	s25 =	smulhi.u32 $0x88888889, s22;
	s1 =	sadd.s32 s9, s1;
	s9 =	sld [smem:$0x6BE]  }
0x610: {  	s8 =	spop (v2sf);
	[smem:$0x76A] =	sst s1  }
0x611: {  	s14 =	ssub.s32 s25, s22;
	s25 =	sshra.s32 s8, $0x1F;
	[smem:$0x76D] =	sst s0  }
0x612: {  	s10 =	smul.u32 $0x88888889, s25;
	s0 =	sadd.s32 s17, s14;
	s17 =	sld [smem:$0x6A7]  }
0x613: {  	s16 =	smulhi.u32 $0x88888889, s15;
	[smem:$0x76F] =	sst s0  }
0x614: {  	s20 =	smulhi.u32 $0x88888889, s19;
	[smem:$0x755] =	sst s10  }
0x615: {  	(v2sf) =	vpush v16, $0xE;
	s22 =	smulhi.u32 $0x88888889, s21;
	s1 =	ssub.s32 s16, s15;
	s15 =	sld [smem:$0x6A6]  }
0x616: {  	s0 =	ssub.s32 s20, s19;
	s19 =	sld [smem:$0x6A8]  }
0x617: {  	s14 =	ssub.s32 s22, s21;
	s22 =	sld [smem:$0x6A9]  }
0x618: {  	s1 =	sadd.s32 s31, s1;
	s31 =	sld [smem:$0x6AA]  }
0x619: {  	s0 =	sadd.s32 s13, s0;
	s13 =	sld [smem:$0x6AB]  }
0x61a: {  	[smem:$0x772] =	sst s1  }
0x61b: {  	s21 =	spop (v2sf);
	[smem:$0x775] =	sst s0  }
0x61c: {  	[smem:$0x74F] =	sst s21  }
0x61d: {  	s0 =	sadd.s32 s17, s14;
	s3 =	sshra.s32 s21, $0x1F;
	s17 =	sld [smem:$0x6AD]  }
0x61e: {  	s21 =	sld [smem:$0x6AF];
	s10 =	smul.u32 $0x88888889, s3  }
0x61f: {  	s16 =	smulhi.u32 $0x88888889, s15;
	[smem:$0x776] =	sst s0  }
0x620: {  	(v2sf) =	vpush v16, $0xF;
	s20 =	smulhi.u32 $0x88888889, s19;
	[smem:$0x759] =	sst s10  }
0x621: {  	s1 =	ssub.s32 s16, s15;
	s15 =	sld [smem:$0x6AC]  }
0x622: {  	s0 =	ssub.s32 s20, s19;
	s19 =	sld [smem:$0x6AE]  }
0x623: {  	s25 =	smulhi.u32 $0x88888889, s22;
	s1 =	sadd.s32 s31, s1;
	s31 =	sld [smem:$0x6B0]  }
0x624: {  	s10 =	spop (v2sf);
	s0 =	sadd.s32 s13, s0;
	[smem:$0x773] =	sst s1  }
0x625: {  	(v2sf) =	vpush v16, $0x9;
	s14 =	ssub.s32 s25, s22;
	s22 =	smulhi.u32 $0x88888889, s21;
	[smem:$0x77B] =	sst s0  }
0x626: {  	s25 =	sshra.s32 s10, $0x1F;
	s0 =	sadd.s32 s17, s14;
	s14 =	sld [smem:$0x6B2]  }
0x627: {  	s4 =	smul.u32 $0x88888889, s25;
	s17 =	sld [smem:$0x6B3]  }
0x628: {  	s16 =	smulhi.u32 $0x88888889, s15;
	[smem:$0x77F] =	sst s0  }
0x629: {  	s20 =	smulhi.u32 $0x88888889, s19;
	s13 =	ssub.s32 s22, s21;
	s21 =	sld [smem:$0x6B5]  }
0x62a: {  	[smem:$0x75D] =	sst s4  }
0x62b: {  	s1 =	ssub.s32 s16, s15;
	s0 =	ssub.s32 s20, s19;
	s19 =	sld [smem:$0x6B4]  }
0x62c: {  	s1 =	sadd.s32 s31, s1;
	s31 =	sld [smem:$0x6B6]  }
0x62d: {  	s0 =	sadd.s32 s5, s0;
	s5 =	sld [smem:$0x6B7]  }
0x62e: {  	s16 =	smulhi.u32 $0x88888889, s14;
	[smem:$0x77C] =	sst s1  }
0x62f: {  	(v2sf) =	vpush v16, $0x8;
	s15 =	spop (v2sf);
	[smem:$0x779] =	sst s0  }
0x630: {  	s22 =	smulhi.u32 $0x88888889, s21;
	s1 =	ssub.s32 s16, s14;
	s14 =	sld [smem:$0x6B8]  }
0x631: {  	s25 =	sshra.s32 s15, $0x1F;
	s0 =	sadd.s32 s17, s13;
	s17 =	sld [smem:$0x6B9]  }
0x632: {  	s4 =	smul.u32 $0x88888889, s25;
	[smem:$0x780] =	sst s0  }
0x633: {  	s13 =	ssub.s32 s22, s21;
	s22 =	sld [smem:$0x6BB]  }
0x634: {  	s21 =	spop (v2sf);
	[smem:$0x763] =	sst s4  }
0x635: {  	[smem:$0x75E] =	sst s21  }
0x636: {  	s20 =	smulhi.u32 $0x88888889, s19;
	s1 =	sadd.s32 s31, s1;
	s31 =	sld [smem:$0x6BC]  }
0x637: {  	s4 =	sld [smem:$0x6BD]  }
0x638: {  	(v2sf) =	vpush v16, $0xA;
	s3 =	sshra.s32 s21, $0x1F;
	[smem:$0x783] =	sst s1;
	s0 =	ssub.s32 s20, s19  }
0x639: {  	s19 =	sld [smem:$0x6BA];
	s3 =	smul.u32 $0x88888889, s3;
	s0 =	sadd.s32 s5, s0  }
0x63a: {  	s16 =	smulhi.u32 $0x88888889, s14;
	[smem:$0x777] =	sst s0  }
0x63b: {  	[smem:$0x767] =	sst s3  }
0x63c: {  	s25 =	smulhi.u32 $0x88888889, s22;
	s1 =	ssub.s32 s16, s14;
	s16 =	sld [smem:$0x6BF]  }
0x63d: {  	s0 =	sadd.s32 s17, s13;
	s14 =	smulhi.u32 $0x88888889, s9;
	s17 =	sld [smem:$0x6C0]  }
0x63e: {  	s13 =	spop (v2sf);
	s3 =	sld [smem:$0x6C3]  }
0x63f: {  	[smem:$0x770] =	sst s0;
	s20 =	smulhi.u32 $0x88888889, s19;
	s1 =	sadd.s32 s31, s1  }
0x640: {  	s5 =	ssub.s32 s25, s22;
	s22 =	sshra.s32 s13, $0x1F;
	s25 =	sld [smem:$0x6C2]  }
0x641: {  	[smem:$0x77A] =	sst s1;
	s31 =	smul.u32 $0x88888889, s22  }
0x642: {  	s0 =	ssub.s32 s20, s19;
	s20 =	sld [smem:$0x6C1]  }
0x643: {  	s1 =	ssub.s32 s14, s9;
	[smem:$0x76B] =	sst s31  }
0x644: {  	s0 =	sadd.s32 s4, s0;
	s1 =	sadd.s32 s25, s1;
	s25 =	sld [smem:$0x6C8]  }
0x645: {  	[smem:$0x77D] =	sst s0  }
0x646: {  	(v2sf) =	vpush v16, $0xB;
	[smem:$0x784] =	sst s1  }
0x647: {  	s9 =	spop (v2sf);
	s0 =	sadd.s32 s16, s5;
	s5 =	sld [smem:$0x6C4]  }
0x648: {  	s19 =	smulhi.u32 $0x88888889, s17;
	s22 =	sshra.s32 s9, $0x1F;
	s16 =	sld [smem:$0x6C5]  }
0x649: {  	s31 =	smul.u32 $0x88888889, s22;
	[smem:$0x781] =	sst s0  }
0x64a: {  	s0 =	ssub.s32 s19, s17;
	s17 =	sld [smem:$0x6C6]  }
0x64b: {  	[smem:$0x771] =	sst s31  }
0x64c: {  	s31 =	sld [smem:$0x6CE]  }
0x64d: {  	s21 =	smulhi.u32 $0x88888889, s20;
	s0 =	sadd.s32 s3, s0;
	s3 =	sld [smem:$0x6C9]  }
0x64e: {  	[smem:$0x787] =	sst s0  }
0x64f: {  	s4 =	ssub.s32 s21, s20;
	s20 =	sld [smem:$0x6C7]  }
0x650: {  	s14 =	smulhi.u32 $0x88888889, s5;
	s0 =	sadd.s32 s16, s4;
	s16 =	sld [smem:$0x6CB]  }
0x651: {  	s19 =	smulhi.u32 $0x88888889, s17;
	[smem:$0x788] =	sst s0  }
0x652: {  	(v2sf) =	vpush v16, $0x1;
	s1 =	ssub.s32 s14, s5;
	s5 =	sld [smem:$0x6CA]  }
0x653: {  	s1 =	sadd.s32 s25, s1;
	s0 =	ssub.s32 s19, s17;
	s17 =	sld [smem:$0x6CC]  }
0x654: {  	s21 =	smulhi.u32 $0x88888889, s20;
	[smem:$0x78C] =	sst s1;
	s0 =	sadd.s32 s3, s0  }
0x655: {  	s25 =	spop (v2sf);
	[smem:$0x789] =	sst s0  }
0x656: {  	s22 =	sshra.s32 s25, $0x1F;
	s4 =	ssub.s32 s21, s20;
	s20 =	sld [smem:$0x6CD]  }
0x657: {  	s3 =	smul.u32 $0x88888889, s22;
	s22 =	sld [smem:$0x6D3]  }
0x658: {  	s0 =	sadd.s32 s16, s4;
	s4 =	sld [smem:$0x6CF]  }
0x659: {  	s14 =	smulhi.u32 $0x88888889, s5;
	[smem:$0x790] =	sst s0  }
0x65a: {  	s19 =	smulhi.u32 $0x88888889, s17;
	[smem:$0x774] =	sst s3  }
0x65b: {  	s1 =	ssub.s32 s14, s5;
	s14 =	sld [smem:$0x6D0]  }
0x65c: {  	(v2sf) =	vpush v16, $0x0;
	s0 =	ssub.s32 s19, s17;
	s17 =	sld [smem:$0x6D1]  }
0x65d: {  	s1 =	sadd.s32 s31, s1;
	s19 =	sld [smem:$0x6D2]  }
0x65e: {  	[smem:$0x796] =	sst s1  }
0x65f: {  	s21 =	smulhi.u32 $0x88888889, s20;
	s0 =	sadd.s32 s4, s0;
	s4 =	sld [smem:$0x6D4]  }
0x660: {  	s31 =	smulhi.u32 $0x88888889, s22;
	[smem:$0x791] =	sst s0  }
0x661: {  	s5 =	ssub.s32 s21, s20;
	s16 =	smulhi.u32 $0x88888889, s14;
	s20 =	spop (v2sf)  }
0x662: {  	s0 =	sadd.s32 s17, s5;
	s21 =	smulhi.u32 $0x88888889, s19;
	s17 =	sld [smem:$0x6D5]  }
0x663: {  	(v2sf) =	vpush v16, $0x2;
	s3 =	sshra.s32 s20, $0x1F;
	[smem:$0x78D] =	sst s0;
	s1 =	ssub.s32 s16, s14  }
0x664: {  	s16 =	smul.u32 $0x88888889, s3;
	s0 =	ssub.s32 s21, s19;
	s21 =	sld [smem:$0x6D6]  }
0x665: {  	s1 =	sadd.s32 s4, s1;
	s19 =	ssub.s32 s31, s22;
	s31 =	sld [smem:$0x6D7]  }
0x666: {  	[smem:$0x794] =	sst s1  }
0x667: {  	[smem:$0x778] =	sst s16  }
0x668: {  	s0 =	sadd.s32 s17, s0;
	s16 =	sld [smem:$0x6D9]  }
0x669: {  	[smem:$0x797] =	sst s0  }
0x66a: {  	s3 =	smulhi.u32 $0x88888889, s2;
	s0 =	sadd.s32 s31, s19;
	s31 =	sld [smem:$0x6DA]  }
0x66b: {  	s4 =	spop (v2sf);
	s19 =	sld [smem:$0x6DF]  }
0x66c: {  	s22 =	smulhi.u32 $0x88888889, s21;
	[smem:$0x78A] =	sst s0  }
0x66d: {  	s17 =	sshra.s32 s4, $0x1F;
	s0 =	ssub.s32 s3, s2;
	s3 =	sld [smem:$0x6DB]  }
0x66e: {  	s2 =	smul.u32 $0x88888889, s17;
	s5 =	ssub.s32 s22, s21;
	s21 =	sld [smem:$0x6DD]  }
0x66f: {  	s14 =	smulhi.u32 $0x88888889, s16;
	s22 =	sld [smem:$0x6DE]  }
0x670: {  	[smem:$0x77E] =	sst s2  }
0x671: {  	s1 =	sadd.s32 s31, s5;
	s5 =	ssub.s32 s14, s16;
	s14 =	sld [smem:$0x6DC]  }
0x672: {  	(v2sf) =	vpush v16, $0x3;
	s17 =	spop (v2sf);
	[smem:$0x785] =	sst s1  }
0x673: {  	s2 =	sshra.s32 s17, $0x1F;
	s0 =	sadd.s32 s3, s0;
	s3 =	sld [smem:$0x6E0]  }
0x674: {  	[smem:$0x78E] =	sst s0;
	s0 =	sadd.s32 s21, s5;
	s21 =	smul.u32 $0x88888889, s2  }
0x675: {  	s31 =	smulhi.u32 $0x88888889, s22;
	[smem:$0x792] =	sst s0  }
0x676: {  	s16 =	smulhi.u32 $0x88888889, s14;
	[smem:$0x782] =	sst s21  }
0x677: {  	s21 =	sld [smem:$0x6E4]  }
0x678: {  	s5 =	ssub.s32 s16, s14;
	s16 =	ssub.s32 s31, s22;
	s31 =	sld [smem:$0x6E1]  }
0x679: {  	(v2sf) =	vpush v16, $0x4;
	s22 =	sld [smem:$0x6E9]  }
0x67a: {  	s0 =	sadd.s32 s3, s5;
	s3 =	sld [smem:$0x6E3]  }
0x67b: {  	s1 =	smulhi.u32 $0x88888889, s19;
	[smem:$0x795] =	sst s0;
	s0 =	sadd.s32 s31, s16  }
0x67c: {  	[smem:$0x798] =	sst s0  }
0x67d: {  	s14 =	smulhi.u32 $0x88888889, s30;
	s0 =	ssub.s32 s1, s19;
	s1 =	sld [smem:$0x6E2]  }
0x67e: {  	s31 =	sld [smem:$0x6E6]  }
0x67f: {  	s19 =	ssub.s32 s14, s30;
	s14 =	sld [smem:$0x6EA]  }
0x680: {  	s0 =	sadd.s32 s3, s0;
	s3 =	sld [smem:$0x6E5];
	s2 =	smulhi.u32 $0x88888889, s1  }
0x681: {  	s5 =	spop (v2sf);
	[smem:$0x79A] =	sst s0  }
0x682: {  	s16 =	ssub.s32 s2, s1;
	s1 =	smulhi.u32 $0x88888889, s21;
	s2 =	sshra.s32 s5, $0x1F  }
0x683: {  	s0 =	sadd.s32 s3, s16;
	s30 =	smul.u32 $0x88888889, s2;
	s2 =	sld [smem:$0x6E7]  }
0x684: {  	[smem:$0x79E] =	sst s0  }
0x685: {  	s1 =	ssub.s32 s1, s21;
	s21 =	sld [smem:$0x6E8]  }
0x686: {  	s0 =	sadd.s32 s31, s19;
	[smem:$0x786] =	sst s30  }
0x687: {  	[smem:$0x79F] =	sst s0  }
0x688: {  	(v2sf) =	vpush v16, $0x5;
	s30 =	spop (v2sf);
	s3 =	smulhi.u32 $0x88888889, s2;
	s0 =	sadd.s32 s21, s1  }
0x689: {  	s1 =	smulhi.u32 $0x88888889, s22;
	[smem:$0x79B] =	sst s0  }
0x68a: {  	s19 =	ssub.s32 s3, s2;
	s2 =	sshra.s32 s30, $0x1F;
	s3 =	sld [smem:$0x6EB]  }
0x68b: {  	s16 =	ssub.s32 s1, s22;
	s1 =	smul.u32 $0x88888889, s2;
	s2 =	sld [smem:$0x6EC]  }
0x68c: {  	s21 =	smulhi.u32 $0x88888889, s14;
	s22 =	sld [smem:$0x6EE]  }
0x68d: {  	[smem:$0x78B] =	sst s1  }
0x68e: {  	(v2sf) =	vpush v16, $0x6;
	s0 =	sadd.s32 s3, s19;
	s3 =	ssub.s32 s21, s14;
	s19 =	sld [smem:$0x6ED]  }
0x68f: {  	s14 =	smulhi.u32 $0x88888889, s24;
	[smem:$0x7A3] =	sst s0;
	s0 =	sadd.s32 s2, s16  }
0x690: {  	[smem:$0x7AA] =	sst s0  }
0x691: {  	s31 =	smulhi.u32 $0x88888889, s22;
	s21 =	ssub.s32 s14, s24;
	s14 =	sld [smem:$0x6F4]  }
0x692: {  	s0 =	sadd.s32 s19, s3;
	s3 =	sld [smem:$0x6EF]  }
0x693: {  	s16 =	ssub.s32 s31, s22;
	s31 =	sld [smem:$0x6F0]  }
0x694: {  	[smem:$0x7A4] =	sst s0  }
0x695: {  	s0 =	sadd.s32 s3, s21;
	s3 =	sld [smem:$0x6F2]  }
0x696: {  	s1 =	smulhi.u32 $0x88888889, s28;
	[smem:$0x7A1] =	sst s0  }
0x697: {  	(v2sf) =	vpush v16, $0x7;
	s19 =	spop (v2sf);
	s0 =	sadd.s32 s31, s16;
	s16 =	sld [smem:$0x6F3]  }
0x698: {  	s2 =	sshra.s32 s19, $0x1F;
	[smem:$0x7A7] =	sst s0  }
0x699: {  	s24 =	smul.u32 $0x88888889, s2;
	s0 =	ssub.s32 s1, s28;
	s1 =	sld [smem:$0x6F1]  }
0x69a: {  	s22 =	smulhi.u32 $0x88888889, s14  }
0x69b: {  	[smem:$0x78F] =	sst s24;
	s24 =	smulhi.u32 $0x88888889, s16  }
0x69c: {  	s0 =	sadd.s32 s3, s0;
	s2 =	smulhi.u32 $0x88888889, s1  }
0x69d: {  	s28 =	spop (v2sf);
	[smem:$0x7AB] =	sst s0  }
0x69e: {  	v17 =	vld [tilespmem:$0x170];
	s16 =	ssub.s32 s24, s16;
	s21 =	ssub.s32 s2, s1;
	s2 =	sld [smem:$0x6F5]  }
0x69f: {  	s24 =	ssub.s32 s22, s14;
	s14 =	sld [smem:$0x6F9];
	s1 =	sshra.s32 s28, $0x1F  }
0x6a0: {  	s3 =	smul.u32 $0x88888889, s1;
	s1 =	sld [smem:$0x6F7]  }
0x6a1: {  	s0 =	sadd.s32 s2, s21;
	s21 =	sld [smem:$0x6F6]  }
0x6a2: {  	s2 =	sld [smem:$0x6F8]  }
0x6a3: {  	(v2sf) =	vpush v17, $0xD;
	[smem:$0x793] =	sst s3  }
0x6a4: {  	(v2sf) =	vpush v17, $0xC;
	[smem:$0x7A2] =	sst s0;
	s0 =	sadd.s32 s21, s16  }
0x6a5: {  	(v2sf) =	vpush v17, $0xE;
	s31 =	smulhi.u32 $0x88888889, s26;
	[smem:$0x79C] =	sst s0;
	s0 =	sadd.s32 s2, s24  }
0x6a6: {  	(v2sf) =	vpush v17, $0xF;
	s24 =	spop (v2sf);
	[smem:$0x7A5] =	sst s0  }
0x6a7: {  	s16 =	smulhi.u32 $0x88888889, s14;
	s21 =	ssub.s32 s31, s26;
	s31 =	sld [smem:$0x6FA]  }
0x6a8: {  	v52 =	vmov s1;
	s1 =	rddreg [dreg:$0x1b]  }
0x6a9: {  	s16 =	ssub.s32 s16, s14;
	s14 =	rddreg [dreg:$0x10]  }
0x6aa: {  	s3 =	sshra.s32 s24, $0x1F;
	s2 =	sld [smem:$0x6FB]  }
0x6ab: {  	s3 =	smul.u32 $0x88888889, s3;
	s26 =	sld [smem:$0x6FD]  }
0x6ac: {  	v53 =	vmov s14;
	s14 =	rddreg [dreg:$0x1f]  }
0x6ad: {  	[smem:$0x799] =	sst s3  }
0x6ae: {  	s3 =	rddreg [dreg:$0x14]  }
0x6af: {  	v54 =	vmov s3;
	s3 =	rddreg [dreg:$0x1d]  }
0x6b0: {  	s0 =	sadd.s32 s2, s21;
	s21 =	sld [smem:$0x6FC]  }
0x6b1: {  	s22 =	smulhi.u32 $0x88888889, s31;
	s2 =	sld [smem:$0x6FE]  }
0x6b2: {  	[smem:$0x7A8] =	sst s0  }
0x6b3: {  	v18 =	vnsel vm3, $0x0, v52;
	s31 =	ssub.s32 s22, s31;
	s22 =	sld [smem:$0x6FF]  }
0x6b4: {  	v18 =	vsel vm0, s1, v18;
	s1 =	smulhi.u32 $0x88888889, s29;
	s0 =	sadd.s32 s26, s16;
	s26 =	rddreg [dreg:$0x12]  }
0x6b5: {  	[smem:$0x7AC] =	sst s0  }
0x6b6: {  	v18 =	vsel vm1, s21, v18;
	s21 =	ssub.s32 s1, s29;
	s1 =	sld [smem:$0x702]  }
0x6b7: {  	v19 =	vsel vm0, s2, v53;
	s2 =	rddreg [dreg:$0x11]  }
0x6b8: {  	v18 =	vsel vm2, s14, v18;
	s14 =	sld [smem:$0x700]  }
0x6b9: {  	s0 =	sadd.s32 s22, s31;
	s31 =	rddreg [dreg:$0x1c]  }
0x6ba: {  	[smem:$0x7AE] =	sst s0  }
0x6bb: {  	s22 =	spop (v2sf);
	v18 =	vsel vm4, s31, v18;
	s31 =	sld [smem:$0x701]  }
0x6bc: {  	v20 =	vsel vm0, s26, v54;
	s29 =	sshra.s32 s22, $0x1F;
	v19 =	vsel vm1, s1, v19;
	s1 =	sld [smem:$0x703]  }
0x6bd: {  	v55 =	vsel vm1, s2, v20;
	v18 =	vsel vm5, s3, v18;
	s2 =	smul.u32 $0x88888889, s29;
	s3 =	sld [smem:$0x704]  }
0x6be: {  	s29 =	sld [smem:$0x705]  }
0x6bf: {  	s16 =	smulhi.u32 $0x88888889, s14;
	[smem:$0x79D] =	sst s2  }
0x6c0: {  	s2 =	rddreg [dreg:$0x15]  }
0x6c1: {  	s16 =	ssub.s32 s16, s14;
	s14 =	rddreg [dreg:$0x13]  }
0x6c2: {  	s0 =	sadd.s32 s1, s21;
	s21 =	rddreg [dreg:$0x17]  }
0x6c3: {  	v20 =	vsel vm2, s3, v19;
	s3 =	sld [smem:$0x707]  }
0x6c4: {  	[smem:$0x7B0] =	sst s0  }
0x6c5: {  	v21 =	vsel vm2, s14, v55;
	s14 =	sld [smem:$0x706]  }
0x6c6: {  	s26 =	smulhi.u32 $0x88888889, s31;
	v18 =	vsel vm6, s21, v18;
	s21 =	sld [smem:$0x708]  }
0x6c7: {  	s0 =	sadd.s32 s29, s16;
	s29 =	sld [smem:$0x709]  }
0x6c8: {  	s1 =	ssub.s32 s26, s31;
	s31 =	rddreg [dreg:$0x18]  }
0x6c9: {  	[smem:$0x7B6] =	sst s0  }
0x6ca: {  	v19 =	vsel vm7, s2, v18;
	s2 =	rddreg [dreg:$0x19]  }
0x6cb: {  	v56 =	vmov s3;
	s3 =	sld [smem:$0x70C]  }
0x6cc: {  	s26 =	smulhi.u32 $0x88888889, s14;
	s0 =	sadd.s32 s29, s1;
	s1 =	sld [smem:$0x70A]  }
0x6cd: {  	v57 =	vmov s21;
	s21 =	spop (v2sf);
	v18 =	vsel vm0, s31, v56;
	[smem:$0x7B3] =	sst s0  }
0x6ce: {  	s31 =	sshra.s32 s21, $0x1F;
	v18 =	vsel vm1, s2, v18;
	s2 =	sld [smem:$0x70D]  }
0x6cf: {  	s26 =	ssub.s32 s26, s14;
	s14 =	sld [smem:$0x70B];
	s31 =	smul.u32 $0x88888889, s31  }
0x6d0: {  	v58 =	vmov s3;
	s3 =	sld [smem:$0x70E]  }
0x6d1: {  	v22 =	vnsel vm3, $0x0, v57;
	s16 =	smulhi.u32 $0x88888889, s1;
	[smem:$0x7A0] =	sst s31  }
0x6d2: {  	v59 =	vsel vm0, s2, v22;
	s2 =	rddreg [dreg:$0x1e]  }
0x6d3: {  	s16 =	ssub.s32 s16, s1;
	s1 =	rddreg [dreg:$0x1a]  }
0x6d4: {  	s0 =	sadd.s32 s3, s26;
	s3 =	sld [smem:$0x70F]  }
0x6d5: {  	s26 =	sld [smem:$0x710]  }
0x6d6: {  	s29 =	smulhi.u32 $0x88888889, s14;
	v60 =	vsel vm0, s2, v58;
	s2 =	sld [smem:$0x711]  }
0x6d7: {  	[smem:$0x7B1] =	sst s0  }
0x6d8: {  	s31 =	ssub.s32 s29, s14;
	s14 =	sld [smem:$0x713]  }
0x6d9: {  	s29 =	sld [smem:$0x714]  }
0x6da: {  	v22 =	vsel vm2, s1, v18;
	s1 =	smulhi.u32 $0x88888889, s18;
	v61 =	vsel vm1, s3, v59;
	s3 =	sld [smem:$0x712]  }
0x6db: {  	v18 =	vsel vm1, s2, v60;
	s2 =	sld [smem:$0x715]  }
0x6dc: {  	s0 =	sadd.s32 s26, s16;
	s26 =	ssub.s32 s1, s18;
	s1 =	rddreg [dreg:$0x16]  }
0x6dd: {  	s18 =	sld [smem:$0x71A]  }
0x6de: {  	[smem:$0x7B7] =	sst s0  }
0x6df: {  	v24 =	vsel vm2, s1, v18;
	s1 =	sld [smem:$0x719]  }
0x6e0: {  	s0 =	sadd.s32 s29, s31;
	s31 =	sld [smem:$0x716]  }
0x6e1: {  	v62 =	vmov s14;
	s14 =	sld [smem:$0x718]  }
0x6e2: {  	[smem:$0x7BB] =	sst s0  }
0x6e3: {  	v23 =	vsel vm2, s3, v61;
	v63 =	vnsel vm3, $0x0, v62;
	s3 =	sld [smem:$0x717]  }
0x6e4: {  	s29 =	spop (v2sf);
	v28 =	vsel vm0, s1, v63;
	s1 =	sadd.s32 s18, s26;
	s26 =	sld [smem:$0x71B]  }
0x6e5: {  	s16 =	smulhi.u32 $0x88888889, s2;
	s0 =	sshra.s32 s29, $0x1F;
	[smem:$0x7BC] =	sst s1  }
0x6e6: {  	s0 =	smul.u32 $0x88888889, s0;
	s1 =	sld [smem:$0x71C]  }
0x6e7: {  	s16 =	ssub.s32 s16, s2;
	s2 =	sld [smem:$0x71D]  }
0x6e8: {  	v23 =	vsel vm4, s31, v23;
	[smem:$0x7A6] =	sst s0  }
0x6e9: {  	s31 =	smulhi.u32 $0x88888889, s3;
	v27 =	vsel vm5, s14, v23;
	s14 =	sld [smem:$0x71E]  }
0x6ea: {  	v23 =	vsel vm1, s2, v28;
	s2 =	sld [smem:$0x71F]  }
0x6eb: {  	s18 =	ssub.s32 s31, s3;
	s31 =	sld [smem:$0x720]  }
0x6ec: {  	v29 =	vmov s1;
	s1 =	sld [smem:$0x721]  }
0x6ed: {  	s3 =	sld [smem:$0x722]  }
0x6ee: {  	s0 =	sadd.s32 s14, s16;
	s16 =	sld [smem:$0x723]  }
0x6ef: {  	s14 =	sld [smem:$0x72B]  }
0x6f0: {  	[smem:$0x7B9] =	sst s0  }
0x6f1: {  	v23 =	vsel vm2, s3, v23;
	s3 =	sld [smem:$0x724]  }
0x6f2: {  	v30 =	vsel vm0, s1, v29;
	s1 =	sld [smem:$0x728]  }
0x6f3: {  	s0 =	sadd.s32 s16, s18;
	s18 =	sld [smem:$0x725]  }
0x6f4: {  	v18 =	vsel vm6, s26, v27;
	[smem:$0x7BE] =	sst s0  }
0x6f5: {  	v25 =	vsel vm7, s31, v18;
	s0 =	smulhi.u32 $0x88888889, s3;
	v18 =	vsel vm1, s1, v30;
	s1 =	sld [smem:$0x729]  }
0x6f6: {  	(v2sf) =	vpush v17, $0x9;
	s31 =	sld [smem:$0x726]  }
0x6f7: {  	s26 =	smulhi.u32 $0x88888889, s2;
	v31 =	vmov s18;
	s0 =	ssub.s32 s0, s3;
	s3 =	sld [smem:$0x72D]  }
0x6f8: {  	v26 =	vsel vm0, s1, v31;
	s1 =	sld [smem:$0x72A]  }
0x6f9: {  	s16 =	spop (v2sf);
	s26 =	ssub.s32 s26, s2;
	s2 =	sld [smem:$0x727]  }
0x6fa: {  	v23 =	vsel vm4, s31, v23;
	s18 =	sshra.s32 s16, $0x1F;
	v32 =	vsel vm1, s3, v26;
	s3 =	sld [smem:$0x731]  }
0x6fb: {  	v23 =	vsel vm5, s1, v23;
	s1 =	sadd.s32 s14, s26;
	s26 =	smul.u32 $0x88888889, s18;
	s18 =	sld [smem:$0x72E]  }
0x6fc: {  	[smem:$0x7C0] =	sst s1  }
0x6fd: {  	s1 =	sld [smem:$0x72C]  }
0x6fe: {  	s31 =	smulhi.u32 $0x88888889, s2;
	[smem:$0x7A9] =	sst s26  }
0x6ff: {  	s26 =	sld [smem:$0x72F]  }
0x700: {  	v27 =	vsel vm2, s1, v18;
	s1 =	ssub.s32 s31, s2;
	s2 =	sld [smem:$0x730]  }
0x701: {  	v23 =	vsel vm6, s18, v23;
	s31 =	sld [smem:$0x733]  }
0x702: {  	v23 =	vsel vm7, s3, v23;
	s3 =	sld [smem:$0x735]  }
0x703: {  	(v2sf) =	vpush v17, $0x8;
	s18 =	smulhi.u32 $0x88888889, s7;
	s0 =	sadd.s32 s26, s0;
	s26 =	sld [smem:$0x732]  }
0x704: {  	[smem:$0x7B4] =	sst s0  }
0x705: {  	s14 =	spop (v2sf);
	s7 =	ssub.s32 s18, s7;
	v29 =	vsel vm2, s2, v32;
	s2 =	sld [smem:$0x734]  }
0x706: {  	s18 =	smulhi.u32 $0x88888889, s12;
	s0 =	sadd.s32 s31, s1;
	s1 =	sld [smem:$0x736]  }
0x707: {  	v33 =	vmov s26;
	[smem:$0x7AF] =	sst s0;
	s0 =	smulhi.u32 $0x88888889, s23;
	s26 =	sshra.s32 s14, $0x1F  }
0x708: {  	s31 =	smul.u32 $0x88888889, s26;
	s26 =	ssub.s32 s18, s12;
	s18 =	sld [smem:$0x740]  }
0x709: {  	v34 =	vmov s2;
	s2 =	sld [smem:$0x737]  }
0x70a: {  	s0 =	ssub.s32 s0, s23;
	s23 =	sld [smem:$0x73C]  }
0x70b: {  	v26 =	vsel vm0, s3, v34;
	s3 =	sld [smem:$0x738]  }
0x70c: {  	v18 =	vnsel vm3, $0x0, v33;
	[smem:$0x7AD] =	sst s31  }
0x70d: {  	v18 =	vsel vm0, s2, v18;
	s2 =	sld [smem:$0x73A]  }
0x70e: {  	s0 =	sadd.s32 s23, s0;
	s23 =	sld [smem:$0x742]  }
0x70f: {  	v35 =	vmov s1;
	s1 =	sadd.s32 s3, s7;
	s3 =	sld [smem:$0x73B]  }
0x710: {  	[smem:$0x7BA] =	sst s0  }
0x711: {  	s31 =	smulhi.u32 $0x88888889, s6;
	s0 =	sadd.s32 s18, s26;
	s26 =	sld [smem:$0x743]  }
0x712: {  	s12 =	spop (v2sf);
	[smem:$0x7B8] =	sst s1  }
0x713: {  	s6 =	ssub.s32 s31, s6;
	s31 =	sshra.s32 s12, $0x1F;
	s1 =	sld [smem:$0x739]  }
0x714: {  	s31 =	smul.u32 $0x88888889, s31;
	[smem:$0x7BD] =	sst s0  }
0x715: {  	v28 =	vsel vm0, s2, v35;
	s2 =	sld [smem:$0x73E]  }
0x716: {  	[smem:$0x7B2] =	sst s31  }
0x717: {  	s31 =	sld [smem:$0x74C]  }
0x718: {  	(v2sf) =	vpush v17, $0xA;
	v18 =	vsel vm1, s3, v18;
	s3 =	sld [smem:$0x73F]  }
0x719: {  	v26 =	vsel vm1, s1, v26;
	s1 =	sld [smem:$0x73D]  }
0x71a: {  	v28 =	vsel vm1, s2, v28;
	s2 =	sld [smem:$0x741]  }
0x71b: {  	v18 =	vsel vm2, s3, v18;
	s3 =	sld [smem:$0x745]  }
0x71c: {  	v36 =	vmov s26;
	s26 =	sld [smem:$0x746]  }
0x71d: {  	v26 =	vsel vm2, s1, v26;
	v18 =	vsel vm4, s23, v18;
	s1 =	sld [smem:$0x744];
	s0 =	smulhi.u32 $0x88888889, s2  }
0x71e: {  	v18 =	vsel vm5, s3, v18;
	s3 =	sld [smem:$0x749]  }
0x71f: {  	s0 =	ssub.s32 s0, s2;
	s2 =	sld [smem:$0x748]  }
0x720: {  	v30 =	vsel vm2, s1, v28;
	s1 =	sadd.s32 s26, s6;
	s6 =	sld [smem:$0x74A]  }
0x721: {  	s26 =	sld [smem:$0x74B]  }
0x722: {  	[smem:$0x7BF] =	sst s1  }
0x723: {  	v37 =	vnsel vm3, $0x0, v36;
	s1 =	sld [smem:$0x747]  }
0x724: {  	v39 =	vsel vm0, s3, v37;
	s3 =	sld [smem:$0x750]  }
0x725: {  	s7 =	smulhi.u32 $0x88888889, s11;
	v38 =	vmov s2;
	s0 =	sadd.s32 s6, s0;
	s2 =	sld [smem:$0x74E]  }
0x726: {  	s23 =	smulhi.u32 $0x88888889, s8;
	[smem:$0x7C1] =	sst s0  }
0x727: {  	s18 =	ssub.s32 s7, s11;
	s11 =	spop (v2sf);
	v18 =	vsel vm6, s1, v18;
	s1 =	sld [smem:$0x74D]  }
0x728: {  	s6 =	ssub.s32 s23, s8;
	s23 =	sshra.s32 s11, $0x1F;
	v40 =	vsel vm0, s31, v38;
	s31 =	sld [smem:$0x753]  }
0x729: {  	s8 =	smul.u32 $0x88888889, s23;
	s23 =	sld [smem:$0x757]  }
0x72a: {  	v28 =	vsel vm7, s26, v18;
	s26 =	sld [smem:$0x752]  }
0x72b: {  	v42 =	vmov s3;
	s3 =	sld [smem:$0x755]  }
0x72c: {  	s0 =	sadd.s32 s2, s18;
	s2 =	sld [smem:$0x74F]  }
0x72d: {  	s18 =	sld [smem:$0x751]  }
0x72e: {  	[smem:$0x7B5] =	sst s8  }
0x72f: {  	[smem:$0x7C3] =	sst s0  }
0x730: {  	v41 =	vsel vm1, s1, v39;
	s1 =	sld [smem:$0x754]  }
0x731: {  	v32 =	vsel vm0, s31, v42;
	s31 =	sld [smem:$0x759]  }
0x732: {  	v18 =	vsel vm1, s26, v40;
	s26 =	sld [smem:$0x758]  }
0x733: {  	v43 =	vsel vm1, s23, v32;
	s23 =	sld [smem:$0x75B];
	v31 =	vsel vm2, s18, v41  }
0x734: {  	(v2sf) =	vpush v17, $0xB;
	s18 =	sld [smem:$0x756];
	v31 =	vsel vm4, s1, v31;
	s1 =	sadd.s32 s3, s6  }
0x735: {  	[smem:$0x7C4] =	sst s1  }
0x736: {  	s0 =	smulhi.u32 $0x88888889, s2;
	v31 =	vsel vm5, s26, v31;
	s26 =	sld [smem:$0x75C]  }
0x737: {  	s1 =	sld [smem:$0x75F]  }
0x738: {  	s7 =	smulhi.u32 $0x88888889, s10;
	s0 =	ssub.s32 s0, s2;
	v33 =	vsel vm2, s18, v18;
	s18 =	sld [smem:$0x75A]  }
0x739: {  	s0 =	sadd.s32 s31, s0;
	s31 =	sld [smem:$0x75D]  }
0x73a: {  	s2 =	ssub.s32 s7, s10;
	s7 =	smulhi.u32 $0x88888889, s13;
	v44 =	vsel vm6, s23, v31;
	s23 =	sld [smem:$0x761]  }
0x73b: {  	[smem:$0x7C2] =	sst s0  }
0x73c: {  	s13 =	ssub.s32 s7, s13;
	s7 =	sld [smem:$0x774]  }
0x73d: {  	v45 =	vmov s26;
	s26 =	sld [smem:$0x762]  }
0x73e: {  	v35 =	vsel vm2, s18, v43;
	s18 =	sld [smem:$0x760]  }
0x73f: {  	s0 =	sadd.s32 s31, s2;
	s31 =	sld [smem:$0x763]  }
0x740: {  	v46 =	vmov s1;
	s2 =	sld [smem:$0x764]  }
0x741: {  	v48 =	vsel vm0, s23, v46;
	s23 =	sld [smem:$0x769]  }
0x742: {  	s3 =	smulhi.u32 $0x88888889, s15;
	[smem:$0x7C5] =	sst s0  }
0x743: {  	s10 =	spop (v2sf);
	v47 =	vnsel vm3, $0x0, v45;
	s0 =	sld [smem:$0x75E]  }
0x744: {  	s6 =	ssub.s32 s3, s15;
	s3 =	sshra.s32 s10, $0x1F;
	v49 =	vsel vm0, s26, v47;
	s26 =	sld [smem:$0x76A]  }
0x745: {  	s1 =	sadd.s32 s31, s6;
	s31 =	smul.u32 $0x88888889, s3;
	s3 =	sld [smem:$0x765]  }
0x746: {  	s6 =	sld [smem:$0x766]  }
0x747: {  	v31 =	vsel vm7, s18, v44;
	s18 =	sld [smem:$0x768]  }
0x748: {  	v18 =	vsel vm1, s2, v48;
	s2 =	sld [smem:$0x76B];
	s8 =	smulhi.u32 $0x88888889, s0  }
0x749: {  	[smem:$0x7C8] =	sst s1  }
0x74a: {  	(v2sf) =	vpush v17, $0x1;
	s0 =	ssub.s32 s8, s0;
	s8 =	sld [smem:$0x767]  }
0x74b: {  	s15 =	smulhi.u32 $0x88888889, s9;
	v50 =	vmov s3;
	s3 =	sld [smem:$0x76C]  }
0x74c: {  	v32 =	vsel vm2, s18, v18;
	s18 =	sld [smem:$0x76E]  }
0x74d: {  	v51 =	vsel vm1, s6, v49;
	s6 =	ssub.s32 s15, s9;
	s9 =	smulhi.u32 $0x88888889, s20;
	v52 =	vsel vm0, s23, v50;
	s23 =	sld [smem:$0x76F]  }
0x74e: {  	v53 =	vsel vm2, s26, v51;
	s26 =	sld [smem:$0x770]  }
0x74f: {  	s9 =	ssub.s32 s9, s20;
	s20 =	sld [smem:$0x776]  }
0x750: {  	s0 =	sadd.s32 s8, s0;
	v18 =	vsel vm1, s3, v52;
	s3 =	sld [smem:$0x772]  }
0x751: {  	[smem:$0x7C7] =	sst s0  }
0x752: {  	s0 =	sadd.s32 s2, s13;
	s13 =	sld [smem:$0x76D]  }
0x753: {  	s2 =	sld [smem:$0x771]  }
0x754: {  	v36 =	vsel vm2, s18, v18;
	s18 =	sld [smem:$0x775]  }
0x755: {  	v55 =	vmov s26;
	s26 =	sld [smem:$0x779]  }
0x756: {  	[smem:$0x7C6] =	sst s0;
	s0 =	smulhi.u32 $0x88888889, s25  }
0x757: {  	s1 =	sadd.s32 s2, s6;
	s6 =	sld [smem:$0x773]  }
0x758: {  	s0 =	ssub.s32 s0, s25;
	s25 =	sld [smem:$0x778]  }
0x759: {  	s8 =	spop (v2sf);
	s2 =	sld [smem:$0x77A]  }
0x75a: {  	s15 =	sshra.s32 s8, $0x1F;
	v58 =	vmov s26;
	s26 =	sld [smem:$0x77F]  }
0x75b: {  	v34 =	vsel vm4, s13, v53;
	s13 =	smul.u32 $0x88888889, s15;
	[smem:$0x7C9] =	sst s1  }
0x75c: {  	s15 =	smulhi.u32 $0x88888889, s4;
	v54 =	vsel vm5, s23, v34;
	s0 =	sadd.s32 s7, s0;
	s23 =	sld [smem:$0x777]  }
0x75d: {  	[smem:$0x7CB] =	sst s0  }
0x75e: {  	v18 =	vsel vm6, s3, v54;
	v56 =	vmov s6;
	s6 =	ssub.s32 s15, s4;
	s15 =	sld [smem:$0x77B]  }
0x75f: {  	v37 =	vsel vm7, s18, v18;
	s18 =	sld [smem:$0x77C]  }
0x760: {  	s0 =	sadd.s32 s25, s9;
	s25 =	sld [smem:$0x77E]  }
0x761: {  	s4 =	sld [smem:$0x781]  }
0x762: {  	v34 =	vnsel vm3, $0x0, v55;
	[smem:$0x7CA] =	sst s0  }
0x763: {  	v57 =	vsel vm0, s20, v56;
	v34 =	vsel vm0, s23, v34;
	s20 =	sld [smem:$0x77D]  }
0x764: {  	v34 =	vsel vm1, s2, v34;
	s2 =	sld [smem:$0x780]  }
0x765: {  	s9 =	sadd.s32 s25, s6;
	s6 =	sld [smem:$0x782]  }
0x766: {  	s3 =	smulhi.u32 $0x88888889, s5;
	v38 =	vsel vm0, s18, v58;
	s18 =	sld [smem:$0x783]  }
0x767: {  	s0 =	smulhi.u32 $0x88888889, s17;
	s25 =	sld [smem:$0x784]  }
0x768: {  	v18 =	vsel vm1, s15, v57;
	s15 =	ssub.s32 s3, s5;
	s3 =	sld [smem:$0x786]  }
0x769: {  	s0 =	ssub.s32 s0, s17;
	s17 =	smulhi.u32 $0x88888889, s30;
	v59 =	vsel vm2, s20, v34;
	v34 =	vsel vm2, s26, v18;
	s26 =	sld [smem:$0x785]  }
0x76a: {  	v39 =	vsel vm4, s4, v59;
	s4 =	sld [smem:$0x787]  }
0x76b: {  	s1 =	ssub.s32 s17, s30;
	s17 =	sld [smem:$0x789]  }
0x76c: {  	v60 =	vsel vm1, s2, v38;
	v61 =	vsel vm5, s25, v39;
	s25 =	sadd.s32 s3, s15;
	s15 =	sld [smem:$0x788]  }
0x76d: {  	s2 =	smulhi.u32 $0x88888889, s19;
	v38 =	vsel vm2, s18, v60;
	s18 =	sld [smem:$0x78A]  }
0x76e: {  	v62 =	vmov s26;
	s26 =	sld [smem:$0x78B]  }
0x76f: {  	(v2sf) =	vpush v17, $0x0;
	s30 =	ssub.s32 s2, s19;
	s2 =	sld [smem:$0x78C]  }
0x770: {  	s3 =	smulhi.u32 $0x88888889, s28;
	v18 =	vsel vm6, s4, v61;
	s4 =	sld [smem:$0x78D]  }
0x771: {  	(v2sf) =	vpush v17, $0x2;
	v44 =	vmov s17;
	s17 =	sld [smem:$0x78E]  }
0x772: {  	(v2sf) =	vpush v17, $0x3;
	v63 =	vnsel vm3, $0x0, v62;
	s19 =	ssub.s32 s3, s28;
	s28 =	smulhi.u32 $0x88888889, s24;
	s3 =	sld [smem:$0x790]  }
0x773: {  	v40 =	vsel vm0, s18, v63;
	s18 =	sld [smem:$0x78F]  }
0x774: {  	v39 =	vsel vm7, s15, v18;
	v18 =	vsel vm0, s2, v44;
	s2 =	ssub.s32 s28, s24;
	s24 =	sld [smem:$0x796]  }
0x775: {  	s28 =	sld [smem:$0x797]  }
0x776: {  	v45 =	vmov s4;
	s4 =	sld [smem:$0x791]  }
0x777: {  	s15 =	sadd.s32 s26, s1;
	s26 =	sadd.s32 s18, s30;
	s18 =	sld [smem:$0x793]  }
0x778: {  	s30 =	sld [smem:$0x794]  }
0x779: {  	v40 =	vsel vm1, s17, v40;
	s17 =	sld [smem:$0x792]  }
0x77a: {  	v41 =	vsel vm0, s4, v45;
	s4 =	sld [smem:$0x795]  }
0x77b: {  	(v2sf) =	vpush v17, $0x4;
	s20 =	sadd.s32 s6, s0;
	s0 =	sadd.s32 s18, s19;
	v47 =	vsel vm1, s30, v41;
	s30 =	sld [smem:$0x798]  }
0x77c: {  	[smem:$0x7CC] =	sst s0  }
0x77d: {  	v40 =	vsel vm2, s17, v40;
	s19 =	smulhi.u32 $0x88888889, s22;
	v42 =	vsel vm2, s28, v47;
	s28 =	sld [smem:$0x79D]  }
0x77e: {  	s23 =	spop (v2sf);
	v40 =	vsel vm4, s4, v40;
	s4 =	sld [smem:$0x799]  }
0x77f: {  	s18 =	smulhi.u32 $0x88888889, s21;
	s1 =	ssub.s32 s19, s22;
	s19 =	sld [smem:$0x79B]  }
0x780: {  	s5 =	spop (v2sf);
	s22 =	sld [smem:$0x79C]  }
0x781: {  	v46 =	vsel vm1, s3, v18;
	s3 =	spop (v2sf);
	v40 =	vsel vm5, s30, v40;
	s30 =	ssub.s32 s18, s21;
	s21 =	sld [smem:$0x7A0]  }
0x782: {  	s17 =	sshra.s32 s3, $0x1F;
	s0 =	sadd.s32 s28, s1;
	s28 =	sld [smem:$0x7A2]  }
0x783: {  	v41 =	vsel vm2, s24, v46;
	s24 =	sadd.s32 s4, s2;
	s4 =	smul.u32 $0x88888889, s17;
	s17 =	sld [smem:$0x79A]  }
0x784: {  	s1 =	smulhi.u32 $0x88888889, s16;
	v48 =	vmov s19;
	s19 =	sld [smem:$0x79F]  }
0x785: {  	(v2sf) =	vpush v17, $0x5;
	v49 =	vmov s22;
	s22 =	sld [smem:$0x7A1]  }
0x786: {  	s2 =	smulhi.u32 $0x88888889, s29;
	s16 =	ssub.s32 s1, s16;
	s1 =	sld [smem:$0x7A7]  }
0x787: {  	v40 =	vsel vm6, s17, v40;
	s17 =	sld [smem:$0x79E]  }
0x788: {  	s18 =	ssub.s32 s2, s29;
	s2 =	sld [smem:$0x7A3]  }
0x789: {  	s29 =	sld [smem:$0x7A6]  }
0x78a: {  	v44 =	vnsel vm3, $0x0, v49;
	v43 =	vsel vm0, s19, v48;
	s19 =	sadd.s32 s21, s30;
	s30 =	spop (v2sf);
	v40 =	vsel vm7, s17, v40;
	s17 =	sld [smem:$0x7A4]  }
0x78b: {  	v44 =	vsel vm0, s28, v44;
	v50 =	vmov s22;
	s21 =	smulhi.u32 $0x88888889, s14;
	s22 =	sld [smem:$0x7A5];
	s28 =	sshra.s32 s30, $0x1F  }
0x78c: {  	v43 =	vsel vm1, s2, v43;
	s2 =	smul.u32 $0x88888889, s28;
	s28 =	sld [smem:$0x7AA]  }
0x78d: {  	v45 =	vsel vm0, s17, v50;
	s17 =	sld [smem:$0x7A8]  }
0x78e: {  	s14 =	ssub.s32 s21, s14;
	s21 =	sld [smem:$0x7AE]  }
0x78f: {  	v44 =	vsel vm1, s22, v44;
	s22 =	sadd.s32 s29, s18;
	s29 =	sld [smem:$0x7AB]  }
0x790: {  	v51 =	vsel vm2, s17, v44;
	s17 =	sld [smem:$0x7AD]  }
0x791: {  	v45 =	vsel vm1, s1, v45;
	s1 =	sld [smem:$0x7AC]  }
0x792: {  	s18 =	sld [smem:$0x7A9]  }
0x793: {  	v44 =	vsel vm2, s29, v45;
	s29 =	sadd.s32 s17, s14;
	s17 =	sld [smem:$0x7B0]  }
0x794: {  	v43 =	vsel vm2, s28, v43;
	s28 =	spop (v2sf);
	v52 =	vsel vm4, s1, v51  }
0x795: {  	s16 =	sadd.s32 s18, s16;
	s1 =	sld [smem:$0x7AF];
	v45 =	vsel vm5, s21, v52;
	s14 =	smulhi.u32 $0x88888889, s11  }
0x796: {  	s18 =	smulhi.u32 $0x88888889, s12;
	s21 =	sshra.s32 s28, $0x1F;
	v45 =	vsel vm6, s17, v45;
	s17 =	sld [smem:$0x7B2]  }
0x797: {  	s11 =	ssub.s32 s14, s11;
	s14 =	smul.u32 $0x88888889, s21;
	s21 =	sld [smem:$0x7B5]  }
0x798: {  	s12 =	ssub.s32 s18, s12  }
0x799: {  	s12 =	sadd.s32 s17, s12;
	s17 =	sld [smem:$0x7B4]  }
0x79a: {  	s18 =	smulhi.u32 $0x88888889, s10;
	v53 =	vmov s1;
	s11 =	sadd.s32 s21, s11;
	s21 =	sld [smem:$0x7B8]  }
0x79b: {  	s1 =	sld [smem:$0x7B1];
	v46 =	vnsel vm3, $0x0, v53  }
0x79c: {  	s10 =	ssub.s32 s18, s10;
	v48 =	vsel vm0, s17, v46  }
0x79d: {  	(v2sf) =	vpush v17, $0x6;
	v55 =	vsel vm1, s21, v48;
	s21 =	sadd.s32 s31, s10;
	s31 =	sld [smem:$0x7B9]  }
0x79e: {  	v47 =	vmov s1;
	s1 =	sld [smem:$0x7B3]  }
0x79f: {  	s17 =	sld [smem:$0x7B7]  }
0x7a0: {  	v56 =	vmov s31;
	s31 =	sld [smem:$0x7BB]  }
0x7a1: {  	v47 =	vsel vm0, s1, v47  }
0x7a2: {  	s1 =	sld [smem:$0x7B6];
	v54 =	vsel vm1, s17, v47  }
0x7a3: {  	v47 =	vsel vm2, s31, v54;
	s31 =	sld [smem:$0x7BC];
	_ =	sdelay $0x1  }
0x7a4: {  	(v2sf) =	vpush v17, $0x7;
	s7 =	sshra.s32 s23, $0x1F;
	v18 =	vld [tilespmem:$0x180];
	v46 =	vsel vm7, s1, v45;
	s1 =	sld [smem:$0x7BA]  }
0x7a5: {  	s7 =	smul.u32 $0x88888889, s7;
	v57 =	vsel vm0, s31, v56;
	s31 =	sld [smem:$0x7BD]  }
0x7a6: {  	s10 =	smulhi.u32 $0x88888889, s23  }
0x7a7: {  	[smem:$0x7CD] =	sst s0;
	s18 =	smulhi.u32 $0x88888889, s8;
	v49 =	vsel vm2, s1, v55  }
0x7a8: {  	s6 =	sshra.s32 s5, $0x1F;
	v58 =	vsel vm4, s31, v49;
	s31 =	ssub.s32 s10, s23;
	s23 =	sld [smem:$0x7BF]  }
0x7a9: {  	s6 =	smul.u32 $0x88888889, s6;
	(v2sf) =	vpush v18, $0xD;
	s8 =	ssub.s32 s18, s8;
	s10 =	sld [smem:$0x7BE]  }
0x7aa: {  	s18 =	sadd.s32 s13, s8;
	s8 =	sld [smem:$0x7C1];
	s1 =	smulhi.u32 $0x88888889, s5  }
0x7ab: {  	(v2sf) =	vpush v18, $0xC;
	s17 =	spop (v2sf);
	v48 =	vsel vm5, s23, v58;
	s23 =	sadd.s32 s7, s31;
	s7 =	sld [smem:$0x7C0]  }
0x7ac: {  	s0 =	sshra.s32 s17, $0x1F;
	v45 =	vsel vm1, s10, v57;
	s31 =	ssub.s32 s1, s5;
	s10 =	sld [smem:$0x7C2]  }
0x7ad: {  	(v2sf) =	vpush v18, $0xE;
	s13 =	smul.u32 $0x88888889, s0;
	s0 =	sadd.s32 s6, s31;
	s31 =	sld [smem:$0x7C3]  }
0x7ae: {  	v59 =	vsel vm6, s8, v48;
	s8 =	sld [smem:$0x7C4]  }
0x7af: {  	(v2sf) =	vpush v18, $0xF;
	v50 =	vmov s10;
	s10 =	sld [smem:$0x7C5];
	_ =	sdelay $0x1  }
0x7b0: {  	s1 =	smulhi.u32 $0x88888889, s3;
	v48 =	vsel vm7, s31, v59;
	v60 =	vsel vm0, s8, v50;
	s31 =	sld [smem:$0x7C6]  }
0x7b1: {  	(v2sf) =	vpush v18, $0x9;
	s5 =	smulhi.u32 $0x88888889, s30;
	v49 =	vsel vm2, s7, v45;
	v45 =	vsel vm1, s10, v60;
	s10 =	sld [smem:$0x7C7]  }
0x7b2: {  	s1 =	ssub.s32 s1, s3;
	s3 =	smulhi.u32 $0x88888889, s28;
	s7 =	spop (v2sf)  }
0x7b3: {  	(v2sf) =	vpush v18, $0x8;
	v51 =	vmov s9;
	s9 =	ssub.s32 s5, s30;
	s6 =	sshra.s32 s7, $0x1F;
	v61 =	vmov s31  }
0x7b4: {  	s30 =	ssub.s32 s3, s28;
	s28 =	smulhi.u32 $0x88888889, s7;
	v50 =	vsel vm0, s10, v61;
	s10 =	sld [smem:$0x7CA]  }
0x7b5: {  	(v2sf) =	vpush v18, $0xA;
	s4 =	sadd.s32 s4, s1;
	s8 =	sld [smem:$0x7C8];
	s5 =	smul.u32 $0x88888889, s6  }
0x7b6: {  	v51 =	vnsel vm3, $0x0, v51;
	s6 =	sadd.s32 s2, s9;
	s9 =	sld [smem:$0x7C9];
	s31 =	smulhi.u32 $0x88888889, s17  }
0x7b7: {  	(v2sf) =	vpush v18, $0xB;
	s1 =	ssub.s32 s28, s7;
	v51 =	vsel vm0, s10, v51;
	s10 =	sadd.s32 s14, s30;
	s30 =	spop (v2sf)  }
0x7b8: {  	s2 =	ssub.s32 s31, s17;
	v51 =	vsel vm1, s20, v51;
	s31 =	smulhi.u32 $0x88888889, s30;
	s17 =	sshra.s32 s30, $0x1F  }
0x7b9: {  	(v2sf) =	vpush v18, $0x1;
	v50 =	vsel vm1, s9, v50;
	s9 =	sadd.s32 s13, s2;
	s13 =	spop (v2sf);
	v62 =	vsel vm2, s25, v51;
	s25 =	smul.u32 $0x88888889, s17  }
0x7ba: {  	s20 =	sld [smem:$0x7CB];
	s14 =	smulhi.u32 $0x88888889, s13;
	s28 =	sshra.s32 s13, $0x1F  }
0x7bb: {  	s7 =	sadd.s32 s5, s1;
	(v2sf) =	vpush v18, $0x0;
	v63 =	vsel vm4, s15, v62;
	s5 =	smul.u32 $0x88888889, s28;
	s15 =	spop (v2sf)  }
0x7bc: {  	v21 =	vcombine.low v21, v20;
	v22 =	vcombine.low v24, v22;
	s30 =	ssub.s32 s31, s30;
	s31 =	smulhi.u32 $0x88888889, s15  }
0x7bd: {  	v45 =	vsel vm2, s8, v45;
	(v2sf) =	vpush v18, $0x2;
	v20 =	vsel vm2, s20, v50;
	s20 =	sshra.s32 s15, $0x1F;
	s1 =	sadd.s32 s25, s30;
	s8 =	spop (v2sf)  }
0x7be: {  	v22 =	vperm.xlane v22, v1;
	v25 =	vperm.xlane v25, v2;
	s25 =	sld [smem:$0x7CC];
	s13 =	ssub.s32 s14, s13;
	s2 =	smul.u32 $0x88888889, s20  }
0x7bf: {  	(v2sf) =	vpush v18, $0x3;
	v24 =	vsel vm5, s26, v63;
	s26 =	smulhi.u32 $0x88888889, s8;
	s28 =	sshra.s32 s8, $0x1F;
	s13 =	sadd.s32 s5, s13  }
0x7c0: {  	v25 =	vsel vm8, v25, v22;
	s20 =	spop (v2sf);
	s17 =	smul.u32 $0x88888889, s28;
	s3 =	ssub.s32 s31, s15  }
0x7c1: {  	v19 =	vperm.xlane v19, v2;
	v7 =	vadd.s32 v7, v25;
	(v2sf) =	vpush v18, $0x4;
	s30 =	smulhi.u32 $0x88888889, s20;
	s31 =	sshra.s32 s20, $0x1F;
	s28 =	sld [smem:$0x7CD]  }
0x7c2: {  	v21 =	vperm.xlane v21, v1;
	v29 =	vcombine.low v29, v27;
	v52 =	vshrl.u32 v7, $0x1F;
	s5 =	sadd.s32 s2, s3;
	s2 =	smul.u32 $0x88888889, s31;
	s3 =	spop (v2sf)  }
0x7c3: {  	v7 =	vshra.s32 v7, $0x8;
	v50 =	vsel vm6, s25, v24;
	s8 =	ssub.s32 s26, s8;
	(v2sf) =	vpush v18, $0x5;
	s25 =	smulhi.u32 $0x88888889, s3;
	s26 =	sshra.s32 s3, $0x1F  }
0x7c4: {  	v19 =	vsel vm8, v19, v21;
	v21 =	vadd.s32 v52, v7;
	v7 =	vld [tilespmem:$0x190];
	v53 =	vmov s19;
	s8 =	sadd.s32 s17, s8;
	s19 =	spop (v2sf);
	s17 =	smul.u32 $0x88888889, s26  }
0x7c5: {  	v23 =	vperm.xlane v23, v2;
	v22 =	vperm.xlane v29, v1;
	s15 =	ssub.s32 s30, s20;
	(v2sf) =	vpush v18, $0x6;
	s30 =	smulhi.u32 $0x88888889, s19;
	s31 =	sshra.s32 s19, $0x1F  }
0x7c6: {  	v6 =	vadd.s32 v6, v19;
	v19 =	vsel vm7, s24, v50;
	s26 =	sadd.s32 s2, s15;
	s15 =	spop (v2sf);
	s24 =	smul.u32 $0x88888889, s31  }
0x7c7: {  	v22 =	vsel vm8, v23, v22;
	v23 =	vsel vm0, s28, v53;
	(v2sf) =	vpush v18, $0x7;
	s3 =	ssub.s32 s25, s3;
	s25 =	smulhi.u32 $0x88888889, s15;
	s28 =	sshra.s32 s15, $0x1F  }
0x7c8: {  	v23 =	vsel vm1, s22, v23;
	s22 =	spop (v2sf);
	s17 =	sadd.s32 s17, s3;
	s3 =	smul.u32 $0x88888889, s28  }
0x7c9: {  	(v2sf) =	vpush v7, $0xD;
	s30 =	ssub.s32 s30, s19;
	s19 =	smulhi.u32 $0x88888889, s22;
	s31 =	sshra.s32 s22, $0x1F  }
0x7ca: {  	v8 =	vadd.s32 v8, v22;
	s2 =	sadd.s32 s24, s30;
	s24 =	smul.u32 $0x88888889, s31;
	s20 =	spop (v2sf)  }
0x7cb: {  	v56 =	vshrl.u32 v8, $0x1F;
	v8 =	vshra.s32 v8, $0x8;
	s25 =	ssub.s32 s25, s15;
	(v2sf) =	vpush v7, $0xC;
	s30 =	smulhi.u32 $0x88888889, s20;
	s28 =	sshra.s32 s20, $0x1F  }
0x7cc: {  	v54 =	vcombine.low v30, v26;
	v58 =	vadd.s32 v56, v8;
	v62 =	vmov s12;
	s3 =	sadd.s32 s3, s25;
	s15 =	spop (v2sf);
	s12 =	smul.u32 $0x88888889, s28  }
0x7cd: {  	v8 =	vsel vm2, s16, v23;
	v23 =	vsel vm0, s29, v62;
	s19 =	ssub.s32 s19, s22;
	(v2sf) =	vpush v7, $0xE;
	s29 =	smulhi.u32 $0x88888889, s15;
	s31 =	sshra.s32 s15, $0x1F  }
0x7ce: {  	v55 =	vcombine.low v35, v33;
	v30 =	vcombine.low v38, v34;
	s19 =	sadd.s32 s24, s19;
	s25 =	spop (v2sf);
	s16 =	smul.u32 $0x88888889, s31  }
0x7cf: {  	v26 =	vperm.xlane v54, v1;
	v59 =	vperm.xlane v31, v2;
	(v2sf) =	vpush v7, $0xF;
	s24 =	ssub.s32 s30, s20;
	s28 =	smulhi.u32 $0x88888889, s25;
	s30 =	sshra.s32 s25, $0x1F  }
0x7d0: {  	v61 =	vcombine.low v36, v32;
	v24 =	vperm.xlane v55, v1;
	v23 =	vsel vm1, s11, v23;
	s24 =	sadd.s32 s12, s24;
	s11 =	smul.u32 $0x88888889, s30;
	s12 =	spop (v2sf)  }
0x7d1: {  	v57 =	vperm.xlane v28, v2;
	v28 =	vperm.xlane v37, v2;
	(v2sf) =	vpush v7, $0x9;
	s15 =	ssub.s32 s29, s15;
	s31 =	smulhi.u32 $0x88888889, s12;
	s29 =	sshra.s32 s12, $0x1F  }
0x7d2: {  	v60 =	vsel vm8, v59, v24;
	v24 =	vperm.xlane v61, v1;
	v23 =	vsel vm2, s21, v23;
	s21 =	sadd.s32 s16, s15;
	s15 =	smul.u32 $0x88888889, s29;
	s16 =	spop (v2sf)  }
0x7d3: {  	v34 =	vcombine.low v42, v41;
	v33 =	vmov s23;
	s14 =	ssub.s32 s28, s25;
	(v2sf) =	vpush v7, $0x8;
	s30 =	smulhi.u32 $0x88888889, s16;
	s28 =	sshra.s32 s16, $0x1F  }
0x7d4: {  	v26 =	vsel vm8, v57, v26;
	v32 =	vperm.xlane v39, v2;
	v24 =	vsel vm8, v28, v24;
	s20 =	sadd.s32 s11, s14;
	s25 =	spop (v2sf);
	s11 =	smul.u32 $0x88888889, s28  }
0x7d5: {  	v11 =	vadd.s32 v11, v24;
	v24 =	vperm.xlane v30, v1;
	s12 =	ssub.s32 s31, s12;
	(v2sf) =	vpush v7, $0xA;
	s29 =	smulhi.u32 $0x88888889, s25;
	s31 =	sshra.s32 s25, $0x1F  }
0x7d6: {  	v37 =	vperm.xlane v40, v2;
	v25 =	vnsel vm3, $0x0, v33;
	v9 =	vadd.s32 v9, v26;
	s22 =	sadd.s32 s15, s12;
	s28 =	spop (v2sf);
	s15 =	smul.u32 $0x88888889, s31  }
0x7d7: {  	v35 =	vsel vm0, s18, v25;
	v24 =	vsel vm8, v32, v24;
	(v2sf) =	vpush v7, $0xB;
	s30 =	ssub.s32 s30, s16;
	s23 =	smulhi.u32 $0x88888889, s28;
	s31 =	sshra.s32 s28, $0x1F  }
0x7d8: {  	v26 =	vperm.xlane v34, v1;
	v12 =	vadd.s32 v12, v24;
	v24 =	vsel vm1, s0, v35;
	s16 =	sadd.s32 s11, s30;
	s14 =	smul.u32 $0x88888889, s31;
	s11 =	spop (v2sf)  }
0x7d9: {  	v36 =	vshrl.u32 v12, $0x1F;
	v12 =	vshra.s32 v12, $0x8;
	(v2sf) =	vpush v7, $0x1;
	s29 =	ssub.s32 s29, s25;
	s30 =	smulhi.u32 $0x88888889, s11;
	s31 =	sshra.s32 s11, $0x1F  }
0x7da: {  	v39 =	vsel vm8, v37, v26;
	v41 =	vsel vm2, s4, v24;
	v38 =	vadd.s32 v36, v12;
	s15 =	sadd.s32 s15, s29;
	s25 =	smul.u32 $0x88888889, s31;
	s18 =	spop (v2sf)  }
0x7db: {  	v12 =	vadd.s32 v13, v39;
	v13 =	vsel vm4, s6, v41;
	(v2sf) =	vpush v7, $0x0;
	s12 =	ssub.s32 s23, s28;
	s6 =	smulhi.u32 $0x88888889, s18;
	s28 =	sshra.s32 s18, $0x1F  }
0x7dc: {  	s0 =	ssub.s32 s30, s11;
	s30 =	spop (v2sf);
	s29 =	smul.u32 $0x88888889, s28  }
0x7dd: {  	v13 =	vsel vm5, s10, v13;
	(v2sf) =	vpush v7, $0x2;
	s10 =	sadd.s32 s25, s0;
	s31 =	smulhi.u32 $0x88888889, s30;
	s25 =	sshra.s32 s30, $0x1F  }
0x7de: {  	s6 =	ssub.s32 s6, s18;
	s4 =	smul.u32 $0x88888889, s25;
	s18 =	spop (v2sf)  }
0x7df: {  	v40 =	vcombine.low v44, v43;
	v13 =	vsel vm6, s9, v13;
	(v2sf) =	vpush v7, $0x3;
	s9 =	sadd.s32 s29, s6;
	s28 =	smulhi.u32 $0x88888889, s18;
	s29 =	sshra.s32 s18, $0x1F  }
0x7e0: {  	v43 =	vperm.xlane v46, v2;
	v51 =	vshrl.u32 v6, $0x1F;
	v6 =	vshra.s32 v6, $0x8;
	s0 =	ssub.s32 s31, s30;
	s30 =	spop (v2sf);
	s11 =	smul.u32 $0x88888889, s29  }
0x7e1: {  	v25 =	vperm.xlane v40, v1;
	v6 =	vadd.s32 v51, v6;
	(v2sf) =	vpush v7, $0x4;
	s4 =	sadd.s32 s4, s0;
	s31 =	smulhi.u32 $0x88888889, s30;
	s25 =	sshra.s32 s30, $0x1F  }
0x7e2: {  	v47 =	vcombine.low v49, v47;
	v50 =	vadd.s32 v0, v6;
	v6 =	vld [tilespmem:$0x1A0];
	v52 =	vsel vm7, s7, v13;
	s6 =	ssub.s32 s28, s18;
	s7 =	smul.u32 $0x88888889, s25;
	s18 =	spop (v2sf)  }
0x7e3: {  	v48 =	vperm.xlane v48, v2;
	v63 =	vshrl.u32 v9, $0x1F;
	(v2sf) =	vpush v7, $0x5;
	s11 =	sadd.s32 s11, s6;
	s28 =	smulhi.u32 $0x88888889, s18;
	s29 =	sshra.s32 s18, $0x1F  }
0x7e4: {  	v20 =	vcombine.low v20, v45;
	v55 =	vmov s13;
	(v2sf) =	vpush v7, $0x6;
	s0 =	ssub.s32 s31, s30;
	s30 =	spop (v2sf);
	s13 =	smul.u32 $0x88888889, s29  }
0x7e5: {  	v9 =	vshra.s32 v9, $0x8;
	v59 =	vsel vm0, s1, v55;
	(v2sf) =	vpush v7, $0x7;
	s1 =	sadd.s32 s7, s0;
	s31 =	smulhi.u32 $0x88888889, s30;
	s25 =	sshra.s32 s30, $0x1F  }
0x7e6: {  	v9 =	vadd.s32 v63, v9;
	v20 =	vperm.xlane v20, v1;
	v19 =	vperm.xlane v19, v2;
	s6 =	ssub.s32 s28, s18;
	s7 =	smul.u32 $0x88888889, s25;
	s18 =	spop (v2sf)  }
0x7e7: {  	v10 =	vadd.s32 v10, v60;
	v24 =	vperm.xlane v47, v1;
	(v2sf) =	vpush v6, $0xD;
	s6 =	sadd.s32 s13, s6;
	s28 =	smulhi.u32 $0x88888889, s18;
	s29 =	sshra.s32 s18, $0x1F  }
0x7e8: {  	v22 =	vsel vm1, s5, v59;
	v29 =	vshrl.u32 v10, $0x1F;
	v10 =	vshra.s32 v10, $0x8;
	s0 =	ssub.s32 s31, s30;
	s25 =	spop (v2sf);
	s30 =	smul.u32 $0x88888889, s29  }
0x7e9: {  	v19 =	vsel vm8, v19, v20;
	v62 =	vsel vm2, s8, v22;
	v26 =	vsel vm8, v48, v24;
	s5 =	sadd.s32 s7, s0;
	s31 =	smulhi.u32 $0x88888889, s25;
	s8 =	sshra.s32 s25, $0x1F  }
0x7ea: {  	v10 =	vadd.s32 v29, v10;
	v8 =	vcombine.low v23, v8;
	v15 =	vadd.s32 v15, v26;
	s13 =	ssub.s32 s28, s18;
	s18 =	smul.u32 $0x88888889, s8;
	s28 =	spop (v2sf)  }
0x7eb: {  	v26 =	vshrl.u32 v15, $0x1F;
	v15 =	vshra.s32 v15, $0x8;
	(v2sf) =	vpush v6, $0xC;
	s7 =	sadd.s32 s30, s13;
	s29 =	smulhi.u32 $0x88888889, s28;
	s30 =	sshra.s32 s28, $0x1F  }
0x7ec: {  	v8 =	vperm.xlane v8, v1;
	v15 =	vadd.s32 v26, v15;
	v26 =	vmov s17;
	s0 =	ssub.s32 s31, s25;
	s23 =	spop (v2sf);
	s17 =	smul.u32 $0x88888889, s30  }
0x7ed: {  	v28 =	vmov s24;
	v63 =	vperm.xlane v52, v2;
	(v2sf) =	vpush v6, $0xE;
	s13 =	sadd.s32 s18, s0;
	s31 =	smulhi.u32 $0x88888889, s23;
	s25 =	sshra.s32 s23, $0x1F  }
0x7ee: {  	v16 =	vadd.s32 v16, v19;
	v31 =	vshrl.u32 v11, $0x1F;
	v19 =	vnsel vm3, $0x0, v28;
	s8 =	ssub.s32 s29, s28;
	s28 =	smul.u32 $0x88888889, s25;
	s24 =	spop (v2sf)  }
0x7ef: {  	v29 =	vsel vm0, s26, v26;
	v8 =	vsel vm8, v63, v8;
	(v2sf) =	vpush v6, $0xF;
	s8 =	sadd.s32 s17, s8;
	s29 =	smulhi.u32 $0x88888889, s24;
	s30 =	sshra.s32 s24, $0x1F  }
0x7f0: {  	v19 =	vsel vm0, s19, v19;
	v8 =	vadd.s32 v17, v8;
	v17 =	vsel vm1, s2, v29;
	s0 =	ssub.s32 s31, s23;
	s23 =	spop (v2sf);
	s19 =	smul.u32 $0x88888889, s30  }
0x7f1: {  	v11 =	vshra.s32 v11, $0x8;
	v17 =	vsel vm2, s3, v17;
	(v2sf) =	vpush v6, $0x9;
	s3 =	sadd.s32 s28, s0;
	s2 =	smulhi.u32 $0x88888889, s23;
	s31 =	sshra.s32 s23, $0x1F  }
0x7f2: {  	v11 =	vadd.s32 v31, v11;
	v19 =	vsel vm1, s21, v19;
	v31 =	vmov s8;
	s8 =	sadd.s32 s14, s12;
	s25 =	spop (v2sf);
	s18 =	smul.u32 $0x88888889, s31  }
0x7f3: {  	v46 =	vsel vm8, v43, v25;
	v19 =	vsel vm2, s20, v19;
	(v2sf) =	vpush v6, $0x8;
	s20 =	spop (v2sf);
	s26 =	smulhi.u32 $0x88888889, s25;
	s28 =	sshra.s32 s25, $0x1F  }
0x7f4: {  	v53 =	vadd.s32 v0, v58;
	v42 =	vshrl.u32 v12, $0x1F;
	(v2sf) =	vpush v6, $0xA;
	s29 =	ssub.s32 s29, s24;
	s21 =	spop (v2sf);
	s30 =	smul.u32 $0x88888889, s28  }
0x7f5: {  	v12 =	vshra.s32 v12, $0x8;
	v58 =	vadd.s32 v0, v38;
	v19 =	vsel vm4, s22, v19;
	s2 =	ssub.s32 s2, s23;
	s31 =	smulhi.u32 $0x88888889, s20;
	s22 =	sshra.s32 s20, $0x1F  }
0x7f6: {  	v44 =	vadd.s32 v42, v12;
	v12 =	vadd.s32 v14, v46;
	v23 =	vnsel vm3, $0x0, v31;
	s23 =	sadd.s32 s19, s29;
	s0 =	spop (v2sf);
	s24 =	smul.u32 $0x88888889, s22  }
0x7f7: {  	v34 =	vmov s6;
	(v2sf) =	vpush v6, $0xB;
	v32 =	vsel vm0, s13, v23;
	s26 =	ssub.s32 s26, s25;
	s28 =	smulhi.u32 $0x88888889, s21;
	s29 =	sshra.s32 s21, $0x1F  }
0x7f8: {  	v14 =	vshrl.u32 v12, $0x1F;
	v35 =	vsel vm0, s1, v34;
	v20 =	vsel vm1, s3, v32;
	s1 =	sadd.s32 s30, s26;
	s30 =	ssub.s32 s31, s20;
	s31 =	smul.u32 $0x88888889, s29  }
0x7f9: {  	v12 =	vshra.s32 v12, $0x8;
	(v2sf) =	vpush v6, $0x1;
	s2 =	sadd.s32 s18, s2;
	v20 =	vsel vm2, s23, v20;
	s17 =	smulhi.u32 $0x88888889, s0;
	s19 =	sshra.s32 s0, $0x1F  }
0x7fa: {  	v60 =	vadd.s32 v0, v44;
	v33 =	vmov s9;
	v20 =	vsel vm4, s2, v20;
	s2 =	sadd.s32 s24, s30;
	s9 =	spop (v2sf);
	s6 =	smul.u32 $0x88888889, s19  }
0x7fb: {  	v49 =	vadd.s32 v14, v12;
	v19 =	vsel vm5, s16, v19;
	(v2sf) =	vpush v6, $0x0;
	s3 =	ssub.s32 s28, s21;
	s20 =	smulhi.u32 $0x88888889, s9;
	s21 =	sshra.s32 s9, $0x1F  }
0x7fc: {  	v17 =	vcombine.low v17, v62;
	v19 =	vsel vm6, s15, v19;
	v23 =	vsel vm0, s10, v33;
	s12 =	sadd.s32 s31, s3;
	s10 =	smul.u32 $0x88888889, s21;
	s13 =	spop (v2sf)  }
0x7fd: {  	v37 =	vsel vm1, s5, v35;
	v36 =	vsel vm1, s4, v23;
	(v2sf) =	vpush v6, $0x2;
	s0 =	ssub.s32 s17, s0;
	s22 =	smulhi.u32 $0x88888889, s13;
	s24 =	sshra.s32 s13, $0x1F  }
0x7fe: {  	v39 =	vsel vm2, s7, v37;
	v38 =	vsel vm2, s11, v36;
	v20 =	vsel vm5, s1, v20;
	s23 =	sadd.s32 s6, s0;
	s3 =	spop (v2sf);
	s14 =	smul.u32 $0x88888889, s24  }
0x7ff: {  	v40 =	vsel vm7, s8, v19;
	v12 =	vcombine.low v39, v38;
	v41 =	vsel vm6, s2, v20;
	s30 =	ssub.s32 s20, s9;
	s25 =	smulhi.u32 $0x88888889, s3;
	s26 =	sshra.s32 s3, $0x1F  }
0x800: {  	v42 =	vperm.xlane v17, v1;
	v14 =	vperm.xlane v40, v2;
	v43 =	vsel vm7, s12, v41;
	s0 =	sadd.s32 s10, s30;
	s4 =	spop (v2sf);
	s18 =	smul.u32 $0x88888889, s26  }
0x801: {  	v44 =	vperm.xlane v12, v1;
	v45 =	vperm.xlane v43, v2;
	(v2sf) =	vpush v6, $0x3;
	[smem:$0x7CE] =	sst s0;
	s28 =	smulhi.u32 $0x88888889, s4;
	s29 =	sshra.s32 s4, $0x1F  }
0x802: {  	v56 =	vadd.s32 v0, v10;
	s7 =	spop (v2sf);
	s2 =	ssub.s32 s22, s13;
	s31 =	smul.u32 $0x88888889, s29  }
0x803: {  	v10 =	vsel vm8, v14, v42;
	v48 =	vsel vm8, v45, v44;
	(v2sf) =	vpush v6, $0x4;
	s8 =	spop (v2sf);
	s13 =	smulhi.u32 $0x88888889, s7;
	s19 =	sshra.s32 s7, $0x1F  }
0x804: {  	v47 =	vadd.s32 v18, v10;
	v7 =	vadd.s32 v7, v48;
	s10 =	sadd.s32 s14, s2;
	s21 =	ssub.s32 s25, s3;
	s20 =	smul.u32 $0x88888889, s19  }
0x805: {  	(v2sf) =	vpush v6, $0x5;
	v10 =	vshrl.u32 v7, $0x1F;
	v7 =	vshra.s32 v7, $0x8;
	s22 =	smulhi.u32 $0x88888889, s8;
	s24 =	sshra.s32 s8, $0x1F;
	s19 =	sadd.s32 s18, s21  }
0x806: {  	v7 =	vadd.s32 v10, v7;
	s25 =	ssub.s32 s28, s4;
	s11 =	spop (v2sf);
	s26 =	smul.u32 $0x88888889, s24  }
0x807: {  	(v2sf) =	vpush v6, $0x6;
	v7 =	vadd.s32 v0, v7;
	s28 =	ssub.s32 s13, s7;
	s29 =	smulhi.u32 $0x88888889, s11;
	s30 =	sshra.s32 s11, $0x1F  }
0x808: {  	(v2sf) =	vpush v6, $0x7;
	s9 =	sadd.s32 s31, s25;
	s12 =	spop (v2sf);
	[tilespmem:$0x390] =	vst v7;
	v7 =	vld [tilespmem:$0x1B0];
	s31 =	smul.u32 $0x88888889, s30  }
0x809: {  	s18 =	sadd.s32 s20, s28;
	s7 =	smulhi.u32 $0x88888889, s12;
	s13 =	sshra.s32 s12, $0x1F  }
0x80a: {  	s5 =	ssub.s32 s22, s8;
	s15 =	spop (v2sf);
	s3 =	smul.u32 $0x88888889, s13  }
0x80b: {  	s8 =	sadd.s32 s26, s5;
	s17 =	smulhi.u32 $0x88888889, s15;
	s20 =	sshra.s32 s15, $0x1F  }
0x80c: {  	s16 =	spop (v2sf);
	s14 =	ssub.s32 s29, s11;
	s22 =	smul.u32 $0x88888889, s20  }
0x80d: {  	s2 =	ssub.s32 s7, s12;
	s0 =	sadd.s32 s31, s14;
	s25 =	smulhi.u32 $0x88888889, s16;
	(v2sf) =	vpush v7, $0xD  }
0x80e: {  	s26 =	sshra.s32 s16, $0x1F;
	[smem:$0x7D3] =	sst s0;
	s21 =	sadd.s32 s3, s2  }
0x80f: {  	s24 =	ssub.s32 s17, s15;
	s28 =	smul.u32 $0x88888889, s26;
	[smem:$0x7D0] =	sst s21;
	(v2sf) =	vpush v7, $0xC  }
0x810: {  	s0 =	sadd.s32 s22, s24;
	s2 =	ssub.s32 s25, s16;
	s29 =	spop (v2sf)  }
0x811: {  	[smem:$0x7CF] =	sst s0;
	(v2sf) =	vpush v7, $0xE;
	s30 =	smulhi.u32 $0x88888889, s29;
	s31 =	sshra.s32 s29, $0x1F  }
0x812: {  	s0 =	sadd.s32 s28, s2;
	(v2sf) =	vpush v7, $0xF;
	s6 =	spop (v2sf);
	s5 =	smul.u32 $0x88888889, s31  }
0x813: {  	[smem:$0x7D1] =	sst s0;
	s7 =	smulhi.u32 $0x88888889, s6;
	s11 =	sshra.s32 s6, $0x1F  }
0x814: {  	(v2sf) =	vpush v7, $0x9;
	s13 =	spop (v2sf);
	s12 =	smul.u32 $0x88888889, s11  }
0x815: {  	s1 =	ssub.s32 s30, s29;
	s14 =	smulhi.u32 $0x88888889, s13;
	s15 =	sshra.s32 s13, $0x1F  }
0x816: {  	(v2sf) =	vpush v7, $0x8;
	s17 =	spop (v2sf);
	s0 =	sadd.s32 s5, s1;
	s16 =	smul.u32 $0x88888889, s15  }
0x817: {  	s20 =	smulhi.u32 $0x88888889, s17;
	s21 =	sshra.s32 s17, $0x1F;
	s24 =	spop (v2sf)  }
0x818: {  	s2 =	ssub.s32 s7, s6;
	[smem:$0x7D2] =	sst s0;
	s22 =	smul.u32 $0x88888889, s21  }
0x819: {  	(v2sf) =	vpush v7, $0xA;
	s0 =	sadd.s32 s12, s2;
	s1 =	ssub.s32 s14, s13;
	s25 =	smulhi.u32 $0x88888889, s24  }
0x81a: {  	s26 =	sshra.s32 s24, $0x1F;
	[smem:$0x7D4] =	sst s0;
	s0 =	sadd.s32 s16, s1  }
0x81b: {  	(v2sf) =	vpush v7, $0xB;
	s2 =	ssub.s32 s20, s17;
	s28 =	smul.u32 $0x88888889, s26;
	[smem:$0x7D5] =	sst s0  }
0x81c: {  	s0 =	sadd.s32 s22, s2;
	s1 =	ssub.s32 s25, s24;
	s29 =	spop (v2sf)  }
0x81d: {  	(v2sf) =	vpush v7, $0x1;
	[smem:$0x7D8] =	sst s0;
	s30 =	smulhi.u32 $0x88888889, s29;
	s31 =	sshra.s32 s29, $0x1F  }
0x81e: {  	s0 =	sadd.s32 s28, s1;
	s6 =	spop (v2sf);
	s5 =	smul.u32 $0x88888889, s31  }
0x81f: {  	[smem:$0x7DB] =	sst s0;
	s7 =	smulhi.u32 $0x88888889, s6;
	s11 =	sshra.s32 s6, $0x1F  }
0x820: {  	s13 =	spop (v2sf);
	s2 =	ssub.s32 s30, s29;
	s12 =	smul.u32 $0x88888889, s11  }
0x821: {  	s14 =	smulhi.u32 $0x88888889, s13;
	s15 =	sshra.s32 s13, $0x1F;
	s17 =	spop (v2sf)  }
0x822: {  	(v2sf) =	vpush v7, $0x0;
	s0 =	sadd.s32 s5, s2;
	s1 =	ssub.s32 s7, s6;
	s16 =	smul.u32 $0x88888889, s15  }
0x823: {  	s20 =	smulhi.u32 $0x88888889, s17;
	s21 =	sshra.s32 s17, $0x1F;
	s24 =	spop (v2sf)  }
0x824: {  	(v2sf) =	vpush v7, $0x2;
	[smem:$0x7D9] =	sst s0;
	s0 =	sadd.s32 s12, s1;
	s22 =	smul.u32 $0x88888889, s21  }
0x825: {  	s25 =	smulhi.u32 $0x88888889, s24;
	s26 =	sshra.s32 s24, $0x1F;
	s29 =	spop (v2sf)  }
0x826: {  	(v2sf) =	vpush v7, $0x3;
	s2 =	ssub.s32 s14, s13;
	[smem:$0x7D7] =	sst s0;
	s28 =	smul.u32 $0x88888889, s26  }
0x827: {  	s0 =	sadd.s32 s16, s2;
	s1 =	ssub.s32 s20, s17;
	s30 =	smulhi.u32 $0x88888889, s29  }
0x828: {  	(v2sf) =	vpush v7, $0x4;
	s31 =	sshra.s32 s29, $0x1F;
	s6 =	spop (v2sf);
	[smem:$0x7DC] =	sst s0  }
0x829: {  	(v2sf) =	vpush v7, $0x5;
	s0 =	sadd.s32 s22, s1;
	s2 =	ssub.s32 s25, s24;
	s5 =	smul.u32 $0x88888889, s31  }
0x82a: {  	v51 =	vadd.s32 v0, v21;
	s7 =	smulhi.u32 $0x88888889, s6;
	s11 =	sshra.s32 s6, $0x1F;
	s13 =	spop (v2sf)  }
0x82b: {  	[tilespmem:$0x2D0] =	vst v51;
	v51 =	vld [tilespmem:$0x1C0];
	[smem:$0x7E2] =	sst s0;
	s0 =	sadd.s32 s28, s2;
	s12 =	smul.u32 $0x88888889, s11  }
0x82c: {  	(v2sf) =	vpush v7, $0x6;
	s14 =	smulhi.u32 $0x88888889, s13;
	s15 =	sshra.s32 s13, $0x1F;
	s17 =	spop (v2sf)  }
0x82d: {  	s1 =	ssub.s32 s30, s29;
	[smem:$0x7E0] =	sst s0;
	s16 =	smul.u32 $0x88888889, s15  }
0x82e: {  	(v2sf) =	vpush v7, $0x7;
	s0 =	sadd.s32 s5, s1;
	s2 =	ssub.s32 s7, s6;
	s20 =	smulhi.u32 $0x88888889, s17  }
0x82f: {  	s21 =	sshra.s32 s17, $0x1F;
	[smem:$0x7DE] =	sst s0;
	s0 =	sadd.s32 s12, s2  }
0x830: {  	(v2sf) =	vpush v51, $0xD;
	s1 =	ssub.s32 s14, s13;
	s22 =	smul.u32 $0x88888889, s21;
	[smem:$0x7E3] =	sst s0  }
0x831: {  	s0 =	sadd.s32 s16, s1;
	s2 =	ssub.s32 s20, s17;
	s24 =	spop (v2sf)  }
0x832: {  	[smem:$0x7E5] =	sst s0;
	s25 =	smulhi.u32 $0x88888889, s24;
	s26 =	sshra.s32 s24, $0x1F  }
0x833: {  	s0 =	sadd.s32 s22, s2;
	s29 =	spop (v2sf);
	s28 =	smul.u32 $0x88888889, s26  }
0x834: {  	[smem:$0x7DA] =	sst s0;
	s30 =	smulhi.u32 $0x88888889, s29;
	s31 =	sshra.s32 s29, $0x1F  }
0x835: {  	(v2sf) =	vpush v51, $0xC;
	s6 =	spop (v2sf);
	s5 =	smul.u32 $0x88888889, s31  }
0x836: {  	s1 =	ssub.s32 s25, s24;
	s7 =	smulhi.u32 $0x88888889, s6;
	s11 =	sshra.s32 s6, $0x1F  }
0x837: {  	(v2sf) =	vpush v51, $0xE;
	s13 =	spop (v2sf);
	s0 =	sadd.s32 s28, s1;
	s12 =	smul.u32 $0x88888889, s11  }
0x838: {  	s14 =	smulhi.u32 $0x88888889, s13;
	s15 =	sshra.s32 s13, $0x1F;
	s17 =	spop (v2sf)  }
0x839: {  	(v2sf) =	vpush v51, $0xF;
	s2 =	ssub.s32 s30, s29;
	[smem:$0x7D6] =	sst s0;
	s16 =	smul.u32 $0x88888889, s15  }
0x83a: {  	s0 =	sadd.s32 s5, s2;
	s1 =	ssub.s32 s7, s6;
	s20 =	smulhi.u32 $0x88888889, s17  }
0x83b: {  	(v2sf) =	vpush v51, $0x9;
	s21 =	sshra.s32 s17, $0x1F;
	s24 =	spop (v2sf);
	[smem:$0x7DD] =	sst s0  }
0x83c: {  	(v2sf) =	vpush v51, $0x8;
	s0 =	sadd.s32 s12, s1;
	s2 =	ssub.s32 s14, s13;
	s22 =	smul.u32 $0x88888889, s21  }
0x83d: {  	s25 =	smulhi.u32 $0x88888889, s24;
	s26 =	sshra.s32 s24, $0x1F;
	s29 =	spop (v2sf)  }
0x83e: {  	[smem:$0x7DF] =	sst s0;
	s0 =	sadd.s32 s16, s2;
	s28 =	smul.u32 $0x88888889, s26  }
0x83f: {  	(v2sf) =	vpush v51, $0xA;
	s30 =	smulhi.u32 $0x88888889, s29;
	s31 =	sshra.s32 s29, $0x1F;
	s6 =	spop (v2sf)  }
0x840: {  	s1 =	ssub.s32 s20, s17;
	[smem:$0x7E1] =	sst s0;
	s5 =	smul.u32 $0x88888889, s31  }
0x841: {  	(v2sf) =	vpush v51, $0xB;
	s0 =	sadd.s32 s22, s1;
	s2 =	ssub.s32 s25, s24;
	s7 =	smulhi.u32 $0x88888889, s6  }
0x842: {  	s11 =	sshra.s32 s6, $0x1F;
	[smem:$0x7E4] =	sst s0;
	s0 =	sadd.s32 s28, s2  }
0x843: {  	s1 =	ssub.s32 s30, s29;
	s12 =	smul.u32 $0x88888889, s11;
	[smem:$0x7E6] =	sst s0  }
0x844: {  	s0 =	sadd.s32 s5, s1;
	s2 =	ssub.s32 s7, s6;
	s13 =	spop (v2sf)  }
0x845: {  	[smem:$0x7E9] =	sst s0;
	s14 =	smulhi.u32 $0x88888889, s13;
	s15 =	sshra.s32 s13, $0x1F  }
0x846: {  	(v2sf) =	vpush v51, $0x1;
	s0 =	sadd.s32 s12, s2;
	s17 =	spop (v2sf);
	s16 =	smul.u32 $0x88888889, s15  }
0x847: {  	[smem:$0x7EA] =	sst s0;
	s20 =	smulhi.u32 $0x88888889, s17;
	s21 =	sshra.s32 s17, $0x1F  }
0x848: {  	v54 =	vadd.s32 v0, v9;
	(v2sf) =	vpush v51, $0x0;
	s24 =	spop (v2sf);
	s22 =	smul.u32 $0x88888889, s21  }
0x849: {  	[tilespmem:$0x2F0] =	vst v54;
	s1 =	ssub.s32 s14, s13;
	s25 =	smulhi.u32 $0x88888889, s24;
	s26 =	sshra.s32 s24, $0x1F  }
0x84a: {  	[tilespmem:$0x2C0] =	vst v50;
	(v2sf) =	vpush v51, $0x2;
	s29 =	spop (v2sf);
	s0 =	sadd.s32 s16, s1;
	s28 =	smul.u32 $0x88888889, s26  }
0x84b: {  	[tilespmem:$0x2E0] =	vst v53;
	v27 =	vshrl.u32 v16, $0x1F;
	s30 =	smulhi.u32 $0x88888889, s29;
	s31 =	sshra.s32 s29, $0x1F;
	s6 =	spop (v2sf)  }
0x84c: {  	v16 =	vshra.s32 v16, $0x8;
	[tilespmem:$0x300] =	vst v56;
	v57 =	vadd.s32 v0, v11;
	(v2sf) =	vpush v51, $0x3;
	s2 =	ssub.s32 s20, s17;
	[smem:$0x7E7] =	sst s0;
	s5 =	smul.u32 $0x88888889, s31  }
0x84d: {  	v16 =	vadd.s32 v27, v16;
	[tilespmem:$0x310] =	vst v57;
	(v2sf) =	vpush v51, $0x4;
	s0 =	sadd.s32 s22, s2;
	s1 =	ssub.s32 s25, s24;
	s7 =	smulhi.u32 $0x88888889, s6  }
0x84e: {  	[tilespmem:$0x320] =	vst v58;
	v46 =	vadd.s32 v0, v16;
	s11 =	sshra.s32 s6, $0x1F;
	s13 =	spop (v2sf);
	[smem:$0x7EB] =	sst s0  }
0x84f: {  	[tilespmem:$0x360] =	vst v46;
	v30 =	vshrl.u32 v8, $0x1F;
	v8 =	vshra.s32 v8, $0x8;
	(v2sf) =	vpush v51, $0x5;
	s0 =	sadd.s32 s28, s1;
	s2 =	ssub.s32 s30, s29;
	s12 =	smul.u32 $0x88888889, s11  }
0x850: {  	[tilespmem:$0x330] =	vst v60;
	v61 =	vadd.s32 v0, v49;
	v15 =	vadd.s32 v0, v15;
	v8 =	vadd.s32 v30, v8;
	s14 =	smulhi.u32 $0x88888889, s13;
	s15 =	sshra.s32 s13, $0x1F;
	s17 =	spop (v2sf)  }
0x851: {  	[tilespmem:$0x340] =	vst v61;
	v49 =	vshrl.u32 v47, $0x1F;
	v9 =	vshra.s32 v47, $0x8;
	(v2sf) =	vpush v51, $0x6;
	[smem:$0x7ED] =	sst s0;
	s20 =	smulhi.u32 $0x88888889, s17;
	s21 =	sshra.s32 s17, $0x1F  }
0x852: {  	[tilespmem:$0x350] =	vst v15;
	v8 =	vadd.s32 v0, v8;
	v9 =	vadd.s32 v49, v9;
	s0 =	sadd.s32 s5, s2;
	s1 =	ssub.s32 s7, s6;
	s22 =	smul.u32 $0x88888889, s21  }
0x853: {  	[tilespmem:$0x370] =	vst v8;
	v50 =	vadd.s32 v0, v9;
	[smem:$0x7F0] =	sst s0;
	s0 =	sadd.s32 s12, s1;
	s1 =	ssub.s32 s20, s17  }
0x854: {  	v52 =	vld [tilespmem:$0x1D0];
	[tilespmem:$0x380] =	vst v50;
	v55 =	vmov s18;
	(v2sf) =	vpush v51, $0x7;
	s16 =	smul.u32 $0x88888889, s15;
	[smem:$0x7EE] =	sst s0;
	s0 =	sadd.s32 s22, s1  }
0x855: {  	v14 =	vsel vm0, s9, v55;
	s2 =	ssub.s32 s14, s13;
	s24 =	spop (v2sf);
	[smem:$0x7F4] =	sst s0  }
0x856: {  	v14 =	vsel vm1, s8, v14;
	s25 =	smulhi.u32 $0x88888889, s24;
	s26 =	sshra.s32 s24, $0x1F;
	s8 =	sld [smem:$0x7D2]  }
0x857: {  	s31 =	sadd.s32 s16, s2;
	s28 =	smul.u32 $0x88888889, s26;
	s29 =	spop (v2sf)  }
0x858: {  	s2 =	ssub.s32 s25, s24;
	s30 =	smulhi.u32 $0x88888889, s29;
	s5 =	sshra.s32 s29, $0x1F  }
0x859: {  	(v2sf) =	vpush v52, $0xD;
	s0 =	sadd.s32 s28, s2;
	s7 =	spop (v2sf);
	s6 =	smul.u32 $0x88888889, s5  }
0x85a: {  	[smem:$0x7EC] =	sst s0;
	s11 =	smulhi.u32 $0x88888889, s7;
	s12 =	sshra.s32 s7, $0x1F  }
0x85b: {  	(v2sf) =	vpush v52, $0xC;
	s14 =	spop (v2sf);
	s1 =	ssub.s32 s30, s29;
	s13 =	smul.u32 $0x88888889, s12  }
0x85c: {  	s15 =	smulhi.u32 $0x88888889, s14;
	s16 =	sshra.s32 s14, $0x1F;
	s21 =	spop (v2sf)  }
0x85d: {  	(v2sf) =	vpush v52, $0xE;
	s0 =	sadd.s32 s6, s1;
	s2 =	ssub.s32 s11, s7;
	s20 =	smul.u32 $0x88888889, s16  }
0x85e: {  	s22 =	smulhi.u32 $0x88888889, s21;
	s24 =	sshra.s32 s21, $0x1F;
	s28 =	spop (v2sf)  }
0x85f: {  	(v2sf) =	vpush v52, $0xF;
	[smem:$0x7E8] =	sst s0;
	s17 =	sadd.s32 s13, s2;
	s26 =	smul.u32 $0x88888889, s24  }
0x860: {  	s29 =	smulhi.u32 $0x88888889, s28;
	s30 =	sshra.s32 s28, $0x1F;
	s6 =	spop (v2sf)  }
0x861: {  	(v2sf) =	vpush v52, $0x9;
	s3 =	ssub.s32 s15, s14;
	[smem:$0x7EF] =	sst s17;
	s5 =	smul.u32 $0x88888889, s30  }
0x862: {  	(v2sf) =	vpush v52, $0x8;
	s25 =	sadd.s32 s20, s3;
	s2 =	ssub.s32 s22, s21;
	s7 =	smulhi.u32 $0x88888889, s6  }
0x863: {  	s11 =	sshra.s32 s6, $0x1F;
	s14 =	spop (v2sf);
	[smem:$0x7F1] =	sst s25  }
0x864: {  	s2 =	sadd.s32 s26, s2;
	s3 =	ssub.s32 s29, s28;
	s13 =	smul.u32 $0x88888889, s11  }
0x865: {  	(v2sf) =	vpush v52, $0xA;
	s15 =	smulhi.u32 $0x88888889, s14;
	s16 =	sshra.s32 s14, $0x1F;
	[smem:$0x7F2] =	sst s2  }
0x866: {  	s12 =	sadd.s32 s5, s3;
	s2 =	ssub.s32 s7, s6;
	s20 =	smul.u32 $0x88888889, s16  }
0x867: {  	(v2sf) =	vpush v52, $0xB;
	[smem:$0x7F3] =	sst s12;
	s17 =	sadd.s32 s13, s2;
	s3 =	ssub.s32 s15, s14  }
0x868: {  	[smem:$0x7F5] =	sst s17;
	s25 =	sadd.s32 s20, s3;
	s21 =	spop (v2sf)  }
0x869: {  	(v2sf) =	vpush v52, $0x1;
	[smem:$0x7F7] =	sst s25;
	s22 =	smulhi.u32 $0x88888889, s21;
	s24 =	sshra.s32 s21, $0x1F  }
0x86a: {  	s26 =	smul.u32 $0x88888889, s24;
	s28 =	spop (v2sf)  }
0x86b: {  	s2 =	ssub.s32 s22, s21;
	s29 =	smulhi.u32 $0x88888889, s28;
	s30 =	sshra.s32 s28, $0x1F  }
0x86c: {  	s2 =	sadd.s32 s26, s2;
	s6 =	spop (v2sf);
	s5 =	smul.u32 $0x88888889, s30  }
0x86d: {  	(v2sf) =	vpush v52, $0x0;
	[smem:$0x7F8] =	sst s2;
	s7 =	smulhi.u32 $0x88888889, s6;
	s11 =	sshra.s32 s6, $0x1F  }
0x86e: {  	s14 =	spop (v2sf);
	s13 =	smul.u32 $0x88888889, s11  }
0x86f: {  	(v2sf) =	vpush v52, $0x2;
	s3 =	ssub.s32 s29, s28;
	s15 =	smulhi.u32 $0x88888889, s14;
	s16 =	sshra.s32 s14, $0x1F  }
0x870: {  	s21 =	spop (v2sf);
	s12 =	sadd.s32 s5, s3;
	s20 =	smul.u32 $0x88888889, s16  }
0x871: {  	(v2sf) =	vpush v52, $0x3;
	s22 =	smulhi.u32 $0x88888889, s21;
	s24 =	sshra.s32 s21, $0x1F;
	s28 =	spop (v2sf)  }
0x872: {  	s2 =	ssub.s32 s7, s6;
	[smem:$0x7F6] =	sst s12;
	s26 =	smul.u32 $0x88888889, s24  }
0x873: {  	(v2sf) =	vpush v52, $0x4;
	s17 =	sadd.s32 s13, s2;
	s3 =	ssub.s32 s15, s14;
	s29 =	smulhi.u32 $0x88888889, s28  }
0x874: {  	s30 =	sshra.s32 s28, $0x1F;
	s7 =	spop (v2sf);
	[smem:$0x7F9] =	sst s17  }
0x875: {  	(v2sf) =	vpush v52, $0x5;
	s25 =	sadd.s32 s20, s3;
	s2 =	ssub.s32 s22, s21;
	s6 =	smul.u32 $0x88888889, s30  }
0x876: {  	v10 =	vld [tilespmem:$0x1E0];
	s11 =	smulhi.u32 $0x88888889, s7;
	s12 =	sshra.s32 s7, $0x1F;
	s14 =	spop (v2sf)  }
0x877: {  	(v2sf) =	vpush v52, $0x6;
	[smem:$0x7FB] =	sst s25;
	s2 =	sadd.s32 s26, s2;
	s13 =	smul.u32 $0x88888889, s12  }
0x878: {  	s15 =	smulhi.u32 $0x88888889, s14;
	s16 =	sshra.s32 s14, $0x1F;
	s21 =	spop (v2sf)  }
0x879: {  	(v2sf) =	vpush v52, $0x7;
	s3 =	ssub.s32 s29, s28;
	[smem:$0x7FA] =	sst s2;
	s20 =	smul.u32 $0x88888889, s16  }
0x87a: {  	s2 =	ssub.s32 s11, s7;
	s22 =	smulhi.u32 $0x88888889, s21;
	s24 =	sshra.s32 s21, $0x1F  }
0x87b: {  	(v2sf) =	vpush v10, $0xD;
	s30 =	sadd.s32 s6, s3;
	s17 =	sadd.s32 s13, s2;
	s26 =	smul.u32 $0x88888889, s24  }
0x87c: {  	s3 =	ssub.s32 s15, s14;
	[smem:$0x7FC] =	sst s17;
	s28 =	spop (v2sf)  }
0x87d: {  	s25 =	sadd.s32 s20, s3;
	(v2sf) =	vpush v10, $0xC;
	s29 =	smulhi.u32 $0x88888889, s28;
	s0 =	sshra.s32 s28, $0x1F  }
0x87e: {  	s2 =	ssub.s32 s22, s21;
	s6 =	spop (v2sf);
	s5 =	smul.u32 $0x88888889, s0  }
0x87f: {  	[smem:$0x7FD] =	sst s25;
	(v2sf) =	vpush v10, $0xE;
	s7 =	smulhi.u32 $0x88888889, s6;
	s11 =	sshra.s32 s6, $0x1F  }
0x880: {  	s22 =	sadd.s32 s26, s2;
	s14 =	spop (v2sf);
	s12 =	smul.u32 $0x88888889, s11  }
0x881: {  	(v2sf) =	vpush v10, $0xF;
	s3 =	ssub.s32 s29, s28;
	s15 =	smulhi.u32 $0x88888889, s14;
	s16 =	sshra.s32 s14, $0x1F  }
0x882: {  	s20 =	spop (v2sf);
	s13 =	sadd.s32 s5, s3;
	s17 =	smul.u32 $0x88888889, s16  }
0x883: {  	s2 =	ssub.s32 s7, s6;
	s21 =	smulhi.u32 $0x88888889, s20;
	s24 =	sshra.s32 s20, $0x1F  }
0x884: {  	(v2sf) =	vpush v10, $0x9;
	s26 =	spop (v2sf);
	s28 =	sadd.s32 s12, s2;
	s25 =	smul.u32 $0x88888889, s24  }
0x885: {  	s3 =	ssub.s32 s15, s14;
	s29 =	smulhi.u32 $0x88888889, s26;
	s0 =	sshra.s32 s26, $0x1F  }
0x886: {  	(v2sf) =	vpush v10, $0x8;
	s11 =	spop (v2sf);
	s7 =	sadd.s32 s17, s3;
	s6 =	smul.u32 $0x88888889, s0  }
0x887: {  	s2 =	ssub.s32 s21, s20;
	s12 =	smulhi.u32 $0x88888889, s11;
	s14 =	sshra.s32 s11, $0x1F  }
0x888: {  	(v2sf) =	vpush v10, $0xA;
	s16 =	spop (v2sf);
	s25 =	sadd.s32 s25, s2;
	s15 =	smul.u32 $0x88888889, s14  }
0x889: {  	s3 =	ssub.s32 s29, s26;
	s17 =	smulhi.u32 $0x88888889, s16;
	s20 =	sshra.s32 s16, $0x1F  }
0x88a: {  	s26 =	spop (v2sf);
	s29 =	sadd.s32 s6, s3;
	s21 =	smul.u32 $0x88888889, s20  }
0x88b: {  	(v2sf) =	vpush v10, $0xB;
	s2 =	ssub.s32 s12, s11;
	s0 =	smulhi.u32 $0x88888889, s26;
	s6 =	sshra.s32 s26, $0x1F  }
0x88c: {  	s24 =	sadd.s32 s15, s2;
	s11 =	smul.u32 $0x88888889, s6;
	s12 =	spop (v2sf)  }
0x88d: {  	(v2sf) =	vpush v10, $0x1;
	s3 =	ssub.s32 s17, s16;
	s14 =	smulhi.u32 $0x88888889, s12;
	s16 =	sshra.s32 s12, $0x1F  }
0x88e: {  	s15 =	sadd.s32 s21, s3;
	s20 =	spop (v2sf);
	s17 =	smul.u32 $0x88888889, s16  }
0x88f: {  	s2 =	ssub.s32 s0, s26;
	s21 =	smulhi.u32 $0x88888889, s20;
	s0 =	sshra.s32 s20, $0x1F  }
0x890: {  	(v2sf) =	vpush v10, $0x0;
	s6 =	spop (v2sf);
	s5 =	smul.u32 $0x88888889, s0  }
0x891: {  	s26 =	sadd.s32 s11, s2;
	s3 =	ssub.s32 s14, s12;
	s12 =	smulhi.u32 $0x88888889, s6  }
0x892: {  	s14 =	sshra.s32 s6, $0x1F;
	s11 =	sadd.s32 s17, s3;
	s2 =	ssub.s32 s21, s20  }
0x893: {  	(v2sf) =	vpush v10, $0x2;
	s16 =	smul.u32 $0x88888889, s14;
	s17 =	spop (v2sf);
	s21 =	sadd.s32 s5, s2  }
0x894: {  	s3 =	ssub.s32 s12, s6;
	s0 =	smulhi.u32 $0x88888889, s17;
	s6 =	sshra.s32 s17, $0x1F  }
0x895: {  	s14 =	spop (v2sf);
	s20 =	sadd.s32 s16, s3;
	s12 =	smul.u32 $0x88888889, s6  }
0x896: {  	s16 =	smulhi.u32 $0x88888889, s14;
	s2 =	ssub.s32 s0, s17;
	s0 =	sshra.s32 s14, $0x1F  }
0x897: {  	s6 =	spop (v2sf);
	s5 =	smul.u32 $0x88888889, s0  }
0x898: {  	s3 =	ssub.s32 s16, s14;
	s14 =	smulhi.u32 $0x88888889, s6;
	s16 =	sshra.s32 s6, $0x1F  }
0x899: {  	(v2sf) =	vpush v10, $0x3;
	s17 =	sadd.s32 s12, s2;
	s0 =	smul.u32 $0x88888889, s16;
	s12 =	sadd.s32 s5, s3  }
0x89a: {  	s5 =	spop (v2sf);
	s2 =	ssub.s32 s14, s6;
	s6 =	sld [smem:$0x7CE]  }
0x89b: {  	s16 =	sld [smem:$0x7CF];
	s4 =	smulhi.u32 $0x88888889, s5;
	s3 =	sshra.s32 s5, $0x1F  }
0x89c: {  	(v2sf) =	vpush v10, $0x4;
	s14 =	sadd.s32 s0, s2;
	s2 =	spop (v2sf);
	s1 =	smul.u32 $0x88888889, s3  }
0x89d: {  	s3 =	sshra.s32 s2, $0x1F;
	v53 =	vmov s6;
	s4 =	ssub.s32 s4, s5;
	s5 =	smulhi.u32 $0x88888889, s2  }
0x89e: {  	v54 =	vmov s16;
	v12 =	vsel vm0, s23, v53;
	s16 =	sadd.s32 s1, s4;
	s4 =	smul.u32 $0x88888889, s3;
	s23 =	sld [smem:$0x7D0]  }
0x89f: {  	s6 =	spop (v2sf);
	v12 =	vsel vm1, s10, v12;
	s10 =	sld [smem:$0x7D1]  }
0x8a0: {  	(v2sf) =	vpush v10, $0x5;
	v13 =	vnsel vm3, $0x0, v54;
	s2 =	ssub.s32 s5, s2;
	s3 =	smulhi.u32 $0x88888889, s6;
	s5 =	sshra.s32 s6, $0x1F  }
0x8a1: {  	v13 =	vsel vm0, s23, v13;
	s23 =	smul.u32 $0x88888889, s5;
	s5 =	sld [smem:$0x7D4]  }
0x8a2: {  	v13 =	vsel vm1, s10, v13;
	s10 =	sadd.s32 s4, s2;
	s2 =	spop (v2sf);
	s4 =	ssub.s32 s3, s6  }
0x8a3: {  	s3 =	sld [smem:$0x7D3];
	s6 =	smulhi.u32 $0x88888889, s2;
	s9 =	sshra.s32 s2, $0x1F  }
0x8a4: {  	v56 =	vsel vm2, s8, v13;
	s8 =	smul.u32 $0x88888889, s9;
	s9 =	sld [smem:$0x7D5]  }
0x8a5: {  	v12 =	vsel vm2, s19, v12;
	s19 =	sld [smem:$0x7D6]  }
0x8a6: {  	s23 =	sadd.s32 s23, s4;
	s4 =	sld [smem:$0x7D7];
	v58 =	vsel vm4, s5, v56;
	s2 =	ssub.s32 s6, s2  }
0x8a7: {  	v57 =	vsel vm2, s3, v14;
	v14 =	vsel vm5, s9, v58;
	s9 =	sadd.s32 s8, s2;
	s8 =	sld [smem:$0x7D9]  }
0x8a8: {  	s18 =	spop (v2sf);
	v59 =	vmov s19;
	s19 =	sld [smem:$0x7DA]  }
0x8a9: {  	s5 =	sld [smem:$0x7D8];
	s6 =	smulhi.u32 $0x88888889, s18;
	s3 =	sshra.s32 s18, $0x1F;
	v60 =	vmov s4  }
0x8aa: {  	s1 =	smul.u32 $0x88888889, s3;
	v16 =	vsel vm0, s8, v60;
	s8 =	sld [smem:$0x7DD]  }
0x8ab: {  	v15 =	vnsel vm3, $0x0, v59;
	s4 =	sld [smem:$0x7DB];
	s2 =	spop (v2sf)  }
0x8ac: {  	v15 =	vsel vm0, s19, v15;
	s6 =	ssub.s32 s6, s18;
	v14 =	vsel vm6, s5, v14;
	s3 =	sshra.s32 s2, $0x1F;
	s5 =	sld [smem:$0x7DC]  }
0x8ad: {  	v15 =	vsel vm1, s8, v15;
	s8 =	sadd.s32 s1, s6;
	s1 =	smul.u32 $0x88888889, s3;
	s3 =	sld [smem:$0x7DE]  }
0x8ae: {  	s18 =	smulhi.u32 $0x88888889, s2;
	s6 =	sld [smem:$0x7E0]  }
0x8af: {  	s19 =	spop (v2sf);
	v14 =	vsel vm7, s4, v14;
	s4 =	sld [smem:$0x7DF]  }
0x8b0: {  	s2 =	ssub.s32 s18, s2;
	v16 =	vsel vm1, s5, v16;
	s5 =	sshra.s32 s19, $0x1F;
	v61 =	vmov s3  }
0x8b1: {  	v17 =	vsel vm0, s6, v61;
	s6 =	sadd.s32 s1, s2;
	s2 =	smul.u32 $0x88888889, s5;
	s5 =	sld [smem:$0x7E2]  }
0x8b2: {  	v15 =	vsel vm2, s4, v15;
	s4 =	sld [smem:$0x7E1]  }
0x8b3: {  	s3 =	sld [smem:$0x7E3]  }
0x8b4: {  	v63 =	vsel vm2, s5, v16;
	s5 =	sld [smem:$0x7E5]  }
0x8b5: {  	v62 =	vsel vm4, s4, v15;
	s4 =	sld [smem:$0x7E4]  }
0x8b6: {  	v20 =	vsel vm1, s3, v17  }
0x8b7: {  	v11 =	vld [tilespmem:$0x1F0];
	(v2sf) =	vpush v10, $0x6;
	v16 =	vsel vm2, s5, v20;
	s5 =	sld [smem:$0x7E7]  }
0x8b8: {  	v21 =	vsel vm5, s4, v62;
	s4 =	sld [smem:$0x7E6];
	_ =	sdelay $0x1  }
0x8b9: {  	(v2sf) =	vpush v10, $0x7;
	v22 =	vmov s5;
	s5 =	sld [smem:$0x7E9]  }
0x8ba: {  	v17 =	vsel vm6, s4, v21;
	s4 =	sld [smem:$0x7E8]  }
0x8bb: {  	(v2sf) =	vpush v11, $0xD  }
0x8bc: {  	v17 =	vsel vm7, s5, v17;
	s5 =	sld [smem:$0x7EA]  }
0x8bd: {  	v23 =	vmov s4;
	s4 =	sld [smem:$0x7EB];
	_ =	sdelay $0x1  }
0x8be: {  	v18 =	vsel vm0, s5, v22  }
0x8bf: {  	v18 =	vsel vm1, s4, v18;
	s4 =	sld [smem:$0x7EC];
	_ =	sdelay $0x1  }
0x8c0: {  	v19 =	vnsel vm3, $0x0, v23  }
0x8c1: {  	v19 =	vsel vm0, s4, v19;
	s4 =	sld [smem:$0x7ED]  }
0x8c2: {  	s18 =	smulhi.u32 $0x88888889, s19  }
0x8c3: {  	s1 =	spop (v2sf)  }
0x8c4: {  	s18 =	ssub.s32 s18, s19;
	s19 =	smulhi.u32 $0x88888889, s1;
	v18 =	vsel vm2, s4, v18;
	s4 =	sld [smem:$0x7EE]  }
0x8c5: {  	s0 =	sshra.s32 s1, $0x1F;
	s18 =	sadd.s32 s2, s18  }
0x8c6: {  	s3 =	smul.u32 $0x88888889, s0;
	s2 =	spop (v2sf);
	s1 =	ssub.s32 s19, s1  }
0x8c7: {  	s19 =	smulhi.u32 $0x88888889, s2;
	s0 =	sshra.s32 s2, $0x1F;
	v24 =	vmov s4;
	s4 =	sld [smem:$0x7EF]  }
0x8c8: {  	(v2sf) =	vpush v11, $0xC;
	s5 =	sadd.s32 s3, s1;
	s1 =	smul.u32 $0x88888889, s0;
	s3 =	spop (v2sf)  }
0x8c9: {  	s2 =	ssub.s32 s19, s2;
	s0 =	sshra.s32 s3, $0x1F  }
0x8ca: {  	(v2sf) =	vpush v11, $0xE;
	v19 =	vsel vm1, s4, v19;
	s4 =	sadd.s32 s1, s2;
	s2 =	smul.u32 $0x88888889, s0;
	s0 =	sld [smem:$0x7F0]  }
0x8cb: {  	_ =	sdelay $0x1  }
0x8cc: {  	v20 =	vsel vm0, s0, v24;
	s0 =	sld [smem:$0x7F1]  }
0x8cd: {  	(v2sf) =	vpush v11, $0xF;
	v20 =	vsel vm1, s31, v20;
	s31 =	sld [smem:$0x7F2]  }
0x8ce: {  	(v2sf) =	vpush v11, $0x9  }
0x8cf: {  	v19 =	vsel vm2, s0, v19  }
0x8d0: {  	v19 =	vsel vm4, s31, v19;
	s31 =	sld [smem:$0x7F3]  }
0x8d1: {  	(v2sf) =	vpush v11, $0x8  }
0x8d2: {  	(v2sf) =	vpush v11, $0xA  }
0x8d3: {  	(v2sf) =	vpush v11, $0xB;
	v19 =	vsel vm5, s31, v19;
	s31 =	sld [smem:$0x7F4];
	_ =	sdelay $0x1  }
0x8d4: {  	s19 =	smulhi.u32 $0x88888889, s3  }
0x8d5: {  	(v2sf) =	vpush v11, $0x1;
	s1 =	spop (v2sf);
	v20 =	vsel vm2, s31, v20;
	s31 =	sld [smem:$0x7F5]  }
0x8d6: {  	(v2sf) =	vpush v11, $0x0;
	s3 =	ssub.s32 s19, s3;
	s19 =	smulhi.u32 $0x88888889, s1  }
0x8d7: {  	v25 =	vmov s13;
	s13 =	sadd.s32 s2, s3;
	s2 =	spop (v2sf);
	s0 =	sshra.s32 s1, $0x1F  }
0x8d8: {  	v21 =	vnsel vm3, $0x0, v25;
	s0 =	smul.u32 $0x88888889, s0;
	v19 =	vsel vm6, s31, v19;
	s31 =	sld [smem:$0x7F6]  }
0x8d9: {  	v21 =	vsel vm0, s22, v21;
	s3 =	smulhi.u32 $0x88888889, s2;
	s1 =	ssub.s32 s19, s1;
	s19 =	sshra.s32 s2, $0x1F  }
0x8da: {  	v50 =	vld [tilespmem:$0x0];
	v21 =	vsel vm1, s28, v21;
	s22 =	sadd.s32 s0, s1;
	s0 =	smul.u32 $0x88888889, s19  }
0x8db: {  	v21 =	vsel vm2, s7, v21;
	(v2sf) =	vpush v11, $0x2;
	s1 =	spop (v2sf);
	v26 =	vmov s31;
	s31 =	sld [smem:$0x7F7]  }
0x8dc: {  	v27 =	vmov s30;
	s30 =	sld [smem:$0x7F9];
	v21 =	vsel vm4, s25, v21;
	s2 =	ssub.s32 s3, s2;
	s19 =	spop (v2sf)  }
0x8dd: {  	v21 =	vsel vm5, s29, v21;
	s29 =	sld [smem:$0x7FC];
	s7 =	sadd.s32 s0, s2;
	s2 =	smulhi.u32 $0x88888889, s19  }
0x8de: {  	(v2sf) =	vpush v11, $0x3;
	v19 =	vsel vm7, s31, v19;
	s31 =	sld [smem:$0x7F8]  }
0x8df: {  	v55 =	vshll.u32 v50, $0x1;
	v29 =	vmov s11;
	s28 =	sshra.s32 s19, $0x1F;
	s2 =	ssub.s32 s2, s19;
	s19 =	spop (v2sf)  }
0x8e0: {  	v12 =	vcombine.low v57, v12;
	v21 =	vsel vm6, s24, v21;
	(v2sf) =	vpush v11, $0x4;
	s3 =	smulhi.u32 $0x88888889, s1;
	s24 =	spop (v2sf)  }
0x8e1: {  	v30 =	vmov s12;
	v28 =	vmov s23;
	s25 =	smulhi.u32 $0x88888889, s19;
	s11 =	spop (v2sf);
	v22 =	vsel vm0, s31, v26;
	s31 =	sshra.s32 s1, $0x1F  }
0x8e2: {  	v56 =	vand.u32 $0x7, v50;
	v12 =	vperm.xlane v12, v1;
	(v2sf) =	vpush v11, $0x5;
	s1 =	ssub.s32 s3, s1;
	s3 =	smul.u32 $0x88888889, s28;
	s28 =	sld [smem:$0x7FB]  }
0x8e3: {  	v14 =	vperm.xlane v14, v2;
	v25 =	vsel vm0, s26, v29;
	s0 =	smul.u32 $0x88888889, s31;
	v22 =	vsel vm1, s30, v22;
	s31 =	sld [smem:$0x7FA];
	s30 =	sshra.s32 s19, $0x1F  }
0x8e4: {  	v25 =	vsel vm1, s21, v25;
	v21 =	vsel vm7, s15, v21;
	(v2sf) =	vpush v11, $0x6;
	s15 =	sadd.s32 s3, s2;
	s2 =	smul.u32 $0x88888889, s30;
	s30 =	spop (v2sf)  }
0x8e5: {  	v12 =	vsel vm8, v14, v12;
	v25 =	vsel vm2, s20, v25;
	s23 =	smulhi.u32 $0x88888889, s24;
	v22 =	vsel vm2, s28, v22;
	s28 =	sshra.s32 s24, $0x1F;
	s20 =	spop (v2sf)  }
0x8e6: {  	v6 =	vadd.s32 v6, v12;
	v15 =	vcombine.low v16, v63;
	v23 =	vsel vm0, s31, v27;
	s31 =	sld [smem:$0x7FD];
	s3 =	smul.u32 $0x88888889, s28  }
0x8e7: {  	v31 =	vmov s22;
	v26 =	vsel vm0, s17, v30;
	s17 =	sshra.s32 s30, $0x1F;
	s22 =	smulhi.u32 $0x88888889, s20;
	v23 =	vsel vm1, s29, v23;
	s29 =	ssub.s32 s25, s19  }
0x8e8: {  	v15 =	vperm.xlane v15, v1;
	v24 =	vnsel vm3, $0x0, v28;
	s0 =	sadd.s32 s0, s1;
	(v2sf) =	vpush v11, $0x7;
	s19 =	smul.u32 $0x88888889, s17;
	s1 =	sadd.s32 s2, s29  }
0x8e9: {  	v17 =	vperm.xlane v17, v2;
	v24 =	vsel vm0, s10, v24;
	s2 =	ssub.s32 s23, s24;
	s23 =	sshra.s32 s20, $0x1F;
	v23 =	vsel vm2, s31, v23;
	s31 =	smulhi.u32 $0x88888889, s30  }
0x8ea: {  	v43 =	vshrl.u32 v6, $0x1F;
	v6 =	vshra.s32 v6, $0x8;
	v24 =	vsel vm1, s9, v24;
	s24 =	spop (v2sf);
	s12 =	smul.u32 $0x88888889, s23  }
0x8eb: {  	v6 =	vadd.s32 v43, v6;
	v36 =	vsel vm8, v17, v15;
	v24 =	vsel vm2, s8, v24;
	s25 =	ssub.s32 s22, s20;
	s26 =	smulhi.u32 $0x88888889, s24;
	s28 =	sshra.s32 s24, $0x1F  }
0x8ec: {  	v6 =	vadd.s32 v0, v6;
	v7 =	vadd.s32 v7, v36;
	v24 =	vsel vm4, s6, v24;
	s2 =	sadd.s32 s3, s2;
	s21 =	ssub.s32 s31, s30;
	s31 =	smul.u32 $0x88888889, s28  }
0x8ed: {  	v45 =	vshrl.u32 v7, $0x1F;
	v7 =	vshra.s32 v7, $0x8;
	v24 =	vsel vm5, s18, v24;
	s29 =	sadd.s32 s12, s25;
	s30 =	spop (v2sf);
	s25 =	smulhi.u32 $0x88888889, s11  }
0x8ee: {  	v7 =	vadd.s32 v45, v7;
	v24 =	vsel vm6, s5, v24;
	v26 =	vsel vm1, s14, v26;
	s9 =	ssub.s32 s26, s24;
	s10 =	smulhi.u32 $0x88888889, s30;
	s12 =	sshra.s32 s30, $0x1F  }
0x8ef: {  	v24 =	vsel vm7, s4, v24;
	v18 =	vcombine.low v20, v18;
	v26 =	vsel vm2, s16, v26;
	s26 =	sshra.s32 s11, $0x1F;
	s14 =	spop (v2sf);
	s16 =	smul.u32 $0x88888889, s12  }
0x8f0: {  	v46 =	vperm.xlane v21, v2;
	v7 =	vadd.s32 v0, v7;
	v49 =	vperm.xlane v24, v2;
	s6 =	sadd.s32 s19, s21;
	s17 =	smulhi.u32 $0x88888889, s14;
	s18 =	sshra.s32 s14, $0x1F  }
0x8f1: {  	v37 =	vperm.xlane v18, v1;
	v27 =	vsel vm0, s13, v31;
	v34 =	vmov s29;
	s13 =	sadd.s32 s31, s9;
	s19 =	spop (v2sf);
	s20 =	smul.u32 $0x88888889, s18  }
0x8f2: {  	v38 =	vperm.xlane v19, v2;
	v44 =	vcombine.low v26, v25;
	v35 =	vnsel vm3, $0x0, v34;
	s4 =	ssub.s32 s10, s30;
	s22 =	smulhi.u32 $0x88888889, s19;
	s23 =	sshra.s32 s19, $0x1F  }
0x8f3: {  	v32 =	vsel vm1, s7, v27;
	v41 =	vcombine.low v23, v22;
	v20 =	vsel vm0, s6, v35;
	s28 =	spop (v2sf);
	s4 =	sadd.s32 s16, s4;
	s24 =	smul.u32 $0x88888889, s23  }
0x8f4: {  	v13 =	vsel vm2, s0, v32;
	v33 =	vmov s1;
	v39 =	vsel vm1, s13, v20;
	s21 =	ssub.s32 s17, s14;
	s29 =	smulhi.u32 $0x88888889, s28;
	s30 =	sshra.s32 s28, $0x1F  }
0x8f5: {  	v16 =	vsel vm0, s15, v33;
	v14 =	vperm.xlane v41, v1;
	v18 =	vsel vm2, s4, v39;
	s0 =	sadd.s32 s20, s21;
	s1 =	ssub.s32 s22, s19;
	s4 =	smul.u32 $0x88888889, s26  }
0x8f6: {  	v48 =	vperm.xlane v44, v1;
	v16 =	vsel vm1, s2, v16;
	s2 =	smul.u32 $0x88888889, s30;
	v42 =	vsel vm4, s0, v18;
	s1 =	sadd.s32 s24, s1;
	s0 =	ssub.s32 s25, s11  }
0x8f7: {  	v40 =	vsel vm8, v38, v37;
	v47 =	vsel vm8, v46, v14;
	v15 =	vsel vm5, s1, v42;
	s1 =	ssub.s32 s29, s28;
	s0 =	sadd.s32 s4, s0;
	s31 =	spop (v2sf)  }
0x8f8: {  	v8 =	vadd.s32 v51, v40;
	v14 =	vsel vm8, v49, v48;
	v9 =	vadd.s32 v52, v47;
	s1 =	sadd.s32 s2, s1;
	s3 =	smulhi.u32 $0x88888889, s31;
	s4 =	sshra.s32 s31, $0x1F  }
0x8f9: {  	v52 =	vshrl.u32 v8, $0x1F;
	v8 =	vshra.s32 v8, $0x8;
	v15 =	vsel vm6, s1, v15;
	s1 =	smul.u32 $0x88888889, s4  }
0x8fa: {  	v10 =	vadd.s32 v10, v14;
	v14 =	vand.u32 $0xFFFFFFF0, v55;
	v51 =	vsel vm2, s0, v16;
	s0 =	ssub.s32 s3, s31  }
0x8fb: {  	v53 =	vshrl.u32 v9, $0x1F;
	v9 =	vshra.s32 v9, $0x8;
	v12 =	vcombine.low v51, v13;
	s0 =	sadd.s32 s1, s0  }
0x8fc: {  	v8 =	vadd.s32 v52, v8;
	v14 =	vor.u32 v56, v14;
	v54 =	vsel vm7, s0, v15  }
0x8fd: {  	v59 =	vshrl.u32 v10, $0x1F;
	v12 =	vperm.xlane v12, v1;
	v13 =	vperm.xlane v54, v2  }
0x8fe: {  	[tilespmem:$0x3B0] =	vst v7;
	v7 =	vshra.s32 v10, $0x8;
	v9 =	vadd.s32 v53, v9;
	v57 =	vperm.xlane v14, v3  }
0x8ff: {  	v8 =	vadd.s32 v0, v8;
	v61 =	vperm.xlane v14, v5;
	v12 =	vsel vm8, v13, v12  }
0x900: {  	[tilespmem:$0x3A0] =	vst v6;
	v7 =	vadd.s32 v59, v7;
	v60 =	vadd.s32 v4, v57;
	v58 =	vadd.s32 v11, v12  }
0x901: {  	v6 =	vadd.s32 v0, v9;
	[tilespmem:$0x3C0] =	vst v8;
	v62 =	vshrl.u32 v58, $0x1F;
	v9 =	vshra.s32 v58, $0x8  }
0x902: {  	v7 =	vadd.s32 v0, v7;
	[tilespmem:$0x3D0] =	vst v6;
	v63 =	vadd.s32 v4, v61;
	v6 =	vadd.s32 v62, v9  }
0x903: {  	[tilespmem:$0x3E0] =	vst v7;
	v6 =	vadd.s32 v0, v6  }
0x904: {  	s9 =	simm.s32 $0x400;
	s4 =	rddreg [dreg:$0x1];
	s1 =	simm.s32 $0x0;
	[tilespmem:$0x3F0] =	vst v6  }
0x905: {  	[tilespmem:s9], [sflag:$0x1] =	stream.indirect_vreg.gather [hbm4b:s4+s1], $0x80, v60, vm9, $0xb8;
	[tilespmem:$0x18400] =	vst v63  }
0x906: {  	s5 =	simm.s32 $0x1C00  }
0x907: {  	[tilespmem:s5], [sflag:$0x1] =	stream.indirect_vreg.gather [hbm4b:s4+s1], $0x80, v63, vm9, $0xb8;
	[tilespmem:$0x18400] =	vst v63  }
0x908: {  	v6 =	vld [tilespmem:$0x10];
	_ =	sdelay $0x4  }
0x909: {  	v7 =	vshll.u32 v6, $0x1  }
0x90a: {  	v6 =	vand.u32 $0x7, v6;
	v7 =	vand.u32 $0xFFFFFFF0, v7  }
0x90b: {  	v6 =	vor.u32 v6, v7  }
0x90c: {  	v7 =	vperm.xlane v6, v3;
	_ =	sdelay $0x1  }
0x90d: {  	v6 =	vperm.xlane v6, v5;
	v7 =	vadd.s32 v4, v7;
	_ =	sdelay $0x1  }
0x90e: {  	v6 =	vadd.s32 v4, v6;
	_ =	sdelay $0x1  }
0x90f: {  	s6 =	simm.s32 $0x3400  }
0x910: {  	[tilespmem:s6], [sflag:$0x1] =	stream.indirect_vreg.gather [hbm4b:s4+s1], $0x80, v7, vm9, $0xb8;
	[tilespmem:$0x18400] =	vst v63  }
0x911: {  	s7 =	simm.s32 $0x4C00  }
0x912: {  	[tilespmem:s7], [sflag:$0x1] =	stream.indirect_vreg.gather [hbm4b:s4+s1], $0x80, v6, vm9, $0xb8;
	[tilespmem:$0x18400] =	vst v63  }
0x913: {  	v6 =	vld [tilespmem:$0x20];
	_ =	sdelay $0x4  }
0x914: {  	v7 =	vshll.u32 v6, $0x1  }
0x915: {  	v6 =	vand.u32 $0x7, v6;
	v7 =	vand.u32 $0xFFFFFFF0, v7  }
0x916: {  	v6 =	vor.u32 v6, v7  }
0x917: {  	v7 =	vperm.xlane v6, v3;
	_ =	sdelay $0x1  }
0x918: {  	v6 =	vperm.xlane v6, v5;
	v7 =	vadd.s32 v4, v7;
	_ =	sdelay $0x1  }
0x919: {  	v6 =	vadd.s32 v4, v6;
	_ =	sdelay $0x1  }
0x91a: {  	s8 =	simm.s32 $0x6400  }
0x91b: {  	[tilespmem:s8], [sflag:$0x1] =	stream.indirect_vreg.gather [hbm4b:s4+s1], $0x80, v7, vm9, $0xb8;
	[tilespmem:$0x18400] =	vst v63  }
0x91c: {  	s10 =	simm.s32 $0x7C00  }
0x91d: {  	[tilespmem:s10], [sflag:$0x1] =	stream.indirect_vreg.gather [hbm4b:s4+s1], $0x80, v6, vm9, $0xb8;
	[tilespmem:$0x18400] =	vst v63  }
0x91e: {  	v6 =	vld [tilespmem:$0x30];
	_ =	sdelay $0x4  }
0x91f: {  	v7 =	vshll.u32 v6, $0x1  }
0x920: {  	v6 =	vand.u32 $0x7, v6;
	v7 =	vand.u32 $0xFFFFFFF0, v7  }
0x921: {  	v6 =	vor.u32 v6, v7  }
0x922: {  	v7 =	vperm.xlane v6, v3;
	_ =	sdelay $0x1  }
0x923: {  	v6 =	vperm.xlane v6, v5;
	v7 =	vadd.s32 v4, v7;
	_ =	sdelay $0x1  }
0x924: {  	v6 =	vadd.s32 v4, v6;
	_ =	sdelay $0x1  }
0x925: {  	s11 =	simm.s32 $0x9400  }
0x926: {  	[tilespmem:s11], [sflag:$0x1] =	stream.indirect_vreg.gather [hbm4b:s4+s1], $0x80, v7, vm9, $0xb8;
	[tilespmem:$0x18400] =	vst v63  }
0x927: {  	s12 =	simm.s32 $0xAC00  }
0x928: {  	[tilespmem:s12], [sflag:$0x1] =	stream.indirect_vreg.gather [hbm4b:s4+s1], $0x80, v6, vm9, $0xb8;
	[tilespmem:$0x18400] =	vst v63  }
0x929: {  	v6 =	vld [tilespmem:$0x200];
	_ =	sdelay $0x4  }
0x92a: {  	v7 =	vshll.u32 v6, $0x2  }
0x92b: {  	v6 =	vand.u32 $0x7, v6;
	v7 =	vand.u32 $0xFFFFFFE0, v7  }
0x92c: {  	v6 =	vor.u32 v6, v7  }
0x92d: {  	v7 =	vperm.xlane v6, v3;
	_ =	sdelay $0x1  }
0x92e: {  	v7 =	vadd.s32 v4, v7;
	_ =	sdelay $0x1  }
0x92f: {  	v6 =	vperm.xlane v6, v5;
	_ =	sdelay $0x1  }
0x930: {  	s13 =	simm.s32 $0xC00;
	s2 =	rddreg [dreg:$0xd];
	v6 =	vadd.s32 v4, v6  }
0x931: {  	[tilespmem:s13], [sflag:$0x1] =	stream.indirect_vreg.gather [hbm4b:s2+s1], $0x80, v7, vm9, $0xb8;
	[tilespmem:$0x18400] =	vst v63  }
0x932: {  	s14 =	simm.s32 $0x1400;
	s3 =	rddreg [dreg:$0xe]  }
0x933: {  	[tilespmem:s14], [sflag:$0x1] =	stream.indirect_vreg.gather [hbm4b:s3+s1], $0x80, v7, vm9, $0xb8;
	[tilespmem:$0x18400] =	vst v63  }
0x934: {  	s16 =	simm.s32 $0x2400  }
0x935: {  	[tilespmem:s16], [sflag:$0x1] =	stream.indirect_vreg.gather [hbm4b:s2+s1], $0x80, v6, vm9, $0xb8;
	[tilespmem:$0x18400] =	vst v63  }
0x936: {  	s17 =	simm.s32 $0x2C00  }
0x937: {  	[tilespmem:s17], [sflag:$0x1] =	stream.indirect_vreg.gather [hbm4b:s3+s1], $0x80, v6, vm9, $0xb8;
	[tilespmem:$0x18400] =	vst v63  }
0x938: {  	v6 =	vld [tilespmem:$0x210];
	_ =	sdelay $0x4  }
0x939: {  	v7 =	vshll.u32 v6, $0x2  }
0x93a: {  	v6 =	vand.u32 $0x7, v6;
	v7 =	vand.u32 $0xFFFFFFE0, v7  }
0x93b: {  	v6 =	vor.u32 v6, v7  }
0x93c: {  	v7 =	vperm.xlane v6, v3;
	_ =	sdelay $0x1  }
0x93d: {  	v7 =	vadd.s32 v4, v7;
	_ =	sdelay $0x1  }
0x93e: {  	v6 =	vperm.xlane v6, v5;
	_ =	sdelay $0x1  }
0x93f: {  	s18 =	simm.s32 $0x3C00;
	v6 =	vadd.s32 v4, v6  }
0x940: {  	[tilespmem:s18], [sflag:$0x1] =	stream.indirect_vreg.gather [hbm4b:s2+s1], $0x80, v7, vm9, $0xb8;
	[tilespmem:$0x18400] =	vst v63  }
0x941: {  	s19 =	simm.s32 $0x4400  }
0x942: {  	[tilespmem:s19], [sflag:$0x1] =	stream.indirect_vreg.gather [hbm4b:s3+s1], $0x80, v7, vm9, $0xb8;
	[tilespmem:$0x18400] =	vst v63  }
0x943: {  	s20 =	simm.s32 $0x5400  }
0x944: {  	[tilespmem:s20], [sflag:$0x1] =	stream.indirect_vreg.gather [hbm4b:s2+s1], $0x80, v6, vm9, $0xb8;
	[tilespmem:$0x18400] =	vst v63  }
0x945: {  	s29 =	simm.s32 $0x5C00  }
0x946: {  	[tilespmem:s29], [sflag:$0x1] =	stream.indirect_vreg.gather [hbm4b:s3+s1], $0x80, v6, vm9, $0xb8;
	[tilespmem:$0x18400] =	vst v63  }
0x947: {  	v6 =	vld [tilespmem:$0x220];
	_ =	sdelay $0x4  }
0x948: {  	v7 =	vshll.u32 v6, $0x2  }
0x949: {  	v6 =	vand.u32 $0x7, v6;
	v7 =	vand.u32 $0xFFFFFFE0, v7  }
0x94a: {  	v6 =	vor.u32 v6, v7  }
0x94b: {  	v7 =	vperm.xlane v6, v3;
	_ =	sdelay $0x1  }
0x94c: {  	v7 =	vadd.s32 v4, v7;
	_ =	sdelay $0x1  }
0x94d: {  	v6 =	vperm.xlane v6, v5;
	_ =	sdelay $0x1  }
0x94e: {  	s6 =	simm.s32 $0x6C00;
	v6 =	vadd.s32 v4, v6  }
0x94f: {  	[tilespmem:s6], [sflag:$0x1] =	stream.indirect_vreg.gather [hbm4b:s2+s1], $0x80, v7, vm9, $0xb8;
	[tilespmem:$0x18400] =	vst v63  }
0x950: {  	s8 =	simm.s32 $0x7400  }
0x951: {  	[tilespmem:s8], [sflag:$0x1] =	stream.indirect_vreg.gather [hbm4b:s3+s1], $0x80, v7, vm9, $0xb8;
	[tilespmem:$0x18400] =	vst v63  }
0x952: {  	s13 =	simm.s32 $0x8400  }
0x953: {  	[tilespmem:s13], [sflag:$0x1] =	stream.indirect_vreg.gather [hbm4b:s2+s1], $0x80, v6, vm9, $0xb8;
	[tilespmem:$0x18400] =	vst v63  }
0x954: {  	s14 =	simm.s32 $0x8C00  }
0x955: {  	[tilespmem:s14], [sflag:$0x1] =	stream.indirect_vreg.gather [hbm4b:s3+s1], $0x80, v6, vm9, $0xb8;
	[tilespmem:$0x18400] =	vst v63  }
0x956: {  	v6 =	vld [tilespmem:$0x230];
	_ =	sdelay $0x4  }
0x957: {  	v7 =	vshll.u32 v6, $0x2  }
0x958: {  	v6 =	vand.u32 $0x7, v6;
	v7 =	vand.u32 $0xFFFFFFE0, v7  }
0x959: {  	v6 =	vor.u32 v6, v7  }
0x95a: {  	v7 =	vperm.xlane v6, v3;
	_ =	sdelay $0x1  }
0x95b: {  	v7 =	vadd.s32 v4, v7;
	_ =	sdelay $0x1  }
0x95c: {  	v6 =	vperm.xlane v6, v5;
	_ =	sdelay $0x1  }
0x95d: {  	s18 =	simm.s32 $0x9C00;
	v6 =	vadd.s32 v4, v6  }
0x95e: {  	[tilespmem:s18], [sflag:$0x1] =	stream.indirect_vreg.gather [hbm4b:s2+s1], $0x80, v7, vm9, $0xb8;
	[tilespmem:$0x18400] =	vst v63  }
0x95f: {  	s19 =	simm.s32 $0xA400  }
0x960: {  	[tilespmem:s19], [sflag:$0x1] =	stream.indirect_vreg.gather [hbm4b:s3+s1], $0x80, v7, vm9, $0xb8;
	[tilespmem:$0x18400] =	vst v63  }
0x961: {  	s20 =	simm.s32 $0xB400  }
0x962: {  	[tilespmem:s20], [sflag:$0x1] =	stream.indirect_vreg.gather [hbm4b:s2+s1], $0x80, v6, vm9, $0xb8;
	[tilespmem:$0x18400] =	vst v63  }
0x963: {  	s29 =	simm.s32 $0xBC00  }
0x964: {  	[tilespmem:s29], [sflag:$0x1] =	stream.indirect_vreg.gather [hbm4b:s3+s1], $0x80, v6, vm9, $0xb8;
	[tilespmem:$0x18400] =	vst v63  }
0x965: {  	v6 =	vld [tilespmem:$0x40];
	_ =	sdelay $0x4  }
0x966: {  	v7 =	vshll.u32 v6, $0x1  }
0x967: {  	v6 =	vand.u32 $0x7, v6;
	v7 =	vand.u32 $0xFFFFFFF0, v7  }
0x968: {  	v6 =	vor.u32 v6, v7  }
0x969: {  	v7 =	vperm.xlane v6, v3;
	_ =	sdelay $0x1  }
0x96a: {  	v6 =	vperm.xlane v6, v5;
	v7 =	vadd.s32 v4, v7;
	_ =	sdelay $0x1  }
0x96b: {  	v6 =	vadd.s32 v4, v6;
	_ =	sdelay $0x1  }
0x96c: {  	s29 =	simm.s32 $0xC400  }
0x96d: {  	[tilespmem:s29], [sflag:$0x2] =	stream.indirect_vreg.gather [hbm4b:s4+s1], $0x80, v7, vm9, $0xb8;
	[tilespmem:$0x18400] =	vst v63  }
0x96e: {  	s6 =	simm.s32 $0xDC00  }
0x96f: {  	[tilespmem:s6], [sflag:$0x2] =	stream.indirect_vreg.gather [hbm4b:s4+s1], $0x80, v6, vm9, $0xb8;
	[tilespmem:$0x18400] =	vst v63  }
0x970: {  	v6 =	vld [tilespmem:$0x50];
	_ =	sdelay $0x4  }
0x971: {  	v7 =	vshll.u32 v6, $0x1  }
0x972: {  	v6 =	vand.u32 $0x7, v6;
	v7 =	vand.u32 $0xFFFFFFF0, v7  }
0x973: {  	v6 =	vor.u32 v6, v7  }
0x974: {  	v7 =	vperm.xlane v6, v3;
	_ =	sdelay $0x1  }
0x975: {  	v6 =	vperm.xlane v6, v5;
	v7 =	vadd.s32 v4, v7;
	_ =	sdelay $0x1  }
0x976: {  	v6 =	vadd.s32 v4, v6;
	_ =	sdelay $0x1  }
0x977: {  	s8 =	simm.s32 $0xF400  }
0x978: {  	[tilespmem:s8], [sflag:$0x2] =	stream.indirect_vreg.gather [hbm4b:s4+s1], $0x80, v7, vm9, $0xb8;
	[tilespmem:$0x18400] =	vst v63  }
0x979: {  	s6 =	simm.s32 $0x10C00  }
0x97a: {  	[tilespmem:s6], [sflag:$0x2] =	stream.indirect_vreg.gather [hbm4b:s4+s1], $0x80, v6, vm9, $0xb8;
	[tilespmem:$0x18400] =	vst v63  }
0x97b: {  	v6 =	vld [tilespmem:$0x60];
	_ =	sdelay $0x4  }
0x97c: {  	v7 =	vshll.u32 v6, $0x1  }
0x97d: {  	v6 =	vand.u32 $0x7, v6;
	v7 =	vand.u32 $0xFFFFFFF0, v7  }
0x97e: {  	v6 =	vor.u32 v6, v7  }
0x97f: {  	v7 =	vperm.xlane v6, v3;
	_ =	sdelay $0x1  }
0x980: {  	v6 =	vperm.xlane v6, v5;
	v7 =	vadd.s32 v4, v7;
	_ =	sdelay $0x1  }
0x981: {  	v6 =	vadd.s32 v4, v6;
	_ =	sdelay $0x1  }
0x982: {  	s8 =	simm.s32 $0x12400  }
0x983: {  	[tilespmem:s8], [sflag:$0x2] =	stream.indirect_vreg.gather [hbm4b:s4+s1], $0x80, v7, vm9, $0xb8;
	[tilespmem:$0x18400] =	vst v63  }
0x984: {  	s6 =	simm.s32 $0x13C00  }
0x985: {  	[tilespmem:s6], [sflag:$0x2] =	stream.indirect_vreg.gather [hbm4b:s4+s1], $0x80, v6, vm9, $0xb8;
	[tilespmem:$0x18400] =	vst v63  }
0x986: {  	v6 =	vld [tilespmem:$0x70];
	_ =	sdelay $0x4  }
0x987: {  	v7 =	vshll.u32 v6, $0x1  }
0x988: {  	v6 =	vand.u32 $0x7, v6;
	v7 =	vand.u32 $0xFFFFFFF0, v7  }
0x989: {  	v6 =	vor.u32 v6, v7  }
0x98a: {  	v7 =	vperm.xlane v6, v3;
	_ =	sdelay $0x1  }
0x98b: {  	v6 =	vperm.xlane v6, v5;
	v7 =	vadd.s32 v4, v7;
	_ =	sdelay $0x1  }
0x98c: {  	v6 =	vadd.s32 v4, v6;
	_ =	sdelay $0x1  }
0x98d: {  	s8 =	simm.s32 $0x15400  }
0x98e: {  	[tilespmem:s8], [sflag:$0x2] =	stream.indirect_vreg.gather [hbm4b:s4+s1], $0x80, v7, vm9, $0xb8;
	[tilespmem:$0x18400] =	vst v63  }
0x98f: {  	s6 =	simm.s32 $0x16C00  }
0x990: {  	[tilespmem:s6], [sflag:$0x2] =	stream.indirect_vreg.gather [hbm4b:s4+s1], $0x80, v6, vm9, $0xb8;
	[tilespmem:$0x18400] =	vst v63  }
0x991: {  	v6 =	vld [tilespmem:$0x240];
	_ =	sdelay $0x4  }
0x992: {  	v7 =	vshll.u32 v6, $0x2  }
0x993: {  	v6 =	vand.u32 $0x7, v6;
	v7 =	vand.u32 $0xFFFFFFE0, v7  }
0x994: {  	v6 =	vor.u32 v6, v7  }
0x995: {  	v7 =	vperm.xlane v6, v3;
	_ =	sdelay $0x1  }
0x996: {  	v7 =	vadd.s32 v4, v7;
	_ =	sdelay $0x1  }
0x997: {  	v6 =	vperm.xlane v6, v5;
	_ =	sdelay $0x1  }
0x998: {  	s8 =	simm.s32 $0xCC00;
	v6 =	vadd.s32 v4, v6  }
0x999: {  	[tilespmem:s8], [sflag:$0x2] =	stream.indirect_vreg.gather [hbm4b:s2+s1], $0x80, v7, vm9, $0xb8;
	[tilespmem:$0x18400] =	vst v63  }
0x99a: {  	s6 =	simm.s32 $0xD400  }
0x99b: {  	[tilespmem:s6], [sflag:$0x2] =	stream.indirect_vreg.gather [hbm4b:s3+s1], $0x80, v7, vm9, $0xb8;
	[tilespmem:$0x18400] =	vst v63  }
0x99c: {  	s8 =	simm.s32 $0xE400  }
0x99d: {  	[tilespmem:s8], [sflag:$0x2] =	stream.indirect_vreg.gather [hbm4b:s2+s1], $0x80, v6, vm9, $0xb8;
	[tilespmem:$0x18400] =	vst v63  }
0x99e: {  	s6 =	simm.s32 $0xEC00  }
0x99f: {  	[tilespmem:s6], [sflag:$0x2] =	stream.indirect_vreg.gather [hbm4b:s3+s1], $0x80, v6, vm9, $0xb8;
	[tilespmem:$0x18400] =	vst v63  }
0x9a0: {  	v6 =	vld [tilespmem:$0x250];
	_ =	sdelay $0x4  }
0x9a1: {  	v7 =	vshll.u32 v6, $0x2  }
0x9a2: {  	v6 =	vand.u32 $0x7, v6;
	v7 =	vand.u32 $0xFFFFFFE0, v7  }
0x9a3: {  	v6 =	vor.u32 v6, v7  }
0x9a4: {  	v7 =	vperm.xlane v6, v3;
	_ =	sdelay $0x1  }
0x9a5: {  	v7 =	vadd.s32 v4, v7;
	_ =	sdelay $0x1  }
0x9a6: {  	v6 =	vperm.xlane v6, v5;
	_ =	sdelay $0x1  }
0x9a7: {  	s8 =	simm.s32 $0xFC00;
	v6 =	vadd.s32 v4, v6  }
0x9a8: {  	[tilespmem:s8], [sflag:$0x2] =	stream.indirect_vreg.gather [hbm4b:s2+s1], $0x80, v7, vm9, $0xb8;
	[tilespmem:$0x18400] =	vst v63  }
0x9a9: {  	s6 =	simm.s32 $0x10400  }
0x9aa: {  	[tilespmem:s6], [sflag:$0x2] =	stream.indirect_vreg.gather [hbm4b:s3+s1], $0x80, v7, vm9, $0xb8;
	[tilespmem:$0x18400] =	vst v63  }
0x9ab: {  	s8 =	simm.s32 $0x11400  }
0x9ac: {  	[tilespmem:s8], [sflag:$0x2] =	stream.indirect_vreg.gather [hbm4b:s2+s1], $0x80, v6, vm9, $0xb8;
	[tilespmem:$0x18400] =	vst v63  }
0x9ad: {  	s6 =	simm.s32 $0x11C00  }
0x9ae: {  	[tilespmem:s6], [sflag:$0x2] =	stream.indirect_vreg.gather [hbm4b:s3+s1], $0x80, v6, vm9, $0xb8;
	[tilespmem:$0x18400] =	vst v63  }
0x9af: {  	v6 =	vld [tilespmem:$0x260];
	_ =	sdelay $0x4  }
0x9b0: {  	v7 =	vshll.u32 v6, $0x2  }
0x9b1: {  	v6 =	vand.u32 $0x7, v6;
	v7 =	vand.u32 $0xFFFFFFE0, v7  }
0x9b2: {  	v6 =	vor.u32 v6, v7  }
0x9b3: {  	v7 =	vperm.xlane v6, v3;
	_ =	sdelay $0x1  }
0x9b4: {  	v7 =	vadd.s32 v4, v7;
	_ =	sdelay $0x1  }
0x9b5: {  	v6 =	vperm.xlane v6, v5;
	_ =	sdelay $0x1  }
0x9b6: {  	s8 =	simm.s32 $0x12C00;
	v6 =	vadd.s32 v4, v6  }
0x9b7: {  	[tilespmem:s8], [sflag:$0x2] =	stream.indirect_vreg.gather [hbm4b:s2+s1], $0x80, v7, vm9, $0xb8;
	[tilespmem:$0x18400] =	vst v63  }
0x9b8: {  	s6 =	simm.s32 $0x13400  }
0x9b9: {  	[tilespmem:s6], [sflag:$0x2] =	stream.indirect_vreg.gather [hbm4b:s3+s1], $0x80, v7, vm9, $0xb8;
	[tilespmem:$0x18400] =	vst v63  }
0x9ba: {  	s8 =	simm.s32 $0x14400  }
0x9bb: {  	[tilespmem:s8], [sflag:$0x2] =	stream.indirect_vreg.gather [hbm4b:s2+s1], $0x80, v6, vm9, $0xb8;
	[tilespmem:$0x18400] =	vst v63  }
0x9bc: {  	s6 =	simm.s32 $0x14C00  }
0x9bd: {  	[tilespmem:s6], [sflag:$0x2] =	stream.indirect_vreg.gather [hbm4b:s3+s1], $0x80, v6, vm9, $0xb8;
	[tilespmem:$0x18400] =	vst v63  }
0x9be: {  	v6 =	vld [tilespmem:$0x270];
	_ =	sdelay $0x4  }
0x9bf: {  	v7 =	vshll.u32 v6, $0x2  }
0x9c0: {  	v6 =	vand.u32 $0x7, v6;
	v7 =	vand.u32 $0xFFFFFFE0, v7  }
0x9c1: {  	v6 =	vor.u32 v6, v7  }
0x9c2: {  	v7 =	vperm.xlane v6, v3;
	_ =	sdelay $0x1  }
0x9c3: {  	v7 =	vadd.s32 v4, v7;
	_ =	sdelay $0x1  }
0x9c4: {  	v6 =	vperm.xlane v6, v5;
	_ =	sdelay $0x1  }
0x9c5: {  	s8 =	simm.s32 $0x15C00;
	v6 =	vadd.s32 v4, v6  }
0x9c6: {  	[tilespmem:s8], [sflag:$0x2] =	stream.indirect_vreg.gather [hbm4b:s2+s1], $0x80, v7, vm9, $0xb8;
	[tilespmem:$0x18400] =	vst v63  }
0x9c7: {  	s6 =	simm.s32 $0x16400  }
0x9c8: {  	[tilespmem:s6], [sflag:$0x2] =	stream.indirect_vreg.gather [hbm4b:s3+s1], $0x80, v7, vm9, $0xb8;
	[tilespmem:$0x18400] =	vst v63  }
0x9c9: {  	s8 =	simm.s32 $0x17400  }
0x9ca: {  	[tilespmem:s8], [sflag:$0x2] =	stream.indirect_vreg.gather [hbm4b:s2+s1], $0x80, v6, vm9, $0xb8;
	[tilespmem:$0x18400] =	vst v63  }
0x9cb: {  	s6 =	simm.s32 $0x17C00  }
0x9cc: {  	[tilespmem:s6], [sflag:$0x2] =	stream.indirect_vreg.gather [hbm4b:s3+s1], $0x80, v6, vm9, $0xb8;
	[tilespmem:$0x18400] =	vst v63  }
0x9cd: {  	s6 =	simm.s32 $0x1  }
0x9ce: {  	_ =	swait.ge [sflag:s6], $0x4000  }
0x9cf: {  	[sflag:s6] =	ssyncset.done $0x0  }
0x9d0: {  	[sflag:s6] =	ssyncadd.s32 $0xFFFFC000  }
0x9d1: {  	_ =	swait.ge [sflag:s6], $0x8000  }
0x9d2: {  	[sflag:s6] =	ssyncset.done $0x0  }
0x9d3: {  	s8 =	rddreg [dreg:$0xc];
	[sflag:s6] =	ssyncadd.s32 $0xFFFF8000  }
0x9d4: {  	[hbm4b:s8+s1] =	stream.linear.scatter [tilespmem:s9], [sflag:$0x3], $0xC000, $0x38;
	[tilespmem:$0x18400] =	vst v63  }
0x9d5: {  	s8 =	simm.s32 $0x3  }
0x9d6: {  	_ =	swait.ge [sflag:s8], $0xC000  }
0x9d7: {  	[sflag:s8] =	ssyncset.done $0x0  }
0x9d8: {  	[sflag:s8] =	ssyncadd.s32 $0xFFFF4000  }
0x9d9: {  	v6 =	vld [tilespmem:$0x80];
	_ =	sdelay $0x4  }
0x9da: {  	v7 =	vshll.u32 v6, $0x1  }
0x9db: {  	v6 =	vand.u32 $0x7, v6;
	v7 =	vand.u32 $0xFFFFFFF0, v7  }
0x9dc: {  	v6 =	vor.u32 v6, v7  }
0x9dd: {  	v7 =	vperm.xlane v6, v3;
	_ =	sdelay $0x1  }
0x9de: {  	v6 =	vperm.xlane v6, v5;
	v7 =	vadd.s32 v4, v7;
	_ =	sdelay $0x1  }
0x9df: {  	v6 =	vadd.s32 v4, v6;
	_ =	sdelay $0x2  }
0x9e0: {  	[tilespmem:s9], [sflag:$0x1] =	stream.indirect_vreg.gather [hbm4b:s4+s1], $0x80, v7, vm9, $0xb8;
	[tilespmem:$0x18400] =	vst v63  }
0x9e1: {  	s5 =	simm.s32 $0x1C00  }
0x9e2: {  	[tilespmem:s5], [sflag:$0x1] =	stream.indirect_vreg.gather [hbm4b:s4+s1], $0x80, v6, vm9, $0xb8;
	[tilespmem:$0x18400] =	vst v63  }
0x9e3: {  	v6 =	vld [tilespmem:$0x90];
	_ =	sdelay $0x4  }
0x9e4: {  	v7 =	vshll.u32 v6, $0x1  }
0x9e5: {  	v6 =	vand.u32 $0x7, v6;
	v7 =	vand.u32 $0xFFFFFFF0, v7  }
0x9e6: {  	v6 =	vor.u32 v6, v7  }
0x9e7: {  	v7 =	vperm.xlane v6, v3;
	_ =	sdelay $0x1  }
0x9e8: {  	v6 =	vperm.xlane v6, v5;
	v7 =	vadd.s32 v4, v7;
	_ =	sdelay $0x1  }
0x9e9: {  	v6 =	vadd.s32 v4, v6;
	_ =	sdelay $0x1  }
0x9ea: {  	s23 =	simm.s32 $0x3400  }
0x9eb: {  	[tilespmem:s23], [sflag:$0x1] =	stream.indirect_vreg.gather [hbm4b:s4+s1], $0x80, v7, vm9, $0xb8;
	[tilespmem:$0x18400] =	vst v63  }
0x9ec: {  	s15 =	simm.s32 $0x4C00  }
0x9ed: {  	[tilespmem:s15], [sflag:$0x1] =	stream.indirect_vreg.gather [hbm4b:s4+s1], $0x80, v6, vm9, $0xb8;
	[tilespmem:$0x18400] =	vst v63  }
0x9ee: {  	v6 =	vld [tilespmem:$0xA0];
	_ =	sdelay $0x4  }
0x9ef: {  	v7 =	vshll.u32 v6, $0x1  }
0x9f0: {  	v6 =	vand.u32 $0x7, v6;
	v7 =	vand.u32 $0xFFFFFFF0, v7  }
0x9f1: {  	v6 =	vor.u32 v6, v7  }
0x9f2: {  	v7 =	vperm.xlane v6, v3;
	_ =	sdelay $0x1  }
0x9f3: {  	v6 =	vperm.xlane v6, v5;
	v7 =	vadd.s32 v4, v7;
	_ =	sdelay $0x1  }
0x9f4: {  	v6 =	vadd.s32 v4, v6;
	_ =	sdelay $0x1  }
0x9f5: {  	s24 =	simm.s32 $0x6400  }
0x9f6: {  	[tilespmem:s24], [sflag:$0x1] =	stream.indirect_vreg.gather [hbm4b:s4+s1], $0x80, v7, vm9, $0xb8;
	[tilespmem:$0x18400] =	vst v63  }
0x9f7: {  	s7 =	simm.s32 $0x7C00  }
0x9f8: {  	[tilespmem:s7], [sflag:$0x1] =	stream.indirect_vreg.gather [hbm4b:s4+s1], $0x80, v6, vm9, $0xb8;
	[tilespmem:$0x18400] =	vst v63  }
0x9f9: {  	v6 =	vld [tilespmem:$0xB0];
	_ =	sdelay $0x4  }
0x9fa: {  	v7 =	vshll.u32 v6, $0x1  }
0x9fb: {  	v6 =	vand.u32 $0x7, v6;
	v7 =	vand.u32 $0xFFFFFFF0, v7  }
0x9fc: {  	v6 =	vor.u32 v6, v7  }
0x9fd: {  	v7 =	vperm.xlane v6, v3;
	_ =	sdelay $0x1  }
0x9fe: {  	v6 =	vperm.xlane v6, v5;
	v7 =	vadd.s32 v4, v7;
	_ =	sdelay $0x1  }
0x9ff: {  	v6 =	vadd.s32 v4, v6;
	_ =	sdelay $0x1  }
0xa00: {  	s25 =	simm.s32 $0x9400  }
0xa01: {  	[tilespmem:s25], [sflag:$0x1] =	stream.indirect_vreg.gather [hbm4b:s4+s1], $0x80, v7, vm9, $0xb8;
	[tilespmem:$0x18400] =	vst v63  }
0xa02: {  	s10 =	simm.s32 $0xAC00  }
0xa03: {  	[tilespmem:s10], [sflag:$0x1] =	stream.indirect_vreg.gather [hbm4b:s4+s1], $0x80, v6, vm9, $0xb8;
	[tilespmem:$0x18400] =	vst v63  }
0xa04: {  	v6 =	vld [tilespmem:$0x280];
	_ =	sdelay $0x4  }
0xa05: {  	v7 =	vshll.u32 v6, $0x2  }
0xa06: {  	v6 =	vand.u32 $0x7, v6;
	v7 =	vand.u32 $0xFFFFFFE0, v7  }
0xa07: {  	v6 =	vor.u32 v6, v7  }
0xa08: {  	v7 =	vperm.xlane v6, v3;
	_ =	sdelay $0x1  }
0xa09: {  	v7 =	vadd.s32 v4, v7;
	_ =	sdelay $0x1  }
0xa0a: {  	v6 =	vperm.xlane v6, v5;
	_ =	sdelay $0x1  }
0xa0b: {  	s21 =	simm.s32 $0xC00;
	v6 =	vadd.s32 v4, v6  }
0xa0c: {  	[tilespmem:s21], [sflag:$0x1] =	stream.indirect_vreg.gather [hbm4b:s2+s1], $0x80, v7, vm9, $0xb8;
	[tilespmem:$0x18400] =	vst v63  }
0xa0d: {  	s22 =	simm.s32 $0x1400  }
0xa0e: {  	[tilespmem:s22], [sflag:$0x1] =	stream.indirect_vreg.gather [hbm4b:s3+s1], $0x80, v7, vm9, $0xb8;
	[tilespmem:$0x18400] =	vst v63  }
0xa0f: {  	s26 =	simm.s32 $0x2400  }
0xa10: {  	[tilespmem:s26], [sflag:$0x1] =	stream.indirect_vreg.gather [hbm4b:s2+s1], $0x80, v6, vm9, $0xb8;
	[tilespmem:$0x18400] =	vst v63  }
0xa11: {  	s11 =	simm.s32 $0x2C00  }
0xa12: {  	[tilespmem:s11], [sflag:$0x1] =	stream.indirect_vreg.gather [hbm4b:s3+s1], $0x80, v6, vm9, $0xb8;
	[tilespmem:$0x18400] =	vst v63  }
0xa13: {  	v6 =	vld [tilespmem:$0x290];
	_ =	sdelay $0x4  }
0xa14: {  	v7 =	vshll.u32 v6, $0x2  }
0xa15: {  	v6 =	vand.u32 $0x7, v6;
	v7 =	vand.u32 $0xFFFFFFE0, v7  }
0xa16: {  	v6 =	vor.u32 v6, v7  }
0xa17: {  	v7 =	vperm.xlane v6, v3;
	_ =	sdelay $0x1  }
0xa18: {  	v7 =	vadd.s32 v4, v7;
	_ =	sdelay $0x1  }
0xa19: {  	v6 =	vperm.xlane v6, v5;
	_ =	sdelay $0x1  }
0xa1a: {  	s28 =	simm.s32 $0x3C00;
	v6 =	vadd.s32 v4, v6  }
0xa1b: {  	[tilespmem:s28], [sflag:$0x1] =	stream.indirect_vreg.gather [hbm4b:s2+s1], $0x80, v7, vm9, $0xb8;
	[tilespmem:$0x18400] =	vst v63  }
0xa1c: {  	s30 =	simm.s32 $0x4400  }
0xa1d: {  	[tilespmem:s30], [sflag:$0x1] =	stream.indirect_vreg.gather [hbm4b:s3+s1], $0x80, v7, vm9, $0xb8;
	[tilespmem:$0x18400] =	vst v63  }
0xa1e: {  	s31 =	simm.s32 $0x5400  }
0xa1f: {  	[tilespmem:s31], [sflag:$0x1] =	stream.indirect_vreg.gather [hbm4b:s2+s1], $0x80, v6, vm9, $0xb8;
	[tilespmem:$0x18400] =	vst v63  }
0xa20: {  	s12 =	simm.s32 $0x5C00  }
0xa21: {  	[tilespmem:s12], [sflag:$0x1] =	stream.indirect_vreg.gather [hbm4b:s3+s1], $0x80, v6, vm9, $0xb8;
	[tilespmem:$0x18400] =	vst v63  }
0xa22: {  	v6 =	vld [tilespmem:$0x2A0];
	_ =	sdelay $0x4  }
0xa23: {  	v7 =	vshll.u32 v6, $0x2  }
0xa24: {  	v6 =	vand.u32 $0x7, v6;
	v7 =	vand.u32 $0xFFFFFFE0, v7  }
0xa25: {  	v6 =	vor.u32 v6, v7  }
0xa26: {  	v7 =	vperm.xlane v6, v3;
	_ =	sdelay $0x1  }
0xa27: {  	v7 =	vadd.s32 v4, v7;
	_ =	sdelay $0x1  }
0xa28: {  	v6 =	vperm.xlane v6, v5;
	_ =	sdelay $0x1  }
0xa29: {  	s22 =	simm.s32 $0x6C00;
	v6 =	vadd.s32 v4, v6  }
0xa2a: {  	[tilespmem:s22], [sflag:$0x1] =	stream.indirect_vreg.gather [hbm4b:s2+s1], $0x80, v7, vm9, $0xb8;
	[tilespmem:$0x18400] =	vst v63  }
0xa2b: {  	s16 =	simm.s32 $0x7400  }
0xa2c: {  	[tilespmem:s16], [sflag:$0x1] =	stream.indirect_vreg.gather [hbm4b:s3+s1], $0x80, v7, vm9, $0xb8;
	[tilespmem:$0x18400] =	vst v63  }
0xa2d: {  	s17 =	simm.s32 $0x8400  }
0xa2e: {  	[tilespmem:s17], [sflag:$0x1] =	stream.indirect_vreg.gather [hbm4b:s2+s1], $0x80, v6, vm9, $0xb8;
	[tilespmem:$0x18400] =	vst v63  }
0xa2f: {  	s13 =	simm.s32 $0x8C00  }
0xa30: {  	[tilespmem:s13], [sflag:$0x1] =	stream.indirect_vreg.gather [hbm4b:s3+s1], $0x80, v6, vm9, $0xb8;
	[tilespmem:$0x18400] =	vst v63  }
0xa31: {  	v6 =	vld [tilespmem:$0x2B0];
	_ =	sdelay $0x4  }
0xa32: {  	v7 =	vshll.u32 v6, $0x2  }
0xa33: {  	v6 =	vand.u32 $0x7, v6;
	v7 =	vand.u32 $0xFFFFFFE0, v7  }
0xa34: {  	v6 =	vor.u32 v6, v7  }
0xa35: {  	v7 =	vperm.xlane v6, v3;
	_ =	sdelay $0x1  }
0xa36: {  	v7 =	vadd.s32 v4, v7;
	_ =	sdelay $0x1  }
0xa37: {  	v6 =	vperm.xlane v6, v5;
	_ =	sdelay $0x1  }
0xa38: {  	s18 =	simm.s32 $0x9C00;
	v6 =	vadd.s32 v4, v6  }
0xa39: {  	[tilespmem:s18], [sflag:$0x1] =	stream.indirect_vreg.gather [hbm4b:s2+s1], $0x80, v7, vm9, $0xb8;
	[tilespmem:$0x18400] =	vst v63  }
0xa3a: {  	s19 =	simm.s32 $0xA400  }
0xa3b: {  	[tilespmem:s19], [sflag:$0x1] =	stream.indirect_vreg.gather [hbm4b:s3+s1], $0x80, v7, vm9, $0xb8;
	[tilespmem:$0x18400] =	vst v63  }
0xa3c: {  	s20 =	simm.s32 $0xB400  }
0xa3d: {  	[tilespmem:s20], [sflag:$0x1] =	stream.indirect_vreg.gather [hbm4b:s2+s1], $0x80, v6, vm9, $0xb8;
	[tilespmem:$0x18400] =	vst v63  }
0xa3e: {  	s14 =	simm.s32 $0xBC00;
	s5 =	simm.s32 $0x2  }
0xa3f: {  	[tilespmem:s14], [sflag:$0x1] =	stream.indirect_vreg.gather [hbm4b:s3+s1], $0x80, v6, vm9, $0xb8;
	[tilespmem:$0x18400] =	vst v63  }
0xa40: {  	_ =	swait.ge [sflag:s5], $0x4000  }
0xa41: {  	[sflag:s5] =	ssyncset.done $0x0  }
0xa42: {  	[sflag:s5] =	ssyncadd.s32 $0xFFFFC000  }
0xa43: {  	_ =	swait.ge [sflag:s5], $0x8000  }
0xa44: {  	[sflag:s5] =	ssyncset.done $0x0  }
0xa45: {  	s7 =	simm.s32 $0x4;
	s23 =	rddreg [dreg:$0x5];
	[sflag:s5] =	ssyncadd.s32 $0xFFFF8000  }
0xa46: {  	[hbm4b:s23+s1] =	stream.linear.scatter [tilespmem:s29], [sflag:$0x4], $0xC000, $0x38;
	[tilespmem:$0x18400] =	vst v63  }
0xa47: {  	_ =	swait.ge [sflag:s7], $0xC000  }
0xa48: {  	[sflag:s7] =	ssyncset.done $0x0  }
0xa49: {  	[sflag:s7] =	ssyncadd.s32 $0xFFFF4000  }
0xa4a: {  	v6 =	vld [tilespmem:$0xC0];
	_ =	sdelay $0x4  }
0xa4b: {  	v7 =	vshll.u32 v6, $0x1  }
0xa4c: {  	v6 =	vand.u32 $0x7, v6;
	v7 =	vand.u32 $0xFFFFFFF0, v7  }
0xa4d: {  	v6 =	vor.u32 v6, v7  }
0xa4e: {  	v7 =	vperm.xlane v6, v3;
	_ =	sdelay $0x1  }
0xa4f: {  	v6 =	vperm.xlane v6, v5;
	v7 =	vadd.s32 v4, v7;
	_ =	sdelay $0x1  }
0xa50: {  	v6 =	vadd.s32 v4, v6;
	_ =	sdelay $0x2  }
0xa51: {  	[tilespmem:s29], [sflag:$0x2] =	stream.indirect_vreg.gather [hbm4b:s4+s1], $0x80, v7, vm9, $0xb8;
	[tilespmem:$0x18400] =	vst v63  }
0xa52: {  	s24 =	simm.s32 $0xDC00  }
0xa53: {  	[tilespmem:s24], [sflag:$0x2] =	stream.indirect_vreg.gather [hbm4b:s4+s1], $0x80, v6, vm9, $0xb8;
	[tilespmem:$0x18400] =	vst v63  }
0xa54: {  	v6 =	vld [tilespmem:$0xD0];
	_ =	sdelay $0x4  }
0xa55: {  	v7 =	vshll.u32 v6, $0x1  }
0xa56: {  	v6 =	vand.u32 $0x7, v6;
	v7 =	vand.u32 $0xFFFFFFF0, v7  }
0xa57: {  	v6 =	vor.u32 v6, v7  }
0xa58: {  	v7 =	vperm.xlane v6, v3;
	_ =	sdelay $0x1  }
0xa59: {  	v6 =	vperm.xlane v6, v5;
	v7 =	vadd.s32 v4, v7;
	_ =	sdelay $0x1  }
0xa5a: {  	v6 =	vadd.s32 v4, v6;
	_ =	sdelay $0x1  }
0xa5b: {  	s25 =	simm.s32 $0xF400  }
0xa5c: {  	[tilespmem:s25], [sflag:$0x2] =	stream.indirect_vreg.gather [hbm4b:s4+s1], $0x80, v7, vm9, $0xb8;
	[tilespmem:$0x18400] =	vst v63  }
0xa5d: {  	s28 =	simm.s32 $0x10C00  }
0xa5e: {  	[tilespmem:s28], [sflag:$0x2] =	stream.indirect_vreg.gather [hbm4b:s4+s1], $0x80, v6, vm9, $0xb8;
	[tilespmem:$0x18400] =	vst v63  }
0xa5f: {  	v6 =	vld [tilespmem:$0xE0];
	_ =	sdelay $0x4  }
0xa60: {  	v7 =	vshll.u32 v6, $0x1  }
0xa61: {  	v6 =	vand.u32 $0x7, v6;
	v7 =	vand.u32 $0xFFFFFFF0, v7  }
0xa62: {  	v6 =	vor.u32 v6, v7  }
0xa63: {  	v7 =	vperm.xlane v6, v3;
	_ =	sdelay $0x1  }
0xa64: {  	v6 =	vperm.xlane v6, v5;
	v7 =	vadd.s32 v4, v7;
	_ =	sdelay $0x1  }
0xa65: {  	v6 =	vadd.s32 v4, v6;
	_ =	sdelay $0x1  }
0xa66: {  	s30 =	simm.s32 $0x12400  }
0xa67: {  	[tilespmem:s30], [sflag:$0x2] =	stream.indirect_vreg.gather [hbm4b:s4+s1], $0x80, v7, vm9, $0xb8;
	[tilespmem:$0x18400] =	vst v63  }
0xa68: {  	s31 =	simm.s32 $0x13C00  }
0xa69: {  	[tilespmem:s31], [sflag:$0x2] =	stream.indirect_vreg.gather [hbm4b:s4+s1], $0x80, v6, vm9, $0xb8;
	[tilespmem:$0x18400] =	vst v63  }
0xa6a: {  	v6 =	vld [tilespmem:$0xF0];
	_ =	sdelay $0x4  }
0xa6b: {  	v7 =	vshll.u32 v6, $0x1  }
0xa6c: {  	v6 =	vand.u32 $0x7, v6;
	v7 =	vand.u32 $0xFFFFFFF0, v7  }
0xa6d: {  	v6 =	vor.u32 v6, v7  }
0xa6e: {  	v7 =	vperm.xlane v6, v3;
	_ =	sdelay $0x1  }
0xa6f: {  	v6 =	vperm.xlane v6, v5;
	v7 =	vadd.s32 v4, v7;
	_ =	sdelay $0x1  }
0xa70: {  	v6 =	vadd.s32 v4, v6;
	_ =	sdelay $0x1  }
0xa71: {  	s12 =	simm.s32 $0x15400  }
0xa72: {  	[tilespmem:s12], [sflag:$0x2] =	stream.indirect_vreg.gather [hbm4b:s4+s1], $0x80, v7, vm9, $0xb8;
	[tilespmem:$0x18400] =	vst v63  }
0xa73: {  	s13 =	simm.s32 $0x16C00  }
0xa74: {  	[tilespmem:s13], [sflag:$0x2] =	stream.indirect_vreg.gather [hbm4b:s4+s1], $0x80, v6, vm9, $0xb8;
	[tilespmem:$0x18400] =	vst v63  }
0xa75: {  	v6 =	vld [tilespmem:$0x2C0];
	_ =	sdelay $0x4  }
0xa76: {  	v7 =	vshll.u32 v6, $0x2  }
0xa77: {  	v6 =	vand.u32 $0x7, v6;
	v7 =	vand.u32 $0xFFFFFFE0, v7  }
0xa78: {  	v6 =	vor.u32 v6, v7  }
0xa79: {  	v7 =	vperm.xlane v6, v3;
	_ =	sdelay $0x1  }
0xa7a: {  	v7 =	vadd.s32 v4, v7;
	_ =	sdelay $0x1  }
0xa7b: {  	v6 =	vperm.xlane v6, v5;
	_ =	sdelay $0x1  }
0xa7c: {  	s14 =	simm.s32 $0xCC00;
	v6 =	vadd.s32 v4, v6  }
0xa7d: {  	[tilespmem:s14], [sflag:$0x2] =	stream.indirect_vreg.gather [hbm4b:s2+s1], $0x80, v7, vm9, $0xb8;
	[tilespmem:$0x18400] =	vst v63  }
0xa7e: {  	s15 =	simm.s32 $0xD400  }
0xa7f: {  	[tilespmem:s15], [sflag:$0x2] =	stream.indirect_vreg.gather [hbm4b:s3+s1], $0x80, v7, vm9, $0xb8;
	[tilespmem:$0x18400] =	vst v63  }
0xa80: {  	s16 =	simm.s32 $0xE400  }
0xa81: {  	[tilespmem:s16], [sflag:$0x2] =	stream.indirect_vreg.gather [hbm4b:s2+s1], $0x80, v6, vm9, $0xb8;
	[tilespmem:$0x18400] =	vst v63  }
0xa82: {  	s17 =	simm.s32 $0xEC00  }
0xa83: {  	[tilespmem:s17], [sflag:$0x2] =	stream.indirect_vreg.gather [hbm4b:s3+s1], $0x80, v6, vm9, $0xb8;
	[tilespmem:$0x18400] =	vst v63  }
0xa84: {  	v6 =	vld [tilespmem:$0x2D0];
	_ =	sdelay $0x4  }
0xa85: {  	v7 =	vshll.u32 v6, $0x2  }
0xa86: {  	v6 =	vand.u32 $0x7, v6;
	v7 =	vand.u32 $0xFFFFFFE0, v7  }
0xa87: {  	v6 =	vor.u32 v6, v7  }
0xa88: {  	v7 =	vperm.xlane v6, v3;
	_ =	sdelay $0x1  }
0xa89: {  	v7 =	vadd.s32 v4, v7;
	_ =	sdelay $0x1  }
0xa8a: {  	v6 =	vperm.xlane v6, v5;
	_ =	sdelay $0x1  }
0xa8b: {  	s18 =	simm.s32 $0xFC00;
	v6 =	vadd.s32 v4, v6  }
0xa8c: {  	[tilespmem:s18], [sflag:$0x2] =	stream.indirect_vreg.gather [hbm4b:s2+s1], $0x80, v7, vm9, $0xb8;
	[tilespmem:$0x18400] =	vst v63  }
0xa8d: {  	s19 =	simm.s32 $0x10400  }
0xa8e: {  	[tilespmem:s19], [sflag:$0x2] =	stream.indirect_vreg.gather [hbm4b:s3+s1], $0x80, v7, vm9, $0xb8;
	[tilespmem:$0x18400] =	vst v63  }
0xa8f: {  	s20 =	simm.s32 $0x11400  }
0xa90: {  	[tilespmem:s20], [sflag:$0x2] =	stream.indirect_vreg.gather [hbm4b:s2+s1], $0x80, v6, vm9, $0xb8;
	[tilespmem:$0x18400] =	vst v63  }
0xa91: {  	s21 =	simm.s32 $0x11C00  }
0xa92: {  	[tilespmem:s21], [sflag:$0x2] =	stream.indirect_vreg.gather [hbm4b:s3+s1], $0x80, v6, vm9, $0xb8;
	[tilespmem:$0x18400] =	vst v63  }
0xa93: {  	v6 =	vld [tilespmem:$0x2E0];
	_ =	sdelay $0x4  }
0xa94: {  	v7 =	vshll.u32 v6, $0x2  }
0xa95: {  	v6 =	vand.u32 $0x7, v6;
	v7 =	vand.u32 $0xFFFFFFE0, v7  }
0xa96: {  	v6 =	vor.u32 v6, v7  }
0xa97: {  	v7 =	vperm.xlane v6, v3;
	_ =	sdelay $0x1  }
0xa98: {  	v7 =	vadd.s32 v4, v7;
	_ =	sdelay $0x1  }
0xa99: {  	v6 =	vperm.xlane v6, v5;
	_ =	sdelay $0x1  }
0xa9a: {  	s22 =	simm.s32 $0x12C00;
	v6 =	vadd.s32 v4, v6  }
0xa9b: {  	[tilespmem:s22], [sflag:$0x2] =	stream.indirect_vreg.gather [hbm4b:s2+s1], $0x80, v7, vm9, $0xb8;
	[tilespmem:$0x18400] =	vst v63  }
0xa9c: {  	s23 =	simm.s32 $0x13400  }
0xa9d: {  	[tilespmem:s23], [sflag:$0x2] =	stream.indirect_vreg.gather [hbm4b:s3+s1], $0x80, v7, vm9, $0xb8;
	[tilespmem:$0x18400] =	vst v63  }
0xa9e: {  	s24 =	simm.s32 $0x14400  }
0xa9f: {  	[tilespmem:s24], [sflag:$0x2] =	stream.indirect_vreg.gather [hbm4b:s2+s1], $0x80, v6, vm9, $0xb8;
	[tilespmem:$0x18400] =	vst v63  }
0xaa0: {  	s25 =	simm.s32 $0x14C00  }
0xaa1: {  	[tilespmem:s25], [sflag:$0x2] =	stream.indirect_vreg.gather [hbm4b:s3+s1], $0x80, v6, vm9, $0xb8;
	[tilespmem:$0x18400] =	vst v63  }
0xaa2: {  	v6 =	vld [tilespmem:$0x2F0];
	_ =	sdelay $0x4  }
0xaa3: {  	v7 =	vshll.u32 v6, $0x2  }
0xaa4: {  	v6 =	vand.u32 $0x7, v6;
	v7 =	vand.u32 $0xFFFFFFE0, v7  }
0xaa5: {  	v6 =	vor.u32 v6, v7  }
0xaa6: {  	v7 =	vperm.xlane v6, v3;
	_ =	sdelay $0x1  }
0xaa7: {  	v7 =	vadd.s32 v4, v7;
	_ =	sdelay $0x1  }
0xaa8: {  	v6 =	vperm.xlane v6, v5;
	_ =	sdelay $0x1  }
0xaa9: {  	s22 =	simm.s32 $0x15C00;
	v6 =	vadd.s32 v4, v6  }
0xaaa: {  	[tilespmem:s22], [sflag:$0x2] =	stream.indirect_vreg.gather [hbm4b:s2+s1], $0x80, v7, vm9, $0xb8;
	[tilespmem:$0x18400] =	vst v63  }
0xaab: {  	s23 =	simm.s32 $0x16400  }
0xaac: {  	[tilespmem:s23], [sflag:$0x2] =	stream.indirect_vreg.gather [hbm4b:s3+s1], $0x80, v7, vm9, $0xb8;
	[tilespmem:$0x18400] =	vst v63  }
0xaad: {  	s24 =	simm.s32 $0x17400  }
0xaae: {  	[tilespmem:s24], [sflag:$0x2] =	stream.indirect_vreg.gather [hbm4b:s2+s1], $0x80, v6, vm9, $0xb8;
	[tilespmem:$0x18400] =	vst v63  }
0xaaf: {  	s25 =	simm.s32 $0x17C00  }
0xab0: {  	[tilespmem:s25], [sflag:$0x2] =	stream.indirect_vreg.gather [hbm4b:s3+s1], $0x80, v6, vm9, $0xb8;
	[tilespmem:$0x18400] =	vst v63  }
0xab1: {  	_ =	swait.ge [sflag:s6], $0x4000  }
0xab2: {  	[sflag:s6] =	ssyncset.done $0x0  }
0xab3: {  	[sflag:s6] =	ssyncadd.s32 $0xFFFFC000  }
0xab4: {  	_ =	swait.ge [sflag:s6], $0x8000  }
0xab5: {  	[sflag:s6] =	ssyncset.done $0x0  }
0xab6: {  	s0 =	rddreg [dreg:$0x6];
	[sflag:s6] =	ssyncadd.s32 $0xFFFF8000  }
0xab7: {  	[hbm4b:s0+s1] =	stream.linear.scatter [tilespmem:s9], [sflag:$0x3], $0xC000, $0x38;
	[tilespmem:$0x18400] =	vst v63  }
0xab8: {  	_ =	swait.ge [sflag:s8], $0xC000  }
0xab9: {  	[sflag:s8] =	ssyncset.done $0x0  }
0xaba: {  	[sflag:s8] =	ssyncadd.s32 $0xFFFF4000  }
0xabb: {  	v6 =	vld [tilespmem:$0x100];
	_ =	sdelay $0x4  }
0xabc: {  	v7 =	vshll.u32 v6, $0x1  }
0xabd: {  	v6 =	vand.u32 $0x7, v6;
	v7 =	vand.u32 $0xFFFFFFF0, v7  }
0xabe: {  	v6 =	vor.u32 v6, v7  }
0xabf: {  	v7 =	vperm.xlane v6, v3;
	_ =	sdelay $0x1  }
0xac0: {  	v6 =	vperm.xlane v6, v5;
	v7 =	vadd.s32 v4, v7;
	_ =	sdelay $0x1  }
0xac1: {  	v6 =	vadd.s32 v4, v6;
	_ =	sdelay $0x2  }
0xac2: {  	[tilespmem:s9], [sflag:$0x1] =	stream.indirect_vreg.gather [hbm4b:s4+s1], $0x80, v7, vm9, $0xb8;
	[tilespmem:$0x18400] =	vst v63  }
0xac3: {  	s0 =	simm.s32 $0x1C00  }
0xac4: {  	[tilespmem:s0], [sflag:$0x1] =	stream.indirect_vreg.gather [hbm4b:s4+s1], $0x80, v6, vm9, $0xb8;
	[tilespmem:$0x18400] =	vst v63  }
0xac5: {  	v6 =	vld [tilespmem:$0x110];
	_ =	sdelay $0x4  }
0xac6: {  	v7 =	vshll.u32 v6, $0x1  }
0xac7: {  	v6 =	vand.u32 $0x7, v6;
	v7 =	vand.u32 $0xFFFFFFF0, v7  }
0xac8: {  	v6 =	vor.u32 v6, v7  }
0xac9: {  	v7 =	vperm.xlane v6, v3;
	_ =	sdelay $0x1  }
0xaca: {  	v6 =	vperm.xlane v6, v5;
	v7 =	vadd.s32 v4, v7;
	_ =	sdelay $0x1  }
0xacb: {  	v6 =	vadd.s32 v4, v6;
	_ =	sdelay $0x1  }
0xacc: {  	s0 =	simm.s32 $0x3400  }
0xacd: {  	[tilespmem:s0], [sflag:$0x1] =	stream.indirect_vreg.gather [hbm4b:s4+s1], $0x80, v7, vm9, $0xb8;
	[tilespmem:$0x18400] =	vst v63  }
0xace: {  	s0 =	simm.s32 $0x4C00  }
0xacf: {  	[tilespmem:s0], [sflag:$0x1] =	stream.indirect_vreg.gather [hbm4b:s4+s1], $0x80, v6, vm9, $0xb8;
	[tilespmem:$0x18400] =	vst v63  }
0xad0: {  	v6 =	vld [tilespmem:$0x120];
	_ =	sdelay $0x4  }
0xad1: {  	v7 =	vshll.u32 v6, $0x1  }
0xad2: {  	v6 =	vand.u32 $0x7, v6;
	v7 =	vand.u32 $0xFFFFFFF0, v7  }
0xad3: {  	v6 =	vor.u32 v6, v7  }
0xad4: {  	v7 =	vperm.xlane v6, v3;
	_ =	sdelay $0x1  }
0xad5: {  	v6 =	vperm.xlane v6, v5;
	v7 =	vadd.s32 v4, v7;
	_ =	sdelay $0x1  }
0xad6: {  	v6 =	vadd.s32 v4, v6;
	_ =	sdelay $0x1  }
0xad7: {  	s0 =	simm.s32 $0x6400  }
0xad8: {  	[tilespmem:s0], [sflag:$0x1] =	stream.indirect_vreg.gather [hbm4b:s4+s1], $0x80, v7, vm9, $0xb8;
	[tilespmem:$0x18400] =	vst v63  }
0xad9: {  	s0 =	simm.s32 $0x7C00  }
0xada: {  	[tilespmem:s0], [sflag:$0x1] =	stream.indirect_vreg.gather [hbm4b:s4+s1], $0x80, v6, vm9, $0xb8;
	[tilespmem:$0x18400] =	vst v63  }
0xadb: {  	v6 =	vld [tilespmem:$0x130];
	_ =	sdelay $0x4  }
0xadc: {  	v7 =	vshll.u32 v6, $0x1  }
0xadd: {  	v6 =	vand.u32 $0x7, v6;
	v7 =	vand.u32 $0xFFFFFFF0, v7  }
0xade: {  	v6 =	vor.u32 v6, v7  }
0xadf: {  	v7 =	vperm.xlane v6, v3;
	_ =	sdelay $0x1  }
0xae0: {  	v6 =	vperm.xlane v6, v5;
	v7 =	vadd.s32 v4, v7;
	_ =	sdelay $0x1  }
0xae1: {  	v6 =	vadd.s32 v4, v6;
	_ =	sdelay $0x1  }
0xae2: {  	s0 =	simm.s32 $0x9400  }
0xae3: {  	[tilespmem:s0], [sflag:$0x1] =	stream.indirect_vreg.gather [hbm4b:s4+s1], $0x80, v7, vm9, $0xb8;
	[tilespmem:$0x18400] =	vst v63  }
0xae4: {  	s0 =	simm.s32 $0xAC00  }
0xae5: {  	[tilespmem:s0], [sflag:$0x1] =	stream.indirect_vreg.gather [hbm4b:s4+s1], $0x80, v6, vm9, $0xb8;
	[tilespmem:$0x18400] =	vst v63  }
0xae6: {  	v6 =	vld [tilespmem:$0x300];
	_ =	sdelay $0x4  }
0xae7: {  	v7 =	vshll.u32 v6, $0x2  }
0xae8: {  	v6 =	vand.u32 $0x7, v6;
	v7 =	vand.u32 $0xFFFFFFE0, v7  }
0xae9: {  	v6 =	vor.u32 v6, v7  }
0xaea: {  	v7 =	vperm.xlane v6, v3;
	_ =	sdelay $0x1  }
0xaeb: {  	v7 =	vadd.s32 v4, v7;
	_ =	sdelay $0x1  }
0xaec: {  	v6 =	vperm.xlane v6, v5;
	_ =	sdelay $0x1  }
0xaed: {  	s0 =	simm.s32 $0xC00;
	v6 =	vadd.s32 v4, v6  }
0xaee: {  	[tilespmem:s0], [sflag:$0x1] =	stream.indirect_vreg.gather [hbm4b:s2+s1], $0x80, v7, vm9, $0xb8;
	[tilespmem:$0x18400] =	vst v63  }
0xaef: {  	s0 =	simm.s32 $0x1400  }
0xaf0: {  	[tilespmem:s0], [sflag:$0x1] =	stream.indirect_vreg.gather [hbm4b:s3+s1], $0x80, v7, vm9, $0xb8;
	[tilespmem:$0x18400] =	vst v63  }
0xaf1: {  	s0 =	simm.s32 $0x2400  }
0xaf2: {  	[tilespmem:s0], [sflag:$0x1] =	stream.indirect_vreg.gather [hbm4b:s2+s1], $0x80, v6, vm9, $0xb8;
	[tilespmem:$0x18400] =	vst v63  }
0xaf3: {  	s0 =	simm.s32 $0x2C00  }
0xaf4: {  	[tilespmem:s0], [sflag:$0x1] =	stream.indirect_vreg.gather [hbm4b:s3+s1], $0x80, v6, vm9, $0xb8;
	[tilespmem:$0x18400] =	vst v63  }
0xaf5: {  	v6 =	vld [tilespmem:$0x310];
	_ =	sdelay $0x4  }
0xaf6: {  	v7 =	vshll.u32 v6, $0x2  }
0xaf7: {  	v6 =	vand.u32 $0x7, v6;
	v7 =	vand.u32 $0xFFFFFFE0, v7  }
0xaf8: {  	v6 =	vor.u32 v6, v7  }
0xaf9: {  	v7 =	vperm.xlane v6, v3;
	_ =	sdelay $0x1  }
0xafa: {  	v7 =	vadd.s32 v4, v7;
	_ =	sdelay $0x1  }
0xafb: {  	v6 =	vperm.xlane v6, v5;
	_ =	sdelay $0x1  }
0xafc: {  	s11 =	simm.s32 $0x3C00;
	v6 =	vadd.s32 v4, v6  }
0xafd: {  	[tilespmem:s11], [sflag:$0x1] =	stream.indirect_vreg.gather [hbm4b:s2+s1], $0x80, v7, vm9, $0xb8;
	[tilespmem:$0x18400] =	vst v63  }
0xafe: {  	s11 =	simm.s32 $0x4400  }
0xaff: {  	[tilespmem:s11], [sflag:$0x1] =	stream.indirect_vreg.gather [hbm4b:s3+s1], $0x80, v7, vm9, $0xb8;
	[tilespmem:$0x18400] =	vst v63  }
0xb00: {  	s11 =	simm.s32 $0x5400  }
0xb01: {  	[tilespmem:s11], [sflag:$0x1] =	stream.indirect_vreg.gather [hbm4b:s2+s1], $0x80, v6, vm9, $0xb8;
	[tilespmem:$0x18400] =	vst v63  }
0xb02: {  	s11 =	simm.s32 $0x5C00  }
0xb03: {  	[tilespmem:s11], [sflag:$0x1] =	stream.indirect_vreg.gather [hbm4b:s3+s1], $0x80, v6, vm9, $0xb8;
	[tilespmem:$0x18400] =	vst v63  }
0xb04: {  	v6 =	vld [tilespmem:$0x320];
	_ =	sdelay $0x4  }
0xb05: {  	v7 =	vshll.u32 v6, $0x2  }
0xb06: {  	v6 =	vand.u32 $0x7, v6;
	v7 =	vand.u32 $0xFFFFFFE0, v7  }
0xb07: {  	v6 =	vor.u32 v6, v7  }
0xb08: {  	v7 =	vperm.xlane v6, v3;
	_ =	sdelay $0x1  }
0xb09: {  	v7 =	vadd.s32 v4, v7;
	_ =	sdelay $0x1  }
0xb0a: {  	v6 =	vperm.xlane v6, v5;
	_ =	sdelay $0x1  }
0xb0b: {  	s11 =	simm.s32 $0x6C00;
	v6 =	vadd.s32 v4, v6  }
0xb0c: {  	[tilespmem:s11], [sflag:$0x1] =	stream.indirect_vreg.gather [hbm4b:s2+s1], $0x80, v7, vm9, $0xb8;
	[tilespmem:$0x18400] =	vst v63  }
0xb0d: {  	s11 =	simm.s32 $0x7400  }
0xb0e: {  	[tilespmem:s11], [sflag:$0x1] =	stream.indirect_vreg.gather [hbm4b:s3+s1], $0x80, v7, vm9, $0xb8;
	[tilespmem:$0x18400] =	vst v63  }
0xb0f: {  	s11 =	simm.s32 $0x8400  }
0xb10: {  	[tilespmem:s11], [sflag:$0x1] =	stream.indirect_vreg.gather [hbm4b:s2+s1], $0x80, v6, vm9, $0xb8;
	[tilespmem:$0x18400] =	vst v63  }
0xb11: {  	s11 =	simm.s32 $0x8C00  }
0xb12: {  	[tilespmem:s11], [sflag:$0x1] =	stream.indirect_vreg.gather [hbm4b:s3+s1], $0x80, v6, vm9, $0xb8;
	[tilespmem:$0x18400] =	vst v63  }
0xb13: {  	v6 =	vld [tilespmem:$0x330];
	_ =	sdelay $0x4  }
0xb14: {  	v7 =	vshll.u32 v6, $0x2  }
0xb15: {  	v6 =	vand.u32 $0x7, v6;
	v7 =	vand.u32 $0xFFFFFFE0, v7  }
0xb16: {  	v6 =	vor.u32 v6, v7  }
0xb17: {  	v7 =	vperm.xlane v6, v3;
	_ =	sdelay $0x1  }
0xb18: {  	v7 =	vadd.s32 v4, v7;
	_ =	sdelay $0x1  }
0xb19: {  	v6 =	vperm.xlane v6, v5;
	_ =	sdelay $0x1  }
0xb1a: {  	s11 =	simm.s32 $0x9C00;
	v6 =	vadd.s32 v4, v6  }
0xb1b: {  	[tilespmem:s11], [sflag:$0x1] =	stream.indirect_vreg.gather [hbm4b:s2+s1], $0x80, v7, vm9, $0xb8;
	[tilespmem:$0x18400] =	vst v63  }
0xb1c: {  	s11 =	simm.s32 $0xA400  }
0xb1d: {  	[tilespmem:s11], [sflag:$0x1] =	stream.indirect_vreg.gather [hbm4b:s3+s1], $0x80, v7, vm9, $0xb8;
	[tilespmem:$0x18400] =	vst v63  }
0xb1e: {  	s11 =	simm.s32 $0xB400  }
0xb1f: {  	[tilespmem:s11], [sflag:$0x1] =	stream.indirect_vreg.gather [hbm4b:s2+s1], $0x80, v6, vm9, $0xb8;
	[tilespmem:$0x18400] =	vst v63  }
0xb20: {  	s11 =	simm.s32 $0xBC00  }
0xb21: {  	[tilespmem:s11], [sflag:$0x1] =	stream.indirect_vreg.gather [hbm4b:s3+s1], $0x80, v6, vm9, $0xb8;
	[tilespmem:$0x18400] =	vst v63  }
0xb22: {  	_ =	swait.ge [sflag:s5], $0x4000  }
0xb23: {  	[sflag:s5] =	ssyncset.done $0x0  }
0xb24: {  	[sflag:s5] =	ssyncadd.s32 $0xFFFFC000  }
0xb25: {  	_ =	swait.ge [sflag:s5], $0x8000  }
0xb26: {  	[sflag:s5] =	ssyncset.done $0x0  }
0xb27: {  	s0 =	rddreg [dreg:$0x7];
	[sflag:s5] =	ssyncadd.s32 $0xFFFF8000  }
0xb28: {  	[hbm4b:s0+s1] =	stream.linear.scatter [tilespmem:s29], [sflag:$0x4], $0xC000, $0x38;
	[tilespmem:$0x18400] =	vst v63  }
0xb29: {  	_ =	swait.ge [sflag:s7], $0xC000  }
0xb2a: {  	[sflag:s7] =	ssyncset.done $0x0  }
0xb2b: {  	[sflag:s7] =	ssyncadd.s32 $0xFFFF4000  }
0xb2c: {  	v6 =	vld [tilespmem:$0x140];
	_ =	sdelay $0x4  }
0xb2d: {  	v7 =	vshll.u32 v6, $0x1  }
0xb2e: {  	v6 =	vand.u32 $0x7, v6;
	v7 =	vand.u32 $0xFFFFFFF0, v7  }
0xb2f: {  	v6 =	vor.u32 v6, v7  }
0xb30: {  	v7 =	vperm.xlane v6, v3;
	_ =	sdelay $0x1  }
0xb31: {  	v6 =	vperm.xlane v6, v5;
	v7 =	vadd.s32 v4, v7;
	_ =	sdelay $0x1  }
0xb32: {  	v6 =	vadd.s32 v4, v6;
	_ =	sdelay $0x2  }
0xb33: {  	[tilespmem:s29], [sflag:$0x2] =	stream.indirect_vreg.gather [hbm4b:s4+s1], $0x80, v7, vm9, $0xb8;
	[tilespmem:$0x18400] =	vst v63  }
0xb34: {  	s26 =	simm.s32 $0xDC00  }
0xb35: {  	[tilespmem:s26], [sflag:$0x2] =	stream.indirect_vreg.gather [hbm4b:s4+s1], $0x80, v6, vm9, $0xb8;
	[tilespmem:$0x18400] =	vst v63  }
0xb36: {  	v6 =	vld [tilespmem:$0x150];
	_ =	sdelay $0x4  }
0xb37: {  	v7 =	vshll.u32 v6, $0x1  }
0xb38: {  	v6 =	vand.u32 $0x7, v6;
	v7 =	vand.u32 $0xFFFFFFF0, v7  }
0xb39: {  	v6 =	vor.u32 v6, v7  }
0xb3a: {  	v7 =	vperm.xlane v6, v3;
	_ =	sdelay $0x1  }
0xb3b: {  	v6 =	vperm.xlane v6, v5;
	v7 =	vadd.s32 v4, v7;
	_ =	sdelay $0x1  }
0xb3c: {  	v6 =	vadd.s32 v4, v6;
	_ =	sdelay $0x1  }
0xb3d: {  	s10 =	simm.s32 $0xF400  }
0xb3e: {  	[tilespmem:s10], [sflag:$0x2] =	stream.indirect_vreg.gather [hbm4b:s4+s1], $0x80, v7, vm9, $0xb8;
	[tilespmem:$0x18400] =	vst v63  }
0xb3f: {  	s28 =	simm.s32 $0x10C00  }
0xb40: {  	[tilespmem:s28], [sflag:$0x2] =	stream.indirect_vreg.gather [hbm4b:s4+s1], $0x80, v6, vm9, $0xb8;
	[tilespmem:$0x18400] =	vst v63  }
0xb41: {  	v6 =	vld [tilespmem:$0x160];
	_ =	sdelay $0x4  }
0xb42: {  	v7 =	vshll.u32 v6, $0x1  }
0xb43: {  	v6 =	vand.u32 $0x7, v6;
	v7 =	vand.u32 $0xFFFFFFF0, v7  }
0xb44: {  	v6 =	vor.u32 v6, v7  }
0xb45: {  	v7 =	vperm.xlane v6, v3;
	_ =	sdelay $0x1  }
0xb46: {  	v6 =	vperm.xlane v6, v5;
	v7 =	vadd.s32 v4, v7;
	_ =	sdelay $0x1  }
0xb47: {  	v6 =	vadd.s32 v4, v6;
	_ =	sdelay $0x1  }
0xb48: {  	s0 =	simm.s32 $0x12400  }
0xb49: {  	[tilespmem:s0], [sflag:$0x2] =	stream.indirect_vreg.gather [hbm4b:s4+s1], $0x80, v7, vm9, $0xb8;
	[tilespmem:$0x18400] =	vst v63  }
0xb4a: {  	s30 =	simm.s32 $0x13C00  }
0xb4b: {  	[tilespmem:s30], [sflag:$0x2] =	stream.indirect_vreg.gather [hbm4b:s4+s1], $0x80, v6, vm9, $0xb8;
	[tilespmem:$0x18400] =	vst v63  }
0xb4c: {  	v6 =	vld [tilespmem:$0x170];
	_ =	sdelay $0x4  }
0xb4d: {  	v7 =	vshll.u32 v6, $0x1  }
0xb4e: {  	v6 =	vand.u32 $0x7, v6;
	v7 =	vand.u32 $0xFFFFFFF0, v7  }
0xb4f: {  	v6 =	vor.u32 v6, v7  }
0xb50: {  	v7 =	vperm.xlane v6, v3;
	_ =	sdelay $0x1  }
0xb51: {  	v6 =	vperm.xlane v6, v5;
	v7 =	vadd.s32 v4, v7;
	_ =	sdelay $0x1  }
0xb52: {  	v6 =	vadd.s32 v4, v6;
	_ =	sdelay $0x1  }
0xb53: {  	s12 =	simm.s32 $0x15400  }
0xb54: {  	[tilespmem:s12], [sflag:$0x2] =	stream.indirect_vreg.gather [hbm4b:s4+s1], $0x80, v7, vm9, $0xb8;
	[tilespmem:$0x18400] =	vst v63  }
0xb55: {  	s31 =	simm.s32 $0x16C00  }
0xb56: {  	[tilespmem:s31], [sflag:$0x2] =	stream.indirect_vreg.gather [hbm4b:s4+s1], $0x80, v6, vm9, $0xb8;
	[tilespmem:$0x18400] =	vst v63  }
0xb57: {  	v6 =	vld [tilespmem:$0x340];
	_ =	sdelay $0x4  }
0xb58: {  	v7 =	vshll.u32 v6, $0x2  }
0xb59: {  	v6 =	vand.u32 $0x7, v6;
	v7 =	vand.u32 $0xFFFFFFE0, v7  }
0xb5a: {  	v6 =	vor.u32 v6, v7  }
0xb5b: {  	v7 =	vperm.xlane v6, v3;
	_ =	sdelay $0x1  }
0xb5c: {  	v7 =	vadd.s32 v4, v7;
	_ =	sdelay $0x1  }
0xb5d: {  	v6 =	vperm.xlane v6, v5;
	_ =	sdelay $0x1  }
0xb5e: {  	s13 =	simm.s32 $0xCC00;
	v6 =	vadd.s32 v4, v6  }
0xb5f: {  	[tilespmem:s13], [sflag:$0x2] =	stream.indirect_vreg.gather [hbm4b:s2+s1], $0x80, v7, vm9, $0xb8;
	[tilespmem:$0x18400] =	vst v63  }
0xb60: {  	s14 =	simm.s32 $0xD400  }
0xb61: {  	[tilespmem:s14], [sflag:$0x2] =	stream.indirect_vreg.gather [hbm4b:s3+s1], $0x80, v7, vm9, $0xb8;
	[tilespmem:$0x18400] =	vst v63  }
0xb62: {  	s15 =	simm.s32 $0xE400  }
0xb63: {  	[tilespmem:s15], [sflag:$0x2] =	stream.indirect_vreg.gather [hbm4b:s2+s1], $0x80, v6, vm9, $0xb8;
	[tilespmem:$0x18400] =	vst v63  }
0xb64: {  	s0 =	simm.s32 $0xEC00  }
0xb65: {  	[tilespmem:s0], [sflag:$0x2] =	stream.indirect_vreg.gather [hbm4b:s3+s1], $0x80, v6, vm9, $0xb8;
	[tilespmem:$0x18400] =	vst v63  }
0xb66: {  	v6 =	vld [tilespmem:$0x350];
	_ =	sdelay $0x4  }
0xb67: {  	v7 =	vshll.u32 v6, $0x2  }
0xb68: {  	v6 =	vand.u32 $0x7, v6;
	v7 =	vand.u32 $0xFFFFFFE0, v7  }
0xb69: {  	v6 =	vor.u32 v6, v7  }
0xb6a: {  	v7 =	vperm.xlane v6, v3;
	_ =	sdelay $0x1  }
0xb6b: {  	v7 =	vadd.s32 v4, v7;
	_ =	sdelay $0x1  }
0xb6c: {  	v6 =	vperm.xlane v6, v5;
	_ =	sdelay $0x1  }
0xb6d: {  	s16 =	simm.s32 $0xFC00;
	v6 =	vadd.s32 v4, v6  }
0xb6e: {  	[tilespmem:s16], [sflag:$0x2] =	stream.indirect_vreg.gather [hbm4b:s2+s1], $0x80, v7, vm9, $0xb8;
	[tilespmem:$0x18400] =	vst v63  }
0xb6f: {  	s17 =	simm.s32 $0x10400  }
0xb70: {  	[tilespmem:s17], [sflag:$0x2] =	stream.indirect_vreg.gather [hbm4b:s3+s1], $0x80, v7, vm9, $0xb8;
	[tilespmem:$0x18400] =	vst v63  }
0xb71: {  	s18 =	simm.s32 $0x11400  }
0xb72: {  	[tilespmem:s18], [sflag:$0x2] =	stream.indirect_vreg.gather [hbm4b:s2+s1], $0x80, v6, vm9, $0xb8;
	[tilespmem:$0x18400] =	vst v63  }
0xb73: {  	s0 =	simm.s32 $0x11C00  }
0xb74: {  	[tilespmem:s0], [sflag:$0x2] =	stream.indirect_vreg.gather [hbm4b:s3+s1], $0x80, v6, vm9, $0xb8;
	[tilespmem:$0x18400] =	vst v63  }
0xb75: {  	v6 =	vld [tilespmem:$0x360];
	_ =	sdelay $0x4  }
0xb76: {  	v7 =	vshll.u32 v6, $0x2  }
0xb77: {  	v6 =	vand.u32 $0x7, v6;
	v7 =	vand.u32 $0xFFFFFFE0, v7  }
0xb78: {  	v6 =	vor.u32 v6, v7  }
0xb79: {  	v7 =	vperm.xlane v6, v3;
	_ =	sdelay $0x1  }
0xb7a: {  	v7 =	vadd.s32 v4, v7;
	_ =	sdelay $0x1  }
0xb7b: {  	v6 =	vperm.xlane v6, v5;
	_ =	sdelay $0x1  }
0xb7c: {  	s19 =	simm.s32 $0x12C00;
	v6 =	vadd.s32 v4, v6  }
0xb7d: {  	[tilespmem:s19], [sflag:$0x2] =	stream.indirect_vreg.gather [hbm4b:s2+s1], $0x80, v7, vm9, $0xb8;
	[tilespmem:$0x18400] =	vst v63  }
0xb7e: {  	s20 =	simm.s32 $0x13400  }
0xb7f: {  	[tilespmem:s20], [sflag:$0x2] =	stream.indirect_vreg.gather [hbm4b:s3+s1], $0x80, v7, vm9, $0xb8;
	[tilespmem:$0x18400] =	vst v63  }
0xb80: {  	s21 =	simm.s32 $0x14400  }
0xb81: {  	[tilespmem:s21], [sflag:$0x2] =	stream.indirect_vreg.gather [hbm4b:s2+s1], $0x80, v6, vm9, $0xb8;
	[tilespmem:$0x18400] =	vst v63  }
0xb82: {  	s0 =	simm.s32 $0x14C00  }
0xb83: {  	[tilespmem:s0], [sflag:$0x2] =	stream.indirect_vreg.gather [hbm4b:s3+s1], $0x80, v6, vm9, $0xb8;
	[tilespmem:$0x18400] =	vst v63  }
0xb84: {  	v6 =	vld [tilespmem:$0x370];
	_ =	sdelay $0x4  }
0xb85: {  	v7 =	vshll.u32 v6, $0x2  }
0xb86: {  	v6 =	vand.u32 $0x7, v6;
	v7 =	vand.u32 $0xFFFFFFE0, v7  }
0xb87: {  	v6 =	vor.u32 v6, v7  }
0xb88: {  	v7 =	vperm.xlane v6, v3;
	_ =	sdelay $0x1  }
0xb89: {  	v7 =	vadd.s32 v4, v7;
	_ =	sdelay $0x1  }
0xb8a: {  	v6 =	vperm.xlane v6, v5;
	_ =	sdelay $0x1  }
0xb8b: {  	s22 =	simm.s32 $0x15C00;
	v6 =	vadd.s32 v4, v6  }
0xb8c: {  	[tilespmem:s22], [sflag:$0x2] =	stream.indirect_vreg.gather [hbm4b:s2+s1], $0x80, v7, vm9, $0xb8;
	[tilespmem:$0x18400] =	vst v63  }
0xb8d: {  	s23 =	simm.s32 $0x16400  }
0xb8e: {  	[tilespmem:s23], [sflag:$0x2] =	stream.indirect_vreg.gather [hbm4b:s3+s1], $0x80, v7, vm9, $0xb8;
	[tilespmem:$0x18400] =	vst v63  }
0xb8f: {  	s24 =	simm.s32 $0x17400  }
0xb90: {  	[tilespmem:s24], [sflag:$0x2] =	stream.indirect_vreg.gather [hbm4b:s2+s1], $0x80, v6, vm9, $0xb8;
	[tilespmem:$0x18400] =	vst v63  }
0xb91: {  	s25 =	simm.s32 $0x17C00  }
0xb92: {  	[tilespmem:s25], [sflag:$0x2] =	stream.indirect_vreg.gather [hbm4b:s3+s1], $0x80, v6, vm9, $0xb8;
	[tilespmem:$0x18400] =	vst v63  }
0xb93: {  	_ =	swait.ge [sflag:s6], $0x4000  }
0xb94: {  	[sflag:s6] =	ssyncset.done $0x0  }
0xb95: {  	[sflag:s6] =	ssyncadd.s32 $0xFFFFC000  }
0xb96: {  	_ =	swait.ge [sflag:s6], $0x8000  }
0xb97: {  	[sflag:s6] =	ssyncset.done $0x0  }
0xb98: {  	s0 =	rddreg [dreg:$0x8];
	[sflag:s6] =	ssyncadd.s32 $0xFFFF8000  }
0xb99: {  	[hbm4b:s0+s1] =	stream.linear.scatter [tilespmem:s9], [sflag:$0x3], $0xC000, $0x38;
	[tilespmem:$0x18400] =	vst v63  }
0xb9a: {  	_ =	swait.ge [sflag:s8], $0xC000  }
0xb9b: {  	[sflag:s8] =	ssyncset.done $0x0  }
0xb9c: {  	[sflag:s8] =	ssyncadd.s32 $0xFFFF4000  }
0xb9d: {  	v6 =	vld [tilespmem:$0x180];
	_ =	sdelay $0x4  }
0xb9e: {  	v7 =	vshll.u32 v6, $0x1  }
0xb9f: {  	v6 =	vand.u32 $0x7, v6;
	v7 =	vand.u32 $0xFFFFFFF0, v7  }
0xba0: {  	v6 =	vor.u32 v6, v7  }
0xba1: {  	v7 =	vperm.xlane v6, v3;
	_ =	sdelay $0x1  }
0xba2: {  	v6 =	vperm.xlane v6, v5;
	v7 =	vadd.s32 v4, v7;
	_ =	sdelay $0x1  }
0xba3: {  	v6 =	vadd.s32 v4, v6;
	_ =	sdelay $0x2  }
0xba4: {  	[tilespmem:s9], [sflag:$0x1] =	stream.indirect_vreg.gather [hbm4b:s4+s1], $0x80, v7, vm9, $0xb8;
	[tilespmem:$0x18400] =	vst v63  }
0xba5: {  	s0 =	simm.s32 $0x1C00  }
0xba6: {  	[tilespmem:s0], [sflag:$0x1] =	stream.indirect_vreg.gather [hbm4b:s4+s1], $0x80, v6, vm9, $0xb8;
	[tilespmem:$0x18400] =	vst v63  }
0xba7: {  	v6 =	vld [tilespmem:$0x190];
	_ =	sdelay $0x4  }
0xba8: {  	v7 =	vshll.u32 v6, $0x1  }
0xba9: {  	v6 =	vand.u32 $0x7, v6;
	v7 =	vand.u32 $0xFFFFFFF0, v7  }
0xbaa: {  	v6 =	vor.u32 v6, v7  }
0xbab: {  	v7 =	vperm.xlane v6, v3;
	_ =	sdelay $0x1  }
0xbac: {  	v6 =	vperm.xlane v6, v5;
	v7 =	vadd.s32 v4, v7;
	_ =	sdelay $0x1  }
0xbad: {  	v6 =	vadd.s32 v4, v6;
	_ =	sdelay $0x1  }
0xbae: {  	s0 =	simm.s32 $0x3400  }
0xbaf: {  	[tilespmem:s0], [sflag:$0x1] =	stream.indirect_vreg.gather [hbm4b:s4+s1], $0x80, v7, vm9, $0xb8;
	[tilespmem:$0x18400] =	vst v63  }
0xbb0: {  	s0 =	simm.s32 $0x4C00  }
0xbb1: {  	[tilespmem:s0], [sflag:$0x1] =	stream.indirect_vreg.gather [hbm4b:s4+s1], $0x80, v6, vm9, $0xb8;
	[tilespmem:$0x18400] =	vst v63  }
0xbb2: {  	v6 =	vld [tilespmem:$0x1A0];
	_ =	sdelay $0x4  }
0xbb3: {  	v7 =	vshll.u32 v6, $0x1  }
0xbb4: {  	v6 =	vand.u32 $0x7, v6;
	v7 =	vand.u32 $0xFFFFFFF0, v7  }
0xbb5: {  	v6 =	vor.u32 v6, v7  }
0xbb6: {  	v7 =	vperm.xlane v6, v3;
	_ =	sdelay $0x1  }
0xbb7: {  	v6 =	vperm.xlane v6, v5;
	v7 =	vadd.s32 v4, v7;
	_ =	sdelay $0x1  }
0xbb8: {  	v6 =	vadd.s32 v4, v6;
	_ =	sdelay $0x1  }
0xbb9: {  	s0 =	simm.s32 $0x6400  }
0xbba: {  	[tilespmem:s0], [sflag:$0x1] =	stream.indirect_vreg.gather [hbm4b:s4+s1], $0x80, v7, vm9, $0xb8;
	[tilespmem:$0x18400] =	vst v63  }
0xbbb: {  	s0 =	simm.s32 $0x7C00  }
0xbbc: {  	[tilespmem:s0], [sflag:$0x1] =	stream.indirect_vreg.gather [hbm4b:s4+s1], $0x80, v6, vm9, $0xb8;
	[tilespmem:$0x18400] =	vst v63  }
0xbbd: {  	v6 =	vld [tilespmem:$0x1B0];
	_ =	sdelay $0x4  }
0xbbe: {  	v7 =	vshll.u32 v6, $0x1  }
0xbbf: {  	v6 =	vand.u32 $0x7, v6;
	v7 =	vand.u32 $0xFFFFFFF0, v7  }
0xbc0: {  	v6 =	vor.u32 v6, v7  }
0xbc1: {  	v7 =	vperm.xlane v6, v3;
	_ =	sdelay $0x1  }
0xbc2: {  	v6 =	vperm.xlane v6, v5;
	v7 =	vadd.s32 v4, v7;
	_ =	sdelay $0x1  }
0xbc3: {  	v6 =	vadd.s32 v4, v6;
	_ =	sdelay $0x1  }
0xbc4: {  	s0 =	simm.s32 $0x9400  }
0xbc5: {  	[tilespmem:s0], [sflag:$0x1] =	stream.indirect_vreg.gather [hbm4b:s4+s1], $0x80, v7, vm9, $0xb8;
	[tilespmem:$0x18400] =	vst v63  }
0xbc6: {  	s0 =	simm.s32 $0xAC00  }
0xbc7: {  	[tilespmem:s0], [sflag:$0x1] =	stream.indirect_vreg.gather [hbm4b:s4+s1], $0x80, v6, vm9, $0xb8;
	[tilespmem:$0x18400] =	vst v63  }
0xbc8: {  	v6 =	vld [tilespmem:$0x380];
	_ =	sdelay $0x4  }
0xbc9: {  	v7 =	vshll.u32 v6, $0x2  }
0xbca: {  	v6 =	vand.u32 $0x7, v6;
	v7 =	vand.u32 $0xFFFFFFE0, v7  }
0xbcb: {  	v6 =	vor.u32 v6, v7  }
0xbcc: {  	v7 =	vperm.xlane v6, v3;
	_ =	sdelay $0x1  }
0xbcd: {  	v7 =	vadd.s32 v4, v7;
	_ =	sdelay $0x1  }
0xbce: {  	v6 =	vperm.xlane v6, v5;
	_ =	sdelay $0x1  }
0xbcf: {  	s0 =	simm.s32 $0xC00;
	v6 =	vadd.s32 v4, v6  }
0xbd0: {  	[tilespmem:s0], [sflag:$0x1] =	stream.indirect_vreg.gather [hbm4b:s2+s1], $0x80, v7, vm9, $0xb8;
	[tilespmem:$0x18400] =	vst v63  }
0xbd1: {  	s0 =	simm.s32 $0x1400  }
0xbd2: {  	[tilespmem:s0], [sflag:$0x1] =	stream.indirect_vreg.gather [hbm4b:s3+s1], $0x80, v7, vm9, $0xb8;
	[tilespmem:$0x18400] =	vst v63  }
0xbd3: {  	s0 =	simm.s32 $0x2400  }
0xbd4: {  	[tilespmem:s0], [sflag:$0x1] =	stream.indirect_vreg.gather [hbm4b:s2+s1], $0x80, v6, vm9, $0xb8;
	[tilespmem:$0x18400] =	vst v63  }
0xbd5: {  	s0 =	simm.s32 $0x2C00  }
0xbd6: {  	[tilespmem:s0], [sflag:$0x1] =	stream.indirect_vreg.gather [hbm4b:s3+s1], $0x80, v6, vm9, $0xb8;
	[tilespmem:$0x18400] =	vst v63  }
0xbd7: {  	v6 =	vld [tilespmem:$0x390];
	_ =	sdelay $0x4  }
0xbd8: {  	v7 =	vshll.u32 v6, $0x2  }
0xbd9: {  	v6 =	vand.u32 $0x7, v6;
	v7 =	vand.u32 $0xFFFFFFE0, v7  }
0xbda: {  	v6 =	vor.u32 v6, v7  }
0xbdb: {  	v7 =	vperm.xlane v6, v3;
	_ =	sdelay $0x1  }
0xbdc: {  	v7 =	vadd.s32 v4, v7;
	_ =	sdelay $0x1  }
0xbdd: {  	v6 =	vperm.xlane v6, v5;
	_ =	sdelay $0x1  }
0xbde: {  	s0 =	simm.s32 $0x3C00;
	v6 =	vadd.s32 v4, v6  }
0xbdf: {  	[tilespmem:s0], [sflag:$0x1] =	stream.indirect_vreg.gather [hbm4b:s2+s1], $0x80, v7, vm9, $0xb8;
	[tilespmem:$0x18400] =	vst v63  }
0xbe0: {  	s0 =	simm.s32 $0x4400  }
0xbe1: {  	[tilespmem:s0], [sflag:$0x1] =	stream.indirect_vreg.gather [hbm4b:s3+s1], $0x80, v7, vm9, $0xb8;
	[tilespmem:$0x18400] =	vst v63  }
0xbe2: {  	s0 =	simm.s32 $0x5400  }
0xbe3: {  	[tilespmem:s0], [sflag:$0x1] =	stream.indirect_vreg.gather [hbm4b:s2+s1], $0x80, v6, vm9, $0xb8;
	[tilespmem:$0x18400] =	vst v63  }
0xbe4: {  	s0 =	simm.s32 $0x5C00  }
0xbe5: {  	[tilespmem:s0], [sflag:$0x1] =	stream.indirect_vreg.gather [hbm4b:s3+s1], $0x80, v6, vm9, $0xb8;
	[tilespmem:$0x18400] =	vst v63  }
0xbe6: {  	v6 =	vld [tilespmem:$0x3A0];
	_ =	sdelay $0x4  }
0xbe7: {  	v7 =	vshll.u32 v6, $0x2  }
0xbe8: {  	v6 =	vand.u32 $0x7, v6;
	v7 =	vand.u32 $0xFFFFFFE0, v7  }
0xbe9: {  	v6 =	vor.u32 v6, v7  }
0xbea: {  	v7 =	vperm.xlane v6, v3;
	_ =	sdelay $0x1  }
0xbeb: {  	v7 =	vadd.s32 v4, v7;
	_ =	sdelay $0x1  }
0xbec: {  	v6 =	vperm.xlane v6, v5;
	_ =	sdelay $0x1  }
0xbed: {  	s0 =	simm.s32 $0x6C00;
	v6 =	vadd.s32 v4, v6  }
0xbee: {  	[tilespmem:s0], [sflag:$0x1] =	stream.indirect_vreg.gather [hbm4b:s2+s1], $0x80, v7, vm9, $0xb8;
	[tilespmem:$0x18400] =	vst v63  }
0xbef: {  	s0 =	simm.s32 $0x7400  }
0xbf0: {  	[tilespmem:s0], [sflag:$0x1] =	stream.indirect_vreg.gather [hbm4b:s3+s1], $0x80, v7, vm9, $0xb8;
	[tilespmem:$0x18400] =	vst v63  }
0xbf1: {  	s0 =	simm.s32 $0x8400  }
0xbf2: {  	[tilespmem:s0], [sflag:$0x1] =	stream.indirect_vreg.gather [hbm4b:s2+s1], $0x80, v6, vm9, $0xb8;
	[tilespmem:$0x18400] =	vst v63  }
0xbf3: {  	s0 =	simm.s32 $0x8C00  }
0xbf4: {  	[tilespmem:s0], [sflag:$0x1] =	stream.indirect_vreg.gather [hbm4b:s3+s1], $0x80, v6, vm9, $0xb8;
	[tilespmem:$0x18400] =	vst v63  }
0xbf5: {  	v6 =	vld [tilespmem:$0x3B0];
	_ =	sdelay $0x4  }
0xbf6: {  	v7 =	vshll.u32 v6, $0x2  }
0xbf7: {  	v6 =	vand.u32 $0x7, v6;
	v7 =	vand.u32 $0xFFFFFFE0, v7  }
0xbf8: {  	v6 =	vor.u32 v6, v7  }
0xbf9: {  	v7 =	vperm.xlane v6, v3;
	_ =	sdelay $0x1  }
0xbfa: {  	v7 =	vadd.s32 v4, v7;
	_ =	sdelay $0x1  }
0xbfb: {  	v6 =	vperm.xlane v6, v5;
	_ =	sdelay $0x1  }
0xbfc: {  	s0 =	simm.s32 $0x9C00;
	v6 =	vadd.s32 v4, v6  }
0xbfd: {  	[tilespmem:s0], [sflag:$0x1] =	stream.indirect_vreg.gather [hbm4b:s2+s1], $0x80, v7, vm9, $0xb8;
	[tilespmem:$0x18400] =	vst v63  }
0xbfe: {  	s0 =	simm.s32 $0xA400  }
0xbff: {  	[tilespmem:s0], [sflag:$0x1] =	stream.indirect_vreg.gather [hbm4b:s3+s1], $0x80, v7, vm9, $0xb8;
	[tilespmem:$0x18400] =	vst v63  }
0xc00: {  	s0 =	simm.s32 $0xB400  }
0xc01: {  	[tilespmem:s0], [sflag:$0x1] =	stream.indirect_vreg.gather [hbm4b:s2+s1], $0x80, v6, vm9, $0xb8;
	[tilespmem:$0x18400] =	vst v63  }
0xc02: {  	s11 =	simm.s32 $0xBC00  }
0xc03: {  	[tilespmem:s11], [sflag:$0x1] =	stream.indirect_vreg.gather [hbm4b:s3+s1], $0x80, v6, vm9, $0xb8;
	[tilespmem:$0x18400] =	vst v63  }
0xc04: {  	_ =	swait.ge [sflag:s5], $0x4000  }
0xc05: {  	[sflag:s5] =	ssyncset.done $0x0  }
0xc06: {  	[sflag:s5] =	ssyncadd.s32 $0xFFFFC000  }
0xc07: {  	_ =	swait.ge [sflag:s5], $0x8000  }
0xc08: {  	[sflag:s5] =	ssyncset.done $0x0  }
0xc09: {  	s11 =	rddreg [dreg:$0x9];
	[sflag:s5] =	ssyncadd.s32 $0xFFFF8000  }
0xc0a: {  	[hbm4b:s11+s1] =	stream.linear.scatter [tilespmem:s29], [sflag:$0x4], $0xC000, $0x38;
	[tilespmem:$0x18400] =	vst v63  }
0xc0b: {  	_ =	swait.ge [sflag:s7], $0xC000  }
0xc0c: {  	[sflag:s7] =	ssyncset.done $0x0  }
0xc0d: {  	[sflag:s7] =	ssyncadd.s32 $0xFFFF4000  }
0xc0e: {  	v6 =	vld [tilespmem:$0x1C0];
	_ =	sdelay $0x4  }
0xc0f: {  	v7 =	vshll.u32 v6, $0x1  }
0xc10: {  	v6 =	vand.u32 $0x7, v6;
	v7 =	vand.u32 $0xFFFFFFF0, v7  }
0xc11: {  	v6 =	vor.u32 v6, v7  }
0xc12: {  	v7 =	vperm.xlane v6, v3;
	_ =	sdelay $0x1  }
0xc13: {  	v6 =	vperm.xlane v6, v5;
	v7 =	vadd.s32 v4, v7;
	_ =	sdelay $0x1  }
0xc14: {  	v6 =	vadd.s32 v4, v6;
	_ =	sdelay $0x2  }
0xc15: {  	[tilespmem:s29], [sflag:$0x2] =	stream.indirect_vreg.gather [hbm4b:s4+s1], $0x80, v7, vm9, $0xb8;
	[tilespmem:$0x18400] =	vst v63  }
0xc16: {  	s26 =	simm.s32 $0xDC00  }
0xc17: {  	[tilespmem:s26], [sflag:$0x2] =	stream.indirect_vreg.gather [hbm4b:s4+s1], $0x80, v6, vm9, $0xb8;
	[tilespmem:$0x18400] =	vst v63  }
0xc18: {  	v6 =	vld [tilespmem:$0x1D0];
	_ =	sdelay $0x4  }
0xc19: {  	v7 =	vshll.u32 v6, $0x1  }
0xc1a: {  	v6 =	vand.u32 $0x7, v6;
	v7 =	vand.u32 $0xFFFFFFF0, v7  }
0xc1b: {  	v6 =	vor.u32 v6, v7  }
0xc1c: {  	v7 =	vperm.xlane v6, v3;
	_ =	sdelay $0x1  }
0xc1d: {  	v6 =	vperm.xlane v6, v5;
	v7 =	vadd.s32 v4, v7;
	_ =	sdelay $0x1  }
0xc1e: {  	v6 =	vadd.s32 v4, v6;
	_ =	sdelay $0x1  }
0xc1f: {  	s10 =	simm.s32 $0xF400  }
0xc20: {  	[tilespmem:s10], [sflag:$0x2] =	stream.indirect_vreg.gather [hbm4b:s4+s1], $0x80, v7, vm9, $0xb8;
	[tilespmem:$0x18400] =	vst v63  }
0xc21: {  	s28 =	simm.s32 $0x10C00  }
0xc22: {  	[tilespmem:s28], [sflag:$0x2] =	stream.indirect_vreg.gather [hbm4b:s4+s1], $0x80, v6, vm9, $0xb8;
	[tilespmem:$0x18400] =	vst v63  }
0xc23: {  	v6 =	vld [tilespmem:$0x1E0];
	_ =	sdelay $0x4  }
0xc24: {  	v7 =	vshll.u32 v6, $0x1  }
0xc25: {  	v6 =	vand.u32 $0x7, v6;
	v7 =	vand.u32 $0xFFFFFFF0, v7  }
0xc26: {  	v6 =	vor.u32 v6, v7  }
0xc27: {  	v7 =	vperm.xlane v6, v3;
	_ =	sdelay $0x1  }
0xc28: {  	v6 =	vperm.xlane v6, v5;
	v7 =	vadd.s32 v4, v7;
	_ =	sdelay $0x1  }
0xc29: {  	v6 =	vadd.s32 v4, v6;
	_ =	sdelay $0x1  }
0xc2a: {  	s11 =	simm.s32 $0x12400  }
0xc2b: {  	[tilespmem:s11], [sflag:$0x2] =	stream.indirect_vreg.gather [hbm4b:s4+s1], $0x80, v7, vm9, $0xb8;
	[tilespmem:$0x18400] =	vst v63  }
0xc2c: {  	s30 =	simm.s32 $0x13C00  }
0xc2d: {  	[tilespmem:s30], [sflag:$0x2] =	stream.indirect_vreg.gather [hbm4b:s4+s1], $0x80, v6, vm9, $0xb8;
	[tilespmem:$0x18400] =	vst v63  }
0xc2e: {  	v6 =	vld [tilespmem:$0x1F0];
	_ =	sdelay $0x4  }
0xc2f: {  	v7 =	vshll.u32 v6, $0x1  }
0xc30: {  	v6 =	vand.u32 $0x7, v6;
	v7 =	vand.u32 $0xFFFFFFF0, v7  }
0xc31: {  	v6 =	vor.u32 v6, v7  }
0xc32: {  	v7 =	vperm.xlane v6, v3;
	_ =	sdelay $0x1  }
0xc33: {  	v6 =	vperm.xlane v6, v5;
	v7 =	vadd.s32 v4, v7;
	_ =	sdelay $0x1  }
0xc34: {  	v6 =	vadd.s32 v4, v6;
	_ =	sdelay $0x1  }
0xc35: {  	s12 =	simm.s32 $0x15400  }
0xc36: {  	[tilespmem:s12], [sflag:$0x2] =	stream.indirect_vreg.gather [hbm4b:s4+s1], $0x80, v7, vm9, $0xb8;
	[tilespmem:$0x18400] =	vst v63  }
0xc37: {  	s31 =	simm.s32 $0x16C00  }
0xc38: {  	[tilespmem:s31], [sflag:$0x2] =	stream.indirect_vreg.gather [hbm4b:s4+s1], $0x80, v6, vm9, $0xb8;
	[tilespmem:$0x18400] =	vst v63  }
0xc39: {  	v6 =	vld [tilespmem:$0x3C0];
	_ =	sdelay $0x4  }
0xc3a: {  	v7 =	vshll.u32 v6, $0x2  }
0xc3b: {  	v6 =	vand.u32 $0x7, v6;
	v7 =	vand.u32 $0xFFFFFFE0, v7  }
0xc3c: {  	v6 =	vor.u32 v6, v7  }
0xc3d: {  	v7 =	vperm.xlane v6, v3;
	_ =	sdelay $0x1  }
0xc3e: {  	v7 =	vadd.s32 v4, v7;
	_ =	sdelay $0x1  }
0xc3f: {  	v6 =	vperm.xlane v6, v5;
	_ =	sdelay $0x1  }
0xc40: {  	s13 =	simm.s32 $0xCC00;
	v6 =	vadd.s32 v4, v6  }
0xc41: {  	[tilespmem:s13], [sflag:$0x2] =	stream.indirect_vreg.gather [hbm4b:s2+s1], $0x80, v7, vm9, $0xb8;
	[tilespmem:$0x18400] =	vst v63  }
0xc42: {  	s14 =	simm.s32 $0xD400  }
0xc43: {  	[tilespmem:s14], [sflag:$0x2] =	stream.indirect_vreg.gather [hbm4b:s3+s1], $0x80, v7, vm9, $0xb8;
	[tilespmem:$0x18400] =	vst v63  }
0xc44: {  	s15 =	simm.s32 $0xE400  }
0xc45: {  	[tilespmem:s15], [sflag:$0x2] =	stream.indirect_vreg.gather [hbm4b:s2+s1], $0x80, v6, vm9, $0xb8;
	[tilespmem:$0x18400] =	vst v63  }
0xc46: {  	s15 =	simm.s32 $0xEC00  }
0xc47: {  	[tilespmem:s15], [sflag:$0x2] =	stream.indirect_vreg.gather [hbm4b:s3+s1], $0x80, v6, vm9, $0xb8;
	[tilespmem:$0x18400] =	vst v63  }
0xc48: {  	v6 =	vld [tilespmem:$0x3D0];
	_ =	sdelay $0x4  }
0xc49: {  	v7 =	vshll.u32 v6, $0x2  }
0xc4a: {  	v6 =	vand.u32 $0x7, v6;
	v7 =	vand.u32 $0xFFFFFFE0, v7  }
0xc4b: {  	v6 =	vor.u32 v6, v7  }
0xc4c: {  	v7 =	vperm.xlane v6, v3;
	_ =	sdelay $0x1  }
0xc4d: {  	v7 =	vadd.s32 v4, v7;
	_ =	sdelay $0x1  }
0xc4e: {  	v6 =	vperm.xlane v6, v5;
	_ =	sdelay $0x1  }
0xc4f: {  	s16 =	simm.s32 $0xFC00;
	v6 =	vadd.s32 v4, v6  }
0xc50: {  	[tilespmem:s16], [sflag:$0x2] =	stream.indirect_vreg.gather [hbm4b:s2+s1], $0x80, v7, vm9, $0xb8;
	[tilespmem:$0x18400] =	vst v63  }
0xc51: {  	s17 =	simm.s32 $0x10400  }
0xc52: {  	[tilespmem:s17], [sflag:$0x2] =	stream.indirect_vreg.gather [hbm4b:s3+s1], $0x80, v7, vm9, $0xb8;
	[tilespmem:$0x18400] =	vst v63  }
0xc53: {  	s18 =	simm.s32 $0x11400  }
0xc54: {  	[tilespmem:s18], [sflag:$0x2] =	stream.indirect_vreg.gather [hbm4b:s2+s1], $0x80, v6, vm9, $0xb8;
	[tilespmem:$0x18400] =	vst v63  }
0xc55: {  	s18 =	simm.s32 $0x11C00  }
0xc56: {  	[tilespmem:s18], [sflag:$0x2] =	stream.indirect_vreg.gather [hbm4b:s3+s1], $0x80, v6, vm9, $0xb8;
	[tilespmem:$0x18400] =	vst v63  }
0xc57: {  	v6 =	vld [tilespmem:$0x3E0];
	_ =	sdelay $0x4  }
0xc58: {  	v7 =	vshll.u32 v6, $0x2  }
0xc59: {  	v6 =	vand.u32 $0x7, v6;
	v7 =	vand.u32 $0xFFFFFFE0, v7  }
0xc5a: {  	v6 =	vor.u32 v6, v7  }
0xc5b: {  	v7 =	vperm.xlane v6, v3;
	_ =	sdelay $0x1  }
0xc5c: {  	v7 =	vadd.s32 v4, v7;
	_ =	sdelay $0x1  }
0xc5d: {  	v6 =	vperm.xlane v6, v5;
	_ =	sdelay $0x1  }
0xc5e: {  	s19 =	simm.s32 $0x12C00;
	v6 =	vadd.s32 v4, v6  }
0xc5f: {  	[tilespmem:s19], [sflag:$0x2] =	stream.indirect_vreg.gather [hbm4b:s2+s1], $0x80, v7, vm9, $0xb8;
	[tilespmem:$0x18400] =	vst v63  }
0xc60: {  	s20 =	simm.s32 $0x13400  }
0xc61: {  	[tilespmem:s20], [sflag:$0x2] =	stream.indirect_vreg.gather [hbm4b:s3+s1], $0x80, v7, vm9, $0xb8;
	[tilespmem:$0x18400] =	vst v63  }
0xc62: {  	s21 =	simm.s32 $0x14400  }
0xc63: {  	[tilespmem:s21], [sflag:$0x2] =	stream.indirect_vreg.gather [hbm4b:s2+s1], $0x80, v6, vm9, $0xb8;
	[tilespmem:$0x18400] =	vst v63  }
0xc64: {  	s26 =	simm.s32 $0x14C00  }
0xc65: {  	[tilespmem:s26], [sflag:$0x2] =	stream.indirect_vreg.gather [hbm4b:s3+s1], $0x80, v6, vm9, $0xb8;
	[tilespmem:$0x18400] =	vst v63  }
0xc66: {  	v6 =	vld [tilespmem:$0x3F0];
	_ =	sdelay $0x4  }
0xc67: {  	v7 =	vshll.u32 v6, $0x2  }
0xc68: {  	v6 =	vand.u32 $0x7, v6;
	v7 =	vand.u32 $0xFFFFFFE0, v7  }
0xc69: {  	v6 =	vor.u32 v6, v7  }
0xc6a: {  	v7 =	vperm.xlane v6, v3;
	_ =	sdelay $0x1  }
0xc6b: {  	v7 =	vadd.s32 v4, v7;
	_ =	sdelay $0x1  }
0xc6c: {  	v6 =	vperm.xlane v6, v5;
	_ =	sdelay $0x1  }
0xc6d: {  	s22 =	simm.s32 $0x15C00;
	v6 =	vadd.s32 v4, v6  }
0xc6e: {  	[tilespmem:s22], [sflag:$0x2] =	stream.indirect_vreg.gather [hbm4b:s2+s1], $0x80, v7, vm9, $0xb8;
	[tilespmem:$0x18400] =	vst v63  }
0xc6f: {  	s23 =	simm.s32 $0x16400  }
0xc70: {  	[tilespmem:s23], [sflag:$0x2] =	stream.indirect_vreg.gather [hbm4b:s3+s1], $0x80, v7, vm9, $0xb8;
	[tilespmem:$0x18400] =	vst v63  }
0xc71: {  	s24 =	simm.s32 $0x17400  }
0xc72: {  	[tilespmem:s24], [sflag:$0x2] =	stream.indirect_vreg.gather [hbm4b:s2+s1], $0x80, v6, vm9, $0xb8;
	[tilespmem:$0x18400] =	vst v63  }
0xc73: {  	s25 =	simm.s32 $0x17C00  }
0xc74: {  	[tilespmem:s25], [sflag:$0x2] =	stream.indirect_vreg.gather [hbm4b:s3+s1], $0x80, v6, vm9, $0xb8;
	[tilespmem:$0x18400] =	vst v63  }
0xc75: {  	_ =	swait.ge [sflag:s6], $0x4000  }
0xc76: {  	[sflag:s6] =	ssyncset.done $0x0  }
0xc77: {  	[sflag:s6] =	ssyncadd.s32 $0xFFFFC000  }
0xc78: {  	_ =	swait.ge [sflag:s6], $0x8000  }
0xc79: {  	[sflag:s6] =	ssyncset.done $0x0  }
0xc7a: {  	s28 =	rddreg [dreg:$0xa];
	[sflag:s6] =	ssyncadd.s32 $0xFFFF8000  }
0xc7b: {  	[hbm4b:s28+s1] =	stream.linear.scatter [tilespmem:s9], [sflag:$0x3], $0xC000, $0x38;
	[tilespmem:$0x18400] =	vst v63  }
0xc7c: {  	_ =	swait.ge [sflag:s5], $0x4000  }
0xc7d: {  	[sflag:s5] =	ssyncset.done $0x0  }
0xc7e: {  	[sflag:s5] =	ssyncadd.s32 $0xFFFFC000  }
0xc7f: {  	_ =	swait.ge [sflag:s5], $0x8000  }
0xc80: {  	s30 =	rddreg [dreg:$0xb];
	[sflag:s5] =	ssyncset.done $0x0  }
0xc81: {  	s31 =	rddreg [dreg:$0xf];
	[sflag:s5] =	ssyncadd.s32 $0xFFFF8000  }
0xc82: {  	[hbm4b:s30+s1] =	stream.linear.scatter [tilespmem:s29], [sflag:$0x4], $0xC000, $0x38;
	[tilespmem:$0x18400] =	vst v63  }
0xc83: {  	p0 =	sne.s32 s31, $0x1;
	_ =	swait.ge [sflag:s8], $0xC000  }
.Ltmp0:
0xc84: {  	[sflag:s8] =	ssyncset.done $0x0;
	(pc) =	sbr.rel @p0 .LBB2_1-.Ltmp0, $4  }
0xc85: {  	[sflag:s8] =	ssyncadd.s32 $0xFFFF4000  }
0xc86: {  	_ =	swait.ge [sflag:s7], $0xC000  }
0xc87: {  	[sflag:s7] =	ssyncset.done $0x0  }
0xc88: {  	s0 =	sadd.s32 $0xFFFFFFFF, s31;
	[sflag:s7] =	ssyncadd.s32 $0xFFFF4000  }
0xc89: {  	_ =	sfence.sel $0x180000  }
0xc8a: {  	[bflag:$0x0] =	sbarrier.arrive $0xFFFF  }
0xc8b: {  	_ =	strace $0x90000047  }
0xc8c: {  	s0 =	stileid.u32;
	[bflag:$0x2] =	sbarrier.arrive $0xFFFF  }
0xc8d: {  	p0 =	sne.s32 s0, $0x0;
	s0 =	rddreg [dreg:$0x3]  }
0xc8e: {  	s0 =	sadd.s32 @!p0 $0x100000, s0  }
0xc8f: {  	[sflag:s0] =	ssyncadd.tile.s32 @!p0 $0x1;
	_ =	shalt  }
.Lfunc_end2:
_tile_overlayer_lowered:
.L_overlay_start_2:
0xc90: {  	(tag) =	ssettag $0x2  }
0xc91: {  	s0 =	rddreg [dreg:$0x0];
	s2 =	stileid.u32  }
0xc92: {  	s1 =	rddreg [dreg:$0x1];
	p0 =	sne.s32 s2, $0x0  }
0xc93: {  	s3 =	rddreg [dreg:$0x2];
	[bflag:$0x3] =	sbarrier.arrive $0xFFFF;
	s2 =	simm.s32 @!p0 $0x1C05  }
0xc94: {  	[timem:s3], [sflag:s2] =	dma.local @!p0 [hbm:s0], s1  }
0xc95: {  	s0 =	simm.s32 @!p0 $0x5  }
0xc96: {  	_ =	swait.ge @!p0 [sflag:s0], s1  }
0xc97: {  	s1 =	ssub.s32 @!p0 $0x0, s1;
	[sflag:s0] =	ssyncset.done @!p0 $0x0  }
0xc98: {  	[sflag:s0] =	ssyncadd.s32 @!p0 s1  }
0xc99: {  	[bflag:$0x3] =	sbarrier.arrive $0xFFFF  }
0xc9a: {  	_ =	shalt  }

</sc_bundles>
